<compile_context>
chip_gen: v7x
topology: tpu7x:2x2x1
jax: 0.10.2.dev20260603
libtpu: 0.0.44.dev20260713+nightly
codegen_flags: <defaults>
</compile_context>

<pallas_src>
import functools
import jax
import jax.numpy as jnp
from jax import lax
from jax.experimental import pallas as pl
from jax.experimental.pallas import tpu as pltpu
from jax.experimental.pallas import tpu_sc as plsc

NUM_BINS = 128
EMB_DIM = 64
NC = 2
NS = 16
NW = NC * NS

CHUNK = 128
PAIR = 512
NB = 2
LANES = 16


def _idx_body(num_ref, idx_ref):
    x = num_ref[...]
    l = jnp.log2(jnp.abs(x) + 1e-10)
    t = (l + 10.0) * 6.4
    k = jnp.clip(jnp.ceil(t).astype(jnp.int32), 0, 129)
    bk = -10.0 + k.astype(jnp.float32) * 0.15625
    bkm1 = -10.0 + (k - 1).astype(jnp.float32) * 0.15625
    k = jnp.where((k <= 128) & (bk < l), k + 1, k)
    k = jnp.where((k >= 1) & (bkm1 >= l), k - 1, k)
    b = jnp.clip(k, 0, 127)
    sgn = (x > 0.0).astype(jnp.int32) - (x < 0.0).astype(jnp.int32)
    idx_ref[...] = b + 128 * (sgn + 1)


def _table_body(w_ref, s_ref, out_ref):
    ws = w_ref[...] * s_ref[...]
    wst = ws.T
    out_ref[:, 0:NUM_BINS] = -wst
    out_ref[:, NUM_BINS:2 * NUM_BINS] = jnp.zeros_like(wst)
    out_ref[:, 2 * NUM_BINS:3 * NUM_BINS] = wst


def _sc_tgather(idx_hbm, w3t_hbm, out_hbm, idx_v, w3t_v, tbuf, wsem):
    wid = lax.axis_index("s") * NC + lax.axis_index("c")
    pltpu.sync_copy(w3t_hbm, w3t_v)
    pltpu.sync_copy(idx_hbm.at[wid], idx_v)

    ncb = out_hbm.shape[2]
    chunks_per_w = idx_v.shape[0] // PAIR
    gbase = wid * chunks_per_w

    def dst(g):
        gg = gbase + g
        return out_hbm.at[gg // ncb, :, gg % ncb]

    for j in range(NB):
        pltpu.async_copy(tbuf.at[j], dst(j), wsem)

    def group(g0, carry):
        for j in range(NB):
            g = g0 * NB + j
            pltpu.make_async_copy(tbuf.at[j], dst(g), wsem).wait()
            idx16 = [
                idx_v[pl.ds(g * PAIR + v * LANES, LANES)]
                for v in range(PAIR // LANES)
            ]

            @plsc.parallel_loop(0, EMB_DIM, unroll=4)
            def dloop(d):
                row0 = d * (3 * NUM_BINS)
                for v in range(PAIR // LANES):
                    vals = plsc.load_gather(w3t_v, [idx16[v] + row0])
                    off = (v // 8) * 1024 + (d % 8) * CHUNK + (v % 8) * LANES
                    tbuf[j, d // 8, pl.ds(off, LANES)] = vals

            pltpu.async_copy(tbuf.at[j], dst(g), wsem)
        return carry

    lax.fori_loop(0, chunks_per_w // NB, group, 0)

    for j in range(NB):
        pltpu.make_async_copy(tbuf.at[j], dst(j), wsem).wait()


def kernel(number, W, scale):
    squeeze = number.ndim == 1
    if squeeze:
        number = number[None, :]
    B, N = number.shape
    M = B * N
    assert M % (NW * CHUNK) == 0 and N % CHUNK == 0
    elems_per_w = M // NW

    rows_blk = max(8, min(B, (1 << 22) // (4 * N)))
    while B % rows_blk:
        rows_blk //= 2
    idx = pl.pallas_call(
        _idx_body,
        grid=(B // rows_blk,),
        in_specs=[pl.BlockSpec((rows_blk, N), lambda i: (i, 0))],
        out_specs=pl.BlockSpec((rows_blk, N), lambda i: (i, 0)),
        out_shape=jax.ShapeDtypeStruct((B, N), jnp.int32),
    )(number)

    w3t = pl.pallas_call(
        _table_body,
        out_shape=jax.ShapeDtypeStruct((EMB_DIM, 3 * NUM_BINS), jnp.float32),
    )(W, scale.reshape(NUM_BINS, 1))

    idx2 = idx.reshape(NW, elems_per_w)
    w3t_flat = w3t.reshape(EMB_DIM * 3 * NUM_BINS)

    mesh = plsc.VectorSubcoreMesh(
        core_axis_name="c", subcore_axis_name="s", num_cores=NC, num_subcores=NS
    )
    out5 = pl.kernel(
        _sc_tgather,
        out_type=jax.ShapeDtypeStruct(
            (B, EMB_DIM // 8, N // PAIR, 4 * 8 * CHUNK), jnp.float32
        ),
        mesh=mesh,
        scratch_types=[
            pltpu.VMEM((elems_per_w,), jnp.int32),
            pltpu.VMEM((EMB_DIM * 3 * NUM_BINS,), jnp.float32),
            pltpu.VMEM((NB, EMB_DIM // 8, 4 * 8 * CHUNK), jnp.float32),
            pltpu.SemaphoreType.DMA,
        ],
        compiler_params=pltpu.CompilerParams(use_tc_tiling_on_sc=False, needs_layout_passes=False),
    )(idx2, w3t_flat)

    out = (
        out5.reshape(B, EMB_DIM // 8, N // CHUNK, 8, CHUNK)
        .transpose(0, 2, 4, 1, 3)
        .reshape(B, N, EMB_DIM)
    )
    if squeeze:
        out = out[0]
    return out

# --- scband reference (transcript-rebuilt; emitter-appended) ---
"""Pipeline reference for scband-magnitude-aware-encoding-64381559767420 (READ-ONLY COPY).

The authoritative reference and input builder live on the scoring server;
editing this copy changes nothing except your own understanding.
"""

import jax, jax.numpy as jnp
import numpy as np

NUM_BINS = 128
EMB_DIM = 64


def setup_inputs(seed: int = 0) -> dict:
    key = jax.random.key(seed)
    k1, k2, k3 = jax.random.split(key, 3)
    # numbers spanning many orders of magnitude
    number = jax.random.normal(k1, (512, 2048), dtype=jnp.float32) * 100.0
    # learned parameters (embedding table + per-bin scale). Values are arbitrary
    # learned weights; shapes match init_kwargs.
    W = jax.random.normal(k2, (NUM_BINS, EMB_DIM), dtype=jnp.float32) * 0.02
    scale = jax.random.uniform(k3, (NUM_BINS,), dtype=jnp.float32, minval=0.5, maxval=1.5)
    return {"number": number, "W": W, "scale": scale}


def reference(number, W, scale):
    if number.ndim == 1:
        number = number[None, :]
    signs = jnp.sign(number)
    abs_num = jnp.abs(number)
    log_abs = jnp.log2(abs_num + 1e-10)
    # boundaries = logspace(-10, 10, NUM_BINS+1, base=2) => log2(boundaries) = linspace(-10, 10, NUM_BINS+1)
    log_bounds = jnp.linspace(-10.0, 10.0, NUM_BINS + 1, dtype=jnp.float32)
    # torch.bucketize(x, b) with right=False == searchsorted side='left'
    bin_idx = jnp.clip(jnp.searchsorted(log_bounds, log_abs, side='left'), 0, NUM_BINS - 1)
    magnitude_emb = jnp.take(W, bin_idx, axis=0)          # [B, N, D] gather
    s = jnp.take(scale, bin_idx, axis=0)[..., None]        # [B, N, 1] gather
    signed_emb = magnitude_emb * signs[..., None]
    return signed_emb * s

if __name__ == "__main__":
    import jax
    _d = setup_inputs()
    print(jax.jit(kernel)(*tuple(_d.values())))

</pallas_src>

<mosaic_0001>
#map = affine_map<(d0, d1) -> (0, 0)>
#map1 = affine_map<(d0, d1) -> (0)>
#map2 = affine_map<(d0, d1) -> (0, 0, 0, 0)>
module attributes {stable_mosaic.version = 14 : i64} {
  func.func @_sc_tgather(%arg0: i32, %arg1: i32, %arg2: memref<32x32768xi32, #tpu.memory_space<hbm>>, %arg3: memref<24576xf32, #tpu.memory_space<hbm>>, %arg4: memref<512x8x4x4096xf32, #tpu.memory_space<hbm>>, %arg5: memref<32768xi32, #tpu.memory_space<vmem>>, %arg6: memref<24576xf32, #tpu.memory_space<vmem>>, %arg7: memref<2x8x4096xf32, #tpu.memory_space<vmem>>, %arg8: memref<!tpu.dma_semaphore, #tpu.memory_space<semaphore_mem>>) attributes {dimension_semantics = [#tpu.dimension_semantics<core_parallel>, #tpu.dimension_semantics<subcore_parallel>], iteration_bounds = array<i64: 2, 16>, scalar_prefetch = 0 : i64, scratch_operands = 4 : i64, tpu.core_type = #tpu.core_type<sc_vector_subcore>, window_params = [{transform_indices = #map}, {transform_indices = #map1}, {transform_indices = #map2}]} {
    %mul3A = arith.constant 2 : i32
    %mul3A_0 = arith.muli %arg1, %mul3A : i32
    %add3A = arith.addi %mul3A_0, %arg0 : i32
    "tpu.region"() ({
      %run_scoped3A = tpu.sem_alloc : memref<!tpu.dma_semaphore, #tpu.memory_space<semaphore_mem>>
      tpu.enqueue_dma source(%arg3 : memref<24576xf32, #tpu.memory_space<hbm>>) target(%arg6 : memref<24576xf32, #tpu.memory_space<vmem>>) target_semaphore(%run_scoped3A : memref<!tpu.dma_semaphore, #tpu.memory_space<semaphore_mem>>)
      tpu.wait_dma2 semaphore(%run_scoped3A : memref<!tpu.dma_semaphore, #tpu.memory_space<semaphore_mem>>) src(%arg3 : memref<24576xf32, #tpu.memory_space<hbm>>) dst(%arg6 : memref<24576xf32, #tpu.memory_space<vmem>>)
      tpu.yield
    }) : () -> ()
    "tpu.region"() ({
      %run_scoped3A = tpu.sem_alloc : memref<!tpu.dma_semaphore, #tpu.memory_space<semaphore_mem>>
      %dma_start3A_232 = arith.constant 0 : i32
      %dma_start3A_233 = tpu.memref_slice %arg2[%add3A, %dma_start3A_232] : memref<32x32768xi32, #tpu.memory_space<hbm>> -> memref<1x32768xi32, #tpu.memory_space<hbm>>
      %dma_start3A_234 = tpu.memref_squeeze %dma_start3A_233 : memref<1x32768xi32, #tpu.memory_space<hbm>> -> memref<32768xi32, #tpu.memory_space<hbm>>
      %dma_start3A_235 = arith.constant 0 : i32
      %dma_start3A_236 = tpu.memref_slice %arg2[%add3A, %dma_start3A_235] : memref<32x32768xi32, #tpu.memory_space<hbm>> -> memref<1x32768xi32, #tpu.memory_space<hbm>>
      %dma_start3A_237 = tpu.memref_squeeze %dma_start3A_236 : memref<1x32768xi32, #tpu.memory_space<hbm>> -> memref<32768xi32, #tpu.memory_space<hbm>>
      tpu.enqueue_dma source(%dma_start3A_237 : memref<32768xi32, #tpu.memory_space<hbm>>) target(%arg5 : memref<32768xi32, #tpu.memory_space<vmem>>) target_semaphore(%run_scoped3A : memref<!tpu.dma_semaphore, #tpu.memory_space<semaphore_mem>>)
      %dma_wait3A_238 = arith.constant 0 : i32
      %dma_wait3A_239 = tpu.memref_slice %arg2[%add3A, %dma_wait3A_238] : memref<32x32768xi32, #tpu.memory_space<hbm>> -> memref<1x32768xi32, #tpu.memory_space<hbm>>
      %dma_wait3A_240 = tpu.memref_squeeze %dma_wait3A_239 : memref<1x32768xi32, #tpu.memory_space<hbm>> -> memref<32768xi32, #tpu.memory_space<hbm>>
      %dma_wait3A_241 = arith.constant 0 : i32
      %dma_wait3A_242 = tpu.memref_slice %arg2[%add3A, %dma_wait3A_241] : memref<32x32768xi32, #tpu.memory_space<hbm>> -> memref<1x32768xi32, #tpu.memory_space<hbm>>
      %dma_wait3A_243 = tpu.memref_squeeze %dma_wait3A_242 : memref<1x32768xi32, #tpu.memory_space<hbm>> -> memref<32768xi32, #tpu.memory_space<hbm>>
      tpu.wait_dma2 semaphore(%run_scoped3A : memref<!tpu.dma_semaphore, #tpu.memory_space<semaphore_mem>>) src(%dma_wait3A_243 : memref<32768xi32, #tpu.memory_space<hbm>>) dst(%arg5 : memref<32768xi32, #tpu.memory_space<vmem>>)
      tpu.yield
    }) : () -> ()
    %mul3A_1 = arith.constant 64 : i32
    %mul3A_2 = arith.muli %add3A, %mul3A_1 : i32
    %add3A_3 = arith.constant 0 : i32
    %add3A_4 = arith.addi %mul3A_2, %add3A_3 : i32
    %jit3A = arith.constant 4 : i32
    %div3A = arith.divsi %add3A_4, %jit3A : i32
    %sign3A = arith.constant 0 : i32
    %sign3A_5 = arith.cmpi sgt, %add3A_4, %sign3A : i32
    %sign3A_6 = arith.extui %sign3A_5 : i1 to i32
    %sign3A_7 = arith.constant 0 : i32
    %sign3A_8 = arith.cmpi slt, %add3A_4, %sign3A_7 : i32
    %sign3A_9 = arith.extui %sign3A_8 : i1 to i32
    %sign3A_10 = arith.subi %sign3A_6, %sign3A_9 : i32
    %sign3A_11 = arith.constant 0 : i32
    %sign3A_12 = arith.cmpi sgt, %jit3A, %sign3A_11 : i32
    %sign3A_13 = arith.extui %sign3A_12 : i1 to i32
    %sign3A_14 = arith.constant 0 : i32
    %sign3A_15 = arith.cmpi slt, %jit3A, %sign3A_14 : i32
    %sign3A_16 = arith.extui %sign3A_15 : i1 to i32
    %sign3A_17 = arith.subi %sign3A_13, %sign3A_16 : i32
    %ne3A = arith.cmpi ne, %sign3A_10, %sign3A_17 : i32
    %rem3A = arith.remsi %add3A_4, %jit3A : i32
    %ne3A_18 = arith.constant 0 : i32
    %ne3A_19 = arith.cmpi ne, %rem3A, %ne3A_18 : i32
    %and3A = arith.andi %ne3A, %ne3A_19 : i1
    %sub3A = arith.constant 1 : i32
    %sub3A_20 = arith.subi %div3A, %sub3A : i32
    %select_n3A = arith.select %and3A, %sub3A_20, %div3A : i32
    %jit3A_21 = arith.constant 4 : i32
    %eq3A = arith.constant 0 : i32
    %eq3A_22 = arith.cmpi eq, %jit3A_21, %eq3A : i32
    %jit3A_23 = arith.constant 1 : i32
    %select_n3A_24 = arith.select %eq3A_22, %jit3A_23, %jit3A_21 : i32
    %rem3A_25 = arith.remsi %add3A_4, %select_n3A_24 : i32
    %ne3A_26 = arith.constant 0 : i32
    %ne3A_27 = arith.cmpi ne, %rem3A_25, %ne3A_26 : i32
    %lt3A = arith.constant 0 : i32
    %lt3A_28 = arith.cmpi slt, %rem3A_25, %lt3A : i32
    %lt3A_29 = arith.constant 0 : i32
    %lt3A_30 = arith.cmpi slt, %select_n3A_24, %lt3A_29 : i32
    %ne3A_31 = arith.xori %lt3A_28, %lt3A_30 : i1
    %and3A_32 = arith.andi %ne3A_31, %ne3A_27 : i1
    %add3A_33 = arith.addi %rem3A_25, %select_n3A_24 : i32
    %select_n3A_34 = arith.select %and3A_32, %add3A_33, %rem3A_25 : i32
    %dma_start3A = arith.constant 0 : i32
    %dma_start3A_35 = arith.constant 0 : i32
    %dma_start3A_36 = arith.constant 0 : i32
    %dma_start3A_37 = tpu.memref_slice %arg7[%dma_start3A, %dma_start3A_35, %dma_start3A_36] : memref<2x8x4096xf32, #tpu.memory_space<vmem>> -> memref<1x8x4096xf32, #tpu.memory_space<vmem>>
    %dma_start3A_38 = tpu.memref_squeeze %dma_start3A_37 : memref<1x8x4096xf32, #tpu.memory_space<vmem>> -> memref<8x4096xf32, #tpu.memory_space<vmem>>
    %dma_start3A_39 = arith.constant 0 : i32
    %dma_start3A_40 = arith.constant 0 : i32
    %dma_start3A_41 = tpu.memref_slice %arg4[%select_n3A, %dma_start3A_39, %select_n3A_34, %dma_start3A_40] : memref<512x8x4x4096xf32, #tpu.memory_space<hbm>> -> memref<1x8x1x4096xf32, #tpu.memory_space<hbm>>
    %dma_start3A_42 = tpu.memref_squeeze %dma_start3A_41 : memref<1x8x1x4096xf32, #tpu.memory_space<hbm>> -> memref<8x4096xf32, #tpu.memory_space<hbm>>
    %dma_start3A_43 = arith.constant 0 : i32
    %dma_start3A_44 = arith.constant 0 : i32
    %dma_start3A_45 = tpu.memref_slice %arg4[%select_n3A, %dma_start3A_43, %select_n3A_34, %dma_start3A_44] : memref<512x8x4x4096xf32, #tpu.memory_space<hbm>> -> memref<1x8x1x4096xf32, #tpu.memory_space<hbm>>
    %dma_start3A_46 = tpu.memref_squeeze %dma_start3A_45 : memref<1x8x1x4096xf32, #tpu.memory_space<hbm>> -> memref<8x4096xf32, #tpu.memory_space<hbm>>
    %dma_start3A_47 = arith.constant 0 : i32
    %dma_start3A_48 = arith.constant 0 : i32
    %dma_start3A_49 = tpu.memref_slice %arg7[%dma_start3A, %dma_start3A_47, %dma_start3A_48] : memref<2x8x4096xf32, #tpu.memory_space<vmem>> -> memref<1x8x4096xf32, #tpu.memory_space<vmem>>
    %dma_start3A_50 = tpu.memref_squeeze %dma_start3A_49 : memref<1x8x4096xf32, #tpu.memory_space<vmem>> -> memref<8x4096xf32, #tpu.memory_space<vmem>>
    tpu.enqueue_dma source(%dma_start3A_50 : memref<8x4096xf32, #tpu.memory_space<vmem>>) target(%dma_start3A_46 : memref<8x4096xf32, #tpu.memory_space<hbm>>) target_semaphore(%arg8 : memref<!tpu.dma_semaphore, #tpu.memory_space<semaphore_mem>>)
    %add3A_51 = arith.constant 1 : i32
    %add3A_52 = arith.addi %mul3A_2, %add3A_51 : i32
    %jit3A_53 = arith.constant 4 : i32
    %div3A_54 = arith.divsi %add3A_52, %jit3A_53 : i32
    %sign3A_55 = arith.constant 0 : i32
    %sign3A_56 = arith.cmpi sgt, %add3A_52, %sign3A_55 : i32
    %sign3A_57 = arith.extui %sign3A_56 : i1 to i32
    %sign3A_58 = arith.constant 0 : i32
    %sign3A_59 = arith.cmpi slt, %add3A_52, %sign3A_58 : i32
    %sign3A_60 = arith.extui %sign3A_59 : i1 to i32
    %sign3A_61 = arith.subi %sign3A_57, %sign3A_60 : i32
    %sign3A_62 = arith.constant 0 : i32
    %sign3A_63 = arith.cmpi sgt, %jit3A_53, %sign3A_62 : i32
    %sign3A_64 = arith.extui %sign3A_63 : i1 to i32
    %sign3A_65 = arith.constant 0 : i32
    %sign3A_66 = arith.cmpi slt, %jit3A_53, %sign3A_65 : i32
    %sign3A_67 = arith.extui %sign3A_66 : i1 to i32
    %sign3A_68 = arith.subi %sign3A_64, %sign3A_67 : i32
    %ne3A_69 = arith.cmpi ne, %sign3A_61, %sign3A_68 : i32
    %rem3A_70 = arith.remsi %add3A_52, %jit3A_53 : i32
    %ne3A_71 = arith.constant 0 : i32
    %ne3A_72 = arith.cmpi ne, %rem3A_70, %ne3A_71 : i32
    %and3A_73 = arith.andi %ne3A_69, %ne3A_72 : i1
    %sub3A_74 = arith.constant 1 : i32
    %sub3A_75 = arith.subi %div3A_54, %sub3A_74 : i32
    %select_n3A_76 = arith.select %and3A_73, %sub3A_75, %div3A_54 : i32
    %jit3A_77 = arith.constant 4 : i32
    %eq3A_78 = arith.constant 0 : i32
    %eq3A_79 = arith.cmpi eq, %jit3A_77, %eq3A_78 : i32
    %jit3A_80 = arith.constant 1 : i32
    %select_n3A_81 = arith.select %eq3A_79, %jit3A_80, %jit3A_77 : i32
    %rem3A_82 = arith.remsi %add3A_52, %select_n3A_81 : i32
    %ne3A_83 = arith.constant 0 : i32
    %ne3A_84 = arith.cmpi ne, %rem3A_82, %ne3A_83 : i32
    %lt3A_85 = arith.constant 0 : i32
    %lt3A_86 = arith.cmpi slt, %rem3A_82, %lt3A_85 : i32
    %lt3A_87 = arith.constant 0 : i32
    %lt3A_88 = arith.cmpi slt, %select_n3A_81, %lt3A_87 : i32
    %ne3A_89 = arith.xori %lt3A_86, %lt3A_88 : i1
    %and3A_90 = arith.andi %ne3A_89, %ne3A_84 : i1
    %add3A_91 = arith.addi %rem3A_82, %select_n3A_81 : i32
    %select_n3A_92 = arith.select %and3A_90, %add3A_91, %rem3A_82 : i32
    %dma_start3A_93 = arith.constant 1 : i32
    %dma_start3A_94 = arith.constant 0 : i32
    %dma_start3A_95 = arith.constant 0 : i32
    %dma_start3A_96 = tpu.memref_slice %arg7[%dma_start3A_93, %dma_start3A_94, %dma_start3A_95] : memref<2x8x4096xf32, #tpu.memory_space<vmem>> -> memref<1x8x4096xf32, #tpu.memory_space<vmem>>
    %dma_start3A_97 = tpu.memref_squeeze %dma_start3A_96 : memref<1x8x4096xf32, #tpu.memory_space<vmem>> -> memref<8x4096xf32, #tpu.memory_space<vmem>>
    %dma_start3A_98 = arith.constant 0 : i32
    %dma_start3A_99 = arith.constant 0 : i32
    %dma_start3A_100 = tpu.memref_slice %arg4[%select_n3A_76, %dma_start3A_98, %select_n3A_92, %dma_start3A_99] : memref<512x8x4x4096xf32, #tpu.memory_space<hbm>> -> memref<1x8x1x4096xf32, #tpu.memory_space<hbm>>
    %dma_start3A_101 = tpu.memref_squeeze %dma_start3A_100 : memref<1x8x1x4096xf32, #tpu.memory_space<hbm>> -> memref<8x4096xf32, #tpu.memory_space<hbm>>
    %dma_start3A_102 = arith.constant 0 : i32
    %dma_start3A_103 = arith.constant 0 : i32
    %dma_start3A_104 = tpu.memref_slice %arg4[%select_n3A_76, %dma_start3A_102, %select_n3A_92, %dma_start3A_103] : memref<512x8x4x4096xf32, #tpu.memory_space<hbm>> -> memref<1x8x1x4096xf32, #tpu.memory_space<hbm>>
    %dma_start3A_105 = tpu.memref_squeeze %dma_start3A_104 : memref<1x8x1x4096xf32, #tpu.memory_space<hbm>> -> memref<8x4096xf32, #tpu.memory_space<hbm>>
    %dma_start3A_106 = arith.constant 0 : i32
    %dma_start3A_107 = arith.constant 0 : i32
    %dma_start3A_108 = tpu.memref_slice %arg7[%dma_start3A_93, %dma_start3A_106, %dma_start3A_107] : memref<2x8x4096xf32, #tpu.memory_space<vmem>> -> memref<1x8x4096xf32, #tpu.memory_space<vmem>>
    %dma_start3A_109 = tpu.memref_squeeze %dma_start3A_108 : memref<1x8x4096xf32, #tpu.memory_space<vmem>> -> memref<8x4096xf32, #tpu.memory_space<vmem>>
    tpu.enqueue_dma source(%dma_start3A_109 : memref<8x4096xf32, #tpu.memory_space<vmem>>) target(%dma_start3A_105 : memref<8x4096xf32, #tpu.memory_space<hbm>>) target_semaphore(%arg8 : memref<!tpu.dma_semaphore, #tpu.memory_space<semaphore_mem>>)
    %scan3A = arith.constant 0 : i32
    %scan3A_110 = arith.constant 0 : i32
    %scan3A_111 = arith.constant 32 : i32
    %scan3A_112 = arith.addi %scan3A_110, %scan3A_111 : i32
    %scan3A_113 = arith.constant 1 : i32
    scf.for %scan3A_232 = %scan3A_110 to %scan3A_112 step %scan3A_113  : i32 {
      %mul3A_233 = arith.constant 2 : i32
      %mul3A_234 = arith.muli %scan3A_232, %mul3A_233 : i32
      %add3A_235 = arith.constant 0 : i32
      %add3A_236 = arith.addi %mul3A_234, %add3A_235 : i32
      %add3A_237 = arith.addi %mul3A_2, %add3A_236 : i32
      %jit3A_238 = arith.constant 4 : i32
      %div3A_239 = arith.divsi %add3A_237, %jit3A_238 : i32
      %sign3A_240 = arith.constant 0 : i32
      %sign3A_241 = arith.cmpi sgt, %add3A_237, %sign3A_240 : i32
      %sign3A_242 = arith.extui %sign3A_241 : i1 to i32
      %sign3A_243 = arith.constant 0 : i32
      %sign3A_244 = arith.cmpi slt, %add3A_237, %sign3A_243 : i32
      %sign3A_245 = arith.extui %sign3A_244 : i1 to i32
      %sign3A_246 = arith.subi %sign3A_242, %sign3A_245 : i32
      %sign3A_247 = arith.constant 0 : i32
      %sign3A_248 = arith.cmpi sgt, %jit3A_238, %sign3A_247 : i32
      %sign3A_249 = arith.extui %sign3A_248 : i1 to i32
      %sign3A_250 = arith.constant 0 : i32
      %sign3A_251 = arith.cmpi slt, %jit3A_238, %sign3A_250 : i32
      %sign3A_252 = arith.extui %sign3A_251 : i1 to i32
      %sign3A_253 = arith.subi %sign3A_249, %sign3A_252 : i32
      %ne3A_254 = arith.cmpi ne, %sign3A_246, %sign3A_253 : i32
      %rem3A_255 = arith.remsi %add3A_237, %jit3A_238 : i32
      %ne3A_256 = arith.constant 0 : i32
      %ne3A_257 = arith.cmpi ne, %rem3A_255, %ne3A_256 : i32
      %and3A_258 = arith.andi %ne3A_254, %ne3A_257 : i1
      %sub3A_259 = arith.constant 1 : i32
      %sub3A_260 = arith.subi %div3A_239, %sub3A_259 : i32
      %select_n3A_261 = arith.select %and3A_258, %sub3A_260, %div3A_239 : i32
      %jit3A_262 = arith.constant 4 : i32
      %eq3A_263 = arith.constant 0 : i32
      %eq3A_264 = arith.cmpi eq, %jit3A_262, %eq3A_263 : i32
      %jit3A_265 = arith.constant 1 : i32
      %select_n3A_266 = arith.select %eq3A_264, %jit3A_265, %jit3A_262 : i32
      %rem3A_267 = arith.remsi %add3A_237, %select_n3A_266 : i32
      %ne3A_268 = arith.constant 0 : i32
      %ne3A_269 = arith.cmpi ne, %rem3A_267, %ne3A_268 : i32
      %lt3A_270 = arith.constant 0 : i32
      %lt3A_271 = arith.cmpi slt, %rem3A_267, %lt3A_270 : i32
      %lt3A_272 = arith.constant 0 : i32
      %lt3A_273 = arith.cmpi slt, %select_n3A_266, %lt3A_272 : i32
      %ne3A_274 = arith.xori %lt3A_271, %lt3A_273 : i1
      %and3A_275 = arith.andi %ne3A_274, %ne3A_269 : i1
      %add3A_276 = arith.addi %rem3A_267, %select_n3A_266 : i32
      %select_n3A_277 = arith.select %and3A_275, %add3A_276, %rem3A_267 : i32
      %dma_wait3A_278 = arith.constant 0 : i32
      %dma_wait3A_279 = arith.constant 0 : i32
      %dma_wait3A_280 = arith.constant 0 : i32
      %dma_wait3A_281 = tpu.memref_slice %arg7[%dma_wait3A_278, %dma_wait3A_279, %dma_wait3A_280] : memref<2x8x4096xf32, #tpu.memory_space<vmem>> -> memref<1x8x4096xf32, #tpu.memory_space<vmem>>
      %dma_wait3A_282 = tpu.memref_squeeze %dma_wait3A_281 : memref<1x8x4096xf32, #tpu.memory_space<vmem>> -> memref<8x4096xf32, #tpu.memory_space<vmem>>
      %dma_wait3A_283 = arith.constant 0 : i32
      %dma_wait3A_284 = arith.constant 0 : i32
      %dma_wait3A_285 = tpu.memref_slice %arg4[%select_n3A_261, %dma_wait3A_283, %select_n3A_277, %dma_wait3A_284] : memref<512x8x4x4096xf32, #tpu.memory_space<hbm>> -> memref<1x8x1x4096xf32, #tpu.memory_space<hbm>>
      %dma_wait3A_286 = tpu.memref_squeeze %dma_wait3A_285 : memref<1x8x1x4096xf32, #tpu.memory_space<hbm>> -> memref<8x4096xf32, #tpu.memory_space<hbm>>
      %dma_wait3A_287 = arith.constant 0 : i32
      %dma_wait3A_288 = arith.constant 0 : i32
      %dma_wait3A_289 = tpu.memref_slice %arg4[%select_n3A_261, %dma_wait3A_287, %select_n3A_277, %dma_wait3A_288] : memref<512x8x4x4096xf32, #tpu.memory_space<hbm>> -> memref<1x8x1x4096xf32, #tpu.memory_space<hbm>>
      %dma_wait3A_290 = tpu.memref_squeeze %dma_wait3A_289 : memref<1x8x1x4096xf32, #tpu.memory_space<hbm>> -> memref<8x4096xf32, #tpu.memory_space<hbm>>
      %dma_wait3A_291 = arith.constant 0 : i32
      %dma_wait3A_292 = arith.constant 0 : i32
      %dma_wait3A_293 = tpu.memref_slice %arg7[%dma_wait3A_278, %dma_wait3A_291, %dma_wait3A_292] : memref<2x8x4096xf32, #tpu.memory_space<vmem>> -> memref<1x8x4096xf32, #tpu.memory_space<vmem>>
      %dma_wait3A_294 = tpu.memref_squeeze %dma_wait3A_293 : memref<1x8x4096xf32, #tpu.memory_space<vmem>> -> memref<8x4096xf32, #tpu.memory_space<vmem>>
      tpu.wait_dma2 semaphore(%arg8 : memref<!tpu.dma_semaphore, #tpu.memory_space<semaphore_mem>>) src(%dma_wait3A_294 : memref<8x4096xf32, #tpu.memory_space<vmem>>) dst(%dma_wait3A_290 : memref<8x4096xf32, #tpu.memory_space<hbm>>)
      %mul3A_295 = arith.constant 512 : i32
      %mul3A_296 = arith.muli %add3A_236, %mul3A_295 : i32
      %add3A_297 = arith.constant 0 : i32
      %add3A_298 = arith.addi %mul3A_296, %add3A_297 : i32
      %get3A = arith.index_cast %add3A_298 : i32 to index
      %get3A_299 = tpu.vector_load %arg5[%get3A] {strides = array<i32>} : memref<32768xi32, #tpu.memory_space<vmem>>, vector<16xi32>,
      %mul3A_300 = arith.constant 512 : i32
      %mul3A_301 = arith.muli %add3A_236, %mul3A_300 : i32
      %add3A_302 = arith.constant 16 : i32
      %add3A_303 = arith.addi %mul3A_301, %add3A_302 : i32
      %get3A_304 = arith.index_cast %add3A_303 : i32 to index
      %get3A_305 = tpu.vector_load %arg5[%get3A_304] {strides = array<i32>} : memref<32768xi32, #tpu.memory_space<vmem>>, vector<16xi32>,
      %mul3A_306 = arith.constant 512 : i32
      %mul3A_307 = arith.muli %add3A_236, %mul3A_306 : i32
      %add3A_308 = arith.constant 32 : i32
      %add3A_309 = arith.addi %mul3A_307, %add3A_308 : i32
      %get3A_310 = arith.index_cast %add3A_309 : i32 to index
      %get3A_311 = tpu.vector_load %arg5[%get3A_310] {strides = array<i32>} : memref<32768xi32, #tpu.memory_space<vmem>>, vector<16xi32>,
      %mul3A_312 = arith.constant 512 : i32
      %mul3A_313 = arith.muli %add3A_236, %mul3A_312 : i32
      %add3A_314 = arith.constant 48 : i32
      %add3A_315 = arith.addi %mul3A_313, %add3A_314 : i32
      %get3A_316 = arith.index_cast %add3A_315 : i32 to index
      %get3A_317 = tpu.vector_load %arg5[%get3A_316] {strides = array<i32>} : memref<32768xi32, #tpu.memory_space<vmem>>, vector<16xi32>,
      %mul3A_318 = arith.constant 512 : i32
      %mul3A_319 = arith.muli %add3A_236, %mul3A_318 : i32
      %add3A_320 = arith.constant 64 : i32
      %add3A_321 = arith.addi %mul3A_319, %add3A_320 : i32
      %get3A_322 = arith.index_cast %add3A_321 : i32 to index
      %get3A_323 = tpu.vector_load %arg5[%get3A_322] {strides = array<i32>} : memref<32768xi32, #tpu.memory_space<vmem>>, vector<16xi32>,
      %mul3A_324 = arith.constant 512 : i32
      %mul3A_325 = arith.muli %add3A_236, %mul3A_324 : i32
      %add3A_326 = arith.constant 80 : i32
      %add3A_327 = arith.addi %mul3A_325, %add3A_326 : i32
      %get3A_328 = arith.index_cast %add3A_327 : i32 to index
      %get3A_329 = tpu.vector_load %arg5[%get3A_328] {strides = array<i32>} : memref<32768xi32, #tpu.memory_space<vmem>>, vector<16xi32>,
      %mul3A_330 = arith.constant 512 : i32
      %mul3A_331 = arith.muli %add3A_236, %mul3A_330 : i32
      %add3A_332 = arith.constant 96 : i32
      %add3A_333 = arith.addi %mul3A_331, %add3A_332 : i32
      %get3A_334 = arith.index_cast %add3A_333 : i32 to index
      %get3A_335 = tpu.vector_load %arg5[%get3A_334] {strides = array<i32>} : memref<32768xi32, #tpu.memory_space<vmem>>, vector<16xi32>,
      %mul3A_336 = arith.constant 512 : i32
      %mul3A_337 = arith.muli %add3A_236, %mul3A_336 : i32
      %add3A_338 = arith.constant 112 : i32
      %add3A_339 = arith.addi %mul3A_337, %add3A_338 : i32
      %get3A_340 = arith.index_cast %add3A_339 : i32 to index
      %get3A_341 = tpu.vector_load %arg5[%get3A_340] {strides = array<i32>} : memref<32768xi32, #tpu.memory_space<vmem>>, vector<16xi32>,
      %mul3A_342 = arith.constant 512 : i32
      %mul3A_343 = arith.muli %add3A_236, %mul3A_342 : i32
      %add3A_344 = arith.constant 128 : i32
      %add3A_345 = arith.addi %mul3A_343, %add3A_344 : i32
      %get3A_346 = arith.index_cast %add3A_345 : i32 to index
      %get3A_347 = tpu.vector_load %arg5[%get3A_346] {strides = array<i32>} : memref<32768xi32, #tpu.memory_space<vmem>>, vector<16xi32>,
      %mul3A_348 = arith.constant 512 : i32
      %mul3A_349 = arith.muli %add3A_236, %mul3A_348 : i32
      %add3A_350 = arith.constant 144 : i32
      %add3A_351 = arith.addi %mul3A_349, %add3A_350 : i32
      %get3A_352 = arith.index_cast %add3A_351 : i32 to index
      %get3A_353 = tpu.vector_load %arg5[%get3A_352] {strides = array<i32>} : memref<32768xi32, #tpu.memory_space<vmem>>, vector<16xi32>,
      %mul3A_354 = arith.constant 512 : i32
      %mul3A_355 = arith.muli %add3A_236, %mul3A_354 : i32
      %add3A_356 = arith.constant 160 : i32
      %add3A_357 = arith.addi %mul3A_355, %add3A_356 : i32
      %get3A_358 = arith.index_cast %add3A_357 : i32 to index
      %get3A_359 = tpu.vector_load %arg5[%get3A_358] {strides = array<i32>} : memref<32768xi32, #tpu.memory_space<vmem>>, vector<16xi32>,
      %mul3A_360 = arith.constant 512 : i32
      %mul3A_361 = arith.muli %add3A_236, %mul3A_360 : i32
      %add3A_362 = arith.constant 176 : i32
      %add3A_363 = arith.addi %mul3A_361, %add3A_362 : i32
      %get3A_364 = arith.index_cast %add3A_363 : i32 to index
      %get3A_365 = tpu.vector_load %arg5[%get3A_364] {strides = array<i32>} : memref<32768xi32, #tpu.memory_space<vmem>>, vector<16xi32>,
      %mul3A_366 = arith.constant 512 : i32
      %mul3A_367 = arith.muli %add3A_236, %mul3A_366 : i32
      %add3A_368 = arith.constant 192 : i32
      %add3A_369 = arith.addi %mul3A_367, %add3A_368 : i32
      %get3A_370 = arith.index_cast %add3A_369 : i32 to index
      %get3A_371 = tpu.vector_load %arg5[%get3A_370] {strides = array<i32>} : memref<32768xi32, #tpu.memory_space<vmem>>, vector<16xi32>,
      %mul3A_372 = arith.constant 512 : i32
      %mul3A_373 = arith.muli %add3A_236, %mul3A_372 : i32
      %add3A_374 = arith.constant 208 : i32
      %add3A_375 = arith.addi %mul3A_373, %add3A_374 : i32
      %get3A_376 = arith.index_cast %add3A_375 : i32 to index
      %get3A_377 = tpu.vector_load %arg5[%get3A_376] {strides = array<i32>} : memref<32768xi32, #tpu.memory_space<vmem>>, vector<16xi32>,
      %mul3A_378 = arith.constant 512 : i32
      %mul3A_379 = arith.muli %add3A_236, %mul3A_378 : i32
      %add3A_380 = arith.constant 224 : i32
      %add3A_381 = arith.addi %mul3A_379, %add3A_380 : i32
      %get3A_382 = arith.index_cast %add3A_381 : i32 to index
      %get3A_383 = tpu.vector_load %arg5[%get3A_382] {strides = array<i32>} : memref<32768xi32, #tpu.memory_space<vmem>>, vector<16xi32>,
      %mul3A_384 = arith.constant 512 : i32
      %mul3A_385 = arith.muli %add3A_236, %mul3A_384 : i32
      %add3A_386 = arith.constant 240 : i32
      %add3A_387 = arith.addi %mul3A_385, %add3A_386 : i32
      %get3A_388 = arith.index_cast %add3A_387 : i32 to index
      %get3A_389 = tpu.vector_load %arg5[%get3A_388] {strides = array<i32>} : memref<32768xi32, #tpu.memory_space<vmem>>, vector<16xi32>,
      %mul3A_390 = arith.constant 512 : i32
      %mul3A_391 = arith.muli %add3A_236, %mul3A_390 : i32
      %add3A_392 = arith.constant 256 : i32
      %add3A_393 = arith.addi %mul3A_391, %add3A_392 : i32
      %get3A_394 = arith.index_cast %add3A_393 : i32 to index
      %get3A_395 = tpu.vector_load %arg5[%get3A_394] {strides = array<i32>} : memref<32768xi32, #tpu.memory_space<vmem>>, vector<16xi32>,
      %mul3A_396 = arith.constant 512 : i32
      %mul3A_397 = arith.muli %add3A_236, %mul3A_396 : i32
      %add3A_398 = arith.constant 272 : i32
      %add3A_399 = arith.addi %mul3A_397, %add3A_398 : i32
      %get3A_400 = arith.index_cast %add3A_399 : i32 to index
      %get3A_401 = tpu.vector_load %arg5[%get3A_400] {strides = array<i32>} : memref<32768xi32, #tpu.memory_space<vmem>>, vector<16xi32>,
      %mul3A_402 = arith.constant 512 : i32
      %mul3A_403 = arith.muli %add3A_236, %mul3A_402 : i32
      %add3A_404 = arith.constant 288 : i32
      %add3A_405 = arith.addi %mul3A_403, %add3A_404 : i32
      %get3A_406 = arith.index_cast %add3A_405 : i32 to index
      %get3A_407 = tpu.vector_load %arg5[%get3A_406] {strides = array<i32>} : memref<32768xi32, #tpu.memory_space<vmem>>, vector<16xi32>,
      %mul3A_408 = arith.constant 512 : i32
      %mul3A_409 = arith.muli %add3A_236, %mul3A_408 : i32
      %add3A_410 = arith.constant 304 : i32
      %add3A_411 = arith.addi %mul3A_409, %add3A_410 : i32
      %get3A_412 = arith.index_cast %add3A_411 : i32 to index
      %get3A_413 = tpu.vector_load %arg5[%get3A_412] {strides = array<i32>} : memref<32768xi32, #tpu.memory_space<vmem>>, vector<16xi32>,
      %mul3A_414 = arith.constant 512 : i32
      %mul3A_415 = arith.muli %add3A_236, %mul3A_414 : i32
      %add3A_416 = arith.constant 320 : i32
      %add3A_417 = arith.addi %mul3A_415, %add3A_416 : i32
      %get3A_418 = arith.index_cast %add3A_417 : i32 to index
      %get3A_419 = tpu.vector_load %arg5[%get3A_418] {strides = array<i32>} : memref<32768xi32, #tpu.memory_space<vmem>>, vector<16xi32>,
      %mul3A_420 = arith.constant 512 : i32
      %mul3A_421 = arith.muli %add3A_236, %mul3A_420 : i32
      %add3A_422 = arith.constant 336 : i32
      %add3A_423 = arith.addi %mul3A_421, %add3A_422 : i32
      %get3A_424 = arith.index_cast %add3A_423 : i32 to index
      %get3A_425 = tpu.vector_load %arg5[%get3A_424] {strides = array<i32>} : memref<32768xi32, #tpu.memory_space<vmem>>, vector<16xi32>,
      %mul3A_426 = arith.constant 512 : i32
      %mul3A_427 = arith.muli %add3A_236, %mul3A_426 : i32
      %add3A_428 = arith.constant 352 : i32
      %add3A_429 = arith.addi %mul3A_427, %add3A_428 : i32
      %get3A_430 = arith.index_cast %add3A_429 : i32 to index
      %get3A_431 = tpu.vector_load %arg5[%get3A_430] {strides = array<i32>} : memref<32768xi32, #tpu.memory_space<vmem>>, vector<16xi32>,
      %mul3A_432 = arith.constant 512 : i32
      %mul3A_433 = arith.muli %add3A_236, %mul3A_432 : i32
      %add3A_434 = arith.constant 368 : i32
      %add3A_435 = arith.addi %mul3A_433, %add3A_434 : i32
      %get3A_436 = arith.index_cast %add3A_435 : i32 to index
      %get3A_437 = tpu.vector_load %arg5[%get3A_436] {strides = array<i32>} : memref<32768xi32, #tpu.memory_space<vmem>>, vector<16xi32>,
      %mul3A_438 = arith.constant 512 : i32
      %mul3A_439 = arith.muli %add3A_236, %mul3A_438 : i32
      %add3A_440 = arith.constant 384 : i32
      %add3A_441 = arith.addi %mul3A_439, %add3A_440 : i32
      %get3A_442 = arith.index_cast %add3A_441 : i32 to index
      %get3A_443 = tpu.vector_load %arg5[%get3A_442] {strides = array<i32>} : memref<32768xi32, #tpu.memory_space<vmem>>, vector<16xi32>,
      %mul3A_444 = arith.constant 512 : i32
      %mul3A_445 = arith.muli %add3A_236, %mul3A_444 : i32
      %add3A_446 = arith.constant 400 : i32
      %add3A_447 = arith.addi %mul3A_445, %add3A_446 : i32
      %get3A_448 = arith.index_cast %add3A_447 : i32 to index
      %get3A_449 = tpu.vector_load %arg5[%get3A_448] {strides = array<i32>} : memref<32768xi32, #tpu.memory_space<vmem>>, vector<16xi32>,
      %mul3A_450 = arith.constant 512 : i32
      %mul3A_451 = arith.muli %add3A_236, %mul3A_450 : i32
      %add3A_452 = arith.constant 416 : i32
      %add3A_453 = arith.addi %mul3A_451, %add3A_452 : i32
      %get3A_454 = arith.index_cast %add3A_453 : i32 to index
      %get3A_455 = tpu.vector_load %arg5[%get3A_454] {strides = array<i32>} : memref<32768xi32, #tpu.memory_space<vmem>>, vector<16xi32>,
      %mul3A_456 = arith.constant 512 : i32
      %mul3A_457 = arith.muli %add3A_236, %mul3A_456 : i32
      %add3A_458 = arith.constant 432 : i32
      %add3A_459 = arith.addi %mul3A_457, %add3A_458 : i32
      %get3A_460 = arith.index_cast %add3A_459 : i32 to index
      %get3A_461 = tpu.vector_load %arg5[%get3A_460] {strides = array<i32>} : memref<32768xi32, #tpu.memory_space<vmem>>, vector<16xi32>,
      %mul3A_462 = arith.constant 512 : i32
      %mul3A_463 = arith.muli %add3A_236, %mul3A_462 : i32
      %add3A_464 = arith.constant 448 : i32
      %add3A_465 = arith.addi %mul3A_463, %add3A_464 : i32
      %get3A_466 = arith.index_cast %add3A_465 : i32 to index
      %get3A_467 = tpu.vector_load %arg5[%get3A_466] {strides = array<i32>} : memref<32768xi32, #tpu.memory_space<vmem>>, vector<16xi32>,
      %mul3A_468 = arith.constant 512 : i32
      %mul3A_469 = arith.muli %add3A_236, %mul3A_468 : i32
      %add3A_470 = arith.constant 464 : i32
      %add3A_471 = arith.addi %mul3A_469, %add3A_470 : i32
      %get3A_472 = arith.index_cast %add3A_471 : i32 to index
      %get3A_473 = tpu.vector_load %arg5[%get3A_472] {strides = array<i32>} : memref<32768xi32, #tpu.memory_space<vmem>>, vector<16xi32>,
      %mul3A_474 = arith.constant 512 : i32
      %mul3A_475 = arith.muli %add3A_236, %mul3A_474 : i32
      %add3A_476 = arith.constant 480 : i32
      %add3A_477 = arith.addi %mul3A_475, %add3A_476 : i32
      %get3A_478 = arith.index_cast %add3A_477 : i32 to index
      %get3A_479 = tpu.vector_load %arg5[%get3A_478] {strides = array<i32>} : memref<32768xi32, #tpu.memory_space<vmem>>, vector<16xi32>,
      %mul3A_480 = arith.constant 512 : i32
      %mul3A_481 = arith.muli %add3A_236, %mul3A_480 : i32
      %add3A_482 = arith.constant 496 : i32
      %add3A_483 = arith.addi %mul3A_481, %add3A_482 : i32
      %get3A_484 = arith.index_cast %add3A_483 : i32 to index
      %get3A_485 = tpu.vector_load %arg5[%get3A_484] {strides = array<i32>} : memref<32768xi32, #tpu.memory_space<vmem>>, vector<16xi32>,
      %parallel_loop3A = arith.constant 0 : i32
      %parallel_loop3A_486 = arith.constant 64 : i32
      %parallel_loop3A_487 = arith.constant 1 : i32
      scf.for %parallel_loop3A_861 = %parallel_loop3A to %parallel_loop3A_486 step %parallel_loop3A_487  : i32 {
        %parallel_loop3A_862 = arith.constant 384 : i32
        %parallel_loop3A_863 = arith.muli %parallel_loop3A_861, %parallel_loop3A_862 : i32
        %parallel_loop3A_864 = vector.broadcast %parallel_loop3A_863 : i32 to vector<16xi32>
        %parallel_loop3A_865 = arith.addi %get3A_299, %parallel_loop3A_864 : vector<16xi32>
        %parallel_loop3A_866 = tpu.vector_load_idx %arg6[%parallel_loop3A_865] : memref<24576xf32, #tpu.memory_space<vmem>>[vector<16xi32>], vector<16xf32>,
        %parallel_loop3A_867 = arith.constant 8 : i32
        %parallel_loop3A_868 = arith.constant 0 : i32
        %parallel_loop3A_869 = arith.cmpi eq, %parallel_loop3A_867, %parallel_loop3A_868 : i32
        %parallel_loop3A_870 = arith.constant 1 : i32
        %parallel_loop3A_871 = arith.select %parallel_loop3A_869, %parallel_loop3A_870, %parallel_loop3A_867 : i32
        %parallel_loop3A_872 = arith.remsi %parallel_loop3A_861, %parallel_loop3A_871 : i32
        %parallel_loop3A_873 = arith.constant 0 : i32
        %parallel_loop3A_874 = arith.cmpi ne, %parallel_loop3A_872, %parallel_loop3A_873 : i32
        %parallel_loop3A_875 = arith.constant 0 : i32
        %parallel_loop3A_876 = arith.cmpi slt, %parallel_loop3A_872, %parallel_loop3A_875 : i32
        %parallel_loop3A_877 = arith.constant 0 : i32
        %parallel_loop3A_878 = arith.cmpi slt, %parallel_loop3A_871, %parallel_loop3A_877 : i32
        %parallel_loop3A_879 = arith.xori %parallel_loop3A_876, %parallel_loop3A_878 : i1
        %parallel_loop3A_880 = arith.andi %parallel_loop3A_879, %parallel_loop3A_874 : i1
        %parallel_loop3A_881 = arith.addi %parallel_loop3A_872, %parallel_loop3A_871 : i32
        %parallel_loop3A_882 = arith.select %parallel_loop3A_880, %parallel_loop3A_881, %parallel_loop3A_872 : i32
        %parallel_loop3A_883 = arith.constant 128 : i32
        %parallel_loop3A_884 = arith.muli %parallel_loop3A_882, %parallel_loop3A_883 : i32
        %parallel_loop3A_885 = arith.constant 0 : i32
        %parallel_loop3A_886 = arith.addi %parallel_loop3A_885, %parallel_loop3A_884 : i32
        %parallel_loop3A_887 = arith.constant 0 : i32
        %parallel_loop3A_888 = arith.addi %parallel_loop3A_886, %parallel_loop3A_887 : i32
        %parallel_loop3A_889 = arith.constant 8 : i32
        %parallel_loop3A_890 = arith.divsi %parallel_loop3A_861, %parallel_loop3A_889 : i32
        %parallel_loop3A_891 = arith.constant 0 : i32
        %parallel_loop3A_892 = arith.cmpi sgt, %parallel_loop3A_861, %parallel_loop3A_891 : i32
        %parallel_loop3A_893 = arith.extui %parallel_loop3A_892 : i1 to i32
        %parallel_loop3A_894 = arith.constant 0 : i32
        %parallel_loop3A_895 = arith.cmpi slt, %parallel_loop3A_861, %parallel_loop3A_894 : i32
        %parallel_loop3A_896 = arith.extui %parallel_loop3A_895 : i1 to i32
        %parallel_loop3A_897 = arith.subi %parallel_loop3A_893, %parallel_loop3A_896 : i32
        %parallel_loop3A_898 = arith.constant 0 : i32
        %parallel_loop3A_899 = arith.cmpi sgt, %parallel_loop3A_889, %parallel_loop3A_898 : i32
        %parallel_loop3A_900 = arith.extui %parallel_loop3A_899 : i1 to i32
        %parallel_loop3A_901 = arith.constant 0 : i32
        %parallel_loop3A_902 = arith.cmpi slt, %parallel_loop3A_889, %parallel_loop3A_901 : i32
        %parallel_loop3A_903 = arith.extui %parallel_loop3A_902 : i1 to i32
        %parallel_loop3A_904 = arith.subi %parallel_loop3A_900, %parallel_loop3A_903 : i32
        %parallel_loop3A_905 = arith.cmpi ne, %parallel_loop3A_897, %parallel_loop3A_904 : i32
        %parallel_loop3A_906 = arith.remsi %parallel_loop3A_861, %parallel_loop3A_889 : i32
        %parallel_loop3A_907 = arith.constant 0 : i32
        %parallel_loop3A_908 = arith.cmpi ne, %parallel_loop3A_906, %parallel_loop3A_907 : i32
        %parallel_loop3A_909 = arith.andi %parallel_loop3A_905, %parallel_loop3A_908 : i1
        %parallel_loop3A_910 = arith.constant 1 : i32
        %parallel_loop3A_911 = arith.subi %parallel_loop3A_890, %parallel_loop3A_910 : i32
        %parallel_loop3A_912 = arith.select %parallel_loop3A_909, %parallel_loop3A_911, %parallel_loop3A_890 : i32
        %parallel_loop3A_913 = arith.constant 0 : i32
        %parallel_loop3A_914 = arith.index_cast %parallel_loop3A_913 : i32 to index
        %parallel_loop3A_915 = arith.index_cast %parallel_loop3A_912 : i32 to index
        %parallel_loop3A_916 = arith.index_cast %parallel_loop3A_888 : i32 to index
        %parallel_loop3A_917 = tpu.vector_load %arg7[%parallel_loop3A_914, %parallel_loop3A_915, %parallel_loop3A_916] {strides = array<i32>} : memref<2x8x4096xf32, #tpu.memory_space<vmem>>, vector<16xf32>,
        tpu.vector_store %arg7[%parallel_loop3A_914, %parallel_loop3A_915, %parallel_loop3A_916], %parallel_loop3A_866 {strides = array<i32>} : memref<2x8x4096xf32, #tpu.memory_space<vmem>>, vector<16xf32>,
        %parallel_loop3A_918 = vector.broadcast %parallel_loop3A_863 : i32 to vector<16xi32>
        %parallel_loop3A_919 = arith.addi %get3A_305, %parallel_loop3A_918 : vector<16xi32>
        %parallel_loop3A_920 = tpu.vector_load_idx %arg6[%parallel_loop3A_919] : memref<24576xf32, #tpu.memory_space<vmem>>[vector<16xi32>], vector<16xf32>,
        %parallel_loop3A_921 = arith.constant 8 : i32
        %parallel_loop3A_922 = arith.constant 0 : i32
        %parallel_loop3A_923 = arith.cmpi eq, %parallel_loop3A_921, %parallel_loop3A_922 : i32
        %parallel_loop3A_924 = arith.constant 1 : i32
        %parallel_loop3A_925 = arith.select %parallel_loop3A_923, %parallel_loop3A_924, %parallel_loop3A_921 : i32
        %parallel_loop3A_926 = arith.remsi %parallel_loop3A_861, %parallel_loop3A_925 : i32
        %parallel_loop3A_927 = arith.constant 0 : i32
        %parallel_loop3A_928 = arith.cmpi ne, %parallel_loop3A_926, %parallel_loop3A_927 : i32
        %parallel_loop3A_929 = arith.constant 0 : i32
        %parallel_loop3A_930 = arith.cmpi slt, %parallel_loop3A_926, %parallel_loop3A_929 : i32
        %parallel_loop3A_931 = arith.constant 0 : i32
        %parallel_loop3A_932 = arith.cmpi slt, %parallel_loop3A_925, %parallel_loop3A_931 : i32
        %parallel_loop3A_933 = arith.xori %parallel_loop3A_930, %parallel_loop3A_932 : i1
        %parallel_loop3A_934 = arith.andi %parallel_loop3A_933, %parallel_loop3A_928 : i1
        %parallel_loop3A_935 = arith.addi %parallel_loop3A_926, %parallel_loop3A_925 : i32
        %parallel_loop3A_936 = arith.select %parallel_loop3A_934, %parallel_loop3A_935, %parallel_loop3A_926 : i32
        %parallel_loop3A_937 = arith.constant 128 : i32
        %parallel_loop3A_938 = arith.muli %parallel_loop3A_936, %parallel_loop3A_937 : i32
        %parallel_loop3A_939 = arith.constant 0 : i32
        %parallel_loop3A_940 = arith.addi %parallel_loop3A_939, %parallel_loop3A_938 : i32
        %parallel_loop3A_941 = arith.constant 16 : i32
        %parallel_loop3A_942 = arith.addi %parallel_loop3A_940, %parallel_loop3A_941 : i32
        %parallel_loop3A_943 = arith.constant 8 : i32
        %parallel_loop3A_944 = arith.divsi %parallel_loop3A_861, %parallel_loop3A_943 : i32
        %parallel_loop3A_945 = arith.constant 0 : i32
        %parallel_loop3A_946 = arith.cmpi sgt, %parallel_loop3A_861, %parallel_loop3A_945 : i32
        %parallel_loop3A_947 = arith.extui %parallel_loop3A_946 : i1 to i32
        %parallel_loop3A_948 = arith.constant 0 : i32
        %parallel_loop3A_949 = arith.cmpi slt, %parallel_loop3A_861, %parallel_loop3A_948 : i32
        %parallel_loop3A_950 = arith.extui %parallel_loop3A_949 : i1 to i32
        %parallel_loop3A_951 = arith.subi %parallel_loop3A_947, %parallel_loop3A_950 : i32
        %parallel_loop3A_952 = arith.constant 0 : i32
        %parallel_loop3A_953 = arith.cmpi sgt, %parallel_loop3A_943, %parallel_loop3A_952 : i32
        %parallel_loop3A_954 = arith.extui %parallel_loop3A_953 : i1 to i32
        %parallel_loop3A_955 = arith.constant 0 : i32
        %parallel_loop3A_956 = arith.cmpi slt, %parallel_loop3A_943, %parallel_loop3A_955 : i32
        %parallel_loop3A_957 = arith.extui %parallel_loop3A_956 : i1 to i32
        %parallel_loop3A_958 = arith.subi %parallel_loop3A_954, %parallel_loop3A_957 : i32
        %parallel_loop3A_959 = arith.cmpi ne, %parallel_loop3A_951, %parallel_loop3A_958 : i32
        %parallel_loop3A_960 = arith.remsi %parallel_loop3A_861, %parallel_loop3A_943 : i32
        %parallel_loop3A_961 = arith.constant 0 : i32
        %parallel_loop3A_962 = arith.cmpi ne, %parallel_loop3A_960, %parallel_loop3A_961 : i32
        %parallel_loop3A_963 = arith.andi %parallel_loop3A_959, %parallel_loop3A_962 : i1
        %parallel_loop3A_964 = arith.constant 1 : i32
        %parallel_loop3A_965 = arith.subi %parallel_loop3A_944, %parallel_loop3A_964 : i32
        %parallel_loop3A_966 = arith.select %parallel_loop3A_963, %parallel_loop3A_965, %parallel_loop3A_944 : i32
        %parallel_loop3A_967 = arith.constant 0 : i32
        %parallel_loop3A_968 = arith.index_cast %parallel_loop3A_967 : i32 to index
        %parallel_loop3A_969 = arith.index_cast %parallel_loop3A_966 : i32 to index
        %parallel_loop3A_970 = arith.index_cast %parallel_loop3A_942 : i32 to index
        %parallel_loop3A_971 = tpu.vector_load %arg7[%parallel_loop3A_968, %parallel_loop3A_969, %parallel_loop3A_970] {strides = array<i32>} : memref<2x8x4096xf32, #tpu.memory_space<vmem>>, vector<16xf32>,
        tpu.vector_store %arg7[%parallel_loop3A_968, %parallel_loop3A_969, %parallel_loop3A_970], %parallel_loop3A_920 {strides = array<i32>} : memref<2x8x4096xf32, #tpu.memory_space<vmem>>, vector<16xf32>,
        %parallel_loop3A_972 = vector.broadcast %parallel_loop3A_863 : i32 to vector<16xi32>
        %parallel_loop3A_973 = arith.addi %get3A_311, %parallel_loop3A_972 : vector<16xi32>
        %parallel_loop3A_974 = tpu.vector_load_idx %arg6[%parallel_loop3A_973] : memref<24576xf32, #tpu.memory_space<vmem>>[vector<16xi32>], vector<16xf32>,
        %parallel_loop3A_975 = arith.constant 8 : i32
        %parallel_loop3A_976 = arith.constant 0 : i32
        %parallel_loop3A_977 = arith.cmpi eq, %parallel_loop3A_975, %parallel_loop3A_976 : i32
        %parallel_loop3A_978 = arith.constant 1 : i32
        %parallel_loop3A_979 = arith.select %parallel_loop3A_977, %parallel_loop3A_978, %parallel_loop3A_975 : i32
        %parallel_loop3A_980 = arith.remsi %parallel_loop3A_861, %parallel_loop3A_979 : i32
        %parallel_loop3A_981 = arith.constant 0 : i32
        %parallel_loop3A_982 = arith.cmpi ne, %parallel_loop3A_980, %parallel_loop3A_981 : i32
        %parallel_loop3A_983 = arith.constant 0 : i32
        %parallel_loop3A_984 = arith.cmpi slt, %parallel_loop3A_980, %parallel_loop3A_983 : i32
        %parallel_loop3A_985 = arith.constant 0 : i32
        %parallel_loop3A_986 = arith.cmpi slt, %parallel_loop3A_979, %parallel_loop3A_985 : i32
        %parallel_loop3A_987 = arith.xori %parallel_loop3A_984, %parallel_loop3A_986 : i1
        %parallel_loop3A_988 = arith.andi %parallel_loop3A_987, %parallel_loop3A_982 : i1
        %parallel_loop3A_989 = arith.addi %parallel_loop3A_980, %parallel_loop3A_979 : i32
        %parallel_loop3A_990 = arith.select %parallel_loop3A_988, %parallel_loop3A_989, %parallel_loop3A_980 : i32
        %parallel_loop3A_991 = arith.constant 128 : i32
        %parallel_loop3A_992 = arith.muli %parallel_loop3A_990, %parallel_loop3A_991 : i32
        %parallel_loop3A_993 = arith.constant 0 : i32
        %parallel_loop3A_994 = arith.addi %parallel_loop3A_993, %parallel_loop3A_992 : i32
        %parallel_loop3A_995 = arith.constant 32 : i32
        %parallel_loop3A_996 = arith.addi %parallel_loop3A_994, %parallel_loop3A_995 : i32
        %parallel_loop3A_997 = arith.constant 8 : i32
        %parallel_loop3A_998 = arith.divsi %parallel_loop3A_861, %parallel_loop3A_997 : i32
        %parallel_loop3A_999 = arith.constant 0 : i32
        %parallel_loop3A_1000 = arith.cmpi sgt, %parallel_loop3A_861, %parallel_loop3A_999 : i32
        %parallel_loop3A_1001 = arith.extui %parallel_loop3A_1000 : i1 to i32
        %parallel_loop3A_1002 = arith.constant 0 : i32
        %parallel_loop3A_1003 = arith.cmpi slt, %parallel_loop3A_861, %parallel_loop3A_1002 : i32
        %parallel_loop3A_1004 = arith.extui %parallel_loop3A_1003 : i1 to i32
        %parallel_loop3A_1005 = arith.subi %parallel_loop3A_1001, %parallel_loop3A_1004 : i32
        %parallel_loop3A_1006 = arith.constant 0 : i32
        %parallel_loop3A_1007 = arith.cmpi sgt, %parallel_loop3A_997, %parallel_loop3A_1006 : i32
        %parallel_loop3A_1008 = arith.extui %parallel_loop3A_1007 : i1 to i32
        %parallel_loop3A_1009 = arith.constant 0 : i32
        %parallel_loop3A_1010 = arith.cmpi slt, %parallel_loop3A_997, %parallel_loop3A_1009 : i32
        %parallel_loop3A_1011 = arith.extui %parallel_loop3A_1010 : i1 to i32
        %parallel_loop3A_1012 = arith.subi %parallel_loop3A_1008, %parallel_loop3A_1011 : i32
        %parallel_loop3A_1013 = arith.cmpi ne, %parallel_loop3A_1005, %parallel_loop3A_1012 : i32
        %parallel_loop3A_1014 = arith.remsi %parallel_loop3A_861, %parallel_loop3A_997 : i32
        %parallel_loop3A_1015 = arith.constant 0 : i32
        %parallel_loop3A_1016 = arith.cmpi ne, %parallel_loop3A_1014, %parallel_loop3A_1015 : i32
        %parallel_loop3A_1017 = arith.andi %parallel_loop3A_1013, %parallel_loop3A_1016 : i1
        %parallel_loop3A_1018 = arith.constant 1 : i32
        %parallel_loop3A_1019 = arith.subi %parallel_loop3A_998, %parallel_loop3A_1018 : i32
        %parallel_loop3A_1020 = arith.select %parallel_loop3A_1017, %parallel_loop3A_1019, %parallel_loop3A_998 : i32
        %parallel_loop3A_1021 = arith.constant 0 : i32
        %parallel_loop3A_1022 = arith.index_cast %parallel_loop3A_1021 : i32 to index
        %parallel_loop3A_1023 = arith.index_cast %parallel_loop3A_1020 : i32 to index
        %parallel_loop3A_1024 = arith.index_cast %parallel_loop3A_996 : i32 to index
        %parallel_loop3A_1025 = tpu.vector_load %arg7[%parallel_loop3A_1022, %parallel_loop3A_1023, %parallel_loop3A_1024] {strides = array<i32>} : memref<2x8x4096xf32, #tpu.memory_space<vmem>>, vector<16xf32>,
        tpu.vector_store %arg7[%parallel_loop3A_1022, %parallel_loop3A_1023, %parallel_loop3A_1024], %parallel_loop3A_974 {strides = array<i32>} : memref<2x8x4096xf32, #tpu.memory_space<vmem>>, vector<16xf32>,
        %parallel_loop3A_1026 = vector.broadcast %parallel_loop3A_863 : i32 to vector<16xi32>
        %parallel_loop3A_1027 = arith.addi %get3A_317, %parallel_loop3A_1026 : vector<16xi32>
        %parallel_loop3A_1028 = tpu.vector_load_idx %arg6[%parallel_loop3A_1027] : memref<24576xf32, #tpu.memory_space<vmem>>[vector<16xi32>], vector<16xf32>,
        %parallel_loop3A_1029 = arith.constant 8 : i32
        %parallel_loop3A_1030 = arith.constant 0 : i32
        %parallel_loop3A_1031 = arith.cmpi eq, %parallel_loop3A_1029, %parallel_loop3A_1030 : i32
        %parallel_loop3A_1032 = arith.constant 1 : i32
        %parallel_loop3A_1033 = arith.select %parallel_loop3A_1031, %parallel_loop3A_1032, %parallel_loop3A_1029 : i32
        %parallel_loop3A_1034 = arith.remsi %parallel_loop3A_861, %parallel_loop3A_1033 : i32
        %parallel_loop3A_1035 = arith.constant 0 : i32
        %parallel_loop3A_1036 = arith.cmpi ne, %parallel_loop3A_1034, %parallel_loop3A_1035 : i32
        %parallel_loop3A_1037 = arith.constant 0 : i32
        %parallel_loop3A_1038 = arith.cmpi slt, %parallel_loop3A_1034, %parallel_loop3A_1037 : i32
        %parallel_loop3A_1039 = arith.constant 0 : i32
        %parallel_loop3A_1040 = arith.cmpi slt, %parallel_loop3A_1033, %parallel_loop3A_1039 : i32
        %parallel_loop3A_1041 = arith.xori %parallel_loop3A_1038, %parallel_loop3A_1040 : i1
        %parallel_loop3A_1042 = arith.andi %parallel_loop3A_1041, %parallel_loop3A_1036 : i1
        %parallel_loop3A_1043 = arith.addi %parallel_loop3A_1034, %parallel_loop3A_1033 : i32
        %parallel_loop3A_1044 = arith.select %parallel_loop3A_1042, %parallel_loop3A_1043, %parallel_loop3A_1034 : i32
        %parallel_loop3A_1045 = arith.constant 128 : i32
        %parallel_loop3A_1046 = arith.muli %parallel_loop3A_1044, %parallel_loop3A_1045 : i32
        %parallel_loop3A_1047 = arith.constant 0 : i32
        %parallel_loop3A_1048 = arith.addi %parallel_loop3A_1047, %parallel_loop3A_1046 : i32
        %parallel_loop3A_1049 = arith.constant 48 : i32
        %parallel_loop3A_1050 = arith.addi %parallel_loop3A_1048, %parallel_loop3A_1049 : i32
        %parallel_loop3A_1051 = arith.constant 8 : i32
        %parallel_loop3A_1052 = arith.divsi %parallel_loop3A_861, %parallel_loop3A_1051 : i32
        %parallel_loop3A_1053 = arith.constant 0 : i32
        %parallel_loop3A_1054 = arith.cmpi sgt, %parallel_loop3A_861, %parallel_loop3A_1053 : i32
        %parallel_loop3A_1055 = arith.extui %parallel_loop3A_1054 : i1 to i32
        %parallel_loop3A_1056 = arith.constant 0 : i32
        %parallel_loop3A_1057 = arith.cmpi slt, %parallel_loop3A_861, %parallel_loop3A_1056 : i32
        %parallel_loop3A_1058 = arith.extui %parallel_loop3A_1057 : i1 to i32
        %parallel_loop3A_1059 = arith.subi %parallel_loop3A_1055, %parallel_loop3A_1058 : i32
        %parallel_loop3A_1060 = arith.constant 0 : i32
        %parallel_loop3A_1061 = arith.cmpi sgt, %parallel_loop3A_1051, %parallel_loop3A_1060 : i32
        %parallel_loop3A_1062 = arith.extui %parallel_loop3A_1061 : i1 to i32
        %parallel_loop3A_1063 = arith.constant 0 : i32
        %parallel_loop3A_1064 = arith.cmpi slt, %parallel_loop3A_1051, %parallel_loop3A_1063 : i32
        %parallel_loop3A_1065 = arith.extui %parallel_loop3A_1064 : i1 to i32
        %parallel_loop3A_1066 = arith.subi %parallel_loop3A_1062, %parallel_loop3A_1065 : i32
        %parallel_loop3A_1067 = arith.cmpi ne, %parallel_loop3A_1059, %parallel_loop3A_1066 : i32
        %parallel_loop3A_1068 = arith.remsi %parallel_loop3A_861, %parallel_loop3A_1051 : i32
        %parallel_loop3A_1069 = arith.constant 0 : i32
        %parallel_loop3A_1070 = arith.cmpi ne, %parallel_loop3A_1068, %parallel_loop3A_1069 : i32
        %parallel_loop3A_1071 = arith.andi %parallel_loop3A_1067, %parallel_loop3A_1070 : i1
        %parallel_loop3A_1072 = arith.constant 1 : i32
        %parallel_loop3A_1073 = arith.subi %parallel_loop3A_1052, %parallel_loop3A_1072 : i32
        %parallel_loop3A_1074 = arith.select %parallel_loop3A_1071, %parallel_loop3A_1073, %parallel_loop3A_1052 : i32
        %parallel_loop3A_1075 = arith.constant 0 : i32
        %parallel_loop3A_1076 = arith.index_cast %parallel_loop3A_1075 : i32 to index
        %parallel_loop3A_1077 = arith.index_cast %parallel_loop3A_1074 : i32 to index
        %parallel_loop3A_1078 = arith.index_cast %parallel_loop3A_1050 : i32 to index
        %parallel_loop3A_1079 = tpu.vector_load %arg7[%parallel_loop3A_1076, %parallel_loop3A_1077, %parallel_loop3A_1078] {strides = array<i32>} : memref<2x8x4096xf32, #tpu.memory_space<vmem>>, vector<16xf32>,
        tpu.vector_store %arg7[%parallel_loop3A_1076, %parallel_loop3A_1077, %parallel_loop3A_1078], %parallel_loop3A_1028 {strides = array<i32>} : memref<2x8x4096xf32, #tpu.memory_space<vmem>>, vector<16xf32>,
        %parallel_loop3A_1080 = vector.broadcast %parallel_loop3A_863 : i32 to vector<16xi32>
        %parallel_loop3A_1081 = arith.addi %get3A_323, %parallel_loop3A_1080 : vector<16xi32>
        %parallel_loop3A_1082 = tpu.vector_load_idx %arg6[%parallel_loop3A_1081] : memref<24576xf32, #tpu.memory_space<vmem>>[vector<16xi32>], vector<16xf32>,
        %parallel_loop3A_1083 = arith.constant 8 : i32
        %parallel_loop3A_1084 = arith.constant 0 : i32
        %parallel_loop3A_1085 = arith.cmpi eq, %parallel_loop3A_1083, %parallel_loop3A_1084 : i32
        %parallel_loop3A_1086 = arith.constant 1 : i32
        %parallel_loop3A_1087 = arith.select %parallel_loop3A_1085, %parallel_loop3A_1086, %parallel_loop3A_1083 : i32
        %parallel_loop3A_1088 = arith.remsi %parallel_loop3A_861, %parallel_loop3A_1087 : i32
        %parallel_loop3A_1089 = arith.constant 0 : i32
        %parallel_loop3A_1090 = arith.cmpi ne, %parallel_loop3A_1088, %parallel_loop3A_1089 : i32
        %parallel_loop3A_1091 = arith.constant 0 : i32
        %parallel_loop3A_1092 = arith.cmpi slt, %parallel_loop3A_1088, %parallel_loop3A_1091 : i32
        %parallel_loop3A_1093 = arith.constant 0 : i32
        %parallel_loop3A_1094 = arith.cmpi slt, %parallel_loop3A_1087, %parallel_loop3A_1093 : i32
        %parallel_loop3A_1095 = arith.xori %parallel_loop3A_1092, %parallel_loop3A_1094 : i1
        %parallel_loop3A_1096 = arith.andi %parallel_loop3A_1095, %parallel_loop3A_1090 : i1
        %parallel_loop3A_1097 = arith.addi %parallel_loop3A_1088, %parallel_loop3A_1087 : i32
        %parallel_loop3A_1098 = arith.select %parallel_loop3A_1096, %parallel_loop3A_1097, %parallel_loop3A_1088 : i32
        %parallel_loop3A_1099 = arith.constant 128 : i32
        %parallel_loop3A_1100 = arith.muli %parallel_loop3A_1098, %parallel_loop3A_1099 : i32
        %parallel_loop3A_1101 = arith.constant 0 : i32
        %parallel_loop3A_1102 = arith.addi %parallel_loop3A_1101, %parallel_loop3A_1100 : i32
        %parallel_loop3A_1103 = arith.constant 64 : i32
        %parallel_loop3A_1104 = arith.addi %parallel_loop3A_1102, %parallel_loop3A_1103 : i32
        %parallel_loop3A_1105 = arith.constant 8 : i32
        %parallel_loop3A_1106 = arith.divsi %parallel_loop3A_861, %parallel_loop3A_1105 : i32
        %parallel_loop3A_1107 = arith.constant 0 : i32
        %parallel_loop3A_1108 = arith.cmpi sgt, %parallel_loop3A_861, %parallel_loop3A_1107 : i32
        %parallel_loop3A_1109 = arith.extui %parallel_loop3A_1108 : i1 to i32
        %parallel_loop3A_1110 = arith.constant 0 : i32
        %parallel_loop3A_1111 = arith.cmpi slt, %parallel_loop3A_861, %parallel_loop3A_1110 : i32
        %parallel_loop3A_1112 = arith.extui %parallel_loop3A_1111 : i1 to i32
        %parallel_loop3A_1113 = arith.subi %parallel_loop3A_1109, %parallel_loop3A_1112 : i32
        %parallel_loop3A_1114 = arith.constant 0 : i32
        %parallel_loop3A_1115 = arith.cmpi sgt, %parallel_loop3A_1105, %parallel_loop3A_1114 : i32
        %parallel_loop3A_1116 = arith.extui %parallel_loop3A_1115 : i1 to i32
        %parallel_loop3A_1117 = arith.constant 0 : i32
        %parallel_loop3A_1118 = arith.cmpi slt, %parallel_loop3A_1105, %parallel_loop3A_1117 : i32
        %parallel_loop3A_1119 = arith.extui %parallel_loop3A_1118 : i1 to i32
        %parallel_loop3A_1120 = arith.subi %parallel_loop3A_1116, %parallel_loop3A_1119 : i32
        %parallel_loop3A_1121 = arith.cmpi ne, %parallel_loop3A_1113, %parallel_loop3A_1120 : i32
        %parallel_loop3A_1122 = arith.remsi %parallel_loop3A_861, %parallel_loop3A_1105 : i32
        %parallel_loop3A_1123 = arith.constant 0 : i32
        %parallel_loop3A_1124 = arith.cmpi ne, %parallel_loop3A_1122, %parallel_loop3A_1123 : i32
        %parallel_loop3A_1125 = arith.andi %parallel_loop3A_1121, %parallel_loop3A_1124 : i1
        %parallel_loop3A_1126 = arith.constant 1 : i32
        %parallel_loop3A_1127 = arith.subi %parallel_loop3A_1106, %parallel_loop3A_1126 : i32
        %parallel_loop3A_1128 = arith.select %parallel_loop3A_1125, %parallel_loop3A_1127, %parallel_loop3A_1106 : i32
        %parallel_loop3A_1129 = arith.constant 0 : i32
        %parallel_loop3A_1130 = arith.index_cast %parallel_loop3A_1129 : i32 to index
        %parallel_loop3A_1131 = arith.index_cast %parallel_loop3A_1128 : i32 to index
        %parallel_loop3A_1132 = arith.index_cast %parallel_loop3A_1104 : i32 to index
        %parallel_loop3A_1133 = tpu.vector_load %arg7[%parallel_loop3A_1130, %parallel_loop3A_1131, %parallel_loop3A_1132] {strides = array<i32>} : memref<2x8x4096xf32, #tpu.memory_space<vmem>>, vector<16xf32>,
        tpu.vector_store %arg7[%parallel_loop3A_1130, %parallel_loop3A_1131, %parallel_loop3A_1132], %parallel_loop3A_1082 {strides = array<i32>} : memref<2x8x4096xf32, #tpu.memory_space<vmem>>, vector<16xf32>,
        %parallel_loop3A_1134 = vector.broadcast %parallel_loop3A_863 : i32 to vector<16xi32>
        %parallel_loop3A_1135 = arith.addi %get3A_329, %parallel_loop3A_1134 : vector<16xi32>
        %parallel_loop3A_1136 = tpu.vector_load_idx %arg6[%parallel_loop3A_1135] : memref<24576xf32, #tpu.memory_space<vmem>>[vector<16xi32>], vector<16xf32>,
        %parallel_loop3A_1137 = arith.constant 8 : i32
        %parallel_loop3A_1138 = arith.constant 0 : i32
        %parallel_loop3A_1139 = arith.cmpi eq, %parallel_loop3A_1137, %parallel_loop3A_1138 : i32
        %parallel_loop3A_1140 = arith.constant 1 : i32
        %parallel_loop3A_1141 = arith.select %parallel_loop3A_1139, %parallel_loop3A_1140, %parallel_loop3A_1137 : i32
        %parallel_loop3A_1142 = arith.remsi %parallel_loop3A_861, %parallel_loop3A_1141 : i32
        %parallel_loop3A_1143 = arith.constant 0 : i32
        %parallel_loop3A_1144 = arith.cmpi ne, %parallel_loop3A_1142, %parallel_loop3A_1143 : i32
        %parallel_loop3A_1145 = arith.constant 0 : i32
        %parallel_loop3A_1146 = arith.cmpi slt, %parallel_loop3A_1142, %parallel_loop3A_1145 : i32
        %parallel_loop3A_1147 = arith.constant 0 : i32
        %parallel_loop3A_1148 = arith.cmpi slt, %parallel_loop3A_1141, %parallel_loop3A_1147 : i32
        %parallel_loop3A_1149 = arith.xori %parallel_loop3A_1146, %parallel_loop3A_1148 : i1
        %parallel_loop3A_1150 = arith.andi %parallel_loop3A_1149, %parallel_loop3A_1144 : i1
        %parallel_loop3A_1151 = arith.addi %parallel_loop3A_1142, %parallel_loop3A_1141 : i32
        %parallel_loop3A_1152 = arith.select %parallel_loop3A_1150, %parallel_loop3A_1151, %parallel_loop3A_1142 : i32
        %parallel_loop3A_1153 = arith.constant 128 : i32
        %parallel_loop3A_1154 = arith.muli %parallel_loop3A_1152, %parallel_loop3A_1153 : i32
        %parallel_loop3A_1155 = arith.constant 0 : i32
        %parallel_loop3A_1156 = arith.addi %parallel_loop3A_1155, %parallel_loop3A_1154 : i32
        %parallel_loop3A_1157 = arith.constant 80 : i32
        %parallel_loop3A_1158 = arith.addi %parallel_loop3A_1156, %parallel_loop3A_1157 : i32
        %parallel_loop3A_1159 = arith.constant 8 : i32
        %parallel_loop3A_1160 = arith.divsi %parallel_loop3A_861, %parallel_loop3A_1159 : i32
        %parallel_loop3A_1161 = arith.constant 0 : i32
        %parallel_loop3A_1162 = arith.cmpi sgt, %parallel_loop3A_861, %parallel_loop3A_1161 : i32
        %parallel_loop3A_1163 = arith.extui %parallel_loop3A_1162 : i1 to i32
        %parallel_loop3A_1164 = arith.constant 0 : i32
        %parallel_loop3A_1165 = arith.cmpi slt, %parallel_loop3A_861, %parallel_loop3A_1164 : i32
        %parallel_loop3A_1166 = arith.extui %parallel_loop3A_1165 : i1 to i32
        %parallel_loop3A_1167 = arith.subi %parallel_loop3A_1163, %parallel_loop3A_1166 : i32
        %parallel_loop3A_1168 = arith.constant 0 : i32
        %parallel_loop3A_1169 = arith.cmpi sgt, %parallel_loop3A_1159, %parallel_loop3A_1168 : i32
        %parallel_loop3A_1170 = arith.extui %parallel_loop3A_1169 : i1 to i32
        %parallel_loop3A_1171 = arith.constant 0 : i32
        %parallel_loop3A_1172 = arith.cmpi slt, %parallel_loop3A_1159, %parallel_loop3A_1171 : i32
        %parallel_loop3A_1173 = arith.extui %parallel_loop3A_1172 : i1 to i32
        %parallel_loop3A_1174 = arith.subi %parallel_loop3A_1170, %parallel_loop3A_1173 : i32
        %parallel_loop3A_1175 = arith.cmpi ne, %parallel_loop3A_1167, %parallel_loop3A_1174 : i32
        %parallel_loop3A_1176 = arith.remsi %parallel_loop3A_861, %parallel_loop3A_1159 : i32
        %parallel_loop3A_1177 = arith.constant 0 : i32
        %parallel_loop3A_1178 = arith.cmpi ne, %parallel_loop3A_1176, %parallel_loop3A_1177 : i32
        %parallel_loop3A_1179 = arith.andi %parallel_loop3A_1175, %parallel_loop3A_1178 : i1
        %parallel_loop3A_1180 = arith.constant 1 : i32
        %parallel_loop3A_1181 = arith.subi %parallel_loop3A_1160, %parallel_loop3A_1180 : i32
        %parallel_loop3A_1182 = arith.select %parallel_loop3A_1179, %parallel_loop3A_1181, %parallel_loop3A_1160 : i32
        %parallel_loop3A_1183 = arith.constant 0 : i32
        %parallel_loop3A_1184 = arith.index_cast %parallel_loop3A_1183 : i32 to index
        %parallel_loop3A_1185 = arith.index_cast %parallel_loop3A_1182 : i32 to index
        %parallel_loop3A_1186 = arith.index_cast %parallel_loop3A_1158 : i32 to index
        %parallel_loop3A_1187 = tpu.vector_load %arg7[%parallel_loop3A_1184, %parallel_loop3A_1185, %parallel_loop3A_1186] {strides = array<i32>} : memref<2x8x4096xf32, #tpu.memory_space<vmem>>, vector<16xf32>,
        tpu.vector_store %arg7[%parallel_loop3A_1184, %parallel_loop3A_1185, %parallel_loop3A_1186], %parallel_loop3A_1136 {strides = array<i32>} : memref<2x8x4096xf32, #tpu.memory_space<vmem>>, vector<16xf32>,
        %parallel_loop3A_1188 = vector.broadcast %parallel_loop3A_863 : i32 to vector<16xi32>
        %parallel_loop3A_1189 = arith.addi %get3A_335, %parallel_loop3A_1188 : vector<16xi32>
        %parallel_loop3A_1190 = tpu.vector_load_idx %arg6[%parallel_loop3A_1189] : memref<24576xf32, #tpu.memory_space<vmem>>[vector<16xi32>], vector<16xf32>,
        %parallel_loop3A_1191 = arith.constant 8 : i32
        %parallel_loop3A_1192 = arith.constant 0 : i32
        %parallel_loop3A_1193 = arith.cmpi eq, %parallel_loop3A_1191, %parallel_loop3A_1192 : i32
        %parallel_loop3A_1194 = arith.constant 1 : i32
        %parallel_loop3A_1195 = arith.select %parallel_loop3A_1193, %parallel_loop3A_1194, %parallel_loop3A_1191 : i32
        %parallel_loop3A_1196 = arith.remsi %parallel_loop3A_861, %parallel_loop3A_1195 : i32
        %parallel_loop3A_1197 = arith.constant 0 : i32
        %parallel_loop3A_1198 = arith.cmpi ne, %parallel_loop3A_1196, %parallel_loop3A_1197 : i32
        %parallel_loop3A_1199 = arith.constant 0 : i32
        %parallel_loop3A_1200 = arith.cmpi slt, %parallel_loop3A_1196, %parallel_loop3A_1199 : i32
        %parallel_loop3A_1201 = arith.constant 0 : i32
        %parallel_loop3A_1202 = arith.cmpi slt, %parallel_loop3A_1195, %parallel_loop3A_1201 : i32
        %parallel_loop3A_1203 = arith.xori %parallel_loop3A_1200, %parallel_loop3A_1202 : i1
        %parallel_loop3A_1204 = arith.andi %parallel_loop3A_1203, %parallel_loop3A_1198 : i1
        %parallel_loop3A_1205 = arith.addi %parallel_loop3A_1196, %parallel_loop3A_1195 : i32
        %parallel_loop3A_1206 = arith.select %parallel_loop3A_1204, %parallel_loop3A_1205, %parallel_loop3A_1196 : i32
        %parallel_loop3A_1207 = arith.constant 128 : i32
        %parallel_loop3A_1208 = arith.muli %parallel_loop3A_1206, %parallel_loop3A_1207 : i32
        %parallel_loop3A_1209 = arith.constant 0 : i32
        %parallel_loop3A_1210 = arith.addi %parallel_loop3A_1209, %parallel_loop3A_1208 : i32
        %parallel_loop3A_1211 = arith.constant 96 : i32
        %parallel_loop3A_1212 = arith.addi %parallel_loop3A_1210, %parallel_loop3A_1211 : i32
        %parallel_loop3A_1213 = arith.constant 8 : i32
        %parallel_loop3A_1214 = arith.divsi %parallel_loop3A_861, %parallel_loop3A_1213 : i32
        %parallel_loop3A_1215 = arith.constant 0 : i32
        %parallel_loop3A_1216 = arith.cmpi sgt, %parallel_loop3A_861, %parallel_loop3A_1215 : i32
        %parallel_loop3A_1217 = arith.extui %parallel_loop3A_1216 : i1 to i32
        %parallel_loop3A_1218 = arith.constant 0 : i32
        %parallel_loop3A_1219 = arith.cmpi slt, %parallel_loop3A_861, %parallel_loop3A_1218 : i32
        %parallel_loop3A_1220 = arith.extui %parallel_loop3A_1219 : i1 to i32
        %parallel_loop3A_1221 = arith.subi %parallel_loop3A_1217, %parallel_loop3A_1220 : i32
        %parallel_loop3A_1222 = arith.constant 0 : i32
        %parallel_loop3A_1223 = arith.cmpi sgt, %parallel_loop3A_1213, %parallel_loop3A_1222 : i32
        %parallel_loop3A_1224 = arith.extui %parallel_loop3A_1223 : i1 to i32
        %parallel_loop3A_1225 = arith.constant 0 : i32
        %parallel_loop3A_1226 = arith.cmpi slt, %parallel_loop3A_1213, %parallel_loop3A_1225 : i32
        %parallel_loop3A_1227 = arith.extui %parallel_loop3A_1226 : i1 to i32
        %parallel_loop3A_1228 = arith.subi %parallel_loop3A_1224, %parallel_loop3A_1227 : i32
        %parallel_loop3A_1229 = arith.cmpi ne, %parallel_loop3A_1221, %parallel_loop3A_1228 : i32
        %parallel_loop3A_1230 = arith.remsi %parallel_loop3A_861, %parallel_loop3A_1213 : i32
        %parallel_loop3A_1231 = arith.constant 0 : i32
        %parallel_loop3A_1232 = arith.cmpi ne, %parallel_loop3A_1230, %parallel_loop3A_1231 : i32
        %parallel_loop3A_1233 = arith.andi %parallel_loop3A_1229, %parallel_loop3A_1232 : i1
        %parallel_loop3A_1234 = arith.constant 1 : i32
        %parallel_loop3A_1235 = arith.subi %parallel_loop3A_1214, %parallel_loop3A_1234 : i32
        %parallel_loop3A_1236 = arith.select %parallel_loop3A_1233, %parallel_loop3A_1235, %parallel_loop3A_1214 : i32
        %parallel_loop3A_1237 = arith.constant 0 : i32
        %parallel_loop3A_1238 = arith.index_cast %parallel_loop3A_1237 : i32 to index
        %parallel_loop3A_1239 = arith.index_cast %parallel_loop3A_1236 : i32 to index
        %parallel_loop3A_1240 = arith.index_cast %parallel_loop3A_1212 : i32 to index
        %parallel_loop3A_1241 = tpu.vector_load %arg7[%parallel_loop3A_1238, %parallel_loop3A_1239, %parallel_loop3A_1240] {strides = array<i32>} : memref<2x8x4096xf32, #tpu.memory_space<vmem>>, vector<16xf32>,
        tpu.vector_store %arg7[%parallel_loop3A_1238, %parallel_loop3A_1239, %parallel_loop3A_1240], %parallel_loop3A_1190 {strides = array<i32>} : memref<2x8x4096xf32, #tpu.memory_space<vmem>>, vector<16xf32>,
        %parallel_loop3A_1242 = vector.broadcast %parallel_loop3A_863 : i32 to vector<16xi32>
        %parallel_loop3A_1243 = arith.addi %get3A_341, %parallel_loop3A_1242 : vector<16xi32>
        %parallel_loop3A_1244 = tpu.vector_load_idx %arg6[%parallel_loop3A_1243] : memref<24576xf32, #tpu.memory_space<vmem>>[vector<16xi32>], vector<16xf32>,
        %parallel_loop3A_1245 = arith.constant 8 : i32
        %parallel_loop3A_1246 = arith.constant 0 : i32
        %parallel_loop3A_1247 = arith.cmpi eq, %parallel_loop3A_1245, %parallel_loop3A_1246 : i32
        %parallel_loop3A_1248 = arith.constant 1 : i32
        %parallel_loop3A_1249 = arith.select %parallel_loop3A_1247, %parallel_loop3A_1248, %parallel_loop3A_1245 : i32
        %parallel_loop3A_1250 = arith.remsi %parallel_loop3A_861, %parallel_loop3A_1249 : i32
        %parallel_loop3A_1251 = arith.constant 0 : i32
        %parallel_loop3A_1252 = arith.cmpi ne, %parallel_loop3A_1250, %parallel_loop3A_1251 : i32
        %parallel_loop3A_1253 = arith.constant 0 : i32
        %parallel_loop3A_1254 = arith.cmpi slt, %parallel_loop3A_1250, %parallel_loop3A_1253 : i32
        %parallel_loop3A_1255 = arith.constant 0 : i32
        %parallel_loop3A_1256 = arith.cmpi slt, %parallel_loop3A_1249, %parallel_loop3A_1255 : i32
        %parallel_loop3A_1257 = arith.xori %parallel_loop3A_1254, %parallel_loop3A_1256 : i1
        %parallel_loop3A_1258 = arith.andi %parallel_loop3A_1257, %parallel_loop3A_1252 : i1
        %parallel_loop3A_1259 = arith.addi %parallel_loop3A_1250, %parallel_loop3A_1249 : i32
        %parallel_loop3A_1260 = arith.select %parallel_loop3A_1258, %parallel_loop3A_1259, %parallel_loop3A_1250 : i32
        %parallel_loop3A_1261 = arith.constant 128 : i32
        %parallel_loop3A_1262 = arith.muli %parallel_loop3A_1260, %parallel_loop3A_1261 : i32
        %parallel_loop3A_1263 = arith.constant 0 : i32
        %parallel_loop3A_1264 = arith.addi %parallel_loop3A_1263, %parallel_loop3A_1262 : i32
        %parallel_loop3A_1265 = arith.constant 112 : i32
        %parallel_loop3A_1266 = arith.addi %parallel_loop3A_1264, %parallel_loop3A_1265 : i32
        %parallel_loop3A_1267 = arith.constant 8 : i32
        %parallel_loop3A_1268 = arith.divsi %parallel_loop3A_861, %parallel_loop3A_1267 : i32
        %parallel_loop3A_1269 = arith.constant 0 : i32
        %parallel_loop3A_1270 = arith.cmpi sgt, %parallel_loop3A_861, %parallel_loop3A_1269 : i32
        %parallel_loop3A_1271 = arith.extui %parallel_loop3A_1270 : i1 to i32
        %parallel_loop3A_1272 = arith.constant 0 : i32
        %parallel_loop3A_1273 = arith.cmpi slt, %parallel_loop3A_861, %parallel_loop3A_1272 : i32
        %parallel_loop3A_1274 = arith.extui %parallel_loop3A_1273 : i1 to i32
        %parallel_loop3A_1275 = arith.subi %parallel_loop3A_1271, %parallel_loop3A_1274 : i32
        %parallel_loop3A_1276 = arith.constant 0 : i32
        %parallel_loop3A_1277 = arith.cmpi sgt, %parallel_loop3A_1267, %parallel_loop3A_1276 : i32
        %parallel_loop3A_1278 = arith.extui %parallel_loop3A_1277 : i1 to i32
        %parallel_loop3A_1279 = arith.constant 0 : i32
        %parallel_loop3A_1280 = arith.cmpi slt, %parallel_loop3A_1267, %parallel_loop3A_1279 : i32
        %parallel_loop3A_1281 = arith.extui %parallel_loop3A_1280 : i1 to i32
        %parallel_loop3A_1282 = arith.subi %parallel_loop3A_1278, %parallel_loop3A_1281 : i32
        %parallel_loop3A_1283 = arith.cmpi ne, %parallel_loop3A_1275, %parallel_loop3A_1282 : i32
        %parallel_loop3A_1284 = arith.remsi %parallel_loop3A_861, %parallel_loop3A_1267 : i32
        %parallel_loop3A_1285 = arith.constant 0 : i32
        %parallel_loop3A_1286 = arith.cmpi ne, %parallel_loop3A_1284, %parallel_loop3A_1285 : i32
        %parallel_loop3A_1287 = arith.andi %parallel_loop3A_1283, %parallel_loop3A_1286 : i1
        %parallel_loop3A_1288 = arith.constant 1 : i32
        %parallel_loop3A_1289 = arith.subi %parallel_loop3A_1268, %parallel_loop3A_1288 : i32
        %parallel_loop3A_1290 = arith.select %parallel_loop3A_1287, %parallel_loop3A_1289, %parallel_loop3A_1268 : i32
        %parallel_loop3A_1291 = arith.constant 0 : i32
        %parallel_loop3A_1292 = arith.index_cast %parallel_loop3A_1291 : i32 to index
        %parallel_loop3A_1293 = arith.index_cast %parallel_loop3A_1290 : i32 to index
        %parallel_loop3A_1294 = arith.index_cast %parallel_loop3A_1266 : i32 to index
        %parallel_loop3A_1295 = tpu.vector_load %arg7[%parallel_loop3A_1292, %parallel_loop3A_1293, %parallel_loop3A_1294] {strides = array<i32>} : memref<2x8x4096xf32, #tpu.memory_space<vmem>>, vector<16xf32>,
        tpu.vector_store %arg7[%parallel_loop3A_1292, %parallel_loop3A_1293, %parallel_loop3A_1294], %parallel_loop3A_1244 {strides = array<i32>} : memref<2x8x4096xf32, #tpu.memory_space<vmem>>, vector<16xf32>,
        %parallel_loop3A_1296 = vector.broadcast %parallel_loop3A_863 : i32 to vector<16xi32>
        %parallel_loop3A_1297 = arith.addi %get3A_347, %parallel_loop3A_1296 : vector<16xi32>
        %parallel_loop3A_1298 = tpu.vector_load_idx %arg6[%parallel_loop3A_1297] : memref<24576xf32, #tpu.memory_space<vmem>>[vector<16xi32>], vector<16xf32>,
        %parallel_loop3A_1299 = arith.constant 8 : i32
        %parallel_loop3A_1300 = arith.constant 0 : i32
        %parallel_loop3A_1301 = arith.cmpi eq, %parallel_loop3A_1299, %parallel_loop3A_1300 : i32
        %parallel_loop3A_1302 = arith.constant 1 : i32
        %parallel_loop3A_1303 = arith.select %parallel_loop3A_1301, %parallel_loop3A_1302, %parallel_loop3A_1299 : i32
        %parallel_loop3A_1304 = arith.remsi %parallel_loop3A_861, %parallel_loop3A_1303 : i32
        %parallel_loop3A_1305 = arith.constant 0 : i32
        %parallel_loop3A_1306 = arith.cmpi ne, %parallel_loop3A_1304, %parallel_loop3A_1305 : i32
        %parallel_loop3A_1307 = arith.constant 0 : i32
        %parallel_loop3A_1308 = arith.cmpi slt, %parallel_loop3A_1304, %parallel_loop3A_1307 : i32
        %parallel_loop3A_1309 = arith.constant 0 : i32
        %parallel_loop3A_1310 = arith.cmpi slt, %parallel_loop3A_1303, %parallel_loop3A_1309 : i32
        %parallel_loop3A_1311 = arith.xori %parallel_loop3A_1308, %parallel_loop3A_1310 : i1
        %parallel_loop3A_1312 = arith.andi %parallel_loop3A_1311, %parallel_loop3A_1306 : i1
        %parallel_loop3A_1313 = arith.addi %parallel_loop3A_1304, %parallel_loop3A_1303 : i32
        %parallel_loop3A_1314 = arith.select %parallel_loop3A_1312, %parallel_loop3A_1313, %parallel_loop3A_1304 : i32
        %parallel_loop3A_1315 = arith.constant 128 : i32
        %parallel_loop3A_1316 = arith.muli %parallel_loop3A_1314, %parallel_loop3A_1315 : i32
        %parallel_loop3A_1317 = arith.constant 1024 : i32
        %parallel_loop3A_1318 = arith.addi %parallel_loop3A_1317, %parallel_loop3A_1316 : i32
        %parallel_loop3A_1319 = arith.constant 0 : i32
        %parallel_loop3A_1320 = arith.addi %parallel_loop3A_1318, %parallel_loop3A_1319 : i32
        %parallel_loop3A_1321 = arith.constant 8 : i32
        %parallel_loop3A_1322 = arith.divsi %parallel_loop3A_861, %parallel_loop3A_1321 : i32
        %parallel_loop3A_1323 = arith.constant 0 : i32
        %parallel_loop3A_1324 = arith.cmpi sgt, %parallel_loop3A_861, %parallel_loop3A_1323 : i32
        %parallel_loop3A_1325 = arith.extui %parallel_loop3A_1324 : i1 to i32
        %parallel_loop3A_1326 = arith.constant 0 : i32
        %parallel_loop3A_1327 = arith.cmpi slt, %parallel_loop3A_861, %parallel_loop3A_1326 : i32
        %parallel_loop3A_1328 = arith.extui %parallel_loop3A_1327 : i1 to i32
        %parallel_loop3A_1329 = arith.subi %parallel_loop3A_1325, %parallel_loop3A_1328 : i32
        %parallel_loop3A_1330 = arith.constant 0 : i32
        %parallel_loop3A_1331 = arith.cmpi sgt, %parallel_loop3A_1321, %parallel_loop3A_1330 : i32
        %parallel_loop3A_1332 = arith.extui %parallel_loop3A_1331 : i1 to i32
        %parallel_loop3A_1333 = arith.constant 0 : i32
        %parallel_loop3A_1334 = arith.cmpi slt, %parallel_loop3A_1321, %parallel_loop3A_1333 : i32
        %parallel_loop3A_1335 = arith.extui %parallel_loop3A_1334 : i1 to i32
        %parallel_loop3A_1336 = arith.subi %parallel_loop3A_1332, %parallel_loop3A_1335 : i32
        %parallel_loop3A_1337 = arith.cmpi ne, %parallel_loop3A_1329, %parallel_loop3A_1336 : i32
        %parallel_loop3A_1338 = arith.remsi %parallel_loop3A_861, %parallel_loop3A_1321 : i32
        %parallel_loop3A_1339 = arith.constant 0 : i32
        %parallel_loop3A_1340 = arith.cmpi ne, %parallel_loop3A_1338, %parallel_loop3A_1339 : i32
        %parallel_loop3A_1341 = arith.andi %parallel_loop3A_1337, %parallel_loop3A_1340 : i1
        %parallel_loop3A_1342 = arith.constant 1 : i32
        %parallel_loop3A_1343 = arith.subi %parallel_loop3A_1322, %parallel_loop3A_1342 : i32
        %parallel_loop3A_1344 = arith.select %parallel_loop3A_1341, %parallel_loop3A_1343, %parallel_loop3A_1322 : i32
        %parallel_loop3A_1345 = arith.constant 0 : i32
        %parallel_loop3A_1346 = arith.index_cast %parallel_loop3A_1345 : i32 to index
        %parallel_loop3A_1347 = arith.index_cast %parallel_loop3A_1344 : i32 to index
        %parallel_loop3A_1348 = arith.index_cast %parallel_loop3A_1320 : i32 to index
        %parallel_loop3A_1349 = tpu.vector_load %arg7[%parallel_loop3A_1346, %parallel_loop3A_1347, %parallel_loop3A_1348] {strides = array<i32>} : memref<2x8x4096xf32, #tpu.memory_space<vmem>>, vector<16xf32>,
        tpu.vector_store %arg7[%parallel_loop3A_1346, %parallel_loop3A_1347, %parallel_loop3A_1348], %parallel_loop3A_1298 {strides = array<i32>} : memref<2x8x4096xf32, #tpu.memory_space<vmem>>, vector<16xf32>,
        %parallel_loop3A_1350 = vector.broadcast %parallel_loop3A_863 : i32 to vector<16xi32>
        %parallel_loop3A_1351 = arith.addi %get3A_353, %parallel_loop3A_1350 : vector<16xi32>
        %parallel_loop3A_1352 = tpu.vector_load_idx %arg6[%parallel_loop3A_1351] : memref<24576xf32, #tpu.memory_space<vmem>>[vector<16xi32>], vector<16xf32>,
        %parallel_loop3A_1353 = arith.constant 8 : i32
        %parallel_loop3A_1354 = arith.constant 0 : i32
        %parallel_loop3A_1355 = arith.cmpi eq, %parallel_loop3A_1353, %parallel_loop3A_1354 : i32
        %parallel_loop3A_1356 = arith.constant 1 : i32
        %parallel_loop3A_1357 = arith.select %parallel_loop3A_1355, %parallel_loop3A_1356, %parallel_loop3A_1353 : i32
        %parallel_loop3A_1358 = arith.remsi %parallel_loop3A_861, %parallel_loop3A_1357 : i32
        %parallel_loop3A_1359 = arith.constant 0 : i32
        %parallel_loop3A_1360 = arith.cmpi ne, %parallel_loop3A_1358, %parallel_loop3A_1359 : i32
        %parallel_loop3A_1361 = arith.constant 0 : i32
        %parallel_loop3A_1362 = arith.cmpi slt, %parallel_loop3A_1358, %parallel_loop3A_1361 : i32
        %parallel_loop3A_1363 = arith.constant 0 : i32
        %parallel_loop3A_1364 = arith.cmpi slt, %parallel_loop3A_1357, %parallel_loop3A_1363 : i32
        %parallel_loop3A_1365 = arith.xori %parallel_loop3A_1362, %parallel_loop3A_1364 : i1
        %parallel_loop3A_1366 = arith.andi %parallel_loop3A_1365, %parallel_loop3A_1360 : i1
        %parallel_loop3A_1367 = arith.addi %parallel_loop3A_1358, %parallel_loop3A_1357 : i32
        %parallel_loop3A_1368 = arith.select %parallel_loop3A_1366, %parallel_loop3A_1367, %parallel_loop3A_1358 : i32
        %parallel_loop3A_1369 = arith.constant 128 : i32
        %parallel_loop3A_1370 = arith.muli %parallel_loop3A_1368, %parallel_loop3A_1369 : i32
        %parallel_loop3A_1371 = arith.constant 1024 : i32
        %parallel_loop3A_1372 = arith.addi %parallel_loop3A_1371, %parallel_loop3A_1370 : i32
        %parallel_loop3A_1373 = arith.constant 16 : i32
        %parallel_loop3A_1374 = arith.addi %parallel_loop3A_1372, %parallel_loop3A_1373 : i32
        %parallel_loop3A_1375 = arith.constant 8 : i32
        %parallel_loop3A_1376 = arith.divsi %parallel_loop3A_861, %parallel_loop3A_1375 : i32
        %parallel_loop3A_1377 = arith.constant 0 : i32
        %parallel_loop3A_1378 = arith.cmpi sgt, %parallel_loop3A_861, %parallel_loop3A_1377 : i32
        %parallel_loop3A_1379 = arith.extui %parallel_loop3A_1378 : i1 to i32
        %parallel_loop3A_1380 = arith.constant 0 : i32
        %parallel_loop3A_1381 = arith.cmpi slt, %parallel_loop3A_861, %parallel_loop3A_1380 : i32
        %parallel_loop3A_1382 = arith.extui %parallel_loop3A_1381 : i1 to i32
        %parallel_loop3A_1383 = arith.subi %parallel_loop3A_1379, %parallel_loop3A_1382 : i32
        %parallel_loop3A_1384 = arith.constant 0 : i32
        %parallel_loop3A_1385 = arith.cmpi sgt, %parallel_loop3A_1375, %parallel_loop3A_1384 : i32
        %parallel_loop3A_1386 = arith.extui %parallel_loop3A_1385 : i1 to i32
        %parallel_loop3A_1387 = arith.constant 0 : i32
        %parallel_loop3A_1388 = arith.cmpi slt, %parallel_loop3A_1375, %parallel_loop3A_1387 : i32
        %parallel_loop3A_1389 = arith.extui %parallel_loop3A_1388 : i1 to i32
        %parallel_loop3A_1390 = arith.subi %parallel_loop3A_1386, %parallel_loop3A_1389 : i32
        %parallel_loop3A_1391 = arith.cmpi ne, %parallel_loop3A_1383, %parallel_loop3A_1390 : i32
        %parallel_loop3A_1392 = arith.remsi %parallel_loop3A_861, %parallel_loop3A_1375 : i32
        %parallel_loop3A_1393 = arith.constant 0 : i32
        %parallel_loop3A_1394 = arith.cmpi ne, %parallel_loop3A_1392, %parallel_loop3A_1393 : i32
        %parallel_loop3A_1395 = arith.andi %parallel_loop3A_1391, %parallel_loop3A_1394 : i1
        %parallel_loop3A_1396 = arith.constant 1 : i32
        %parallel_loop3A_1397 = arith.subi %parallel_loop3A_1376, %parallel_loop3A_1396 : i32
        %parallel_loop3A_1398 = arith.select %parallel_loop3A_1395, %parallel_loop3A_1397, %parallel_loop3A_1376 : i32
        %parallel_loop3A_1399 = arith.constant 0 : i32
        %parallel_loop3A_1400 = arith.index_cast %parallel_loop3A_1399 : i32 to index
        %parallel_loop3A_1401 = arith.index_cast %parallel_loop3A_1398 : i32 to index
        %parallel_loop3A_1402 = arith.index_cast %parallel_loop3A_1374 : i32 to index
        %parallel_loop3A_1403 = tpu.vector_load %arg7[%parallel_loop3A_1400, %parallel_loop3A_1401, %parallel_loop3A_1402] {strides = array<i32>} : memref<2x8x4096xf32, #tpu.memory_space<vmem>>, vector<16xf32>,
        tpu.vector_store %arg7[%parallel_loop3A_1400, %parallel_loop3A_1401, %parallel_loop3A_1402], %parallel_loop3A_1352 {strides = array<i32>} : memref<2x8x4096xf32, #tpu.memory_space<vmem>>, vector<16xf32>,
        %parallel_loop3A_1404 = vector.broadcast %parallel_loop3A_863 : i32 to vector<16xi32>
        %parallel_loop3A_1405 = arith.addi %get3A_359, %parallel_loop3A_1404 : vector<16xi32>
        %parallel_loop3A_1406 = tpu.vector_load_idx %arg6[%parallel_loop3A_1405] : memref<24576xf32, #tpu.memory_space<vmem>>[vector<16xi32>], vector<16xf32>,
        %parallel_loop3A_1407 = arith.constant 8 : i32
        %parallel_loop3A_1408 = arith.constant 0 : i32
        %parallel_loop3A_1409 = arith.cmpi eq, %parallel_loop3A_1407, %parallel_loop3A_1408 : i32
        %parallel_loop3A_1410 = arith.constant 1 : i32
        %parallel_loop3A_1411 = arith.select %parallel_loop3A_1409, %parallel_loop3A_1410, %parallel_loop3A_1407 : i32
        %parallel_loop3A_1412 = arith.remsi %parallel_loop3A_861, %parallel_loop3A_1411 : i32
        %parallel_loop3A_1413 = arith.constant 0 : i32
        %parallel_loop3A_1414 = arith.cmpi ne, %parallel_loop3A_1412, %parallel_loop3A_1413 : i32
        %parallel_loop3A_1415 = arith.constant 0 : i32
        %parallel_loop3A_1416 = arith.cmpi slt, %parallel_loop3A_1412, %parallel_loop3A_1415 : i32
        %parallel_loop3A_1417 = arith.constant 0 : i32
        %parallel_loop3A_1418 = arith.cmpi slt, %parallel_loop3A_1411, %parallel_loop3A_1417 : i32
        %parallel_loop3A_1419 = arith.xori %parallel_loop3A_1416, %parallel_loop3A_1418 : i1
        %parallel_loop3A_1420 = arith.andi %parallel_loop3A_1419, %parallel_loop3A_1414 : i1
        %parallel_loop3A_1421 = arith.addi %parallel_loop3A_1412, %parallel_loop3A_1411 : i32
        %parallel_loop3A_1422 = arith.select %parallel_loop3A_1420, %parallel_loop3A_1421, %parallel_loop3A_1412 : i32
        %parallel_loop3A_1423 = arith.constant 128 : i32
        %parallel_loop3A_1424 = arith.muli %parallel_loop3A_1422, %parallel_loop3A_1423 : i32
        %parallel_loop3A_1425 = arith.constant 1024 : i32
        %parallel_loop3A_1426 = arith.addi %parallel_loop3A_1425, %parallel_loop3A_1424 : i32
        %parallel_loop3A_1427 = arith.constant 32 : i32
        %parallel_loop3A_1428 = arith.addi %parallel_loop3A_1426, %parallel_loop3A_1427 : i32
        %parallel_loop3A_1429 = arith.constant 8 : i32
        %parallel_loop3A_1430 = arith.divsi %parallel_loop3A_861, %parallel_loop3A_1429 : i32
        %parallel_loop3A_1431 = arith.constant 0 : i32
        %parallel_loop3A_1432 = arith.cmpi sgt, %parallel_loop3A_861, %parallel_loop3A_1431 : i32
        %parallel_loop3A_1433 = arith.extui %parallel_loop3A_1432 : i1 to i32
        %parallel_loop3A_1434 = arith.constant 0 : i32
        %parallel_loop3A_1435 = arith.cmpi slt, %parallel_loop3A_861, %parallel_loop3A_1434 : i32
        %parallel_loop3A_1436 = arith.extui %parallel_loop3A_1435 : i1 to i32
        %parallel_loop3A_1437 = arith.subi %parallel_loop3A_1433, %parallel_loop3A_1436 : i32
        %parallel_loop3A_1438 = arith.constant 0 : i32
        %parallel_loop3A_1439 = arith.cmpi sgt, %parallel_loop3A_1429, %parallel_loop3A_1438 : i32
        %parallel_loop3A_1440 = arith.extui %parallel_loop3A_1439 : i1 to i32
        %parallel_loop3A_1441 = arith.constant 0 : i32
        %parallel_loop3A_1442 = arith.cmpi slt, %parallel_loop3A_1429, %parallel_loop3A_1441 : i32
        %parallel_loop3A_1443 = arith.extui %parallel_loop3A_1442 : i1 to i32
        %parallel_loop3A_1444 = arith.subi %parallel_loop3A_1440, %parallel_loop3A_1443 : i32
        %parallel_loop3A_1445 = arith.cmpi ne, %parallel_loop3A_1437, %parallel_loop3A_1444 : i32
        %parallel_loop3A_1446 = arith.remsi %parallel_loop3A_861, %parallel_loop3A_1429 : i32
        %parallel_loop3A_1447 = arith.constant 0 : i32
        %parallel_loop3A_1448 = arith.cmpi ne, %parallel_loop3A_1446, %parallel_loop3A_1447 : i32
        %parallel_loop3A_1449 = arith.andi %parallel_loop3A_1445, %parallel_loop3A_1448 : i1
        %parallel_loop3A_1450 = arith.constant 1 : i32
        %parallel_loop3A_1451 = arith.subi %parallel_loop3A_1430, %parallel_loop3A_1450 : i32
        %parallel_loop3A_1452 = arith.select %parallel_loop3A_1449, %parallel_loop3A_1451, %parallel_loop3A_1430 : i32
        %parallel_loop3A_1453 = arith.constant 0 : i32
        %parallel_loop3A_1454 = arith.index_cast %parallel_loop3A_1453 : i32 to index
        %parallel_loop3A_1455 = arith.index_cast %parallel_loop3A_1452 : i32 to index
        %parallel_loop3A_1456 = arith.index_cast %parallel_loop3A_1428 : i32 to index
        %parallel_loop3A_1457 = tpu.vector_load %arg7[%parallel_loop3A_1454, %parallel_loop3A_1455, %parallel_loop3A_1456] {strides = array<i32>} : memref<2x8x4096xf32, #tpu.memory_space<vmem>>, vector<16xf32>,
        tpu.vector_store %arg7[%parallel_loop3A_1454, %parallel_loop3A_1455, %parallel_loop3A_1456], %parallel_loop3A_1406 {strides = array<i32>} : memref<2x8x4096xf32, #tpu.memory_space<vmem>>, vector<16xf32>,
        %parallel_loop3A_1458 = vector.broadcast %parallel_loop3A_863 : i32 to vector<16xi32>
        %parallel_loop3A_1459 = arith.addi %get3A_365, %parallel_loop3A_1458 : vector<16xi32>
        %parallel_loop3A_1460 = tpu.vector_load_idx %arg6[%parallel_loop3A_1459] : memref<24576xf32, #tpu.memory_space<vmem>>[vector<16xi32>], vector<16xf32>,
        %parallel_loop3A_1461 = arith.constant 8 : i32
        %parallel_loop3A_1462 = arith.constant 0 : i32
        %parallel_loop3A_1463 = arith.cmpi eq, %parallel_loop3A_1461, %parallel_loop3A_1462 : i32
        %parallel_loop3A_1464 = arith.constant 1 : i32
        %parallel_loop3A_1465 = arith.select %parallel_loop3A_1463, %parallel_loop3A_1464, %parallel_loop3A_1461 : i32
        %parallel_loop3A_1466 = arith.remsi %parallel_loop3A_861, %parallel_loop3A_1465 : i32
        %parallel_loop3A_1467 = arith.constant 0 : i32
        %parallel_loop3A_1468 = arith.cmpi ne, %parallel_loop3A_1466, %parallel_loop3A_1467 : i32
        %parallel_loop3A_1469 = arith.constant 0 : i32
        %parallel_loop3A_1470 = arith.cmpi slt, %parallel_loop3A_1466, %parallel_loop3A_1469 : i32
        %parallel_loop3A_1471 = arith.constant 0 : i32
        %parallel_loop3A_1472 = arith.cmpi slt, %parallel_loop3A_1465, %parallel_loop3A_1471 : i32
        %parallel_loop3A_1473 = arith.xori %parallel_loop3A_1470, %parallel_loop3A_1472 : i1
        %parallel_loop3A_1474 = arith.andi %parallel_loop3A_1473, %parallel_loop3A_1468 : i1
        %parallel_loop3A_1475 = arith.addi %parallel_loop3A_1466, %parallel_loop3A_1465 : i32
        %parallel_loop3A_1476 = arith.select %parallel_loop3A_1474, %parallel_loop3A_1475, %parallel_loop3A_1466 : i32
        %parallel_loop3A_1477 = arith.constant 128 : i32
        %parallel_loop3A_1478 = arith.muli %parallel_loop3A_1476, %parallel_loop3A_1477 : i32
        %parallel_loop3A_1479 = arith.constant 1024 : i32
        %parallel_loop3A_1480 = arith.addi %parallel_loop3A_1479, %parallel_loop3A_1478 : i32
        %parallel_loop3A_1481 = arith.constant 48 : i32
        %parallel_loop3A_1482 = arith.addi %parallel_loop3A_1480, %parallel_loop3A_1481 : i32
        %parallel_loop3A_1483 = arith.constant 8 : i32
        %parallel_loop3A_1484 = arith.divsi %parallel_loop3A_861, %parallel_loop3A_1483 : i32
        %parallel_loop3A_1485 = arith.constant 0 : i32
        %parallel_loop3A_1486 = arith.cmpi sgt, %parallel_loop3A_861, %parallel_loop3A_1485 : i32
        %parallel_loop3A_1487 = arith.extui %parallel_loop3A_1486 : i1 to i32
        %parallel_loop3A_1488 = arith.constant 0 : i32
        %parallel_loop3A_1489 = arith.cmpi slt, %parallel_loop3A_861, %parallel_loop3A_1488 : i32
        %parallel_loop3A_1490 = arith.extui %parallel_loop3A_1489 : i1 to i32
        %parallel_loop3A_1491 = arith.subi %parallel_loop3A_1487, %parallel_loop3A_1490 : i32
        %parallel_loop3A_1492 = arith.constant 0 : i32
        %parallel_loop3A_1493 = arith.cmpi sgt, %parallel_loop3A_1483, %parallel_loop3A_1492 : i32
        %parallel_loop3A_1494 = arith.extui %parallel_loop3A_1493 : i1 to i32
        %parallel_loop3A_1495 = arith.constant 0 : i32
        %parallel_loop3A_1496 = arith.cmpi slt, %parallel_loop3A_1483, %parallel_loop3A_1495 : i32
        %parallel_loop3A_1497 = arith.extui %parallel_loop3A_1496 : i1 to i32
        %parallel_loop3A_1498 = arith.subi %parallel_loop3A_1494, %parallel_loop3A_1497 : i32
        %parallel_loop3A_1499 = arith.cmpi ne, %parallel_loop3A_1491, %parallel_loop3A_1498 : i32
        %parallel_loop3A_1500 = arith.remsi %parallel_loop3A_861, %parallel_loop3A_1483 : i32
        %parallel_loop3A_1501 = arith.constant 0 : i32
        %parallel_loop3A_1502 = arith.cmpi ne, %parallel_loop3A_1500, %parallel_loop3A_1501 : i32
        %parallel_loop3A_1503 = arith.andi %parallel_loop3A_1499, %parallel_loop3A_1502 : i1
        %parallel_loop3A_1504 = arith.constant 1 : i32
        %parallel_loop3A_1505 = arith.subi %parallel_loop3A_1484, %parallel_loop3A_1504 : i32
        %parallel_loop3A_1506 = arith.select %parallel_loop3A_1503, %parallel_loop3A_1505, %parallel_loop3A_1484 : i32
        %parallel_loop3A_1507 = arith.constant 0 : i32
        %parallel_loop3A_1508 = arith.index_cast %parallel_loop3A_1507 : i32 to index
        %parallel_loop3A_1509 = arith.index_cast %parallel_loop3A_1506 : i32 to index
        %parallel_loop3A_1510 = arith.index_cast %parallel_loop3A_1482 : i32 to index
        %parallel_loop3A_1511 = tpu.vector_load %arg7[%parallel_loop3A_1508, %parallel_loop3A_1509, %parallel_loop3A_1510] {strides = array<i32>} : memref<2x8x4096xf32, #tpu.memory_space<vmem>>, vector<16xf32>,
        tpu.vector_store %arg7[%parallel_loop3A_1508, %parallel_loop3A_1509, %parallel_loop3A_1510], %parallel_loop3A_1460 {strides = array<i32>} : memref<2x8x4096xf32, #tpu.memory_space<vmem>>, vector<16xf32>,
        %parallel_loop3A_1512 = vector.broadcast %parallel_loop3A_863 : i32 to vector<16xi32>
        %parallel_loop3A_1513 = arith.addi %get3A_371, %parallel_loop3A_1512 : vector<16xi32>
        %parallel_loop3A_1514 = tpu.vector_load_idx %arg6[%parallel_loop3A_1513] : memref<24576xf32, #tpu.memory_space<vmem>>[vector<16xi32>], vector<16xf32>,
        %parallel_loop3A_1515 = arith.constant 8 : i32
        %parallel_loop3A_1516 = arith.constant 0 : i32
        %parallel_loop3A_1517 = arith.cmpi eq, %parallel_loop3A_1515, %parallel_loop3A_1516 : i32
        %parallel_loop3A_1518 = arith.constant 1 : i32
        %parallel_loop3A_1519 = arith.select %parallel_loop3A_1517, %parallel_loop3A_1518, %parallel_loop3A_1515 : i32
        %parallel_loop3A_1520 = arith.remsi %parallel_loop3A_861, %parallel_loop3A_1519 : i32
        %parallel_loop3A_1521 = arith.constant 0 : i32
        %parallel_loop3A_1522 = arith.cmpi ne, %parallel_loop3A_1520, %parallel_loop3A_1521 : i32
        %parallel_loop3A_1523 = arith.constant 0 : i32
        %parallel_loop3A_1524 = arith.cmpi slt, %parallel_loop3A_1520, %parallel_loop3A_1523 : i32
        %parallel_loop3A_1525 = arith.constant 0 : i32
        %parallel_loop3A_1526 = arith.cmpi slt, %parallel_loop3A_1519, %parallel_loop3A_1525 : i32
        %parallel_loop3A_1527 = arith.xori %parallel_loop3A_1524, %parallel_loop3A_1526 : i1
        %parallel_loop3A_1528 = arith.andi %parallel_loop3A_1527, %parallel_loop3A_1522 : i1
        %parallel_loop3A_1529 = arith.addi %parallel_loop3A_1520, %parallel_loop3A_1519 : i32
        %parallel_loop3A_1530 = arith.select %parallel_loop3A_1528, %parallel_loop3A_1529, %parallel_loop3A_1520 : i32
        %parallel_loop3A_1531 = arith.constant 128 : i32
        %parallel_loop3A_1532 = arith.muli %parallel_loop3A_1530, %parallel_loop3A_1531 : i32
        %parallel_loop3A_1533 = arith.constant 1024 : i32
        %parallel_loop3A_1534 = arith.addi %parallel_loop3A_1533, %parallel_loop3A_1532 : i32
        %parallel_loop3A_1535 = arith.constant 64 : i32
        %parallel_loop3A_1536 = arith.addi %parallel_loop3A_1534, %parallel_loop3A_1535 : i32
        %parallel_loop3A_1537 = arith.constant 8 : i32
        %parallel_loop3A_1538 = arith.divsi %parallel_loop3A_861, %parallel_loop3A_1537 : i32
        %parallel_loop3A_1539 = arith.constant 0 : i32
        %parallel_loop3A_1540 = arith.cmpi sgt, %parallel_loop3A_861, %parallel_loop3A_1539 : i32
        %parallel_loop3A_1541 = arith.extui %parallel_loop3A_1540 : i1 to i32
        %parallel_loop3A_1542 = arith.constant 0 : i32
        %parallel_loop3A_1543 = arith.cmpi slt, %parallel_loop3A_861, %parallel_loop3A_1542 : i32
        %parallel_loop3A_1544 = arith.extui %parallel_loop3A_1543 : i1 to i32
        %parallel_loop3A_1545 = arith.subi %parallel_loop3A_1541, %parallel_loop3A_1544 : i32
        %parallel_loop3A_1546 = arith.constant 0 : i32
        %parallel_loop3A_1547 = arith.cmpi sgt, %parallel_loop3A_1537, %parallel_loop3A_1546 : i32
        %parallel_loop3A_1548 = arith.extui %parallel_loop3A_1547 : i1 to i32
        %parallel_loop3A_1549 = arith.constant 0 : i32
        %parallel_loop3A_1550 = arith.cmpi slt, %parallel_loop3A_1537, %parallel_loop3A_1549 : i32
        %parallel_loop3A_1551 = arith.extui %parallel_loop3A_1550 : i1 to i32
        %parallel_loop3A_1552 = arith.subi %parallel_loop3A_1548, %parallel_loop3A_1551 : i32
        %parallel_loop3A_1553 = arith.cmpi ne, %parallel_loop3A_1545, %parallel_loop3A_1552 : i32
        %parallel_loop3A_1554 = arith.remsi %parallel_loop3A_861, %parallel_loop3A_1537 : i32
        %parallel_loop3A_1555 = arith.constant 0 : i32
        %parallel_loop3A_1556 = arith.cmpi ne, %parallel_loop3A_1554, %parallel_loop3A_1555 : i32
        %parallel_loop3A_1557 = arith.andi %parallel_loop3A_1553, %parallel_loop3A_1556 : i1
        %parallel_loop3A_1558 = arith.constant 1 : i32
        %parallel_loop3A_1559 = arith.subi %parallel_loop3A_1538, %parallel_loop3A_1558 : i32
        %parallel_loop3A_1560 = arith.select %parallel_loop3A_1557, %parallel_loop3A_1559, %parallel_loop3A_1538 : i32
        %parallel_loop3A_1561 = arith.constant 0 : i32
        %parallel_loop3A_1562 = arith.index_cast %parallel_loop3A_1561 : i32 to index
        %parallel_loop3A_1563 = arith.index_cast %parallel_loop3A_1560 : i32 to index
        %parallel_loop3A_1564 = arith.index_cast %parallel_loop3A_1536 : i32 to index
        %parallel_loop3A_1565 = tpu.vector_load %arg7[%parallel_loop3A_1562, %parallel_loop3A_1563, %parallel_loop3A_1564] {strides = array<i32>} : memref<2x8x4096xf32, #tpu.memory_space<vmem>>, vector<16xf32>,
        tpu.vector_store %arg7[%parallel_loop3A_1562, %parallel_loop3A_1563, %parallel_loop3A_1564], %parallel_loop3A_1514 {strides = array<i32>} : memref<2x8x4096xf32, #tpu.memory_space<vmem>>, vector<16xf32>,
        %parallel_loop3A_1566 = vector.broadcast %parallel_loop3A_863 : i32 to vector<16xi32>
        %parallel_loop3A_1567 = arith.addi %get3A_377, %parallel_loop3A_1566 : vector<16xi32>
        %parallel_loop3A_1568 = tpu.vector_load_idx %arg6[%parallel_loop3A_1567] : memref<24576xf32, #tpu.memory_space<vmem>>[vector<16xi32>], vector<16xf32>,
        %parallel_loop3A_1569 = arith.constant 8 : i32
        %parallel_loop3A_1570 = arith.constant 0 : i32
        %parallel_loop3A_1571 = arith.cmpi eq, %parallel_loop3A_1569, %parallel_loop3A_1570 : i32
        %parallel_loop3A_1572 = arith.constant 1 : i32
        %parallel_loop3A_1573 = arith.select %parallel_loop3A_1571, %parallel_loop3A_1572, %parallel_loop3A_1569 : i32
        %parallel_loop3A_1574 = arith.remsi %parallel_loop3A_861, %parallel_loop3A_1573 : i32
        %parallel_loop3A_1575 = arith.constant 0 : i32
        %parallel_loop3A_1576 = arith.cmpi ne, %parallel_loop3A_1574, %parallel_loop3A_1575 : i32
        %parallel_loop3A_1577 = arith.constant 0 : i32
        %parallel_loop3A_1578 = arith.cmpi slt, %parallel_loop3A_1574, %parallel_loop3A_1577 : i32
        %parallel_loop3A_1579 = arith.constant 0 : i32
        %parallel_loop3A_1580 = arith.cmpi slt, %parallel_loop3A_1573, %parallel_loop3A_1579 : i32
        %parallel_loop3A_1581 = arith.xori %parallel_loop3A_1578, %parallel_loop3A_1580 : i1
        %parallel_loop3A_1582 = arith.andi %parallel_loop3A_1581, %parallel_loop3A_1576 : i1
        %parallel_loop3A_1583 = arith.addi %parallel_loop3A_1574, %parallel_loop3A_1573 : i32
        %parallel_loop3A_1584 = arith.select %parallel_loop3A_1582, %parallel_loop3A_1583, %parallel_loop3A_1574 : i32
        %parallel_loop3A_1585 = arith.constant 128 : i32
        %parallel_loop3A_1586 = arith.muli %parallel_loop3A_1584, %parallel_loop3A_1585 : i32
        %parallel_loop3A_1587 = arith.constant 1024 : i32
        %parallel_loop3A_1588 = arith.addi %parallel_loop3A_1587, %parallel_loop3A_1586 : i32
        %parallel_loop3A_1589 = arith.constant 80 : i32
        %parallel_loop3A_1590 = arith.addi %parallel_loop3A_1588, %parallel_loop3A_1589 : i32
        %parallel_loop3A_1591 = arith.constant 8 : i32
        %parallel_loop3A_1592 = arith.divsi %parallel_loop3A_861, %parallel_loop3A_1591 : i32
        %parallel_loop3A_1593 = arith.constant 0 : i32
        %parallel_loop3A_1594 = arith.cmpi sgt, %parallel_loop3A_861, %parallel_loop3A_1593 : i32
        %parallel_loop3A_1595 = arith.extui %parallel_loop3A_1594 : i1 to i32
        %parallel_loop3A_1596 = arith.constant 0 : i32
        %parallel_loop3A_1597 = arith.cmpi slt, %parallel_loop3A_861, %parallel_loop3A_1596 : i32
        %parallel_loop3A_1598 = arith.extui %parallel_loop3A_1597 : i1 to i32
        %parallel_loop3A_1599 = arith.subi %parallel_loop3A_1595, %parallel_loop3A_1598 : i32
        %parallel_loop3A_1600 = arith.constant 0 : i32
        %parallel_loop3A_1601 = arith.cmpi sgt, %parallel_loop3A_1591, %parallel_loop3A_1600 : i32
        %parallel_loop3A_1602 = arith.extui %parallel_loop3A_1601 : i1 to i32
        %parallel_loop3A_1603 = arith.constant 0 : i32
        %parallel_loop3A_1604 = arith.cmpi slt, %parallel_loop3A_1591, %parallel_loop3A_1603 : i32
        %parallel_loop3A_1605 = arith.extui %parallel_loop3A_1604 : i1 to i32
        %parallel_loop3A_1606 = arith.subi %parallel_loop3A_1602, %parallel_loop3A_1605 : i32
        %parallel_loop3A_1607 = arith.cmpi ne, %parallel_loop3A_1599, %parallel_loop3A_1606 : i32
        %parallel_loop3A_1608 = arith.remsi %parallel_loop3A_861, %parallel_loop3A_1591 : i32
        %parallel_loop3A_1609 = arith.constant 0 : i32
        %parallel_loop3A_1610 = arith.cmpi ne, %parallel_loop3A_1608, %parallel_loop3A_1609 : i32
        %parallel_loop3A_1611 = arith.andi %parallel_loop3A_1607, %parallel_loop3A_1610 : i1
        %parallel_loop3A_1612 = arith.constant 1 : i32
        %parallel_loop3A_1613 = arith.subi %parallel_loop3A_1592, %parallel_loop3A_1612 : i32
        %parallel_loop3A_1614 = arith.select %parallel_loop3A_1611, %parallel_loop3A_1613, %parallel_loop3A_1592 : i32
        %parallel_loop3A_1615 = arith.constant 0 : i32
        %parallel_loop3A_1616 = arith.index_cast %parallel_loop3A_1615 : i32 to index
        %parallel_loop3A_1617 = arith.index_cast %parallel_loop3A_1614 : i32 to index
        %parallel_loop3A_1618 = arith.index_cast %parallel_loop3A_1590 : i32 to index
        %parallel_loop3A_1619 = tpu.vector_load %arg7[%parallel_loop3A_1616, %parallel_loop3A_1617, %parallel_loop3A_1618] {strides = array<i32>} : memref<2x8x4096xf32, #tpu.memory_space<vmem>>, vector<16xf32>,
        tpu.vector_store %arg7[%parallel_loop3A_1616, %parallel_loop3A_1617, %parallel_loop3A_1618], %parallel_loop3A_1568 {strides = array<i32>} : memref<2x8x4096xf32, #tpu.memory_space<vmem>>, vector<16xf32>,
        %parallel_loop3A_1620 = vector.broadcast %parallel_loop3A_863 : i32 to vector<16xi32>
        %parallel_loop3A_1621 = arith.addi %get3A_383, %parallel_loop3A_1620 : vector<16xi32>
        %parallel_loop3A_1622 = tpu.vector_load_idx %arg6[%parallel_loop3A_1621] : memref<24576xf32, #tpu.memory_space<vmem>>[vector<16xi32>], vector<16xf32>,
        %parallel_loop3A_1623 = arith.constant 8 : i32
        %parallel_loop3A_1624 = arith.constant 0 : i32
        %parallel_loop3A_1625 = arith.cmpi eq, %parallel_loop3A_1623, %parallel_loop3A_1624 : i32
        %parallel_loop3A_1626 = arith.constant 1 : i32
        %parallel_loop3A_1627 = arith.select %parallel_loop3A_1625, %parallel_loop3A_1626, %parallel_loop3A_1623 : i32
        %parallel_loop3A_1628 = arith.remsi %parallel_loop3A_861, %parallel_loop3A_1627 : i32
        %parallel_loop3A_1629 = arith.constant 0 : i32
        %parallel_loop3A_1630 = arith.cmpi ne, %parallel_loop3A_1628, %parallel_loop3A_1629 : i32
        %parallel_loop3A_1631 = arith.constant 0 : i32
        %parallel_loop3A_1632 = arith.cmpi slt, %parallel_loop3A_1628, %parallel_loop3A_1631 : i32
        %parallel_loop3A_1633 = arith.constant 0 : i32
        %parallel_loop3A_1634 = arith.cmpi slt, %parallel_loop3A_1627, %parallel_loop3A_1633 : i32
        %parallel_loop3A_1635 = arith.xori %parallel_loop3A_1632, %parallel_loop3A_1634 : i1
        %parallel_loop3A_1636 = arith.andi %parallel_loop3A_1635, %parallel_loop3A_1630 : i1
        %parallel_loop3A_1637 = arith.addi %parallel_loop3A_1628, %parallel_loop3A_1627 : i32
        %parallel_loop3A_1638 = arith.select %parallel_loop3A_1636, %parallel_loop3A_1637, %parallel_loop3A_1628 : i32
        %parallel_loop3A_1639 = arith.constant 128 : i32
        %parallel_loop3A_1640 = arith.muli %parallel_loop3A_1638, %parallel_loop3A_1639 : i32
        %parallel_loop3A_1641 = arith.constant 1024 : i32
        %parallel_loop3A_1642 = arith.addi %parallel_loop3A_1641, %parallel_loop3A_1640 : i32
        %parallel_loop3A_1643 = arith.constant 96 : i32
        %parallel_loop3A_1644 = arith.addi %parallel_loop3A_1642, %parallel_loop3A_1643 : i32
        %parallel_loop3A_1645 = arith.constant 8 : i32
        %parallel_loop3A_1646 = arith.divsi %parallel_loop3A_861, %parallel_loop3A_1645 : i32
        %parallel_loop3A_1647 = arith.constant 0 : i32
        %parallel_loop3A_1648 = arith.cmpi sgt, %parallel_loop3A_861, %parallel_loop3A_1647 : i32
        %parallel_loop3A_1649 = arith.extui %parallel_loop3A_1648 : i1 to i32
        %parallel_loop3A_1650 = arith.constant 0 : i32
        %parallel_loop3A_1651 = arith.cmpi slt, %parallel_loop3A_861, %parallel_loop3A_1650 : i32
        %parallel_loop3A_1652 = arith.extui %parallel_loop3A_1651 : i1 to i32
        %parallel_loop3A_1653 = arith.subi %parallel_loop3A_1649, %parallel_loop3A_1652 : i32
        %parallel_loop3A_1654 = arith.constant 0 : i32
        %parallel_loop3A_1655 = arith.cmpi sgt, %parallel_loop3A_1645, %parallel_loop3A_1654 : i32
        %parallel_loop3A_1656 = arith.extui %parallel_loop3A_1655 : i1 to i32
        %parallel_loop3A_1657 = arith.constant 0 : i32
        %parallel_loop3A_1658 = arith.cmpi slt, %parallel_loop3A_1645, %parallel_loop3A_1657 : i32
        %parallel_loop3A_1659 = arith.extui %parallel_loop3A_1658 : i1 to i32
        %parallel_loop3A_1660 = arith.subi %parallel_loop3A_1656, %parallel_loop3A_1659 : i32
        %parallel_loop3A_1661 = arith.cmpi ne, %parallel_loop3A_1653, %parallel_loop3A_1660 : i32
        %parallel_loop3A_1662 = arith.remsi %parallel_loop3A_861, %parallel_loop3A_1645 : i32
        %parallel_loop3A_1663 = arith.constant 0 : i32
        %parallel_loop3A_1664 = arith.cmpi ne, %parallel_loop3A_1662, %parallel_loop3A_1663 : i32
        %parallel_loop3A_1665 = arith.andi %parallel_loop3A_1661, %parallel_loop3A_1664 : i1
        %parallel_loop3A_1666 = arith.constant 1 : i32
        %parallel_loop3A_1667 = arith.subi %parallel_loop3A_1646, %parallel_loop3A_1666 : i32
        %parallel_loop3A_1668 = arith.select %parallel_loop3A_1665, %parallel_loop3A_1667, %parallel_loop3A_1646 : i32
        %parallel_loop3A_1669 = arith.constant 0 : i32
        %parallel_loop3A_1670 = arith.index_cast %parallel_loop3A_1669 : i32 to index
        %parallel_loop3A_1671 = arith.index_cast %parallel_loop3A_1668 : i32 to index
        %parallel_loop3A_1672 = arith.index_cast %parallel_loop3A_1644 : i32 to index
        %parallel_loop3A_1673 = tpu.vector_load %arg7[%parallel_loop3A_1670, %parallel_loop3A_1671, %parallel_loop3A_1672] {strides = array<i32>} : memref<2x8x4096xf32, #tpu.memory_space<vmem>>, vector<16xf32>,
        tpu.vector_store %arg7[%parallel_loop3A_1670, %parallel_loop3A_1671, %parallel_loop3A_1672], %parallel_loop3A_1622 {strides = array<i32>} : memref<2x8x4096xf32, #tpu.memory_space<vmem>>, vector<16xf32>,
        %parallel_loop3A_1674 = vector.broadcast %parallel_loop3A_863 : i32 to vector<16xi32>
        %parallel_loop3A_1675 = arith.addi %get3A_389, %parallel_loop3A_1674 : vector<16xi32>
        %parallel_loop3A_1676 = tpu.vector_load_idx %arg6[%parallel_loop3A_1675] : memref<24576xf32, #tpu.memory_space<vmem>>[vector<16xi32>], vector<16xf32>,
        %parallel_loop3A_1677 = arith.constant 8 : i32
        %parallel_loop3A_1678 = arith.constant 0 : i32
        %parallel_loop3A_1679 = arith.cmpi eq, %parallel_loop3A_1677, %parallel_loop3A_1678 : i32
        %parallel_loop3A_1680 = arith.constant 1 : i32
        %parallel_loop3A_1681 = arith.select %parallel_loop3A_1679, %parallel_loop3A_1680, %parallel_loop3A_1677 : i32
        %parallel_loop3A_1682 = arith.remsi %parallel_loop3A_861, %parallel_loop3A_1681 : i32
        %parallel_loop3A_1683 = arith.constant 0 : i32
        %parallel_loop3A_1684 = arith.cmpi ne, %parallel_loop3A_1682, %parallel_loop3A_1683 : i32
        %parallel_loop3A_1685 = arith.constant 0 : i32
        %parallel_loop3A_1686 = arith.cmpi slt, %parallel_loop3A_1682, %parallel_loop3A_1685 : i32
        %parallel_loop3A_1687 = arith.constant 0 : i32
        %parallel_loop3A_1688 = arith.cmpi slt, %parallel_loop3A_1681, %parallel_loop3A_1687 : i32
        %parallel_loop3A_1689 = arith.xori %parallel_loop3A_1686, %parallel_loop3A_1688 : i1
        %parallel_loop3A_1690 = arith.andi %parallel_loop3A_1689, %parallel_loop3A_1684 : i1
        %parallel_loop3A_1691 = arith.addi %parallel_loop3A_1682, %parallel_loop3A_1681 : i32
        %parallel_loop3A_1692 = arith.select %parallel_loop3A_1690, %parallel_loop3A_1691, %parallel_loop3A_1682 : i32
        %parallel_loop3A_1693 = arith.constant 128 : i32
        %parallel_loop3A_1694 = arith.muli %parallel_loop3A_1692, %parallel_loop3A_1693 : i32
        %parallel_loop3A_1695 = arith.constant 1024 : i32
        %parallel_loop3A_1696 = arith.addi %parallel_loop3A_1695, %parallel_loop3A_1694 : i32
        %parallel_loop3A_1697 = arith.constant 112 : i32
        %parallel_loop3A_1698 = arith.addi %parallel_loop3A_1696, %parallel_loop3A_1697 : i32
        %parallel_loop3A_1699 = arith.constant 8 : i32
        %parallel_loop3A_1700 = arith.divsi %parallel_loop3A_861, %parallel_loop3A_1699 : i32
        %parallel_loop3A_1701 = arith.constant 0 : i32
        %parallel_loop3A_1702 = arith.cmpi sgt, %parallel_loop3A_861, %parallel_loop3A_1701 : i32
        %parallel_loop3A_1703 = arith.extui %parallel_loop3A_1702 : i1 to i32
        %parallel_loop3A_1704 = arith.constant 0 : i32
        %parallel_loop3A_1705 = arith.cmpi slt, %parallel_loop3A_861, %parallel_loop3A_1704 : i32
        %parallel_loop3A_1706 = arith.extui %parallel_loop3A_1705 : i1 to i32
        %parallel_loop3A_1707 = arith.subi %parallel_loop3A_1703, %parallel_loop3A_1706 : i32
        %parallel_loop3A_1708 = arith.constant 0 : i32
        %parallel_loop3A_1709 = arith.cmpi sgt, %parallel_loop3A_1699, %parallel_loop3A_1708 : i32
        %parallel_loop3A_1710 = arith.extui %parallel_loop3A_1709 : i1 to i32
        %parallel_loop3A_1711 = arith.constant 0 : i32
        %parallel_loop3A_1712 = arith.cmpi slt, %parallel_loop3A_1699, %parallel_loop3A_1711 : i32
        %parallel_loop3A_1713 = arith.extui %parallel_loop3A_1712 : i1 to i32
        %parallel_loop3A_1714 = arith.subi %parallel_loop3A_1710, %parallel_loop3A_1713 : i32
        %parallel_loop3A_1715 = arith.cmpi ne, %parallel_loop3A_1707, %parallel_loop3A_1714 : i32
        %parallel_loop3A_1716 = arith.remsi %parallel_loop3A_861, %parallel_loop3A_1699 : i32
        %parallel_loop3A_1717 = arith.constant 0 : i32
        %parallel_loop3A_1718 = arith.cmpi ne, %parallel_loop3A_1716, %parallel_loop3A_1717 : i32
        %parallel_loop3A_1719 = arith.andi %parallel_loop3A_1715, %parallel_loop3A_1718 : i1
        %parallel_loop3A_1720 = arith.constant 1 : i32
        %parallel_loop3A_1721 = arith.subi %parallel_loop3A_1700, %parallel_loop3A_1720 : i32
        %parallel_loop3A_1722 = arith.select %parallel_loop3A_1719, %parallel_loop3A_1721, %parallel_loop3A_1700 : i32
        %parallel_loop3A_1723 = arith.constant 0 : i32
        %parallel_loop3A_1724 = arith.index_cast %parallel_loop3A_1723 : i32 to index
        %parallel_loop3A_1725 = arith.index_cast %parallel_loop3A_1722 : i32 to index
        %parallel_loop3A_1726 = arith.index_cast %parallel_loop3A_1698 : i32 to index
        %parallel_loop3A_1727 = tpu.vector_load %arg7[%parallel_loop3A_1724, %parallel_loop3A_1725, %parallel_loop3A_1726] {strides = array<i32>} : memref<2x8x4096xf32, #tpu.memory_space<vmem>>, vector<16xf32>,
        tpu.vector_store %arg7[%parallel_loop3A_1724, %parallel_loop3A_1725, %parallel_loop3A_1726], %parallel_loop3A_1676 {strides = array<i32>} : memref<2x8x4096xf32, #tpu.memory_space<vmem>>, vector<16xf32>,
        %parallel_loop3A_1728 = vector.broadcast %parallel_loop3A_863 : i32 to vector<16xi32>
        %parallel_loop3A_1729 = arith.addi %get3A_395, %parallel_loop3A_1728 : vector<16xi32>
        %parallel_loop3A_1730 = tpu.vector_load_idx %arg6[%parallel_loop3A_1729] : memref<24576xf32, #tpu.memory_space<vmem>>[vector<16xi32>], vector<16xf32>,
        %parallel_loop3A_1731 = arith.constant 8 : i32
        %parallel_loop3A_1732 = arith.constant 0 : i32
        %parallel_loop3A_1733 = arith.cmpi eq, %parallel_loop3A_1731, %parallel_loop3A_1732 : i32
        %parallel_loop3A_1734 = arith.constant 1 : i32
        %parallel_loop3A_1735 = arith.select %parallel_loop3A_1733, %parallel_loop3A_1734, %parallel_loop3A_1731 : i32
        %parallel_loop3A_1736 = arith.remsi %parallel_loop3A_861, %parallel_loop3A_1735 : i32
        %parallel_loop3A_1737 = arith.constant 0 : i32
        %parallel_loop3A_1738 = arith.cmpi ne, %parallel_loop3A_1736, %parallel_loop3A_1737 : i32
        %parallel_loop3A_1739 = arith.constant 0 : i32
        %parallel_loop3A_1740 = arith.cmpi slt, %parallel_loop3A_1736, %parallel_loop3A_1739 : i32
        %parallel_loop3A_1741 = arith.constant 0 : i32
        %parallel_loop3A_1742 = arith.cmpi slt, %parallel_loop3A_1735, %parallel_loop3A_1741 : i32
        %parallel_loop3A_1743 = arith.xori %parallel_loop3A_1740, %parallel_loop3A_1742 : i1
        %parallel_loop3A_1744 = arith.andi %parallel_loop3A_1743, %parallel_loop3A_1738 : i1
        %parallel_loop3A_1745 = arith.addi %parallel_loop3A_1736, %parallel_loop3A_1735 : i32
        %parallel_loop3A_1746 = arith.select %parallel_loop3A_1744, %parallel_loop3A_1745, %parallel_loop3A_1736 : i32
        %parallel_loop3A_1747 = arith.constant 128 : i32
        %parallel_loop3A_1748 = arith.muli %parallel_loop3A_1746, %parallel_loop3A_1747 : i32
        %parallel_loop3A_1749 = arith.constant 2048 : i32
        %parallel_loop3A_1750 = arith.addi %parallel_loop3A_1749, %parallel_loop3A_1748 : i32
        %parallel_loop3A_1751 = arith.constant 0 : i32
        %parallel_loop3A_1752 = arith.addi %parallel_loop3A_1750, %parallel_loop3A_1751 : i32
        %parallel_loop3A_1753 = arith.constant 8 : i32
        %parallel_loop3A_1754 = arith.divsi %parallel_loop3A_861, %parallel_loop3A_1753 : i32
        %parallel_loop3A_1755 = arith.constant 0 : i32
        %parallel_loop3A_1756 = arith.cmpi sgt, %parallel_loop3A_861, %parallel_loop3A_1755 : i32
        %parallel_loop3A_1757 = arith.extui %parallel_loop3A_1756 : i1 to i32
        %parallel_loop3A_1758 = arith.constant 0 : i32
        %parallel_loop3A_1759 = arith.cmpi slt, %parallel_loop3A_861, %parallel_loop3A_1758 : i32
        %parallel_loop3A_1760 = arith.extui %parallel_loop3A_1759 : i1 to i32
        %parallel_loop3A_1761 = arith.subi %parallel_loop3A_1757, %parallel_loop3A_1760 : i32
        %parallel_loop3A_1762 = arith.constant 0 : i32
        %parallel_loop3A_1763 = arith.cmpi sgt, %parallel_loop3A_1753, %parallel_loop3A_1762 : i32
        %parallel_loop3A_1764 = arith.extui %parallel_loop3A_1763 : i1 to i32
        %parallel_loop3A_1765 = arith.constant 0 : i32
        %parallel_loop3A_1766 = arith.cmpi slt, %parallel_loop3A_1753, %parallel_loop3A_1765 : i32
        %parallel_loop3A_1767 = arith.extui %parallel_loop3A_1766 : i1 to i32
        %parallel_loop3A_1768 = arith.subi %parallel_loop3A_1764, %parallel_loop3A_1767 : i32
        %parallel_loop3A_1769 = arith.cmpi ne, %parallel_loop3A_1761, %parallel_loop3A_1768 : i32
        %parallel_loop3A_1770 = arith.remsi %parallel_loop3A_861, %parallel_loop3A_1753 : i32
        %parallel_loop3A_1771 = arith.constant 0 : i32
        %parallel_loop3A_1772 = arith.cmpi ne, %parallel_loop3A_1770, %parallel_loop3A_1771 : i32
        %parallel_loop3A_1773 = arith.andi %parallel_loop3A_1769, %parallel_loop3A_1772 : i1
        %parallel_loop3A_1774 = arith.constant 1 : i32
        %parallel_loop3A_1775 = arith.subi %parallel_loop3A_1754, %parallel_loop3A_1774 : i32
        %parallel_loop3A_1776 = arith.select %parallel_loop3A_1773, %parallel_loop3A_1775, %parallel_loop3A_1754 : i32
        %parallel_loop3A_1777 = arith.constant 0 : i32
        %parallel_loop3A_1778 = arith.index_cast %parallel_loop3A_1777 : i32 to index
        %parallel_loop3A_1779 = arith.index_cast %parallel_loop3A_1776 : i32 to index
        %parallel_loop3A_1780 = arith.index_cast %parallel_loop3A_1752 : i32 to index
        %parallel_loop3A_1781 = tpu.vector_load %arg7[%parallel_loop3A_1778, %parallel_loop3A_1779, %parallel_loop3A_1780] {strides = array<i32>} : memref<2x8x4096xf32, #tpu.memory_space<vmem>>, vector<16xf32>,
        tpu.vector_store %arg7[%parallel_loop3A_1778, %parallel_loop3A_1779, %parallel_loop3A_1780], %parallel_loop3A_1730 {strides = array<i32>} : memref<2x8x4096xf32, #tpu.memory_space<vmem>>, vector<16xf32>,
        %parallel_loop3A_1782 = vector.broadcast %parallel_loop3A_863 : i32 to vector<16xi32>
        %parallel_loop3A_1783 = arith.addi %get3A_401, %parallel_loop3A_1782 : vector<16xi32>
        %parallel_loop3A_1784 = tpu.vector_load_idx %arg6[%parallel_loop3A_1783] : memref<24576xf32, #tpu.memory_space<vmem>>[vector<16xi32>], vector<16xf32>,
        %parallel_loop3A_1785 = arith.constant 8 : i32
        %parallel_loop3A_1786 = arith.constant 0 : i32
        %parallel_loop3A_1787 = arith.cmpi eq, %parallel_loop3A_1785, %parallel_loop3A_1786 : i32
        %parallel_loop3A_1788 = arith.constant 1 : i32
        %parallel_loop3A_1789 = arith.select %parallel_loop3A_1787, %parallel_loop3A_1788, %parallel_loop3A_1785 : i32
        %parallel_loop3A_1790 = arith.remsi %parallel_loop3A_861, %parallel_loop3A_1789 : i32
        %parallel_loop3A_1791 = arith.constant 0 : i32
        %parallel_loop3A_1792 = arith.cmpi ne, %parallel_loop3A_1790, %parallel_loop3A_1791 : i32
        %parallel_loop3A_1793 = arith.constant 0 : i32
        %parallel_loop3A_1794 = arith.cmpi slt, %parallel_loop3A_1790, %parallel_loop3A_1793 : i32
        %parallel_loop3A_1795 = arith.constant 0 : i32
        %parallel_loop3A_1796 = arith.cmpi slt, %parallel_loop3A_1789, %parallel_loop3A_1795 : i32
        %parallel_loop3A_1797 = arith.xori %parallel_loop3A_1794, %parallel_loop3A_1796 : i1
        %parallel_loop3A_1798 = arith.andi %parallel_loop3A_1797, %parallel_loop3A_1792 : i1
        %parallel_loop3A_1799 = arith.addi %parallel_loop3A_1790, %parallel_loop3A_1789 : i32
        %parallel_loop3A_1800 = arith.select %parallel_loop3A_1798, %parallel_loop3A_1799, %parallel_loop3A_1790 : i32
        %parallel_loop3A_1801 = arith.constant 128 : i32
        %parallel_loop3A_1802 = arith.muli %parallel_loop3A_1800, %parallel_loop3A_1801 : i32
        %parallel_loop3A_1803 = arith.constant 2048 : i32
        %parallel_loop3A_1804 = arith.addi %parallel_loop3A_1803, %parallel_loop3A_1802 : i32
        %parallel_loop3A_1805 = arith.constant 16 : i32
        %parallel_loop3A_1806 = arith.addi %parallel_loop3A_1804, %parallel_loop3A_1805 : i32
        %parallel_loop3A_1807 = arith.constant 8 : i32
        %parallel_loop3A_1808 = arith.divsi %parallel_loop3A_861, %parallel_loop3A_1807 : i32
        %parallel_loop3A_1809 = arith.constant 0 : i32
        %parallel_loop3A_1810 = arith.cmpi sgt, %parallel_loop3A_861, %parallel_loop3A_1809 : i32
        %parallel_loop3A_1811 = arith.extui %parallel_loop3A_1810 : i1 to i32
        %parallel_loop3A_1812 = arith.constant 0 : i32
        %parallel_loop3A_1813 = arith.cmpi slt, %parallel_loop3A_861, %parallel_loop3A_1812 : i32
        %parallel_loop3A_1814 = arith.extui %parallel_loop3A_1813 : i1 to i32
        %parallel_loop3A_1815 = arith.subi %parallel_loop3A_1811, %parallel_loop3A_1814 : i32
        %parallel_loop3A_1816 = arith.constant 0 : i32
        %parallel_loop3A_1817 = arith.cmpi sgt, %parallel_loop3A_1807, %parallel_loop3A_1816 : i32
        %parallel_loop3A_1818 = arith.extui %parallel_loop3A_1817 : i1 to i32
        %parallel_loop3A_1819 = arith.constant 0 : i32
        %parallel_loop3A_1820 = arith.cmpi slt, %parallel_loop3A_1807, %parallel_loop3A_1819 : i32
        %parallel_loop3A_1821 = arith.extui %parallel_loop3A_1820 : i1 to i32
        %parallel_loop3A_1822 = arith.subi %parallel_loop3A_1818, %parallel_loop3A_1821 : i32
        %parallel_loop3A_1823 = arith.cmpi ne, %parallel_loop3A_1815, %parallel_loop3A_1822 : i32
        %parallel_loop3A_1824 = arith.remsi %parallel_loop3A_861, %parallel_loop3A_1807 : i32
        %parallel_loop3A_1825 = arith.constant 0 : i32
        %parallel_loop3A_1826 = arith.cmpi ne, %parallel_loop3A_1824, %parallel_loop3A_1825 : i32
        %parallel_loop3A_1827 = arith.andi %parallel_loop3A_1823, %parallel_loop3A_1826 : i1
        %parallel_loop3A_1828 = arith.constant 1 : i32
        %parallel_loop3A_1829 = arith.subi %parallel_loop3A_1808, %parallel_loop3A_1828 : i32
        %parallel_loop3A_1830 = arith.select %parallel_loop3A_1827, %parallel_loop3A_1829, %parallel_loop3A_1808 : i32
        %parallel_loop3A_1831 = arith.constant 0 : i32
        %parallel_loop3A_1832 = arith.index_cast %parallel_loop3A_1831 : i32 to index
        %parallel_loop3A_1833 = arith.index_cast %parallel_loop3A_1830 : i32 to index
        %parallel_loop3A_1834 = arith.index_cast %parallel_loop3A_1806 : i32 to index
        %parallel_loop3A_1835 = tpu.vector_load %arg7[%parallel_loop3A_1832, %parallel_loop3A_1833, %parallel_loop3A_1834] {strides = array<i32>} : memref<2x8x4096xf32, #tpu.memory_space<vmem>>, vector<16xf32>,
        tpu.vector_store %arg7[%parallel_loop3A_1832, %parallel_loop3A_1833, %parallel_loop3A_1834], %parallel_loop3A_1784 {strides = array<i32>} : memref<2x8x4096xf32, #tpu.memory_space<vmem>>, vector<16xf32>,
        %parallel_loop3A_1836 = vector.broadcast %parallel_loop3A_863 : i32 to vector<16xi32>
        %parallel_loop3A_1837 = arith.addi %get3A_407, %parallel_loop3A_1836 : vector<16xi32>
        %parallel_loop3A_1838 = tpu.vector_load_idx %arg6[%parallel_loop3A_1837] : memref<24576xf32, #tpu.memory_space<vmem>>[vector<16xi32>], vector<16xf32>,
        %parallel_loop3A_1839 = arith.constant 8 : i32
        %parallel_loop3A_1840 = arith.constant 0 : i32
        %parallel_loop3A_1841 = arith.cmpi eq, %parallel_loop3A_1839, %parallel_loop3A_1840 : i32
        %parallel_loop3A_1842 = arith.constant 1 : i32
        %parallel_loop3A_1843 = arith.select %parallel_loop3A_1841, %parallel_loop3A_1842, %parallel_loop3A_1839 : i32
        %parallel_loop3A_1844 = arith.remsi %parallel_loop3A_861, %parallel_loop3A_1843 : i32
        %parallel_loop3A_1845 = arith.constant 0 : i32
        %parallel_loop3A_1846 = arith.cmpi ne, %parallel_loop3A_1844, %parallel_loop3A_1845 : i32
        %parallel_loop3A_1847 = arith.constant 0 : i32
        %parallel_loop3A_1848 = arith.cmpi slt, %parallel_loop3A_1844, %parallel_loop3A_1847 : i32
        %parallel_loop3A_1849 = arith.constant 0 : i32
        %parallel_loop3A_1850 = arith.cmpi slt, %parallel_loop3A_1843, %parallel_loop3A_1849 : i32
        %parallel_loop3A_1851 = arith.xori %parallel_loop3A_1848, %parallel_loop3A_1850 : i1
        %parallel_loop3A_1852 = arith.andi %parallel_loop3A_1851, %parallel_loop3A_1846 : i1
        %parallel_loop3A_1853 = arith.addi %parallel_loop3A_1844, %parallel_loop3A_1843 : i32
        %parallel_loop3A_1854 = arith.select %parallel_loop3A_1852, %parallel_loop3A_1853, %parallel_loop3A_1844 : i32
        %parallel_loop3A_1855 = arith.constant 128 : i32
        %parallel_loop3A_1856 = arith.muli %parallel_loop3A_1854, %parallel_loop3A_1855 : i32
        %parallel_loop3A_1857 = arith.constant 2048 : i32
        %parallel_loop3A_1858 = arith.addi %parallel_loop3A_1857, %parallel_loop3A_1856 : i32
        %parallel_loop3A_1859 = arith.constant 32 : i32
        %parallel_loop3A_1860 = arith.addi %parallel_loop3A_1858, %parallel_loop3A_1859 : i32
        %parallel_loop3A_1861 = arith.constant 8 : i32
        %parallel_loop3A_1862 = arith.divsi %parallel_loop3A_861, %parallel_loop3A_1861 : i32
        %parallel_loop3A_1863 = arith.constant 0 : i32
        %parallel_loop3A_1864 = arith.cmpi sgt, %parallel_loop3A_861, %parallel_loop3A_1863 : i32
        %parallel_loop3A_1865 = arith.extui %parallel_loop3A_1864 : i1 to i32
        %parallel_loop3A_1866 = arith.constant 0 : i32
        %parallel_loop3A_1867 = arith.cmpi slt, %parallel_loop3A_861, %parallel_loop3A_1866 : i32
        %parallel_loop3A_1868 = arith.extui %parallel_loop3A_1867 : i1 to i32
        %parallel_loop3A_1869 = arith.subi %parallel_loop3A_1865, %parallel_loop3A_1868 : i32
        %parallel_loop3A_1870 = arith.constant 0 : i32
        %parallel_loop3A_1871 = arith.cmpi sgt, %parallel_loop3A_1861, %parallel_loop3A_1870 : i32
        %parallel_loop3A_1872 = arith.extui %parallel_loop3A_1871 : i1 to i32
        %parallel_loop3A_1873 = arith.constant 0 : i32
        %parallel_loop3A_1874 = arith.cmpi slt, %parallel_loop3A_1861, %parallel_loop3A_1873 : i32
        %parallel_loop3A_1875 = arith.extui %parallel_loop3A_1874 : i1 to i32
        %parallel_loop3A_1876 = arith.subi %parallel_loop3A_1872, %parallel_loop3A_1875 : i32
        %parallel_loop3A_1877 = arith.cmpi ne, %parallel_loop3A_1869, %parallel_loop3A_1876 : i32
        %parallel_loop3A_1878 = arith.remsi %parallel_loop3A_861, %parallel_loop3A_1861 : i32
        %parallel_loop3A_1879 = arith.constant 0 : i32
        %parallel_loop3A_1880 = arith.cmpi ne, %parallel_loop3A_1878, %parallel_loop3A_1879 : i32
        %parallel_loop3A_1881 = arith.andi %parallel_loop3A_1877, %parallel_loop3A_1880 : i1
        %parallel_loop3A_1882 = arith.constant 1 : i32
        %parallel_loop3A_1883 = arith.subi %parallel_loop3A_1862, %parallel_loop3A_1882 : i32
        %parallel_loop3A_1884 = arith.select %parallel_loop3A_1881, %parallel_loop3A_1883, %parallel_loop3A_1862 : i32
        %parallel_loop3A_1885 = arith.constant 0 : i32
        %parallel_loop3A_1886 = arith.index_cast %parallel_loop3A_1885 : i32 to index
        %parallel_loop3A_1887 = arith.index_cast %parallel_loop3A_1884 : i32 to index
        %parallel_loop3A_1888 = arith.index_cast %parallel_loop3A_1860 : i32 to index
        %parallel_loop3A_1889 = tpu.vector_load %arg7[%parallel_loop3A_1886, %parallel_loop3A_1887, %parallel_loop3A_1888] {strides = array<i32>} : memref<2x8x4096xf32, #tpu.memory_space<vmem>>, vector<16xf32>,
        tpu.vector_store %arg7[%parallel_loop3A_1886, %parallel_loop3A_1887, %parallel_loop3A_1888], %parallel_loop3A_1838 {strides = array<i32>} : memref<2x8x4096xf32, #tpu.memory_space<vmem>>, vector<16xf32>,
        %parallel_loop3A_1890 = vector.broadcast %parallel_loop3A_863 : i32 to vector<16xi32>
        %parallel_loop3A_1891 = arith.addi %get3A_413, %parallel_loop3A_1890 : vector<16xi32>
        %parallel_loop3A_1892 = tpu.vector_load_idx %arg6[%parallel_loop3A_1891] : memref<24576xf32, #tpu.memory_space<vmem>>[vector<16xi32>], vector<16xf32>,
        %parallel_loop3A_1893 = arith.constant 8 : i32
        %parallel_loop3A_1894 = arith.constant 0 : i32
        %parallel_loop3A_1895 = arith.cmpi eq, %parallel_loop3A_1893, %parallel_loop3A_1894 : i32
        %parallel_loop3A_1896 = arith.constant 1 : i32
        %parallel_loop3A_1897 = arith.select %parallel_loop3A_1895, %parallel_loop3A_1896, %parallel_loop3A_1893 : i32
        %parallel_loop3A_1898 = arith.remsi %parallel_loop3A_861, %parallel_loop3A_1897 : i32
        %parallel_loop3A_1899 = arith.constant 0 : i32
        %parallel_loop3A_1900 = arith.cmpi ne, %parallel_loop3A_1898, %parallel_loop3A_1899 : i32
        %parallel_loop3A_1901 = arith.constant 0 : i32
        %parallel_loop3A_1902 = arith.cmpi slt, %parallel_loop3A_1898, %parallel_loop3A_1901 : i32
        %parallel_loop3A_1903 = arith.constant 0 : i32
        %parallel_loop3A_1904 = arith.cmpi slt, %parallel_loop3A_1897, %parallel_loop3A_1903 : i32
        %parallel_loop3A_1905 = arith.xori %parallel_loop3A_1902, %parallel_loop3A_1904 : i1
        %parallel_loop3A_1906 = arith.andi %parallel_loop3A_1905, %parallel_loop3A_1900 : i1
        %parallel_loop3A_1907 = arith.addi %parallel_loop3A_1898, %parallel_loop3A_1897 : i32
        %parallel_loop3A_1908 = arith.select %parallel_loop3A_1906, %parallel_loop3A_1907, %parallel_loop3A_1898 : i32
        %parallel_loop3A_1909 = arith.constant 128 : i32
        %parallel_loop3A_1910 = arith.muli %parallel_loop3A_1908, %parallel_loop3A_1909 : i32
        %parallel_loop3A_1911 = arith.constant 2048 : i32
        %parallel_loop3A_1912 = arith.addi %parallel_loop3A_1911, %parallel_loop3A_1910 : i32
        %parallel_loop3A_1913 = arith.constant 48 : i32
        %parallel_loop3A_1914 = arith.addi %parallel_loop3A_1912, %parallel_loop3A_1913 : i32
        %parallel_loop3A_1915 = arith.constant 8 : i32
        %parallel_loop3A_1916 = arith.divsi %parallel_loop3A_861, %parallel_loop3A_1915 : i32
        %parallel_loop3A_1917 = arith.constant 0 : i32
        %parallel_loop3A_1918 = arith.cmpi sgt, %parallel_loop3A_861, %parallel_loop3A_1917 : i32
        %parallel_loop3A_1919 = arith.extui %parallel_loop3A_1918 : i1 to i32
        %parallel_loop3A_1920 = arith.constant 0 : i32
        %parallel_loop3A_1921 = arith.cmpi slt, %parallel_loop3A_861, %parallel_loop3A_1920 : i32
        %parallel_loop3A_1922 = arith.extui %parallel_loop3A_1921 : i1 to i32
        %parallel_loop3A_1923 = arith.subi %parallel_loop3A_1919, %parallel_loop3A_1922 : i32
        %parallel_loop3A_1924 = arith.constant 0 : i32
        %parallel_loop3A_1925 = arith.cmpi sgt, %parallel_loop3A_1915, %parallel_loop3A_1924 : i32
        %parallel_loop3A_1926 = arith.extui %parallel_loop3A_1925 : i1 to i32
        %parallel_loop3A_1927 = arith.constant 0 : i32
        %parallel_loop3A_1928 = arith.cmpi slt, %parallel_loop3A_1915, %parallel_loop3A_1927 : i32
        %parallel_loop3A_1929 = arith.extui %parallel_loop3A_1928 : i1 to i32
        %parallel_loop3A_1930 = arith.subi %parallel_loop3A_1926, %parallel_loop3A_1929 : i32
        %parallel_loop3A_1931 = arith.cmpi ne, %parallel_loop3A_1923, %parallel_loop3A_1930 : i32
        %parallel_loop3A_1932 = arith.remsi %parallel_loop3A_861, %parallel_loop3A_1915 : i32
        %parallel_loop3A_1933 = arith.constant 0 : i32
        %parallel_loop3A_1934 = arith.cmpi ne, %parallel_loop3A_1932, %parallel_loop3A_1933 : i32
        %parallel_loop3A_1935 = arith.andi %parallel_loop3A_1931, %parallel_loop3A_1934 : i1
        %parallel_loop3A_1936 = arith.constant 1 : i32
        %parallel_loop3A_1937 = arith.subi %parallel_loop3A_1916, %parallel_loop3A_1936 : i32
        %parallel_loop3A_1938 = arith.select %parallel_loop3A_1935, %parallel_loop3A_1937, %parallel_loop3A_1916 : i32
        %parallel_loop3A_1939 = arith.constant 0 : i32
        %parallel_loop3A_1940 = arith.index_cast %parallel_loop3A_1939 : i32 to index
        %parallel_loop3A_1941 = arith.index_cast %parallel_loop3A_1938 : i32 to index
        %parallel_loop3A_1942 = arith.index_cast %parallel_loop3A_1914 : i32 to index
        %parallel_loop3A_1943 = tpu.vector_load %arg7[%parallel_loop3A_1940, %parallel_loop3A_1941, %parallel_loop3A_1942] {strides = array<i32>} : memref<2x8x4096xf32, #tpu.memory_space<vmem>>, vector<16xf32>,
        tpu.vector_store %arg7[%parallel_loop3A_1940, %parallel_loop3A_1941, %parallel_loop3A_1942], %parallel_loop3A_1892 {strides = array<i32>} : memref<2x8x4096xf32, #tpu.memory_space<vmem>>, vector<16xf32>,
        %parallel_loop3A_1944 = vector.broadcast %parallel_loop3A_863 : i32 to vector<16xi32>
        %parallel_loop3A_1945 = arith.addi %get3A_419, %parallel_loop3A_1944 : vector<16xi32>
        %parallel_loop3A_1946 = tpu.vector_load_idx %arg6[%parallel_loop3A_1945] : memref<24576xf32, #tpu.memory_space<vmem>>[vector<16xi32>], vector<16xf32>,
        %parallel_loop3A_1947 = arith.constant 8 : i32
        %parallel_loop3A_1948 = arith.constant 0 : i32
        %parallel_loop3A_1949 = arith.cmpi eq, %parallel_loop3A_1947, %parallel_loop3A_1948 : i32
        %parallel_loop3A_1950 = arith.constant 1 : i32
        %parallel_loop3A_1951 = arith.select %parallel_loop3A_1949, %parallel_loop3A_1950, %parallel_loop3A_1947 : i32
        %parallel_loop3A_1952 = arith.remsi %parallel_loop3A_861, %parallel_loop3A_1951 : i32
        %parallel_loop3A_1953 = arith.constant 0 : i32
        %parallel_loop3A_1954 = arith.cmpi ne, %parallel_loop3A_1952, %parallel_loop3A_1953 : i32
        %parallel_loop3A_1955 = arith.constant 0 : i32
        %parallel_loop3A_1956 = arith.cmpi slt, %parallel_loop3A_1952, %parallel_loop3A_1955 : i32
        %parallel_loop3A_1957 = arith.constant 0 : i32
        %parallel_loop3A_1958 = arith.cmpi slt, %parallel_loop3A_1951, %parallel_loop3A_1957 : i32
        %parallel_loop3A_1959 = arith.xori %parallel_loop3A_1956, %parallel_loop3A_1958 : i1
        %parallel_loop3A_1960 = arith.andi %parallel_loop3A_1959, %parallel_loop3A_1954 : i1
        %parallel_loop3A_1961 = arith.addi %parallel_loop3A_1952, %parallel_loop3A_1951 : i32
        %parallel_loop3A_1962 = arith.select %parallel_loop3A_1960, %parallel_loop3A_1961, %parallel_loop3A_1952 : i32
        %parallel_loop3A_1963 = arith.constant 128 : i32
        %parallel_loop3A_1964 = arith.muli %parallel_loop3A_1962, %parallel_loop3A_1963 : i32
        %parallel_loop3A_1965 = arith.constant 2048 : i32
        %parallel_loop3A_1966 = arith.addi %parallel_loop3A_1965, %parallel_loop3A_1964 : i32
        %parallel_loop3A_1967 = arith.constant 64 : i32
        %parallel_loop3A_1968 = arith.addi %parallel_loop3A_1966, %parallel_loop3A_1967 : i32
        %parallel_loop3A_1969 = arith.constant 8 : i32
        %parallel_loop3A_1970 = arith.divsi %parallel_loop3A_861, %parallel_loop3A_1969 : i32
        %parallel_loop3A_1971 = arith.constant 0 : i32
        %parallel_loop3A_1972 = arith.cmpi sgt, %parallel_loop3A_861, %parallel_loop3A_1971 : i32
        %parallel_loop3A_1973 = arith.extui %parallel_loop3A_1972 : i1 to i32
        %parallel_loop3A_1974 = arith.constant 0 : i32
        %parallel_loop3A_1975 = arith.cmpi slt, %parallel_loop3A_861, %parallel_loop3A_1974 : i32
        %parallel_loop3A_1976 = arith.extui %parallel_loop3A_1975 : i1 to i32
        %parallel_loop3A_1977 = arith.subi %parallel_loop3A_1973, %parallel_loop3A_1976 : i32
        %parallel_loop3A_1978 = arith.constant 0 : i32
        %parallel_loop3A_1979 = arith.cmpi sgt, %parallel_loop3A_1969, %parallel_loop3A_1978 : i32
        %parallel_loop3A_1980 = arith.extui %parallel_loop3A_1979 : i1 to i32
        %parallel_loop3A_1981 = arith.constant 0 : i32
        %parallel_loop3A_1982 = arith.cmpi slt, %parallel_loop3A_1969, %parallel_loop3A_1981 : i32
        %parallel_loop3A_1983 = arith.extui %parallel_loop3A_1982 : i1 to i32
        %parallel_loop3A_1984 = arith.subi %parallel_loop3A_1980, %parallel_loop3A_1983 : i32
        %parallel_loop3A_1985 = arith.cmpi ne, %parallel_loop3A_1977, %parallel_loop3A_1984 : i32
        %parallel_loop3A_1986 = arith.remsi %parallel_loop3A_861, %parallel_loop3A_1969 : i32
        %parallel_loop3A_1987 = arith.constant 0 : i32
        %parallel_loop3A_1988 = arith.cmpi ne, %parallel_loop3A_1986, %parallel_loop3A_1987 : i32
        %parallel_loop3A_1989 = arith.andi %parallel_loop3A_1985, %parallel_loop3A_1988 : i1
        %parallel_loop3A_1990 = arith.constant 1 : i32
        %parallel_loop3A_1991 = arith.subi %parallel_loop3A_1970, %parallel_loop3A_1990 : i32
        %parallel_loop3A_1992 = arith.select %parallel_loop3A_1989, %parallel_loop3A_1991, %parallel_loop3A_1970 : i32
        %parallel_loop3A_1993 = arith.constant 0 : i32
        %parallel_loop3A_1994 = arith.index_cast %parallel_loop3A_1993 : i32 to index
        %parallel_loop3A_1995 = arith.index_cast %parallel_loop3A_1992 : i32 to index
        %parallel_loop3A_1996 = arith.index_cast %parallel_loop3A_1968 : i32 to index
        %parallel_loop3A_1997 = tpu.vector_load %arg7[%parallel_loop3A_1994, %parallel_loop3A_1995, %parallel_loop3A_1996] {strides = array<i32>} : memref<2x8x4096xf32, #tpu.memory_space<vmem>>, vector<16xf32>,
        tpu.vector_store %arg7[%parallel_loop3A_1994, %parallel_loop3A_1995, %parallel_loop3A_1996], %parallel_loop3A_1946 {strides = array<i32>} : memref<2x8x4096xf32, #tpu.memory_space<vmem>>, vector<16xf32>,
        %parallel_loop3A_1998 = vector.broadcast %parallel_loop3A_863 : i32 to vector<16xi32>
        %parallel_loop3A_1999 = arith.addi %get3A_425, %parallel_loop3A_1998 : vector<16xi32>
        %parallel_loop3A_2000 = tpu.vector_load_idx %arg6[%parallel_loop3A_1999] : memref<24576xf32, #tpu.memory_space<vmem>>[vector<16xi32>], vector<16xf32>,
        %parallel_loop3A_2001 = arith.constant 8 : i32
        %parallel_loop3A_2002 = arith.constant 0 : i32
        %parallel_loop3A_2003 = arith.cmpi eq, %parallel_loop3A_2001, %parallel_loop3A_2002 : i32
        %parallel_loop3A_2004 = arith.constant 1 : i32
        %parallel_loop3A_2005 = arith.select %parallel_loop3A_2003, %parallel_loop3A_2004, %parallel_loop3A_2001 : i32
        %parallel_loop3A_2006 = arith.remsi %parallel_loop3A_861, %parallel_loop3A_2005 : i32
        %parallel_loop3A_2007 = arith.constant 0 : i32
        %parallel_loop3A_2008 = arith.cmpi ne, %parallel_loop3A_2006, %parallel_loop3A_2007 : i32
        %parallel_loop3A_2009 = arith.constant 0 : i32
        %parallel_loop3A_2010 = arith.cmpi slt, %parallel_loop3A_2006, %parallel_loop3A_2009 : i32
        %parallel_loop3A_2011 = arith.constant 0 : i32
        %parallel_loop3A_2012 = arith.cmpi slt, %parallel_loop3A_2005, %parallel_loop3A_2011 : i32
        %parallel_loop3A_2013 = arith.xori %parallel_loop3A_2010, %parallel_loop3A_2012 : i1
        %parallel_loop3A_2014 = arith.andi %parallel_loop3A_2013, %parallel_loop3A_2008 : i1
        %parallel_loop3A_2015 = arith.addi %parallel_loop3A_2006, %parallel_loop3A_2005 : i32
        %parallel_loop3A_2016 = arith.select %parallel_loop3A_2014, %parallel_loop3A_2015, %parallel_loop3A_2006 : i32
        %parallel_loop3A_2017 = arith.constant 128 : i32
        %parallel_loop3A_2018 = arith.muli %parallel_loop3A_2016, %parallel_loop3A_2017 : i32
        %parallel_loop3A_2019 = arith.constant 2048 : i32
        %parallel_loop3A_2020 = arith.addi %parallel_loop3A_2019, %parallel_loop3A_2018 : i32
        %parallel_loop3A_2021 = arith.constant 80 : i32
        %parallel_loop3A_2022 = arith.addi %parallel_loop3A_2020, %parallel_loop3A_2021 : i32
        %parallel_loop3A_2023 = arith.constant 8 : i32
        %parallel_loop3A_2024 = arith.divsi %parallel_loop3A_861, %parallel_loop3A_2023 : i32
        %parallel_loop3A_2025 = arith.constant 0 : i32
        %parallel_loop3A_2026 = arith.cmpi sgt, %parallel_loop3A_861, %parallel_loop3A_2025 : i32
        %parallel_loop3A_2027 = arith.extui %parallel_loop3A_2026 : i1 to i32
        %parallel_loop3A_2028 = arith.constant 0 : i32
        %parallel_loop3A_2029 = arith.cmpi slt, %parallel_loop3A_861, %parallel_loop3A_2028 : i32
        %parallel_loop3A_2030 = arith.extui %parallel_loop3A_2029 : i1 to i32
        %parallel_loop3A_2031 = arith.subi %parallel_loop3A_2027, %parallel_loop3A_2030 : i32
        %parallel_loop3A_2032 = arith.constant 0 : i32
        %parallel_loop3A_2033 = arith.cmpi sgt, %parallel_loop3A_2023, %parallel_loop3A_2032 : i32
        %parallel_loop3A_2034 = arith.extui %parallel_loop3A_2033 : i1 to i32
        %parallel_loop3A_2035 = arith.constant 0 : i32
        %parallel_loop3A_2036 = arith.cmpi slt, %parallel_loop3A_2023, %parallel_loop3A_2035 : i32
        %parallel_loop3A_2037 = arith.extui %parallel_loop3A_2036 : i1 to i32
        %parallel_loop3A_2038 = arith.subi %parallel_loop3A_2034, %parallel_loop3A_2037 : i32
        %parallel_loop3A_2039 = arith.cmpi ne, %parallel_loop3A_2031, %parallel_loop3A_2038 : i32
        %parallel_loop3A_2040 = arith.remsi %parallel_loop3A_861, %parallel_loop3A_2023 : i32
        %parallel_loop3A_2041 = arith.constant 0 : i32
        %parallel_loop3A_2042 = arith.cmpi ne, %parallel_loop3A_2040, %parallel_loop3A_2041 : i32
        %parallel_loop3A_2043 = arith.andi %parallel_loop3A_2039, %parallel_loop3A_2042 : i1
        %parallel_loop3A_2044 = arith.constant 1 : i32
        %parallel_loop3A_2045 = arith.subi %parallel_loop3A_2024, %parallel_loop3A_2044 : i32
        %parallel_loop3A_2046 = arith.select %parallel_loop3A_2043, %parallel_loop3A_2045, %parallel_loop3A_2024 : i32
        %parallel_loop3A_2047 = arith.constant 0 : i32
        %parallel_loop3A_2048 = arith.index_cast %parallel_loop3A_2047 : i32 to index
        %parallel_loop3A_2049 = arith.index_cast %parallel_loop3A_2046 : i32 to index
        %parallel_loop3A_2050 = arith.index_cast %parallel_loop3A_2022 : i32 to index
        %parallel_loop3A_2051 = tpu.vector_load %arg7[%parallel_loop3A_2048, %parallel_loop3A_2049, %parallel_loop3A_2050] {strides = array<i32>} : memref<2x8x4096xf32, #tpu.memory_space<vmem>>, vector<16xf32>,
        tpu.vector_store %arg7[%parallel_loop3A_2048, %parallel_loop3A_2049, %parallel_loop3A_2050], %parallel_loop3A_2000 {strides = array<i32>} : memref<2x8x4096xf32, #tpu.memory_space<vmem>>, vector<16xf32>,
        %parallel_loop3A_2052 = vector.broadcast %parallel_loop3A_863 : i32 to vector<16xi32>
        %parallel_loop3A_2053 = arith.addi %get3A_431, %parallel_loop3A_2052 : vector<16xi32>
        %parallel_loop3A_2054 = tpu.vector_load_idx %arg6[%parallel_loop3A_2053] : memref<24576xf32, #tpu.memory_space<vmem>>[vector<16xi32>], vector<16xf32>,
        %parallel_loop3A_2055 = arith.constant 8 : i32
        %parallel_loop3A_2056 = arith.constant 0 : i32
        %parallel_loop3A_2057 = arith.cmpi eq, %parallel_loop3A_2055, %parallel_loop3A_2056 : i32
        %parallel_loop3A_2058 = arith.constant 1 : i32
        %parallel_loop3A_2059 = arith.select %parallel_loop3A_2057, %parallel_loop3A_2058, %parallel_loop3A_2055 : i32
        %parallel_loop3A_2060 = arith.remsi %parallel_loop3A_861, %parallel_loop3A_2059 : i32
        %parallel_loop3A_2061 = arith.constant 0 : i32
        %parallel_loop3A_2062 = arith.cmpi ne, %parallel_loop3A_2060, %parallel_loop3A_2061 : i32
        %parallel_loop3A_2063 = arith.constant 0 : i32
        %parallel_loop3A_2064 = arith.cmpi slt, %parallel_loop3A_2060, %parallel_loop3A_2063 : i32
        %parallel_loop3A_2065 = arith.constant 0 : i32
        %parallel_loop3A_2066 = arith.cmpi slt, %parallel_loop3A_2059, %parallel_loop3A_2065 : i32
        %parallel_loop3A_2067 = arith.xori %parallel_loop3A_2064, %parallel_loop3A_2066 : i1
        %parallel_loop3A_2068 = arith.andi %parallel_loop3A_2067, %parallel_loop3A_2062 : i1
        %parallel_loop3A_2069 = arith.addi %parallel_loop3A_2060, %parallel_loop3A_2059 : i32
        %parallel_loop3A_2070 = arith.select %parallel_loop3A_2068, %parallel_loop3A_2069, %parallel_loop3A_2060 : i32
        %parallel_loop3A_2071 = arith.constant 128 : i32
        %parallel_loop3A_2072 = arith.muli %parallel_loop3A_2070, %parallel_loop3A_2071 : i32
        %parallel_loop3A_2073 = arith.constant 2048 : i32
        %parallel_loop3A_2074 = arith.addi %parallel_loop3A_2073, %parallel_loop3A_2072 : i32
        %parallel_loop3A_2075 = arith.constant 96 : i32
        %parallel_loop3A_2076 = arith.addi %parallel_loop3A_2074, %parallel_loop3A_2075 : i32
        %parallel_loop3A_2077 = arith.constant 8 : i32
        %parallel_loop3A_2078 = arith.divsi %parallel_loop3A_861, %parallel_loop3A_2077 : i32
        %parallel_loop3A_2079 = arith.constant 0 : i32
        %parallel_loop3A_2080 = arith.cmpi sgt, %parallel_loop3A_861, %parallel_loop3A_2079 : i32
        %parallel_loop3A_2081 = arith.extui %parallel_loop3A_2080 : i1 to i32
        %parallel_loop3A_2082 = arith.constant 0 : i32
        %parallel_loop3A_2083 = arith.cmpi slt, %parallel_loop3A_861, %parallel_loop3A_2082 : i32
        %parallel_loop3A_2084 = arith.extui %parallel_loop3A_2083 : i1 to i32
        %parallel_loop3A_2085 = arith.subi %parallel_loop3A_2081, %parallel_loop3A_2084 : i32
        %parallel_loop3A_2086 = arith.constant 0 : i32
        %parallel_loop3A_2087 = arith.cmpi sgt, %parallel_loop3A_2077, %parallel_loop3A_2086 : i32
        %parallel_loop3A_2088 = arith.extui %parallel_loop3A_2087 : i1 to i32
        %parallel_loop3A_2089 = arith.constant 0 : i32
        %parallel_loop3A_2090 = arith.cmpi slt, %parallel_loop3A_2077, %parallel_loop3A_2089 : i32
        %parallel_loop3A_2091 = arith.extui %parallel_loop3A_2090 : i1 to i32
        %parallel_loop3A_2092 = arith.subi %parallel_loop3A_2088, %parallel_loop3A_2091 : i32
        %parallel_loop3A_2093 = arith.cmpi ne, %parallel_loop3A_2085, %parallel_loop3A_2092 : i32
        %parallel_loop3A_2094 = arith.remsi %parallel_loop3A_861, %parallel_loop3A_2077 : i32
        %parallel_loop3A_2095 = arith.constant 0 : i32
        %parallel_loop3A_2096 = arith.cmpi ne, %parallel_loop3A_2094, %parallel_loop3A_2095 : i32
        %parallel_loop3A_2097 = arith.andi %parallel_loop3A_2093, %parallel_loop3A_2096 : i1
        %parallel_loop3A_2098 = arith.constant 1 : i32
        %parallel_loop3A_2099 = arith.subi %parallel_loop3A_2078, %parallel_loop3A_2098 : i32
        %parallel_loop3A_2100 = arith.select %parallel_loop3A_2097, %parallel_loop3A_2099, %parallel_loop3A_2078 : i32
        %parallel_loop3A_2101 = arith.constant 0 : i32
        %parallel_loop3A_2102 = arith.index_cast %parallel_loop3A_2101 : i32 to index
        %parallel_loop3A_2103 = arith.index_cast %parallel_loop3A_2100 : i32 to index
        %parallel_loop3A_2104 = arith.index_cast %parallel_loop3A_2076 : i32 to index
        %parallel_loop3A_2105 = tpu.vector_load %arg7[%parallel_loop3A_2102, %parallel_loop3A_2103, %parallel_loop3A_2104] {strides = array<i32>} : memref<2x8x4096xf32, #tpu.memory_space<vmem>>, vector<16xf32>,
        tpu.vector_store %arg7[%parallel_loop3A_2102, %parallel_loop3A_2103, %parallel_loop3A_2104], %parallel_loop3A_2054 {strides = array<i32>} : memref<2x8x4096xf32, #tpu.memory_space<vmem>>, vector<16xf32>,
        %parallel_loop3A_2106 = vector.broadcast %parallel_loop3A_863 : i32 to vector<16xi32>
        %parallel_loop3A_2107 = arith.addi %get3A_437, %parallel_loop3A_2106 : vector<16xi32>
        %parallel_loop3A_2108 = tpu.vector_load_idx %arg6[%parallel_loop3A_2107] : memref<24576xf32, #tpu.memory_space<vmem>>[vector<16xi32>], vector<16xf32>,
        %parallel_loop3A_2109 = arith.constant 8 : i32
        %parallel_loop3A_2110 = arith.constant 0 : i32
        %parallel_loop3A_2111 = arith.cmpi eq, %parallel_loop3A_2109, %parallel_loop3A_2110 : i32
        %parallel_loop3A_2112 = arith.constant 1 : i32
        %parallel_loop3A_2113 = arith.select %parallel_loop3A_2111, %parallel_loop3A_2112, %parallel_loop3A_2109 : i32
        %parallel_loop3A_2114 = arith.remsi %parallel_loop3A_861, %parallel_loop3A_2113 : i32
        %parallel_loop3A_2115 = arith.constant 0 : i32
        %parallel_loop3A_2116 = arith.cmpi ne, %parallel_loop3A_2114, %parallel_loop3A_2115 : i32
        %parallel_loop3A_2117 = arith.constant 0 : i32
        %parallel_loop3A_2118 = arith.cmpi slt, %parallel_loop3A_2114, %parallel_loop3A_2117 : i32
        %parallel_loop3A_2119 = arith.constant 0 : i32
        %parallel_loop3A_2120 = arith.cmpi slt, %parallel_loop3A_2113, %parallel_loop3A_2119 : i32
        %parallel_loop3A_2121 = arith.xori %parallel_loop3A_2118, %parallel_loop3A_2120 : i1
        %parallel_loop3A_2122 = arith.andi %parallel_loop3A_2121, %parallel_loop3A_2116 : i1
        %parallel_loop3A_2123 = arith.addi %parallel_loop3A_2114, %parallel_loop3A_2113 : i32
        %parallel_loop3A_2124 = arith.select %parallel_loop3A_2122, %parallel_loop3A_2123, %parallel_loop3A_2114 : i32
        %parallel_loop3A_2125 = arith.constant 128 : i32
        %parallel_loop3A_2126 = arith.muli %parallel_loop3A_2124, %parallel_loop3A_2125 : i32
        %parallel_loop3A_2127 = arith.constant 2048 : i32
        %parallel_loop3A_2128 = arith.addi %parallel_loop3A_2127, %parallel_loop3A_2126 : i32
        %parallel_loop3A_2129 = arith.constant 112 : i32
        %parallel_loop3A_2130 = arith.addi %parallel_loop3A_2128, %parallel_loop3A_2129 : i32
        %parallel_loop3A_2131 = arith.constant 8 : i32
        %parallel_loop3A_2132 = arith.divsi %parallel_loop3A_861, %parallel_loop3A_2131 : i32
        %parallel_loop3A_2133 = arith.constant 0 : i32
        %parallel_loop3A_2134 = arith.cmpi sgt, %parallel_loop3A_861, %parallel_loop3A_2133 : i32
        %parallel_loop3A_2135 = arith.extui %parallel_loop3A_2134 : i1 to i32
        %parallel_loop3A_2136 = arith.constant 0 : i32
        %parallel_loop3A_2137 = arith.cmpi slt, %parallel_loop3A_861, %parallel_loop3A_2136 : i32
        %parallel_loop3A_2138 = arith.extui %parallel_loop3A_2137 : i1 to i32
        %parallel_loop3A_2139 = arith.subi %parallel_loop3A_2135, %parallel_loop3A_2138 : i32
        %parallel_loop3A_2140 = arith.constant 0 : i32
        %parallel_loop3A_2141 = arith.cmpi sgt, %parallel_loop3A_2131, %parallel_loop3A_2140 : i32
        %parallel_loop3A_2142 = arith.extui %parallel_loop3A_2141 : i1 to i32
        %parallel_loop3A_2143 = arith.constant 0 : i32
        %parallel_loop3A_2144 = arith.cmpi slt, %parallel_loop3A_2131, %parallel_loop3A_2143 : i32
        %parallel_loop3A_2145 = arith.extui %parallel_loop3A_2144 : i1 to i32
        %parallel_loop3A_2146 = arith.subi %parallel_loop3A_2142, %parallel_loop3A_2145 : i32
        %parallel_loop3A_2147 = arith.cmpi ne, %parallel_loop3A_2139, %parallel_loop3A_2146 : i32
        %parallel_loop3A_2148 = arith.remsi %parallel_loop3A_861, %parallel_loop3A_2131 : i32
        %parallel_loop3A_2149 = arith.constant 0 : i32
        %parallel_loop3A_2150 = arith.cmpi ne, %parallel_loop3A_2148, %parallel_loop3A_2149 : i32
        %parallel_loop3A_2151 = arith.andi %parallel_loop3A_2147, %parallel_loop3A_2150 : i1
        %parallel_loop3A_2152 = arith.constant 1 : i32
        %parallel_loop3A_2153 = arith.subi %parallel_loop3A_2132, %parallel_loop3A_2152 : i32
        %parallel_loop3A_2154 = arith.select %parallel_loop3A_2151, %parallel_loop3A_2153, %parallel_loop3A_2132 : i32
        %parallel_loop3A_2155 = arith.constant 0 : i32
        %parallel_loop3A_2156 = arith.index_cast %parallel_loop3A_2155 : i32 to index
        %parallel_loop3A_2157 = arith.index_cast %parallel_loop3A_2154 : i32 to index
        %parallel_loop3A_2158 = arith.index_cast %parallel_loop3A_2130 : i32 to index
        %parallel_loop3A_2159 = tpu.vector_load %arg7[%parallel_loop3A_2156, %parallel_loop3A_2157, %parallel_loop3A_2158] {strides = array<i32>} : memref<2x8x4096xf32, #tpu.memory_space<vmem>>, vector<16xf32>,
        tpu.vector_store %arg7[%parallel_loop3A_2156, %parallel_loop3A_2157, %parallel_loop3A_2158], %parallel_loop3A_2108 {strides = array<i32>} : memref<2x8x4096xf32, #tpu.memory_space<vmem>>, vector<16xf32>,
        %parallel_loop3A_2160 = vector.broadcast %parallel_loop3A_863 : i32 to vector<16xi32>
        %parallel_loop3A_2161 = arith.addi %get3A_443, %parallel_loop3A_2160 : vector<16xi32>
        %parallel_loop3A_2162 = tpu.vector_load_idx %arg6[%parallel_loop3A_2161] : memref<24576xf32, #tpu.memory_space<vmem>>[vector<16xi32>], vector<16xf32>,
        %parallel_loop3A_2163 = arith.constant 8 : i32
        %parallel_loop3A_2164 = arith.constant 0 : i32
        %parallel_loop3A_2165 = arith.cmpi eq, %parallel_loop3A_2163, %parallel_loop3A_2164 : i32
        %parallel_loop3A_2166 = arith.constant 1 : i32
        %parallel_loop3A_2167 = arith.select %parallel_loop3A_2165, %parallel_loop3A_2166, %parallel_loop3A_2163 : i32
        %parallel_loop3A_2168 = arith.remsi %parallel_loop3A_861, %parallel_loop3A_2167 : i32
        %parallel_loop3A_2169 = arith.constant 0 : i32
        %parallel_loop3A_2170 = arith.cmpi ne, %parallel_loop3A_2168, %parallel_loop3A_2169 : i32
        %parallel_loop3A_2171 = arith.constant 0 : i32
        %parallel_loop3A_2172 = arith.cmpi slt, %parallel_loop3A_2168, %parallel_loop3A_2171 : i32
        %parallel_loop3A_2173 = arith.constant 0 : i32
        %parallel_loop3A_2174 = arith.cmpi slt, %parallel_loop3A_2167, %parallel_loop3A_2173 : i32
        %parallel_loop3A_2175 = arith.xori %parallel_loop3A_2172, %parallel_loop3A_2174 : i1
        %parallel_loop3A_2176 = arith.andi %parallel_loop3A_2175, %parallel_loop3A_2170 : i1
        %parallel_loop3A_2177 = arith.addi %parallel_loop3A_2168, %parallel_loop3A_2167 : i32
        %parallel_loop3A_2178 = arith.select %parallel_loop3A_2176, %parallel_loop3A_2177, %parallel_loop3A_2168 : i32
        %parallel_loop3A_2179 = arith.constant 128 : i32
        %parallel_loop3A_2180 = arith.muli %parallel_loop3A_2178, %parallel_loop3A_2179 : i32
        %parallel_loop3A_2181 = arith.constant 3072 : i32
        %parallel_loop3A_2182 = arith.addi %parallel_loop3A_2181, %parallel_loop3A_2180 : i32
        %parallel_loop3A_2183 = arith.constant 0 : i32
        %parallel_loop3A_2184 = arith.addi %parallel_loop3A_2182, %parallel_loop3A_2183 : i32
        %parallel_loop3A_2185 = arith.constant 8 : i32
        %parallel_loop3A_2186 = arith.divsi %parallel_loop3A_861, %parallel_loop3A_2185 : i32
        %parallel_loop3A_2187 = arith.constant 0 : i32
        %parallel_loop3A_2188 = arith.cmpi sgt, %parallel_loop3A_861, %parallel_loop3A_2187 : i32
        %parallel_loop3A_2189 = arith.extui %parallel_loop3A_2188 : i1 to i32
        %parallel_loop3A_2190 = arith.constant 0 : i32
        %parallel_loop3A_2191 = arith.cmpi slt, %parallel_loop3A_861, %parallel_loop3A_2190 : i32
        %parallel_loop3A_2192 = arith.extui %parallel_loop3A_2191 : i1 to i32
        %parallel_loop3A_2193 = arith.subi %parallel_loop3A_2189, %parallel_loop3A_2192 : i32
        %parallel_loop3A_2194 = arith.constant 0 : i32
        %parallel_loop3A_2195 = arith.cmpi sgt, %parallel_loop3A_2185, %parallel_loop3A_2194 : i32
        %parallel_loop3A_2196 = arith.extui %parallel_loop3A_2195 : i1 to i32
        %parallel_loop3A_2197 = arith.constant 0 : i32
        %parallel_loop3A_2198 = arith.cmpi slt, %parallel_loop3A_2185, %parallel_loop3A_2197 : i32
        %parallel_loop3A_2199 = arith.extui %parallel_loop3A_2198 : i1 to i32
        %parallel_loop3A_2200 = arith.subi %parallel_loop3A_2196, %parallel_loop3A_2199 : i32
        %parallel_loop3A_2201 = arith.cmpi ne, %parallel_loop3A_2193, %parallel_loop3A_2200 : i32
        %parallel_loop3A_2202 = arith.remsi %parallel_loop3A_861, %parallel_loop3A_2185 : i32
        %parallel_loop3A_2203 = arith.constant 0 : i32
        %parallel_loop3A_2204 = arith.cmpi ne, %parallel_loop3A_2202, %parallel_loop3A_2203 : i32
        %parallel_loop3A_2205 = arith.andi %parallel_loop3A_2201, %parallel_loop3A_2204 : i1
        %parallel_loop3A_2206 = arith.constant 1 : i32
        %parallel_loop3A_2207 = arith.subi %parallel_loop3A_2186, %parallel_loop3A_2206 : i32
        %parallel_loop3A_2208 = arith.select %parallel_loop3A_2205, %parallel_loop3A_2207, %parallel_loop3A_2186 : i32
        %parallel_loop3A_2209 = arith.constant 0 : i32
        %parallel_loop3A_2210 = arith.index_cast %parallel_loop3A_2209 : i32 to index
        %parallel_loop3A_2211 = arith.index_cast %parallel_loop3A_2208 : i32 to index
        %parallel_loop3A_2212 = arith.index_cast %parallel_loop3A_2184 : i32 to index
        %parallel_loop3A_2213 = tpu.vector_load %arg7[%parallel_loop3A_2210, %parallel_loop3A_2211, %parallel_loop3A_2212] {strides = array<i32>} : memref<2x8x4096xf32, #tpu.memory_space<vmem>>, vector<16xf32>,
        tpu.vector_store %arg7[%parallel_loop3A_2210, %parallel_loop3A_2211, %parallel_loop3A_2212], %parallel_loop3A_2162 {strides = array<i32>} : memref<2x8x4096xf32, #tpu.memory_space<vmem>>, vector<16xf32>,
        %parallel_loop3A_2214 = vector.broadcast %parallel_loop3A_863 : i32 to vector<16xi32>
        %parallel_loop3A_2215 = arith.addi %get3A_449, %parallel_loop3A_2214 : vector<16xi32>
        %parallel_loop3A_2216 = tpu.vector_load_idx %arg6[%parallel_loop3A_2215] : memref<24576xf32, #tpu.memory_space<vmem>>[vector<16xi32>], vector<16xf32>,
        %parallel_loop3A_2217 = arith.constant 8 : i32
        %parallel_loop3A_2218 = arith.constant 0 : i32
        %parallel_loop3A_2219 = arith.cmpi eq, %parallel_loop3A_2217, %parallel_loop3A_2218 : i32
        %parallel_loop3A_2220 = arith.constant 1 : i32
        %parallel_loop3A_2221 = arith.select %parallel_loop3A_2219, %parallel_loop3A_2220, %parallel_loop3A_2217 : i32
        %parallel_loop3A_2222 = arith.remsi %parallel_loop3A_861, %parallel_loop3A_2221 : i32
        %parallel_loop3A_2223 = arith.constant 0 : i32
        %parallel_loop3A_2224 = arith.cmpi ne, %parallel_loop3A_2222, %parallel_loop3A_2223 : i32
        %parallel_loop3A_2225 = arith.constant 0 : i32
        %parallel_loop3A_2226 = arith.cmpi slt, %parallel_loop3A_2222, %parallel_loop3A_2225 : i32
        %parallel_loop3A_2227 = arith.constant 0 : i32
        %parallel_loop3A_2228 = arith.cmpi slt, %parallel_loop3A_2221, %parallel_loop3A_2227 : i32
        %parallel_loop3A_2229 = arith.xori %parallel_loop3A_2226, %parallel_loop3A_2228 : i1
        %parallel_loop3A_2230 = arith.andi %parallel_loop3A_2229, %parallel_loop3A_2224 : i1
        %parallel_loop3A_2231 = arith.addi %parallel_loop3A_2222, %parallel_loop3A_2221 : i32
        %parallel_loop3A_2232 = arith.select %parallel_loop3A_2230, %parallel_loop3A_2231, %parallel_loop3A_2222 : i32
        %parallel_loop3A_2233 = arith.constant 128 : i32
        %parallel_loop3A_2234 = arith.muli %parallel_loop3A_2232, %parallel_loop3A_2233 : i32
        %parallel_loop3A_2235 = arith.constant 3072 : i32
        %parallel_loop3A_2236 = arith.addi %parallel_loop3A_2235, %parallel_loop3A_2234 : i32
        %parallel_loop3A_2237 = arith.constant 16 : i32
        %parallel_loop3A_2238 = arith.addi %parallel_loop3A_2236, %parallel_loop3A_2237 : i32
        %parallel_loop3A_2239 = arith.constant 8 : i32
        %parallel_loop3A_2240 = arith.divsi %parallel_loop3A_861, %parallel_loop3A_2239 : i32
        %parallel_loop3A_2241 = arith.constant 0 : i32
        %parallel_loop3A_2242 = arith.cmpi sgt, %parallel_loop3A_861, %parallel_loop3A_2241 : i32
        %parallel_loop3A_2243 = arith.extui %parallel_loop3A_2242 : i1 to i32
        %parallel_loop3A_2244 = arith.constant 0 : i32
        %parallel_loop3A_2245 = arith.cmpi slt, %parallel_loop3A_861, %parallel_loop3A_2244 : i32
        %parallel_loop3A_2246 = arith.extui %parallel_loop3A_2245 : i1 to i32
        %parallel_loop3A_2247 = arith.subi %parallel_loop3A_2243, %parallel_loop3A_2246 : i32
        %parallel_loop3A_2248 = arith.constant 0 : i32
        %parallel_loop3A_2249 = arith.cmpi sgt, %parallel_loop3A_2239, %parallel_loop3A_2248 : i32
        %parallel_loop3A_2250 = arith.extui %parallel_loop3A_2249 : i1 to i32
        %parallel_loop3A_2251 = arith.constant 0 : i32
        %parallel_loop3A_2252 = arith.cmpi slt, %parallel_loop3A_2239, %parallel_loop3A_2251 : i32
        %parallel_loop3A_2253 = arith.extui %parallel_loop3A_2252 : i1 to i32
        %parallel_loop3A_2254 = arith.subi %parallel_loop3A_2250, %parallel_loop3A_2253 : i32
        %parallel_loop3A_2255 = arith.cmpi ne, %parallel_loop3A_2247, %parallel_loop3A_2254 : i32
        %parallel_loop3A_2256 = arith.remsi %parallel_loop3A_861, %parallel_loop3A_2239 : i32
        %parallel_loop3A_2257 = arith.constant 0 : i32
        %parallel_loop3A_2258 = arith.cmpi ne, %parallel_loop3A_2256, %parallel_loop3A_2257 : i32
        %parallel_loop3A_2259 = arith.andi %parallel_loop3A_2255, %parallel_loop3A_2258 : i1
        %parallel_loop3A_2260 = arith.constant 1 : i32
        %parallel_loop3A_2261 = arith.subi %parallel_loop3A_2240, %parallel_loop3A_2260 : i32
        %parallel_loop3A_2262 = arith.select %parallel_loop3A_2259, %parallel_loop3A_2261, %parallel_loop3A_2240 : i32
        %parallel_loop3A_2263 = arith.constant 0 : i32
        %parallel_loop3A_2264 = arith.index_cast %parallel_loop3A_2263 : i32 to index
        %parallel_loop3A_2265 = arith.index_cast %parallel_loop3A_2262 : i32 to index
        %parallel_loop3A_2266 = arith.index_cast %parallel_loop3A_2238 : i32 to index
        %parallel_loop3A_2267 = tpu.vector_load %arg7[%parallel_loop3A_2264, %parallel_loop3A_2265, %parallel_loop3A_2266] {strides = array<i32>} : memref<2x8x4096xf32, #tpu.memory_space<vmem>>, vector<16xf32>,
        tpu.vector_store %arg7[%parallel_loop3A_2264, %parallel_loop3A_2265, %parallel_loop3A_2266], %parallel_loop3A_2216 {strides = array<i32>} : memref<2x8x4096xf32, #tpu.memory_space<vmem>>, vector<16xf32>,
        %parallel_loop3A_2268 = vector.broadcast %parallel_loop3A_863 : i32 to vector<16xi32>
        %parallel_loop3A_2269 = arith.addi %get3A_455, %parallel_loop3A_2268 : vector<16xi32>
        %parallel_loop3A_2270 = tpu.vector_load_idx %arg6[%parallel_loop3A_2269] : memref<24576xf32, #tpu.memory_space<vmem>>[vector<16xi32>], vector<16xf32>,
        %parallel_loop3A_2271 = arith.constant 8 : i32
        %parallel_loop3A_2272 = arith.constant 0 : i32
        %parallel_loop3A_2273 = arith.cmpi eq, %parallel_loop3A_2271, %parallel_loop3A_2272 : i32
        %parallel_loop3A_2274 = arith.constant 1 : i32
        %parallel_loop3A_2275 = arith.select %parallel_loop3A_2273, %parallel_loop3A_2274, %parallel_loop3A_2271 : i32
        %parallel_loop3A_2276 = arith.remsi %parallel_loop3A_861, %parallel_loop3A_2275 : i32
        %parallel_loop3A_2277 = arith.constant 0 : i32
        %parallel_loop3A_2278 = arith.cmpi ne, %parallel_loop3A_2276, %parallel_loop3A_2277 : i32
        %parallel_loop3A_2279 = arith.constant 0 : i32
        %parallel_loop3A_2280 = arith.cmpi slt, %parallel_loop3A_2276, %parallel_loop3A_2279 : i32
        %parallel_loop3A_2281 = arith.constant 0 : i32
        %parallel_loop3A_2282 = arith.cmpi slt, %parallel_loop3A_2275, %parallel_loop3A_2281 : i32
        %parallel_loop3A_2283 = arith.xori %parallel_loop3A_2280, %parallel_loop3A_2282 : i1
        %parallel_loop3A_2284 = arith.andi %parallel_loop3A_2283, %parallel_loop3A_2278 : i1
        %parallel_loop3A_2285 = arith.addi %parallel_loop3A_2276, %parallel_loop3A_2275 : i32
        %parallel_loop3A_2286 = arith.select %parallel_loop3A_2284, %parallel_loop3A_2285, %parallel_loop3A_2276 : i32
        %parallel_loop3A_2287 = arith.constant 128 : i32
        %parallel_loop3A_2288 = arith.muli %parallel_loop3A_2286, %parallel_loop3A_2287 : i32
        %parallel_loop3A_2289 = arith.constant 3072 : i32
        %parallel_loop3A_2290 = arith.addi %parallel_loop3A_2289, %parallel_loop3A_2288 : i32
        %parallel_loop3A_2291 = arith.constant 32 : i32
        %parallel_loop3A_2292 = arith.addi %parallel_loop3A_2290, %parallel_loop3A_2291 : i32
        %parallel_loop3A_2293 = arith.constant 8 : i32
        %parallel_loop3A_2294 = arith.divsi %parallel_loop3A_861, %parallel_loop3A_2293 : i32
        %parallel_loop3A_2295 = arith.constant 0 : i32
        %parallel_loop3A_2296 = arith.cmpi sgt, %parallel_loop3A_861, %parallel_loop3A_2295 : i32
        %parallel_loop3A_2297 = arith.extui %parallel_loop3A_2296 : i1 to i32
        %parallel_loop3A_2298 = arith.constant 0 : i32
        %parallel_loop3A_2299 = arith.cmpi slt, %parallel_loop3A_861, %parallel_loop3A_2298 : i32
        %parallel_loop3A_2300 = arith.extui %parallel_loop3A_2299 : i1 to i32
        %parallel_loop3A_2301 = arith.subi %parallel_loop3A_2297, %parallel_loop3A_2300 : i32
        %parallel_loop3A_2302 = arith.constant 0 : i32
        %parallel_loop3A_2303 = arith.cmpi sgt, %parallel_loop3A_2293, %parallel_loop3A_2302 : i32
        %parallel_loop3A_2304 = arith.extui %parallel_loop3A_2303 : i1 to i32
        %parallel_loop3A_2305 = arith.constant 0 : i32
        %parallel_loop3A_2306 = arith.cmpi slt, %parallel_loop3A_2293, %parallel_loop3A_2305 : i32
        %parallel_loop3A_2307 = arith.extui %parallel_loop3A_2306 : i1 to i32
        %parallel_loop3A_2308 = arith.subi %parallel_loop3A_2304, %parallel_loop3A_2307 : i32
        %parallel_loop3A_2309 = arith.cmpi ne, %parallel_loop3A_2301, %parallel_loop3A_2308 : i32
        %parallel_loop3A_2310 = arith.remsi %parallel_loop3A_861, %parallel_loop3A_2293 : i32
        %parallel_loop3A_2311 = arith.constant 0 : i32
        %parallel_loop3A_2312 = arith.cmpi ne, %parallel_loop3A_2310, %parallel_loop3A_2311 : i32
        %parallel_loop3A_2313 = arith.andi %parallel_loop3A_2309, %parallel_loop3A_2312 : i1
        %parallel_loop3A_2314 = arith.constant 1 : i32
        %parallel_loop3A_2315 = arith.subi %parallel_loop3A_2294, %parallel_loop3A_2314 : i32
        %parallel_loop3A_2316 = arith.select %parallel_loop3A_2313, %parallel_loop3A_2315, %parallel_loop3A_2294 : i32
        %parallel_loop3A_2317 = arith.constant 0 : i32
        %parallel_loop3A_2318 = arith.index_cast %parallel_loop3A_2317 : i32 to index
        %parallel_loop3A_2319 = arith.index_cast %parallel_loop3A_2316 : i32 to index
        %parallel_loop3A_2320 = arith.index_cast %parallel_loop3A_2292 : i32 to index
        %parallel_loop3A_2321 = tpu.vector_load %arg7[%parallel_loop3A_2318, %parallel_loop3A_2319, %parallel_loop3A_2320] {strides = array<i32>} : memref<2x8x4096xf32, #tpu.memory_space<vmem>>, vector<16xf32>,
        tpu.vector_store %arg7[%parallel_loop3A_2318, %parallel_loop3A_2319, %parallel_loop3A_2320], %parallel_loop3A_2270 {strides = array<i32>} : memref<2x8x4096xf32, #tpu.memory_space<vmem>>, vector<16xf32>,
        %parallel_loop3A_2322 = vector.broadcast %parallel_loop3A_863 : i32 to vector<16xi32>
        %parallel_loop3A_2323 = arith.addi %get3A_461, %parallel_loop3A_2322 : vector<16xi32>
        %parallel_loop3A_2324 = tpu.vector_load_idx %arg6[%parallel_loop3A_2323] : memref<24576xf32, #tpu.memory_space<vmem>>[vector<16xi32>], vector<16xf32>,
        %parallel_loop3A_2325 = arith.constant 8 : i32
        %parallel_loop3A_2326 = arith.constant 0 : i32
        %parallel_loop3A_2327 = arith.cmpi eq, %parallel_loop3A_2325, %parallel_loop3A_2326 : i32
        %parallel_loop3A_2328 = arith.constant 1 : i32
        %parallel_loop3A_2329 = arith.select %parallel_loop3A_2327, %parallel_loop3A_2328, %parallel_loop3A_2325 : i32
        %parallel_loop3A_2330 = arith.remsi %parallel_loop3A_861, %parallel_loop3A_2329 : i32
        %parallel_loop3A_2331 = arith.constant 0 : i32
        %parallel_loop3A_2332 = arith.cmpi ne, %parallel_loop3A_2330, %parallel_loop3A_2331 : i32
        %parallel_loop3A_2333 = arith.constant 0 : i32
        %parallel_loop3A_2334 = arith.cmpi slt, %parallel_loop3A_2330, %parallel_loop3A_2333 : i32
        %parallel_loop3A_2335 = arith.constant 0 : i32
        %parallel_loop3A_2336 = arith.cmpi slt, %parallel_loop3A_2329, %parallel_loop3A_2335 : i32
        %parallel_loop3A_2337 = arith.xori %parallel_loop3A_2334, %parallel_loop3A_2336 : i1
        %parallel_loop3A_2338 = arith.andi %parallel_loop3A_2337, %parallel_loop3A_2332 : i1
        %parallel_loop3A_2339 = arith.addi %parallel_loop3A_2330, %parallel_loop3A_2329 : i32
        %parallel_loop3A_2340 = arith.select %parallel_loop3A_2338, %parallel_loop3A_2339, %parallel_loop3A_2330 : i32
        %parallel_loop3A_2341 = arith.constant 128 : i32
        %parallel_loop3A_2342 = arith.muli %parallel_loop3A_2340, %parallel_loop3A_2341 : i32
        %parallel_loop3A_2343 = arith.constant 3072 : i32
        %parallel_loop3A_2344 = arith.addi %parallel_loop3A_2343, %parallel_loop3A_2342 : i32
        %parallel_loop3A_2345 = arith.constant 48 : i32
        %parallel_loop3A_2346 = arith.addi %parallel_loop3A_2344, %parallel_loop3A_2345 : i32
        %parallel_loop3A_2347 = arith.constant 8 : i32
        %parallel_loop3A_2348 = arith.divsi %parallel_loop3A_861, %parallel_loop3A_2347 : i32
        %parallel_loop3A_2349 = arith.constant 0 : i32
        %parallel_loop3A_2350 = arith.cmpi sgt, %parallel_loop3A_861, %parallel_loop3A_2349 : i32
        %parallel_loop3A_2351 = arith.extui %parallel_loop3A_2350 : i1 to i32
        %parallel_loop3A_2352 = arith.constant 0 : i32
        %parallel_loop3A_2353 = arith.cmpi slt, %parallel_loop3A_861, %parallel_loop3A_2352 : i32
        %parallel_loop3A_2354 = arith.extui %parallel_loop3A_2353 : i1 to i32
        %parallel_loop3A_2355 = arith.subi %parallel_loop3A_2351, %parallel_loop3A_2354 : i32
        %parallel_loop3A_2356 = arith.constant 0 : i32
        %parallel_loop3A_2357 = arith.cmpi sgt, %parallel_loop3A_2347, %parallel_loop3A_2356 : i32
        %parallel_loop3A_2358 = arith.extui %parallel_loop3A_2357 : i1 to i32
        %parallel_loop3A_2359 = arith.constant 0 : i32
        %parallel_loop3A_2360 = arith.cmpi slt, %parallel_loop3A_2347, %parallel_loop3A_2359 : i32
        %parallel_loop3A_2361 = arith.extui %parallel_loop3A_2360 : i1 to i32
        %parallel_loop3A_2362 = arith.subi %parallel_loop3A_2358, %parallel_loop3A_2361 : i32
        %parallel_loop3A_2363 = arith.cmpi ne, %parallel_loop3A_2355, %parallel_loop3A_2362 : i32
        %parallel_loop3A_2364 = arith.remsi %parallel_loop3A_861, %parallel_loop3A_2347 : i32
        %parallel_loop3A_2365 = arith.constant 0 : i32
        %parallel_loop3A_2366 = arith.cmpi ne, %parallel_loop3A_2364, %parallel_loop3A_2365 : i32
        %parallel_loop3A_2367 = arith.andi %parallel_loop3A_2363, %parallel_loop3A_2366 : i1
        %parallel_loop3A_2368 = arith.constant 1 : i32
        %parallel_loop3A_2369 = arith.subi %parallel_loop3A_2348, %parallel_loop3A_2368 : i32
        %parallel_loop3A_2370 = arith.select %parallel_loop3A_2367, %parallel_loop3A_2369, %parallel_loop3A_2348 : i32
        %parallel_loop3A_2371 = arith.constant 0 : i32
        %parallel_loop3A_2372 = arith.index_cast %parallel_loop3A_2371 : i32 to index
        %parallel_loop3A_2373 = arith.index_cast %parallel_loop3A_2370 : i32 to index
        %parallel_loop3A_2374 = arith.index_cast %parallel_loop3A_2346 : i32 to index
        %parallel_loop3A_2375 = tpu.vector_load %arg7[%parallel_loop3A_2372, %parallel_loop3A_2373, %parallel_loop3A_2374] {strides = array<i32>} : memref<2x8x4096xf32, #tpu.memory_space<vmem>>, vector<16xf32>,
        tpu.vector_store %arg7[%parallel_loop3A_2372, %parallel_loop3A_2373, %parallel_loop3A_2374], %parallel_loop3A_2324 {strides = array<i32>} : memref<2x8x4096xf32, #tpu.memory_space<vmem>>, vector<16xf32>,
        %parallel_loop3A_2376 = vector.broadcast %parallel_loop3A_863 : i32 to vector<16xi32>
        %parallel_loop3A_2377 = arith.addi %get3A_467, %parallel_loop3A_2376 : vector<16xi32>
        %parallel_loop3A_2378 = tpu.vector_load_idx %arg6[%parallel_loop3A_2377] : memref<24576xf32, #tpu.memory_space<vmem>>[vector<16xi32>], vector<16xf32>,
        %parallel_loop3A_2379 = arith.constant 8 : i32
        %parallel_loop3A_2380 = arith.constant 0 : i32
        %parallel_loop3A_2381 = arith.cmpi eq, %parallel_loop3A_2379, %parallel_loop3A_2380 : i32
        %parallel_loop3A_2382 = arith.constant 1 : i32
        %parallel_loop3A_2383 = arith.select %parallel_loop3A_2381, %parallel_loop3A_2382, %parallel_loop3A_2379 : i32
        %parallel_loop3A_2384 = arith.remsi %parallel_loop3A_861, %parallel_loop3A_2383 : i32
        %parallel_loop3A_2385 = arith.constant 0 : i32
        %parallel_loop3A_2386 = arith.cmpi ne, %parallel_loop3A_2384, %parallel_loop3A_2385 : i32
        %parallel_loop3A_2387 = arith.constant 0 : i32
        %parallel_loop3A_2388 = arith.cmpi slt, %parallel_loop3A_2384, %parallel_loop3A_2387 : i32
        %parallel_loop3A_2389 = arith.constant 0 : i32
        %parallel_loop3A_2390 = arith.cmpi slt, %parallel_loop3A_2383, %parallel_loop3A_2389 : i32
        %parallel_loop3A_2391 = arith.xori %parallel_loop3A_2388, %parallel_loop3A_2390 : i1
        %parallel_loop3A_2392 = arith.andi %parallel_loop3A_2391, %parallel_loop3A_2386 : i1
        %parallel_loop3A_2393 = arith.addi %parallel_loop3A_2384, %parallel_loop3A_2383 : i32
        %parallel_loop3A_2394 = arith.select %parallel_loop3A_2392, %parallel_loop3A_2393, %parallel_loop3A_2384 : i32
        %parallel_loop3A_2395 = arith.constant 128 : i32
        %parallel_loop3A_2396 = arith.muli %parallel_loop3A_2394, %parallel_loop3A_2395 : i32
        %parallel_loop3A_2397 = arith.constant 3072 : i32
        %parallel_loop3A_2398 = arith.addi %parallel_loop3A_2397, %parallel_loop3A_2396 : i32
        %parallel_loop3A_2399 = arith.constant 64 : i32
        %parallel_loop3A_2400 = arith.addi %parallel_loop3A_2398, %parallel_loop3A_2399 : i32
        %parallel_loop3A_2401 = arith.constant 8 : i32
        %parallel_loop3A_2402 = arith.divsi %parallel_loop3A_861, %parallel_loop3A_2401 : i32
        %parallel_loop3A_2403 = arith.constant 0 : i32
        %parallel_loop3A_2404 = arith.cmpi sgt, %parallel_loop3A_861, %parallel_loop3A_2403 : i32
        %parallel_loop3A_2405 = arith.extui %parallel_loop3A_2404 : i1 to i32
        %parallel_loop3A_2406 = arith.constant 0 : i32
        %parallel_loop3A_2407 = arith.cmpi slt, %parallel_loop3A_861, %parallel_loop3A_2406 : i32
        %parallel_loop3A_2408 = arith.extui %parallel_loop3A_2407 : i1 to i32
        %parallel_loop3A_2409 = arith.subi %parallel_loop3A_2405, %parallel_loop3A_2408 : i32
        %parallel_loop3A_2410 = arith.constant 0 : i32
        %parallel_loop3A_2411 = arith.cmpi sgt, %parallel_loop3A_2401, %parallel_loop3A_2410 : i32
        %parallel_loop3A_2412 = arith.extui %parallel_loop3A_2411 : i1 to i32
        %parallel_loop3A_2413 = arith.constant 0 : i32
        %parallel_loop3A_2414 = arith.cmpi slt, %parallel_loop3A_2401, %parallel_loop3A_2413 : i32
        %parallel_loop3A_2415 = arith.extui %parallel_loop3A_2414 : i1 to i32
        %parallel_loop3A_2416 = arith.subi %parallel_loop3A_2412, %parallel_loop3A_2415 : i32
        %parallel_loop3A_2417 = arith.cmpi ne, %parallel_loop3A_2409, %parallel_loop3A_2416 : i32
        %parallel_loop3A_2418 = arith.remsi %parallel_loop3A_861, %parallel_loop3A_2401 : i32
        %parallel_loop3A_2419 = arith.constant 0 : i32
        %parallel_loop3A_2420 = arith.cmpi ne, %parallel_loop3A_2418, %parallel_loop3A_2419 : i32
        %parallel_loop3A_2421 = arith.andi %parallel_loop3A_2417, %parallel_loop3A_2420 : i1
        %parallel_loop3A_2422 = arith.constant 1 : i32
        %parallel_loop3A_2423 = arith.subi %parallel_loop3A_2402, %parallel_loop3A_2422 : i32
        %parallel_loop3A_2424 = arith.select %parallel_loop3A_2421, %parallel_loop3A_2423, %parallel_loop3A_2402 : i32
        %parallel_loop3A_2425 = arith.constant 0 : i32
        %parallel_loop3A_2426 = arith.index_cast %parallel_loop3A_2425 : i32 to index
        %parallel_loop3A_2427 = arith.index_cast %parallel_loop3A_2424 : i32 to index
        %parallel_loop3A_2428 = arith.index_cast %parallel_loop3A_2400 : i32 to index
        %parallel_loop3A_2429 = tpu.vector_load %arg7[%parallel_loop3A_2426, %parallel_loop3A_2427, %parallel_loop3A_2428] {strides = array<i32>} : memref<2x8x4096xf32, #tpu.memory_space<vmem>>, vector<16xf32>,
        tpu.vector_store %arg7[%parallel_loop3A_2426, %parallel_loop3A_2427, %parallel_loop3A_2428], %parallel_loop3A_2378 {strides = array<i32>} : memref<2x8x4096xf32, #tpu.memory_space<vmem>>, vector<16xf32>,
        %parallel_loop3A_2430 = vector.broadcast %parallel_loop3A_863 : i32 to vector<16xi32>
        %parallel_loop3A_2431 = arith.addi %get3A_473, %parallel_loop3A_2430 : vector<16xi32>
        %parallel_loop3A_2432 = tpu.vector_load_idx %arg6[%parallel_loop3A_2431] : memref<24576xf32, #tpu.memory_space<vmem>>[vector<16xi32>], vector<16xf32>,
        %parallel_loop3A_2433 = arith.constant 8 : i32
        %parallel_loop3A_2434 = arith.constant 0 : i32
        %parallel_loop3A_2435 = arith.cmpi eq, %parallel_loop3A_2433, %parallel_loop3A_2434 : i32
        %parallel_loop3A_2436 = arith.constant 1 : i32
        %parallel_loop3A_2437 = arith.select %parallel_loop3A_2435, %parallel_loop3A_2436, %parallel_loop3A_2433 : i32
        %parallel_loop3A_2438 = arith.remsi %parallel_loop3A_861, %parallel_loop3A_2437 : i32
        %parallel_loop3A_2439 = arith.constant 0 : i32
        %parallel_loop3A_2440 = arith.cmpi ne, %parallel_loop3A_2438, %parallel_loop3A_2439 : i32
        %parallel_loop3A_2441 = arith.constant 0 : i32
        %parallel_loop3A_2442 = arith.cmpi slt, %parallel_loop3A_2438, %parallel_loop3A_2441 : i32
        %parallel_loop3A_2443 = arith.constant 0 : i32
        %parallel_loop3A_2444 = arith.cmpi slt, %parallel_loop3A_2437, %parallel_loop3A_2443 : i32
        %parallel_loop3A_2445 = arith.xori %parallel_loop3A_2442, %parallel_loop3A_2444 : i1
        %parallel_loop3A_2446 = arith.andi %parallel_loop3A_2445, %parallel_loop3A_2440 : i1
        %parallel_loop3A_2447 = arith.addi %parallel_loop3A_2438, %parallel_loop3A_2437 : i32
        %parallel_loop3A_2448 = arith.select %parallel_loop3A_2446, %parallel_loop3A_2447, %parallel_loop3A_2438 : i32
        %parallel_loop3A_2449 = arith.constant 128 : i32
        %parallel_loop3A_2450 = arith.muli %parallel_loop3A_2448, %parallel_loop3A_2449 : i32
        %parallel_loop3A_2451 = arith.constant 3072 : i32
        %parallel_loop3A_2452 = arith.addi %parallel_loop3A_2451, %parallel_loop3A_2450 : i32
        %parallel_loop3A_2453 = arith.constant 80 : i32
        %parallel_loop3A_2454 = arith.addi %parallel_loop3A_2452, %parallel_loop3A_2453 : i32
        %parallel_loop3A_2455 = arith.constant 8 : i32
        %parallel_loop3A_2456 = arith.divsi %parallel_loop3A_861, %parallel_loop3A_2455 : i32
        %parallel_loop3A_2457 = arith.constant 0 : i32
        %parallel_loop3A_2458 = arith.cmpi sgt, %parallel_loop3A_861, %parallel_loop3A_2457 : i32
        %parallel_loop3A_2459 = arith.extui %parallel_loop3A_2458 : i1 to i32
        %parallel_loop3A_2460 = arith.constant 0 : i32
        %parallel_loop3A_2461 = arith.cmpi slt, %parallel_loop3A_861, %parallel_loop3A_2460 : i32
        %parallel_loop3A_2462 = arith.extui %parallel_loop3A_2461 : i1 to i32
        %parallel_loop3A_2463 = arith.subi %parallel_loop3A_2459, %parallel_loop3A_2462 : i32
        %parallel_loop3A_2464 = arith.constant 0 : i32
        %parallel_loop3A_2465 = arith.cmpi sgt, %parallel_loop3A_2455, %parallel_loop3A_2464 : i32
        %parallel_loop3A_2466 = arith.extui %parallel_loop3A_2465 : i1 to i32
        %parallel_loop3A_2467 = arith.constant 0 : i32
        %parallel_loop3A_2468 = arith.cmpi slt, %parallel_loop3A_2455, %parallel_loop3A_2467 : i32
        %parallel_loop3A_2469 = arith.extui %parallel_loop3A_2468 : i1 to i32
        %parallel_loop3A_2470 = arith.subi %parallel_loop3A_2466, %parallel_loop3A_2469 : i32
        %parallel_loop3A_2471 = arith.cmpi ne, %parallel_loop3A_2463, %parallel_loop3A_2470 : i32
        %parallel_loop3A_2472 = arith.remsi %parallel_loop3A_861, %parallel_loop3A_2455 : i32
        %parallel_loop3A_2473 = arith.constant 0 : i32
        %parallel_loop3A_2474 = arith.cmpi ne, %parallel_loop3A_2472, %parallel_loop3A_2473 : i32
        %parallel_loop3A_2475 = arith.andi %parallel_loop3A_2471, %parallel_loop3A_2474 : i1
        %parallel_loop3A_2476 = arith.constant 1 : i32
        %parallel_loop3A_2477 = arith.subi %parallel_loop3A_2456, %parallel_loop3A_2476 : i32
        %parallel_loop3A_2478 = arith.select %parallel_loop3A_2475, %parallel_loop3A_2477, %parallel_loop3A_2456 : i32
        %parallel_loop3A_2479 = arith.constant 0 : i32
        %parallel_loop3A_2480 = arith.index_cast %parallel_loop3A_2479 : i32 to index
        %parallel_loop3A_2481 = arith.index_cast %parallel_loop3A_2478 : i32 to index
        %parallel_loop3A_2482 = arith.index_cast %parallel_loop3A_2454 : i32 to index
        %parallel_loop3A_2483 = tpu.vector_load %arg7[%parallel_loop3A_2480, %parallel_loop3A_2481, %parallel_loop3A_2482] {strides = array<i32>} : memref<2x8x4096xf32, #tpu.memory_space<vmem>>, vector<16xf32>,
        tpu.vector_store %arg7[%parallel_loop3A_2480, %parallel_loop3A_2481, %parallel_loop3A_2482], %parallel_loop3A_2432 {strides = array<i32>} : memref<2x8x4096xf32, #tpu.memory_space<vmem>>, vector<16xf32>,
        %parallel_loop3A_2484 = vector.broadcast %parallel_loop3A_863 : i32 to vector<16xi32>
        %parallel_loop3A_2485 = arith.addi %get3A_479, %parallel_loop3A_2484 : vector<16xi32>
        %parallel_loop3A_2486 = tpu.vector_load_idx %arg6[%parallel_loop3A_2485] : memref<24576xf32, #tpu.memory_space<vmem>>[vector<16xi32>], vector<16xf32>,
        %parallel_loop3A_2487 = arith.constant 8 : i32
        %parallel_loop3A_2488 = arith.constant 0 : i32
        %parallel_loop3A_2489 = arith.cmpi eq, %parallel_loop3A_2487, %parallel_loop3A_2488 : i32
        %parallel_loop3A_2490 = arith.constant 1 : i32
        %parallel_loop3A_2491 = arith.select %parallel_loop3A_2489, %parallel_loop3A_2490, %parallel_loop3A_2487 : i32
        %parallel_loop3A_2492 = arith.remsi %parallel_loop3A_861, %parallel_loop3A_2491 : i32
        %parallel_loop3A_2493 = arith.constant 0 : i32
        %parallel_loop3A_2494 = arith.cmpi ne, %parallel_loop3A_2492, %parallel_loop3A_2493 : i32
        %parallel_loop3A_2495 = arith.constant 0 : i32
        %parallel_loop3A_2496 = arith.cmpi slt, %parallel_loop3A_2492, %parallel_loop3A_2495 : i32
        %parallel_loop3A_2497 = arith.constant 0 : i32
        %parallel_loop3A_2498 = arith.cmpi slt, %parallel_loop3A_2491, %parallel_loop3A_2497 : i32
        %parallel_loop3A_2499 = arith.xori %parallel_loop3A_2496, %parallel_loop3A_2498 : i1
        %parallel_loop3A_2500 = arith.andi %parallel_loop3A_2499, %parallel_loop3A_2494 : i1
        %parallel_loop3A_2501 = arith.addi %parallel_loop3A_2492, %parallel_loop3A_2491 : i32
        %parallel_loop3A_2502 = arith.select %parallel_loop3A_2500, %parallel_loop3A_2501, %parallel_loop3A_2492 : i32
        %parallel_loop3A_2503 = arith.constant 128 : i32
        %parallel_loop3A_2504 = arith.muli %parallel_loop3A_2502, %parallel_loop3A_2503 : i32
        %parallel_loop3A_2505 = arith.constant 3072 : i32
        %parallel_loop3A_2506 = arith.addi %parallel_loop3A_2505, %parallel_loop3A_2504 : i32
        %parallel_loop3A_2507 = arith.constant 96 : i32
        %parallel_loop3A_2508 = arith.addi %parallel_loop3A_2506, %parallel_loop3A_2507 : i32
        %parallel_loop3A_2509 = arith.constant 8 : i32
        %parallel_loop3A_2510 = arith.divsi %parallel_loop3A_861, %parallel_loop3A_2509 : i32
        %parallel_loop3A_2511 = arith.constant 0 : i32
        %parallel_loop3A_2512 = arith.cmpi sgt, %parallel_loop3A_861, %parallel_loop3A_2511 : i32
        %parallel_loop3A_2513 = arith.extui %parallel_loop3A_2512 : i1 to i32
        %parallel_loop3A_2514 = arith.constant 0 : i32
        %parallel_loop3A_2515 = arith.cmpi slt, %parallel_loop3A_861, %parallel_loop3A_2514 : i32
        %parallel_loop3A_2516 = arith.extui %parallel_loop3A_2515 : i1 to i32
        %parallel_loop3A_2517 = arith.subi %parallel_loop3A_2513, %parallel_loop3A_2516 : i32
        %parallel_loop3A_2518 = arith.constant 0 : i32
        %parallel_loop3A_2519 = arith.cmpi sgt, %parallel_loop3A_2509, %parallel_loop3A_2518 : i32
        %parallel_loop3A_2520 = arith.extui %parallel_loop3A_2519 : i1 to i32
        %parallel_loop3A_2521 = arith.constant 0 : i32
        %parallel_loop3A_2522 = arith.cmpi slt, %parallel_loop3A_2509, %parallel_loop3A_2521 : i32
        %parallel_loop3A_2523 = arith.extui %parallel_loop3A_2522 : i1 to i32
        %parallel_loop3A_2524 = arith.subi %parallel_loop3A_2520, %parallel_loop3A_2523 : i32
        %parallel_loop3A_2525 = arith.cmpi ne, %parallel_loop3A_2517, %parallel_loop3A_2524 : i32
        %parallel_loop3A_2526 = arith.remsi %parallel_loop3A_861, %parallel_loop3A_2509 : i32
        %parallel_loop3A_2527 = arith.constant 0 : i32
        %parallel_loop3A_2528 = arith.cmpi ne, %parallel_loop3A_2526, %parallel_loop3A_2527 : i32
        %parallel_loop3A_2529 = arith.andi %parallel_loop3A_2525, %parallel_loop3A_2528 : i1
        %parallel_loop3A_2530 = arith.constant 1 : i32
        %parallel_loop3A_2531 = arith.subi %parallel_loop3A_2510, %parallel_loop3A_2530 : i32
        %parallel_loop3A_2532 = arith.select %parallel_loop3A_2529, %parallel_loop3A_2531, %parallel_loop3A_2510 : i32
        %parallel_loop3A_2533 = arith.constant 0 : i32
        %parallel_loop3A_2534 = arith.index_cast %parallel_loop3A_2533 : i32 to index
        %parallel_loop3A_2535 = arith.index_cast %parallel_loop3A_2532 : i32 to index
        %parallel_loop3A_2536 = arith.index_cast %parallel_loop3A_2508 : i32 to index
        %parallel_loop3A_2537 = tpu.vector_load %arg7[%parallel_loop3A_2534, %parallel_loop3A_2535, %parallel_loop3A_2536] {strides = array<i32>} : memref<2x8x4096xf32, #tpu.memory_space<vmem>>, vector<16xf32>,
        tpu.vector_store %arg7[%parallel_loop3A_2534, %parallel_loop3A_2535, %parallel_loop3A_2536], %parallel_loop3A_2486 {strides = array<i32>} : memref<2x8x4096xf32, #tpu.memory_space<vmem>>, vector<16xf32>,
        %parallel_loop3A_2538 = vector.broadcast %parallel_loop3A_863 : i32 to vector<16xi32>
        %parallel_loop3A_2539 = arith.addi %get3A_485, %parallel_loop3A_2538 : vector<16xi32>
        %parallel_loop3A_2540 = tpu.vector_load_idx %arg6[%parallel_loop3A_2539] : memref<24576xf32, #tpu.memory_space<vmem>>[vector<16xi32>], vector<16xf32>,
        %parallel_loop3A_2541 = arith.constant 8 : i32
        %parallel_loop3A_2542 = arith.constant 0 : i32
        %parallel_loop3A_2543 = arith.cmpi eq, %parallel_loop3A_2541, %parallel_loop3A_2542 : i32
        %parallel_loop3A_2544 = arith.constant 1 : i32
        %parallel_loop3A_2545 = arith.select %parallel_loop3A_2543, %parallel_loop3A_2544, %parallel_loop3A_2541 : i32
        %parallel_loop3A_2546 = arith.remsi %parallel_loop3A_861, %parallel_loop3A_2545 : i32
        %parallel_loop3A_2547 = arith.constant 0 : i32
        %parallel_loop3A_2548 = arith.cmpi ne, %parallel_loop3A_2546, %parallel_loop3A_2547 : i32
        %parallel_loop3A_2549 = arith.constant 0 : i32
        %parallel_loop3A_2550 = arith.cmpi slt, %parallel_loop3A_2546, %parallel_loop3A_2549 : i32
        %parallel_loop3A_2551 = arith.constant 0 : i32
        %parallel_loop3A_2552 = arith.cmpi slt, %parallel_loop3A_2545, %parallel_loop3A_2551 : i32
        %parallel_loop3A_2553 = arith.xori %parallel_loop3A_2550, %parallel_loop3A_2552 : i1
        %parallel_loop3A_2554 = arith.andi %parallel_loop3A_2553, %parallel_loop3A_2548 : i1
        %parallel_loop3A_2555 = arith.addi %parallel_loop3A_2546, %parallel_loop3A_2545 : i32
        %parallel_loop3A_2556 = arith.select %parallel_loop3A_2554, %parallel_loop3A_2555, %parallel_loop3A_2546 : i32
        %parallel_loop3A_2557 = arith.constant 128 : i32
        %parallel_loop3A_2558 = arith.muli %parallel_loop3A_2556, %parallel_loop3A_2557 : i32
        %parallel_loop3A_2559 = arith.constant 3072 : i32
        %parallel_loop3A_2560 = arith.addi %parallel_loop3A_2559, %parallel_loop3A_2558 : i32
        %parallel_loop3A_2561 = arith.constant 112 : i32
        %parallel_loop3A_2562 = arith.addi %parallel_loop3A_2560, %parallel_loop3A_2561 : i32
        %parallel_loop3A_2563 = arith.constant 8 : i32
        %parallel_loop3A_2564 = arith.divsi %parallel_loop3A_861, %parallel_loop3A_2563 : i32
        %parallel_loop3A_2565 = arith.constant 0 : i32
        %parallel_loop3A_2566 = arith.cmpi sgt, %parallel_loop3A_861, %parallel_loop3A_2565 : i32
        %parallel_loop3A_2567 = arith.extui %parallel_loop3A_2566 : i1 to i32
        %parallel_loop3A_2568 = arith.constant 0 : i32
        %parallel_loop3A_2569 = arith.cmpi slt, %parallel_loop3A_861, %parallel_loop3A_2568 : i32
        %parallel_loop3A_2570 = arith.extui %parallel_loop3A_2569 : i1 to i32
        %parallel_loop3A_2571 = arith.subi %parallel_loop3A_2567, %parallel_loop3A_2570 : i32
        %parallel_loop3A_2572 = arith.constant 0 : i32
        %parallel_loop3A_2573 = arith.cmpi sgt, %parallel_loop3A_2563, %parallel_loop3A_2572 : i32
        %parallel_loop3A_2574 = arith.extui %parallel_loop3A_2573 : i1 to i32
        %parallel_loop3A_2575 = arith.constant 0 : i32
        %parallel_loop3A_2576 = arith.cmpi slt, %parallel_loop3A_2563, %parallel_loop3A_2575 : i32
        %parallel_loop3A_2577 = arith.extui %parallel_loop3A_2576 : i1 to i32
        %parallel_loop3A_2578 = arith.subi %parallel_loop3A_2574, %parallel_loop3A_2577 : i32
        %parallel_loop3A_2579 = arith.cmpi ne, %parallel_loop3A_2571, %parallel_loop3A_2578 : i32
        %parallel_loop3A_2580 = arith.remsi %parallel_loop3A_861, %parallel_loop3A_2563 : i32
        %parallel_loop3A_2581 = arith.constant 0 : i32
        %parallel_loop3A_2582 = arith.cmpi ne, %parallel_loop3A_2580, %parallel_loop3A_2581 : i32
        %parallel_loop3A_2583 = arith.andi %parallel_loop3A_2579, %parallel_loop3A_2582 : i1
        %parallel_loop3A_2584 = arith.constant 1 : i32
        %parallel_loop3A_2585 = arith.subi %parallel_loop3A_2564, %parallel_loop3A_2584 : i32
        %parallel_loop3A_2586 = arith.select %parallel_loop3A_2583, %parallel_loop3A_2585, %parallel_loop3A_2564 : i32
        %parallel_loop3A_2587 = arith.constant 0 : i32
        %parallel_loop3A_2588 = arith.index_cast %parallel_loop3A_2587 : i32 to index
        %parallel_loop3A_2589 = arith.index_cast %parallel_loop3A_2586 : i32 to index
        %parallel_loop3A_2590 = arith.index_cast %parallel_loop3A_2562 : i32 to index
        %parallel_loop3A_2591 = tpu.vector_load %arg7[%parallel_loop3A_2588, %parallel_loop3A_2589, %parallel_loop3A_2590] {strides = array<i32>} : memref<2x8x4096xf32, #tpu.memory_space<vmem>>, vector<16xf32>,
        tpu.vector_store %arg7[%parallel_loop3A_2588, %parallel_loop3A_2589, %parallel_loop3A_2590], %parallel_loop3A_2540 {strides = array<i32>} : memref<2x8x4096xf32, #tpu.memory_space<vmem>>, vector<16xf32>,
      } {sc.loop_unroll_factor = 4 : i64, sc.parallel_access}
      %add3A_488 = arith.addi %mul3A_2, %add3A_236 : i32
      %jit3A_489 = arith.constant 4 : i32
      %div3A_490 = arith.divsi %add3A_488, %jit3A_489 : i32
      %sign3A_491 = arith.constant 0 : i32
      %sign3A_492 = arith.cmpi sgt, %add3A_488, %sign3A_491 : i32
      %sign3A_493 = arith.extui %sign3A_492 : i1 to i32
      %sign3A_494 = arith.constant 0 : i32
      %sign3A_495 = arith.cmpi slt, %add3A_488, %sign3A_494 : i32
      %sign3A_496 = arith.extui %sign3A_495 : i1 to i32
      %sign3A_497 = arith.subi %sign3A_493, %sign3A_496 : i32
      %sign3A_498 = arith.constant 0 : i32
      %sign3A_499 = arith.cmpi sgt, %jit3A_489, %sign3A_498 : i32
      %sign3A_500 = arith.extui %sign3A_499 : i1 to i32
      %sign3A_501 = arith.constant 0 : i32
      %sign3A_502 = arith.cmpi slt, %jit3A_489, %sign3A_501 : i32
      %sign3A_503 = arith.extui %sign3A_502 : i1 to i32
      %sign3A_504 = arith.subi %sign3A_500, %sign3A_503 : i32
      %ne3A_505 = arith.cmpi ne, %sign3A_497, %sign3A_504 : i32
      %rem3A_506 = arith.remsi %add3A_488, %jit3A_489 : i32
      %ne3A_507 = arith.constant 0 : i32
      %ne3A_508 = arith.cmpi ne, %rem3A_506, %ne3A_507 : i32
      %and3A_509 = arith.andi %ne3A_505, %ne3A_508 : i1
      %sub3A_510 = arith.constant 1 : i32
      %sub3A_511 = arith.subi %div3A_490, %sub3A_510 : i32
      %select_n3A_512 = arith.select %and3A_509, %sub3A_511, %div3A_490 : i32
      %jit3A_513 = arith.constant 4 : i32
      %eq3A_514 = arith.constant 0 : i32
      %eq3A_515 = arith.cmpi eq, %jit3A_513, %eq3A_514 : i32
      %jit3A_516 = arith.constant 1 : i32
      %select_n3A_517 = arith.select %eq3A_515, %jit3A_516, %jit3A_513 : i32
      %rem3A_518 = arith.remsi %add3A_488, %select_n3A_517 : i32
      %ne3A_519 = arith.constant 0 : i32
      %ne3A_520 = arith.cmpi ne, %rem3A_518, %ne3A_519 : i32
      %lt3A_521 = arith.constant 0 : i32
      %lt3A_522 = arith.cmpi slt, %rem3A_518, %lt3A_521 : i32
      %lt3A_523 = arith.constant 0 : i32
      %lt3A_524 = arith.cmpi slt, %select_n3A_517, %lt3A_523 : i32
      %ne3A_525 = arith.xori %lt3A_522, %lt3A_524 : i1
      %and3A_526 = arith.andi %ne3A_525, %ne3A_520 : i1
      %add3A_527 = arith.addi %rem3A_518, %select_n3A_517 : i32
      %select_n3A_528 = arith.select %and3A_526, %add3A_527, %rem3A_518 : i32
      %dma_start3A_529 = arith.constant 0 : i32
      %dma_start3A_530 = arith.constant 0 : i32
      %dma_start3A_531 = arith.constant 0 : i32
      %dma_start3A_532 = tpu.memref_slice %arg7[%dma_start3A_529, %dma_start3A_530, %dma_start3A_531] : memref<2x8x4096xf32, #tpu.memory_space<vmem>> -> memref<1x8x4096xf32, #tpu.memory_space<vmem>>
      %dma_start3A_533 = tpu.memref_squeeze %dma_start3A_532 : memref<1x8x4096xf32, #tpu.memory_space<vmem>> -> memref<8x4096xf32, #tpu.memory_space<vmem>>
      %dma_start3A_534 = arith.constant 0 : i32
      %dma_start3A_535 = arith.constant 0 : i32
      %dma_start3A_536 = tpu.memref_slice %arg4[%select_n3A_512, %dma_start3A_534, %select_n3A_528, %dma_start3A_535] : memref<512x8x4x4096xf32, #tpu.memory_space<hbm>> -> memref<1x8x1x4096xf32, #tpu.memory_space<hbm>>
      %dma_start3A_537 = tpu.memref_squeeze %dma_start3A_536 : memref<1x8x1x4096xf32, #tpu.memory_space<hbm>> -> memref<8x4096xf32, #tpu.memory_space<hbm>>
      %dma_start3A_538 = arith.constant 0 : i32
      %dma_start3A_539 = arith.constant 0 : i32
      %dma_start3A_540 = tpu.memref_slice %arg4[%select_n3A_512, %dma_start3A_538, %select_n3A_528, %dma_start3A_539] : memref<512x8x4x4096xf32, #tpu.memory_space<hbm>> -> memref<1x8x1x4096xf32, #tpu.memory_space<hbm>>
      %dma_start3A_541 = tpu.memref_squeeze %dma_start3A_540 : memref<1x8x1x4096xf32, #tpu.memory_space<hbm>> -> memref<8x4096xf32, #tpu.memory_space<hbm>>
      %dma_start3A_542 = arith.constant 0 : i32
      %dma_start3A_543 = arith.constant 0 : i32
      %dma_start3A_544 = tpu.memref_slice %arg7[%dma_start3A_529, %dma_start3A_542, %dma_start3A_543] : memref<2x8x4096xf32, #tpu.memory_space<vmem>> -> memref<1x8x4096xf32, #tpu.memory_space<vmem>>
      %dma_start3A_545 = tpu.memref_squeeze %dma_start3A_544 : memref<1x8x4096xf32, #tpu.memory_space<vmem>> -> memref<8x4096xf32, #tpu.memory_space<vmem>>
      tpu.enqueue_dma source(%dma_start3A_545 : memref<8x4096xf32, #tpu.memory_space<vmem>>) target(%dma_start3A_541 : memref<8x4096xf32, #tpu.memory_space<hbm>>) target_semaphore(%arg8 : memref<!tpu.dma_semaphore, #tpu.memory_space<semaphore_mem>>)
      %mul3A_546 = arith.constant 2 : i32
      %mul3A_547 = arith.muli %scan3A_232, %mul3A_546 : i32
      %add3A_548 = arith.constant 1 : i32
      %add3A_549 = arith.addi %mul3A_547, %add3A_548 : i32
      %add3A_550 = arith.addi %mul3A_2, %add3A_549 : i32
      %jit3A_551 = arith.constant 4 : i32
      %div3A_552 = arith.divsi %add3A_550, %jit3A_551 : i32
      %sign3A_553 = arith.constant 0 : i32
      %sign3A_554 = arith.cmpi sgt, %add3A_550, %sign3A_553 : i32
      %sign3A_555 = arith.extui %sign3A_554 : i1 to i32
      %sign3A_556 = arith.constant 0 : i32
      %sign3A_557 = arith.cmpi slt, %add3A_550, %sign3A_556 : i32
      %sign3A_558 = arith.extui %sign3A_557 : i1 to i32
      %sign3A_559 = arith.subi %sign3A_555, %sign3A_558 : i32
      %sign3A_560 = arith.constant 0 : i32
      %sign3A_561 = arith.cmpi sgt, %jit3A_551, %sign3A_560 : i32
      %sign3A_562 = arith.extui %sign3A_561 : i1 to i32
      %sign3A_563 = arith.constant 0 : i32
      %sign3A_564 = arith.cmpi slt, %jit3A_551, %sign3A_563 : i32
      %sign3A_565 = arith.extui %sign3A_564 : i1 to i32
      %sign3A_566 = arith.subi %sign3A_562, %sign3A_565 : i32
      %ne3A_567 = arith.cmpi ne, %sign3A_559, %sign3A_566 : i32
      %rem3A_568 = arith.remsi %add3A_550, %jit3A_551 : i32
      %ne3A_569 = arith.constant 0 : i32
      %ne3A_570 = arith.cmpi ne, %rem3A_568, %ne3A_569 : i32
      %and3A_571 = arith.andi %ne3A_567, %ne3A_570 : i1
      %sub3A_572 = arith.constant 1 : i32
      %sub3A_573 = arith.subi %div3A_552, %sub3A_572 : i32
      %select_n3A_574 = arith.select %and3A_571, %sub3A_573, %div3A_552 : i32
      %jit3A_575 = arith.constant 4 : i32
      %eq3A_576 = arith.constant 0 : i32
      %eq3A_577 = arith.cmpi eq, %jit3A_575, %eq3A_576 : i32
      %jit3A_578 = arith.constant 1 : i32
      %select_n3A_579 = arith.select %eq3A_577, %jit3A_578, %jit3A_575 : i32
      %rem3A_580 = arith.remsi %add3A_550, %select_n3A_579 : i32
      %ne3A_581 = arith.constant 0 : i32
      %ne3A_582 = arith.cmpi ne, %rem3A_580, %ne3A_581 : i32
      %lt3A_583 = arith.constant 0 : i32
      %lt3A_584 = arith.cmpi slt, %rem3A_580, %lt3A_583 : i32
      %lt3A_585 = arith.constant 0 : i32
      %lt3A_586 = arith.cmpi slt, %select_n3A_579, %lt3A_585 : i32
      %ne3A_587 = arith.xori %lt3A_584, %lt3A_586 : i1
      %and3A_588 = arith.andi %ne3A_587, %ne3A_582 : i1
      %add3A_589 = arith.addi %rem3A_580, %select_n3A_579 : i32
      %select_n3A_590 = arith.select %and3A_588, %add3A_589, %rem3A_580 : i32
      %dma_wait3A_591 = arith.constant 1 : i32
      %dma_wait3A_592 = arith.constant 0 : i32
      %dma_wait3A_593 = arith.constant 0 : i32
      %dma_wait3A_594 = tpu.memref_slice %arg7[%dma_wait3A_591, %dma_wait3A_592, %dma_wait3A_593] : memref<2x8x4096xf32, #tpu.memory_space<vmem>> -> memref<1x8x4096xf32, #tpu.memory_space<vmem>>
      %dma_wait3A_595 = tpu.memref_squeeze %dma_wait3A_594 : memref<1x8x4096xf32, #tpu.memory_space<vmem>> -> memref<8x4096xf32, #tpu.memory_space<vmem>>
      %dma_wait3A_596 = arith.constant 0 : i32
      %dma_wait3A_597 = arith.constant 0 : i32
      %dma_wait3A_598 = tpu.memref_slice %arg4[%select_n3A_574, %dma_wait3A_596, %select_n3A_590, %dma_wait3A_597] : memref<512x8x4x4096xf32, #tpu.memory_space<hbm>> -> memref<1x8x1x4096xf32, #tpu.memory_space<hbm>>
      %dma_wait3A_599 = tpu.memref_squeeze %dma_wait3A_598 : memref<1x8x1x4096xf32, #tpu.memory_space<hbm>> -> memref<8x4096xf32, #tpu.memory_space<hbm>>
      %dma_wait3A_600 = arith.constant 0 : i32
      %dma_wait3A_601 = arith.constant 0 : i32
      %dma_wait3A_602 = tpu.memref_slice %arg4[%select_n3A_574, %dma_wait3A_600, %select_n3A_590, %dma_wait3A_601] : memref<512x8x4x4096xf32, #tpu.memory_space<hbm>> -> memref<1x8x1x4096xf32, #tpu.memory_space<hbm>>
      %dma_wait3A_603 = tpu.memref_squeeze %dma_wait3A_602 : memref<1x8x1x4096xf32, #tpu.memory_space<hbm>> -> memref<8x4096xf32, #tpu.memory_space<hbm>>
      %dma_wait3A_604 = arith.constant 0 : i32
      %dma_wait3A_605 = arith.constant 0 : i32
      %dma_wait3A_606 = tpu.memref_slice %arg7[%dma_wait3A_591, %dma_wait3A_604, %dma_wait3A_605] : memref<2x8x4096xf32, #tpu.memory_space<vmem>> -> memref<1x8x4096xf32, #tpu.memory_space<vmem>>
      %dma_wait3A_607 = tpu.memref_squeeze %dma_wait3A_606 : memref<1x8x4096xf32, #tpu.memory_space<vmem>> -> memref<8x4096xf32, #tpu.memory_space<vmem>>
      tpu.wait_dma2 semaphore(%arg8 : memref<!tpu.dma_semaphore, #tpu.memory_space<semaphore_mem>>) src(%dma_wait3A_607 : memref<8x4096xf32, #tpu.memory_space<vmem>>) dst(%dma_wait3A_603 : memref<8x4096xf32, #tpu.memory_space<hbm>>)
      %mul3A_608 = arith.constant 512 : i32
      %mul3A_609 = arith.muli %add3A_549, %mul3A_608 : i32
      %add3A_610 = arith.constant 0 : i32
      %add3A_611 = arith.addi %mul3A_609, %add3A_610 : i32
      %get3A_612 = arith.index_cast %add3A_611 : i32 to index
      %get3A_613 = tpu.vector_load %arg5[%get3A_612] {strides = array<i32>} : memref<32768xi32, #tpu.memory_space<vmem>>, vector<16xi32>,
      %mul3A_614 = arith.constant 512 : i32
      %mul3A_615 = arith.muli %add3A_549, %mul3A_614 : i32
      %add3A_616 = arith.constant 16 : i32
      %add3A_617 = arith.addi %mul3A_615, %add3A_616 : i32
      %get3A_618 = arith.index_cast %add3A_617 : i32 to index
      %get3A_619 = tpu.vector_load %arg5[%get3A_618] {strides = array<i32>} : memref<32768xi32, #tpu.memory_space<vmem>>, vector<16xi32>,
      %mul3A_620 = arith.constant 512 : i32
      %mul3A_621 = arith.muli %add3A_549, %mul3A_620 : i32
      %add3A_622 = arith.constant 32 : i32
      %add3A_623 = arith.addi %mul3A_621, %add3A_622 : i32
      %get3A_624 = arith.index_cast %add3A_623 : i32 to index
      %get3A_625 = tpu.vector_load %arg5[%get3A_624] {strides = array<i32>} : memref<32768xi32, #tpu.memory_space<vmem>>, vector<16xi32>,
      %mul3A_626 = arith.constant 512 : i32
      %mul3A_627 = arith.muli %add3A_549, %mul3A_626 : i32
      %add3A_628 = arith.constant 48 : i32
      %add3A_629 = arith.addi %mul3A_627, %add3A_628 : i32
      %get3A_630 = arith.index_cast %add3A_629 : i32 to index
      %get3A_631 = tpu.vector_load %arg5[%get3A_630] {strides = array<i32>} : memref<32768xi32, #tpu.memory_space<vmem>>, vector<16xi32>,
      %mul3A_632 = arith.constant 512 : i32
      %mul3A_633 = arith.muli %add3A_549, %mul3A_632 : i32
      %add3A_634 = arith.constant 64 : i32
      %add3A_635 = arith.addi %mul3A_633, %add3A_634 : i32
      %get3A_636 = arith.index_cast %add3A_635 : i32 to index
      %get3A_637 = tpu.vector_load %arg5[%get3A_636] {strides = array<i32>} : memref<32768xi32, #tpu.memory_space<vmem>>, vector<16xi32>,
      %mul3A_638 = arith.constant 512 : i32
      %mul3A_639 = arith.muli %add3A_549, %mul3A_638 : i32
      %add3A_640 = arith.constant 80 : i32
      %add3A_641 = arith.addi %mul3A_639, %add3A_640 : i32
      %get3A_642 = arith.index_cast %add3A_641 : i32 to index
      %get3A_643 = tpu.vector_load %arg5[%get3A_642] {strides = array<i32>} : memref<32768xi32, #tpu.memory_space<vmem>>, vector<16xi32>,
      %mul3A_644 = arith.constant 512 : i32
      %mul3A_645 = arith.muli %add3A_549, %mul3A_644 : i32
      %add3A_646 = arith.constant 96 : i32
      %add3A_647 = arith.addi %mul3A_645, %add3A_646 : i32
      %get3A_648 = arith.index_cast %add3A_647 : i32 to index
      %get3A_649 = tpu.vector_load %arg5[%get3A_648] {strides = array<i32>} : memref<32768xi32, #tpu.memory_space<vmem>>, vector<16xi32>,
      %mul3A_650 = arith.constant 512 : i32
      %mul3A_651 = arith.muli %add3A_549, %mul3A_650 : i32
      %add3A_652 = arith.constant 112 : i32
      %add3A_653 = arith.addi %mul3A_651, %add3A_652 : i32
      %get3A_654 = arith.index_cast %add3A_653 : i32 to index
      %get3A_655 = tpu.vector_load %arg5[%get3A_654] {strides = array<i32>} : memref<32768xi32, #tpu.memory_space<vmem>>, vector<16xi32>,
      %mul3A_656 = arith.constant 512 : i32
      %mul3A_657 = arith.muli %add3A_549, %mul3A_656 : i32
      %add3A_658 = arith.constant 128 : i32
      %add3A_659 = arith.addi %mul3A_657, %add3A_658 : i32
      %get3A_660 = arith.index_cast %add3A_659 : i32 to index
      %get3A_661 = tpu.vector_load %arg5[%get3A_660] {strides = array<i32>} : memref<32768xi32, #tpu.memory_space<vmem>>, vector<16xi32>,
      %mul3A_662 = arith.constant 512 : i32
      %mul3A_663 = arith.muli %add3A_549, %mul3A_662 : i32
      %add3A_664 = arith.constant 144 : i32
      %add3A_665 = arith.addi %mul3A_663, %add3A_664 : i32
      %get3A_666 = arith.index_cast %add3A_665 : i32 to index
      %get3A_667 = tpu.vector_load %arg5[%get3A_666] {strides = array<i32>} : memref<32768xi32, #tpu.memory_space<vmem>>, vector<16xi32>,
      %mul3A_668 = arith.constant 512 : i32
      %mul3A_669 = arith.muli %add3A_549, %mul3A_668 : i32
      %add3A_670 = arith.constant 160 : i32
      %add3A_671 = arith.addi %mul3A_669, %add3A_670 : i32
      %get3A_672 = arith.index_cast %add3A_671 : i32 to index
      %get3A_673 = tpu.vector_load %arg5[%get3A_672] {strides = array<i32>} : memref<32768xi32, #tpu.memory_space<vmem>>, vector<16xi32>,
      %mul3A_674 = arith.constant 512 : i32
      %mul3A_675 = arith.muli %add3A_549, %mul3A_674 : i32
      %add3A_676 = arith.constant 176 : i32
      %add3A_677 = arith.addi %mul3A_675, %add3A_676 : i32
      %get3A_678 = arith.index_cast %add3A_677 : i32 to index
      %get3A_679 = tpu.vector_load %arg5[%get3A_678] {strides = array<i32>} : memref<32768xi32, #tpu.memory_space<vmem>>, vector<16xi32>,
      %mul3A_680 = arith.constant 512 : i32
      %mul3A_681 = arith.muli %add3A_549, %mul3A_680 : i32
      %add3A_682 = arith.constant 192 : i32
      %add3A_683 = arith.addi %mul3A_681, %add3A_682 : i32
      %get3A_684 = arith.index_cast %add3A_683 : i32 to index
      %get3A_685 = tpu.vector_load %arg5[%get3A_684] {strides = array<i32>} : memref<32768xi32, #tpu.memory_space<vmem>>, vector<16xi32>,
      %mul3A_686 = arith.constant 512 : i32
      %mul3A_687 = arith.muli %add3A_549, %mul3A_686 : i32
      %add3A_688 = arith.constant 208 : i32
      %add3A_689 = arith.addi %mul3A_687, %add3A_688 : i32
      %get3A_690 = arith.index_cast %add3A_689 : i32 to index
      %get3A_691 = tpu.vector_load %arg5[%get3A_690] {strides = array<i32>} : memref<32768xi32, #tpu.memory_space<vmem>>, vector<16xi32>,
      %mul3A_692 = arith.constant 512 : i32
      %mul3A_693 = arith.muli %add3A_549, %mul3A_692 : i32
      %add3A_694 = arith.constant 224 : i32
      %add3A_695 = arith.addi %mul3A_693, %add3A_694 : i32
      %get3A_696 = arith.index_cast %add3A_695 : i32 to index
      %get3A_697 = tpu.vector_load %arg5[%get3A_696] {strides = array<i32>} : memref<32768xi32, #tpu.memory_space<vmem>>, vector<16xi32>,
      %mul3A_698 = arith.constant 512 : i32
      %mul3A_699 = arith.muli %add3A_549, %mul3A_698 : i32
      %add3A_700 = arith.constant 240 : i32
      %add3A_701 = arith.addi %mul3A_699, %add3A_700 : i32
      %get3A_702 = arith.index_cast %add3A_701 : i32 to index
      %get3A_703 = tpu.vector_load %arg5[%get3A_702] {strides = array<i32>} : memref<32768xi32, #tpu.memory_space<vmem>>, vector<16xi32>,
      %mul3A_704 = arith.constant 512 : i32
      %mul3A_705 = arith.muli %add3A_549, %mul3A_704 : i32
      %add3A_706 = arith.constant 256 : i32
      %add3A_707 = arith.addi %mul3A_705, %add3A_706 : i32
      %get3A_708 = arith.index_cast %add3A_707 : i32 to index
      %get3A_709 = tpu.vector_load %arg5[%get3A_708] {strides = array<i32>} : memref<32768xi32, #tpu.memory_space<vmem>>, vector<16xi32>,
      %mul3A_710 = arith.constant 512 : i32
      %mul3A_711 = arith.muli %add3A_549, %mul3A_710 : i32
      %add3A_712 = arith.constant 272 : i32
      %add3A_713 = arith.addi %mul3A_711, %add3A_712 : i32
      %get3A_714 = arith.index_cast %add3A_713 : i32 to index
      %get3A_715 = tpu.vector_load %arg5[%get3A_714] {strides = array<i32>} : memref<32768xi32, #tpu.memory_space<vmem>>, vector<16xi32>,
      %mul3A_716 = arith.constant 512 : i32
      %mul3A_717 = arith.muli %add3A_549, %mul3A_716 : i32
      %add3A_718 = arith.constant 288 : i32
      %add3A_719 = arith.addi %mul3A_717, %add3A_718 : i32
      %get3A_720 = arith.index_cast %add3A_719 : i32 to index
      %get3A_721 = tpu.vector_load %arg5[%get3A_720] {strides = array<i32>} : memref<32768xi32, #tpu.memory_space<vmem>>, vector<16xi32>,
      %mul3A_722 = arith.constant 512 : i32
      %mul3A_723 = arith.muli %add3A_549, %mul3A_722 : i32
      %add3A_724 = arith.constant 304 : i32
      %add3A_725 = arith.addi %mul3A_723, %add3A_724 : i32
      %get3A_726 = arith.index_cast %add3A_725 : i32 to index
      %get3A_727 = tpu.vector_load %arg5[%get3A_726] {strides = array<i32>} : memref<32768xi32, #tpu.memory_space<vmem>>, vector<16xi32>,
      %mul3A_728 = arith.constant 512 : i32
      %mul3A_729 = arith.muli %add3A_549, %mul3A_728 : i32
      %add3A_730 = arith.constant 320 : i32
      %add3A_731 = arith.addi %mul3A_729, %add3A_730 : i32
      %get3A_732 = arith.index_cast %add3A_731 : i32 to index
      %get3A_733 = tpu.vector_load %arg5[%get3A_732] {strides = array<i32>} : memref<32768xi32, #tpu.memory_space<vmem>>, vector<16xi32>,
      %mul3A_734 = arith.constant 512 : i32
      %mul3A_735 = arith.muli %add3A_549, %mul3A_734 : i32
      %add3A_736 = arith.constant 336 : i32
      %add3A_737 = arith.addi %mul3A_735, %add3A_736 : i32
      %get3A_738 = arith.index_cast %add3A_737 : i32 to index
      %get3A_739 = tpu.vector_load %arg5[%get3A_738] {strides = array<i32>} : memref<32768xi32, #tpu.memory_space<vmem>>, vector<16xi32>,
      %mul3A_740 = arith.constant 512 : i32
      %mul3A_741 = arith.muli %add3A_549, %mul3A_740 : i32
      %add3A_742 = arith.constant 352 : i32
      %add3A_743 = arith.addi %mul3A_741, %add3A_742 : i32
      %get3A_744 = arith.index_cast %add3A_743 : i32 to index
      %get3A_745 = tpu.vector_load %arg5[%get3A_744] {strides = array<i32>} : memref<32768xi32, #tpu.memory_space<vmem>>, vector<16xi32>,
      %mul3A_746 = arith.constant 512 : i32
      %mul3A_747 = arith.muli %add3A_549, %mul3A_746 : i32
      %add3A_748 = arith.constant 368 : i32
      %add3A_749 = arith.addi %mul3A_747, %add3A_748 : i32
      %get3A_750 = arith.index_cast %add3A_749 : i32 to index
      %get3A_751 = tpu.vector_load %arg5[%get3A_750] {strides = array<i32>} : memref<32768xi32, #tpu.memory_space<vmem>>, vector<16xi32>,
      %mul3A_752 = arith.constant 512 : i32
      %mul3A_753 = arith.muli %add3A_549, %mul3A_752 : i32
      %add3A_754 = arith.constant 384 : i32
      %add3A_755 = arith.addi %mul3A_753, %add3A_754 : i32
      %get3A_756 = arith.index_cast %add3A_755 : i32 to index
      %get3A_757 = tpu.vector_load %arg5[%get3A_756] {strides = array<i32>} : memref<32768xi32, #tpu.memory_space<vmem>>, vector<16xi32>,
      %mul3A_758 = arith.constant 512 : i32
      %mul3A_759 = arith.muli %add3A_549, %mul3A_758 : i32
      %add3A_760 = arith.constant 400 : i32
      %add3A_761 = arith.addi %mul3A_759, %add3A_760 : i32
      %get3A_762 = arith.index_cast %add3A_761 : i32 to index
      %get3A_763 = tpu.vector_load %arg5[%get3A_762] {strides = array<i32>} : memref<32768xi32, #tpu.memory_space<vmem>>, vector<16xi32>,
      %mul3A_764 = arith.constant 512 : i32
      %mul3A_765 = arith.muli %add3A_549, %mul3A_764 : i32
      %add3A_766 = arith.constant 416 : i32
      %add3A_767 = arith.addi %mul3A_765, %add3A_766 : i32
      %get3A_768 = arith.index_cast %add3A_767 : i32 to index
      %get3A_769 = tpu.vector_load %arg5[%get3A_768] {strides = array<i32>} : memref<32768xi32, #tpu.memory_space<vmem>>, vector<16xi32>,
      %mul3A_770 = arith.constant 512 : i32
      %mul3A_771 = arith.muli %add3A_549, %mul3A_770 : i32
      %add3A_772 = arith.constant 432 : i32
      %add3A_773 = arith.addi %mul3A_771, %add3A_772 : i32
      %get3A_774 = arith.index_cast %add3A_773 : i32 to index
      %get3A_775 = tpu.vector_load %arg5[%get3A_774] {strides = array<i32>} : memref<32768xi32, #tpu.memory_space<vmem>>, vector<16xi32>,
      %mul3A_776 = arith.constant 512 : i32
      %mul3A_777 = arith.muli %add3A_549, %mul3A_776 : i32
      %add3A_778 = arith.constant 448 : i32
      %add3A_779 = arith.addi %mul3A_777, %add3A_778 : i32
      %get3A_780 = arith.index_cast %add3A_779 : i32 to index
      %get3A_781 = tpu.vector_load %arg5[%get3A_780] {strides = array<i32>} : memref<32768xi32, #tpu.memory_space<vmem>>, vector<16xi32>,
      %mul3A_782 = arith.constant 512 : i32
      %mul3A_783 = arith.muli %add3A_549, %mul3A_782 : i32
      %add3A_784 = arith.constant 464 : i32
      %add3A_785 = arith.addi %mul3A_783, %add3A_784 : i32
      %get3A_786 = arith.index_cast %add3A_785 : i32 to index
      %get3A_787 = tpu.vector_load %arg5[%get3A_786] {strides = array<i32>} : memref<32768xi32, #tpu.memory_space<vmem>>, vector<16xi32>,
      %mul3A_788 = arith.constant 512 : i32
      %mul3A_789 = arith.muli %add3A_549, %mul3A_788 : i32
      %add3A_790 = arith.constant 480 : i32
      %add3A_791 = arith.addi %mul3A_789, %add3A_790 : i32
      %get3A_792 = arith.index_cast %add3A_791 : i32 to index
      %get3A_793 = tpu.vector_load %arg5[%get3A_792] {strides = array<i32>} : memref<32768xi32, #tpu.memory_space<vmem>>, vector<16xi32>,
      %mul3A_794 = arith.constant 512 : i32
      %mul3A_795 = arith.muli %add3A_549, %mul3A_794 : i32
      %add3A_796 = arith.constant 496 : i32
      %add3A_797 = arith.addi %mul3A_795, %add3A_796 : i32
      %get3A_798 = arith.index_cast %add3A_797 : i32 to index
      %get3A_799 = tpu.vector_load %arg5[%get3A_798] {strides = array<i32>} : memref<32768xi32, #tpu.memory_space<vmem>>, vector<16xi32>,
      %parallel_loop3A_800 = arith.constant 0 : i32
      %parallel_loop3A_801 = arith.constant 64 : i32
      %parallel_loop3A_802 = arith.constant 1 : i32
      scf.for %parallel_loop3A_861 = %parallel_loop3A_800 to %parallel_loop3A_801 step %parallel_loop3A_802  : i32 {
        %parallel_loop3A_862 = arith.constant 384 : i32
        %parallel_loop3A_863 = arith.muli %parallel_loop3A_861, %parallel_loop3A_862 : i32
        %parallel_loop3A_864 = vector.broadcast %parallel_loop3A_863 : i32 to vector<16xi32>
        %parallel_loop3A_865 = arith.addi %get3A_613, %parallel_loop3A_864 : vector<16xi32>
        %parallel_loop3A_866 = tpu.vector_load_idx %arg6[%parallel_loop3A_865] : memref<24576xf32, #tpu.memory_space<vmem>>[vector<16xi32>], vector<16xf32>,
        %parallel_loop3A_867 = arith.constant 8 : i32
        %parallel_loop3A_868 = arith.constant 0 : i32
        %parallel_loop3A_869 = arith.cmpi eq, %parallel_loop3A_867, %parallel_loop3A_868 : i32
        %parallel_loop3A_870 = arith.constant 1 : i32
        %parallel_loop3A_871 = arith.select %parallel_loop3A_869, %parallel_loop3A_870, %parallel_loop3A_867 : i32
        %parallel_loop3A_872 = arith.remsi %parallel_loop3A_861, %parallel_loop3A_871 : i32
        %parallel_loop3A_873 = arith.constant 0 : i32
        %parallel_loop3A_874 = arith.cmpi ne, %parallel_loop3A_872, %parallel_loop3A_873 : i32
        %parallel_loop3A_875 = arith.constant 0 : i32
        %parallel_loop3A_876 = arith.cmpi slt, %parallel_loop3A_872, %parallel_loop3A_875 : i32
        %parallel_loop3A_877 = arith.constant 0 : i32
        %parallel_loop3A_878 = arith.cmpi slt, %parallel_loop3A_871, %parallel_loop3A_877 : i32
        %parallel_loop3A_879 = arith.xori %parallel_loop3A_876, %parallel_loop3A_878 : i1
        %parallel_loop3A_880 = arith.andi %parallel_loop3A_879, %parallel_loop3A_874 : i1
        %parallel_loop3A_881 = arith.addi %parallel_loop3A_872, %parallel_loop3A_871 : i32
        %parallel_loop3A_882 = arith.select %parallel_loop3A_880, %parallel_loop3A_881, %parallel_loop3A_872 : i32
        %parallel_loop3A_883 = arith.constant 128 : i32
        %parallel_loop3A_884 = arith.muli %parallel_loop3A_882, %parallel_loop3A_883 : i32
        %parallel_loop3A_885 = arith.constant 0 : i32
        %parallel_loop3A_886 = arith.addi %parallel_loop3A_885, %parallel_loop3A_884 : i32
        %parallel_loop3A_887 = arith.constant 0 : i32
        %parallel_loop3A_888 = arith.addi %parallel_loop3A_886, %parallel_loop3A_887 : i32
        %parallel_loop3A_889 = arith.constant 8 : i32
        %parallel_loop3A_890 = arith.divsi %parallel_loop3A_861, %parallel_loop3A_889 : i32
        %parallel_loop3A_891 = arith.constant 0 : i32
        %parallel_loop3A_892 = arith.cmpi sgt, %parallel_loop3A_861, %parallel_loop3A_891 : i32
        %parallel_loop3A_893 = arith.extui %parallel_loop3A_892 : i1 to i32
        %parallel_loop3A_894 = arith.constant 0 : i32
        %parallel_loop3A_895 = arith.cmpi slt, %parallel_loop3A_861, %parallel_loop3A_894 : i32
        %parallel_loop3A_896 = arith.extui %parallel_loop3A_895 : i1 to i32
        %parallel_loop3A_897 = arith.subi %parallel_loop3A_893, %parallel_loop3A_896 : i32
        %parallel_loop3A_898 = arith.constant 0 : i32
        %parallel_loop3A_899 = arith.cmpi sgt, %parallel_loop3A_889, %parallel_loop3A_898 : i32
        %parallel_loop3A_900 = arith.extui %parallel_loop3A_899 : i1 to i32
        %parallel_loop3A_901 = arith.constant 0 : i32
        %parallel_loop3A_902 = arith.cmpi slt, %parallel_loop3A_889, %parallel_loop3A_901 : i32
        %parallel_loop3A_903 = arith.extui %parallel_loop3A_902 : i1 to i32
        %parallel_loop3A_904 = arith.subi %parallel_loop3A_900, %parallel_loop3A_903 : i32
        %parallel_loop3A_905 = arith.cmpi ne, %parallel_loop3A_897, %parallel_loop3A_904 : i32
        %parallel_loop3A_906 = arith.remsi %parallel_loop3A_861, %parallel_loop3A_889 : i32
        %parallel_loop3A_907 = arith.constant 0 : i32
        %parallel_loop3A_908 = arith.cmpi ne, %parallel_loop3A_906, %parallel_loop3A_907 : i32
        %parallel_loop3A_909 = arith.andi %parallel_loop3A_905, %parallel_loop3A_908 : i1
        %parallel_loop3A_910 = arith.constant 1 : i32
        %parallel_loop3A_911 = arith.subi %parallel_loop3A_890, %parallel_loop3A_910 : i32
        %parallel_loop3A_912 = arith.select %parallel_loop3A_909, %parallel_loop3A_911, %parallel_loop3A_890 : i32
        %parallel_loop3A_913 = arith.constant 1 : i32
        %parallel_loop3A_914 = arith.index_cast %parallel_loop3A_913 : i32 to index
        %parallel_loop3A_915 = arith.index_cast %parallel_loop3A_912 : i32 to index
        %parallel_loop3A_916 = arith.index_cast %parallel_loop3A_888 : i32 to index
        %parallel_loop3A_917 = tpu.vector_load %arg7[%parallel_loop3A_914, %parallel_loop3A_915, %parallel_loop3A_916] {strides = array<i32>} : memref<2x8x4096xf32, #tpu.memory_space<vmem>>, vector<16xf32>,
        tpu.vector_store %arg7[%parallel_loop3A_914, %parallel_loop3A_915, %parallel_loop3A_916], %parallel_loop3A_866 {strides = array<i32>} : memref<2x8x4096xf32, #tpu.memory_space<vmem>>, vector<16xf32>,
        %parallel_loop3A_918 = vector.broadcast %parallel_loop3A_863 : i32 to vector<16xi32>
        %parallel_loop3A_919 = arith.addi %get3A_619, %parallel_loop3A_918 : vector<16xi32>
        %parallel_loop3A_920 = tpu.vector_load_idx %arg6[%parallel_loop3A_919] : memref<24576xf32, #tpu.memory_space<vmem>>[vector<16xi32>], vector<16xf32>,
        %parallel_loop3A_921 = arith.constant 8 : i32
        %parallel_loop3A_922 = arith.constant 0 : i32
        %parallel_loop3A_923 = arith.cmpi eq, %parallel_loop3A_921, %parallel_loop3A_922 : i32
        %parallel_loop3A_924 = arith.constant 1 : i32
        %parallel_loop3A_925 = arith.select %parallel_loop3A_923, %parallel_loop3A_924, %parallel_loop3A_921 : i32
        %parallel_loop3A_926 = arith.remsi %parallel_loop3A_861, %parallel_loop3A_925 : i32
        %parallel_loop3A_927 = arith.constant 0 : i32
        %parallel_loop3A_928 = arith.cmpi ne, %parallel_loop3A_926, %parallel_loop3A_927 : i32
        %parallel_loop3A_929 = arith.constant 0 : i32
        %parallel_loop3A_930 = arith.cmpi slt, %parallel_loop3A_926, %parallel_loop3A_929 : i32
        %parallel_loop3A_931 = arith.constant 0 : i32
        %parallel_loop3A_932 = arith.cmpi slt, %parallel_loop3A_925, %parallel_loop3A_931 : i32
        %parallel_loop3A_933 = arith.xori %parallel_loop3A_930, %parallel_loop3A_932 : i1
        %parallel_loop3A_934 = arith.andi %parallel_loop3A_933, %parallel_loop3A_928 : i1
        %parallel_loop3A_935 = arith.addi %parallel_loop3A_926, %parallel_loop3A_925 : i32
        %parallel_loop3A_936 = arith.select %parallel_loop3A_934, %parallel_loop3A_935, %parallel_loop3A_926 : i32
        %parallel_loop3A_937 = arith.constant 128 : i32
        %parallel_loop3A_938 = arith.muli %parallel_loop3A_936, %parallel_loop3A_937 : i32
        %parallel_loop3A_939 = arith.constant 0 : i32
        %parallel_loop3A_940 = arith.addi %parallel_loop3A_939, %parallel_loop3A_938 : i32
        %parallel_loop3A_941 = arith.constant 16 : i32
        %parallel_loop3A_942 = arith.addi %parallel_loop3A_940, %parallel_loop3A_941 : i32
        %parallel_loop3A_943 = arith.constant 8 : i32
        %parallel_loop3A_944 = arith.divsi %parallel_loop3A_861, %parallel_loop3A_943 : i32
        %parallel_loop3A_945 = arith.constant 0 : i32
        %parallel_loop3A_946 = arith.cmpi sgt, %parallel_loop3A_861, %parallel_loop3A_945 : i32
        %parallel_loop3A_947 = arith.extui %parallel_loop3A_946 : i1 to i32
        %parallel_loop3A_948 = arith.constant 0 : i32
        %parallel_loop3A_949 = arith.cmpi slt, %parallel_loop3A_861, %parallel_loop3A_948 : i32
        %parallel_loop3A_950 = arith.extui %parallel_loop3A_949 : i1 to i32
        %parallel_loop3A_951 = arith.subi %parallel_loop3A_947, %parallel_loop3A_950 : i32
        %parallel_loop3A_952 = arith.constant 0 : i32
        %parallel_loop3A_953 = arith.cmpi sgt, %parallel_loop3A_943, %parallel_loop3A_952 : i32
        %parallel_loop3A_954 = arith.extui %parallel_loop3A_953 : i1 to i32
        %parallel_loop3A_955 = arith.constant 0 : i32
        %parallel_loop3A_956 = arith.cmpi slt, %parallel_loop3A_943, %parallel_loop3A_955 : i32
        %parallel_loop3A_957 = arith.extui %parallel_loop3A_956 : i1 to i32
        %parallel_loop3A_958 = arith.subi %parallel_loop3A_954, %parallel_loop3A_957 : i32
        %parallel_loop3A_959 = arith.cmpi ne, %parallel_loop3A_951, %parallel_loop3A_958 : i32
        %parallel_loop3A_960 = arith.remsi %parallel_loop3A_861, %parallel_loop3A_943 : i32
        %parallel_loop3A_961 = arith.constant 0 : i32
        %parallel_loop3A_962 = arith.cmpi ne, %parallel_loop3A_960, %parallel_loop3A_961 : i32
        %parallel_loop3A_963 = arith.andi %parallel_loop3A_959, %parallel_loop3A_962 : i1
        %parallel_loop3A_964 = arith.constant 1 : i32
        %parallel_loop3A_965 = arith.subi %parallel_loop3A_944, %parallel_loop3A_964 : i32
        %parallel_loop3A_966 = arith.select %parallel_loop3A_963, %parallel_loop3A_965, %parallel_loop3A_944 : i32
        %parallel_loop3A_967 = arith.constant 1 : i32
        %parallel_loop3A_968 = arith.index_cast %parallel_loop3A_967 : i32 to index
        %parallel_loop3A_969 = arith.index_cast %parallel_loop3A_966 : i32 to index
        %parallel_loop3A_970 = arith.index_cast %parallel_loop3A_942 : i32 to index
        %parallel_loop3A_971 = tpu.vector_load %arg7[%parallel_loop3A_968, %parallel_loop3A_969, %parallel_loop3A_970] {strides = array<i32>} : memref<2x8x4096xf32, #tpu.memory_space<vmem>>, vector<16xf32>,
        tpu.vector_store %arg7[%parallel_loop3A_968, %parallel_loop3A_969, %parallel_loop3A_970], %parallel_loop3A_920 {strides = array<i32>} : memref<2x8x4096xf32, #tpu.memory_space<vmem>>, vector<16xf32>,
        %parallel_loop3A_972 = vector.broadcast %parallel_loop3A_863 : i32 to vector<16xi32>
        %parallel_loop3A_973 = arith.addi %get3A_625, %parallel_loop3A_972 : vector<16xi32>
        %parallel_loop3A_974 = tpu.vector_load_idx %arg6[%parallel_loop3A_973] : memref<24576xf32, #tpu.memory_space<vmem>>[vector<16xi32>], vector<16xf32>,
        %parallel_loop3A_975 = arith.constant 8 : i32
        %parallel_loop3A_976 = arith.constant 0 : i32
        %parallel_loop3A_977 = arith.cmpi eq, %parallel_loop3A_975, %parallel_loop3A_976 : i32
        %parallel_loop3A_978 = arith.constant 1 : i32
        %parallel_loop3A_979 = arith.select %parallel_loop3A_977, %parallel_loop3A_978, %parallel_loop3A_975 : i32
        %parallel_loop3A_980 = arith.remsi %parallel_loop3A_861, %parallel_loop3A_979 : i32
        %parallel_loop3A_981 = arith.constant 0 : i32
        %parallel_loop3A_982 = arith.cmpi ne, %parallel_loop3A_980, %parallel_loop3A_981 : i32
        %parallel_loop3A_983 = arith.constant 0 : i32
        %parallel_loop3A_984 = arith.cmpi slt, %parallel_loop3A_980, %parallel_loop3A_983 : i32
        %parallel_loop3A_985 = arith.constant 0 : i32
        %parallel_loop3A_986 = arith.cmpi slt, %parallel_loop3A_979, %parallel_loop3A_985 : i32
        %parallel_loop3A_987 = arith.xori %parallel_loop3A_984, %parallel_loop3A_986 : i1
        %parallel_loop3A_988 = arith.andi %parallel_loop3A_987, %parallel_loop3A_982 : i1
        %parallel_loop3A_989 = arith.addi %parallel_loop3A_980, %parallel_loop3A_979 : i32
        %parallel_loop3A_990 = arith.select %parallel_loop3A_988, %parallel_loop3A_989, %parallel_loop3A_980 : i32
        %parallel_loop3A_991 = arith.constant 128 : i32
        %parallel_loop3A_992 = arith.muli %parallel_loop3A_990, %parallel_loop3A_991 : i32
        %parallel_loop3A_993 = arith.constant 0 : i32
        %parallel_loop3A_994 = arith.addi %parallel_loop3A_993, %parallel_loop3A_992 : i32
        %parallel_loop3A_995 = arith.constant 32 : i32
        %parallel_loop3A_996 = arith.addi %parallel_loop3A_994, %parallel_loop3A_995 : i32
        %parallel_loop3A_997 = arith.constant 8 : i32
        %parallel_loop3A_998 = arith.divsi %parallel_loop3A_861, %parallel_loop3A_997 : i32
        %parallel_loop3A_999 = arith.constant 0 : i32
        %parallel_loop3A_1000 = arith.cmpi sgt, %parallel_loop3A_861, %parallel_loop3A_999 : i32
        %parallel_loop3A_1001 = arith.extui %parallel_loop3A_1000 : i1 to i32
        %parallel_loop3A_1002 = arith.constant 0 : i32
        %parallel_loop3A_1003 = arith.cmpi slt, %parallel_loop3A_861, %parallel_loop3A_1002 : i32
        %parallel_loop3A_1004 = arith.extui %parallel_loop3A_1003 : i1 to i32
        %parallel_loop3A_1005 = arith.subi %parallel_loop3A_1001, %parallel_loop3A_1004 : i32
        %parallel_loop3A_1006 = arith.constant 0 : i32
        %parallel_loop3A_1007 = arith.cmpi sgt, %parallel_loop3A_997, %parallel_loop3A_1006 : i32
        %parallel_loop3A_1008 = arith.extui %parallel_loop3A_1007 : i1 to i32
        %parallel_loop3A_1009 = arith.constant 0 : i32
        %parallel_loop3A_1010 = arith.cmpi slt, %parallel_loop3A_997, %parallel_loop3A_1009 : i32
        %parallel_loop3A_1011 = arith.extui %parallel_loop3A_1010 : i1 to i32
        %parallel_loop3A_1012 = arith.subi %parallel_loop3A_1008, %parallel_loop3A_1011 : i32
        %parallel_loop3A_1013 = arith.cmpi ne, %parallel_loop3A_1005, %parallel_loop3A_1012 : i32
        %parallel_loop3A_1014 = arith.remsi %parallel_loop3A_861, %parallel_loop3A_997 : i32
        %parallel_loop3A_1015 = arith.constant 0 : i32
        %parallel_loop3A_1016 = arith.cmpi ne, %parallel_loop3A_1014, %parallel_loop3A_1015 : i32
        %parallel_loop3A_1017 = arith.andi %parallel_loop3A_1013, %parallel_loop3A_1016 : i1
        %parallel_loop3A_1018 = arith.constant 1 : i32
        %parallel_loop3A_1019 = arith.subi %parallel_loop3A_998, %parallel_loop3A_1018 : i32
        %parallel_loop3A_1020 = arith.select %parallel_loop3A_1017, %parallel_loop3A_1019, %parallel_loop3A_998 : i32
        %parallel_loop3A_1021 = arith.constant 1 : i32
        %parallel_loop3A_1022 = arith.index_cast %parallel_loop3A_1021 : i32 to index
        %parallel_loop3A_1023 = arith.index_cast %parallel_loop3A_1020 : i32 to index
        %parallel_loop3A_1024 = arith.index_cast %parallel_loop3A_996 : i32 to index
        %parallel_loop3A_1025 = tpu.vector_load %arg7[%parallel_loop3A_1022, %parallel_loop3A_1023, %parallel_loop3A_1024] {strides = array<i32>} : memref<2x8x4096xf32, #tpu.memory_space<vmem>>, vector<16xf32>,
        tpu.vector_store %arg7[%parallel_loop3A_1022, %parallel_loop3A_1023, %parallel_loop3A_1024], %parallel_loop3A_974 {strides = array<i32>} : memref<2x8x4096xf32, #tpu.memory_space<vmem>>, vector<16xf32>,
        %parallel_loop3A_1026 = vector.broadcast %parallel_loop3A_863 : i32 to vector<16xi32>
        %parallel_loop3A_1027 = arith.addi %get3A_631, %parallel_loop3A_1026 : vector<16xi32>
        %parallel_loop3A_1028 = tpu.vector_load_idx %arg6[%parallel_loop3A_1027] : memref<24576xf32, #tpu.memory_space<vmem>>[vector<16xi32>], vector<16xf32>,
        %parallel_loop3A_1029 = arith.constant 8 : i32
        %parallel_loop3A_1030 = arith.constant 0 : i32
        %parallel_loop3A_1031 = arith.cmpi eq, %parallel_loop3A_1029, %parallel_loop3A_1030 : i32
        %parallel_loop3A_1032 = arith.constant 1 : i32
        %parallel_loop3A_1033 = arith.select %parallel_loop3A_1031, %parallel_loop3A_1032, %parallel_loop3A_1029 : i32
        %parallel_loop3A_1034 = arith.remsi %parallel_loop3A_861, %parallel_loop3A_1033 : i32
        %parallel_loop3A_1035 = arith.constant 0 : i32
        %parallel_loop3A_1036 = arith.cmpi ne, %parallel_loop3A_1034, %parallel_loop3A_1035 : i32
        %parallel_loop3A_1037 = arith.constant 0 : i32
        %parallel_loop3A_1038 = arith.cmpi slt, %parallel_loop3A_1034, %parallel_loop3A_1037 : i32
        %parallel_loop3A_1039 = arith.constant 0 : i32
        %parallel_loop3A_1040 = arith.cmpi slt, %parallel_loop3A_1033, %parallel_loop3A_1039 : i32
        %parallel_loop3A_1041 = arith.xori %parallel_loop3A_1038, %parallel_loop3A_1040 : i1
        %parallel_loop3A_1042 = arith.andi %parallel_loop3A_1041, %parallel_loop3A_1036 : i1
        %parallel_loop3A_1043 = arith.addi %parallel_loop3A_1034, %parallel_loop3A_1033 : i32
        %parallel_loop3A_1044 = arith.select %parallel_loop3A_1042, %parallel_loop3A_1043, %parallel_loop3A_1034 : i32
        %parallel_loop3A_1045 = arith.constant 128 : i32
        %parallel_loop3A_1046 = arith.muli %parallel_loop3A_1044, %parallel_loop3A_1045 : i32
        %parallel_loop3A_1047 = arith.constant 0 : i32
        %parallel_loop3A_1048 = arith.addi %parallel_loop3A_1047, %parallel_loop3A_1046 : i32
        %parallel_loop3A_1049 = arith.constant 48 : i32
        %parallel_loop3A_1050 = arith.addi %parallel_loop3A_1048, %parallel_loop3A_1049 : i32
        %parallel_loop3A_1051 = arith.constant 8 : i32
        %parallel_loop3A_1052 = arith.divsi %parallel_loop3A_861, %parallel_loop3A_1051 : i32
        %parallel_loop3A_1053 = arith.constant 0 : i32
        %parallel_loop3A_1054 = arith.cmpi sgt, %parallel_loop3A_861, %parallel_loop3A_1053 : i32
        %parallel_loop3A_1055 = arith.extui %parallel_loop3A_1054 : i1 to i32
        %parallel_loop3A_1056 = arith.constant 0 : i32
        %parallel_loop3A_1057 = arith.cmpi slt, %parallel_loop3A_861, %parallel_loop3A_1056 : i32
        %parallel_loop3A_1058 = arith.extui %parallel_loop3A_1057 : i1 to i32
        %parallel_loop3A_1059 = arith.subi %parallel_loop3A_1055, %parallel_loop3A_1058 : i32
        %parallel_loop3A_1060 = arith.constant 0 : i32
        %parallel_loop3A_1061 = arith.cmpi sgt, %parallel_loop3A_1051, %parallel_loop3A_1060 : i32
        %parallel_loop3A_1062 = arith.extui %parallel_loop3A_1061 : i1 to i32
        %parallel_loop3A_1063 = arith.constant 0 : i32
        %parallel_loop3A_1064 = arith.cmpi slt, %parallel_loop3A_1051, %parallel_loop3A_1063 : i32
        %parallel_loop3A_1065 = arith.extui %parallel_loop3A_1064 : i1 to i32
        %parallel_loop3A_1066 = arith.subi %parallel_loop3A_1062, %parallel_loop3A_1065 : i32
        %parallel_loop3A_1067 = arith.cmpi ne, %parallel_loop3A_1059, %parallel_loop3A_1066 : i32
        %parallel_loop3A_1068 = arith.remsi %parallel_loop3A_861, %parallel_loop3A_1051 : i32
        %parallel_loop3A_1069 = arith.constant 0 : i32
        %parallel_loop3A_1070 = arith.cmpi ne, %parallel_loop3A_1068, %parallel_loop3A_1069 : i32
        %parallel_loop3A_1071 = arith.andi %parallel_loop3A_1067, %parallel_loop3A_1070 : i1
        %parallel_loop3A_1072 = arith.constant 1 : i32
        %parallel_loop3A_1073 = arith.subi %parallel_loop3A_1052, %parallel_loop3A_1072 : i32
        %parallel_loop3A_1074 = arith.select %parallel_loop3A_1071, %parallel_loop3A_1073, %parallel_loop3A_1052 : i32
        %parallel_loop3A_1075 = arith.constant 1 : i32
        %parallel_loop3A_1076 = arith.index_cast %parallel_loop3A_1075 : i32 to index
        %parallel_loop3A_1077 = arith.index_cast %parallel_loop3A_1074 : i32 to index
        %parallel_loop3A_1078 = arith.index_cast %parallel_loop3A_1050 : i32 to index
        %parallel_loop3A_1079 = tpu.vector_load %arg7[%parallel_loop3A_1076, %parallel_loop3A_1077, %parallel_loop3A_1078] {strides = array<i32>} : memref<2x8x4096xf32, #tpu.memory_space<vmem>>, vector<16xf32>,
        tpu.vector_store %arg7[%parallel_loop3A_1076, %parallel_loop3A_1077, %parallel_loop3A_1078], %parallel_loop3A_1028 {strides = array<i32>} : memref<2x8x4096xf32, #tpu.memory_space<vmem>>, vector<16xf32>,
        %parallel_loop3A_1080 = vector.broadcast %parallel_loop3A_863 : i32 to vector<16xi32>
        %parallel_loop3A_1081 = arith.addi %get3A_637, %parallel_loop3A_1080 : vector<16xi32>
        %parallel_loop3A_1082 = tpu.vector_load_idx %arg6[%parallel_loop3A_1081] : memref<24576xf32, #tpu.memory_space<vmem>>[vector<16xi32>], vector<16xf32>,
        %parallel_loop3A_1083 = arith.constant 8 : i32
        %parallel_loop3A_1084 = arith.constant 0 : i32
        %parallel_loop3A_1085 = arith.cmpi eq, %parallel_loop3A_1083, %parallel_loop3A_1084 : i32
        %parallel_loop3A_1086 = arith.constant 1 : i32
        %parallel_loop3A_1087 = arith.select %parallel_loop3A_1085, %parallel_loop3A_1086, %parallel_loop3A_1083 : i32
        %parallel_loop3A_1088 = arith.remsi %parallel_loop3A_861, %parallel_loop3A_1087 : i32
        %parallel_loop3A_1089 = arith.constant 0 : i32
        %parallel_loop3A_1090 = arith.cmpi ne, %parallel_loop3A_1088, %parallel_loop3A_1089 : i32
        %parallel_loop3A_1091 = arith.constant 0 : i32
        %parallel_loop3A_1092 = arith.cmpi slt, %parallel_loop3A_1088, %parallel_loop3A_1091 : i32
        %parallel_loop3A_1093 = arith.constant 0 : i32
        %parallel_loop3A_1094 = arith.cmpi slt, %parallel_loop3A_1087, %parallel_loop3A_1093 : i32
        %parallel_loop3A_1095 = arith.xori %parallel_loop3A_1092, %parallel_loop3A_1094 : i1
        %parallel_loop3A_1096 = arith.andi %parallel_loop3A_1095, %parallel_loop3A_1090 : i1
        %parallel_loop3A_1097 = arith.addi %parallel_loop3A_1088, %parallel_loop3A_1087 : i32
        %parallel_loop3A_1098 = arith.select %parallel_loop3A_1096, %parallel_loop3A_1097, %parallel_loop3A_1088 : i32
        %parallel_loop3A_1099 = arith.constant 128 : i32
        %parallel_loop3A_1100 = arith.muli %parallel_loop3A_1098, %parallel_loop3A_1099 : i32
        %parallel_loop3A_1101 = arith.constant 0 : i32
        %parallel_loop3A_1102 = arith.addi %parallel_loop3A_1101, %parallel_loop3A_1100 : i32
        %parallel_loop3A_1103 = arith.constant 64 : i32
        %parallel_loop3A_1104 = arith.addi %parallel_loop3A_1102, %parallel_loop3A_1103 : i32
        %parallel_loop3A_1105 = arith.constant 8 : i32
        %parallel_loop3A_1106 = arith.divsi %parallel_loop3A_861, %parallel_loop3A_1105 : i32
        %parallel_loop3A_1107 = arith.constant 0 : i32
        %parallel_loop3A_1108 = arith.cmpi sgt, %parallel_loop3A_861, %parallel_loop3A_1107 : i32
        %parallel_loop3A_1109 = arith.extui %parallel_loop3A_1108 : i1 to i32
        %parallel_loop3A_1110 = arith.constant 0 : i32
        %parallel_loop3A_1111 = arith.cmpi slt, %parallel_loop3A_861, %parallel_loop3A_1110 : i32
        %parallel_loop3A_1112 = arith.extui %parallel_loop3A_1111 : i1 to i32
        %parallel_loop3A_1113 = arith.subi %parallel_loop3A_1109, %parallel_loop3A_1112 : i32
        %parallel_loop3A_1114 = arith.constant 0 : i32
        %parallel_loop3A_1115 = arith.cmpi sgt, %parallel_loop3A_1105, %parallel_loop3A_1114 : i32
        %parallel_loop3A_1116 = arith.extui %parallel_loop3A_1115 : i1 to i32
        %parallel_loop3A_1117 = arith.constant 0 : i32
        %parallel_loop3A_1118 = arith.cmpi slt, %parallel_loop3A_1105, %parallel_loop3A_1117 : i32
        %parallel_loop3A_1119 = arith.extui %parallel_loop3A_1118 : i1 to i32
        %parallel_loop3A_1120 = arith.subi %parallel_loop3A_1116, %parallel_loop3A_1119 : i32
        %parallel_loop3A_1121 = arith.cmpi ne, %parallel_loop3A_1113, %parallel_loop3A_1120 : i32
        %parallel_loop3A_1122 = arith.remsi %parallel_loop3A_861, %parallel_loop3A_1105 : i32
        %parallel_loop3A_1123 = arith.constant 0 : i32
        %parallel_loop3A_1124 = arith.cmpi ne, %parallel_loop3A_1122, %parallel_loop3A_1123 : i32
        %parallel_loop3A_1125 = arith.andi %parallel_loop3A_1121, %parallel_loop3A_1124 : i1
        %parallel_loop3A_1126 = arith.constant 1 : i32
        %parallel_loop3A_1127 = arith.subi %parallel_loop3A_1106, %parallel_loop3A_1126 : i32
        %parallel_loop3A_1128 = arith.select %parallel_loop3A_1125, %parallel_loop3A_1127, %parallel_loop3A_1106 : i32
        %parallel_loop3A_1129 = arith.constant 1 : i32
        %parallel_loop3A_1130 = arith.index_cast %parallel_loop3A_1129 : i32 to index
        %parallel_loop3A_1131 = arith.index_cast %parallel_loop3A_1128 : i32 to index
        %parallel_loop3A_1132 = arith.index_cast %parallel_loop3A_1104 : i32 to index
        %parallel_loop3A_1133 = tpu.vector_load %arg7[%parallel_loop3A_1130, %parallel_loop3A_1131, %parallel_loop3A_1132] {strides = array<i32>} : memref<2x8x4096xf32, #tpu.memory_space<vmem>>, vector<16xf32>,
        tpu.vector_store %arg7[%parallel_loop3A_1130, %parallel_loop3A_1131, %parallel_loop3A_1132], %parallel_loop3A_1082 {strides = array<i32>} : memref<2x8x4096xf32, #tpu.memory_space<vmem>>, vector<16xf32>,
        %parallel_loop3A_1134 = vector.broadcast %parallel_loop3A_863 : i32 to vector<16xi32>
        %parallel_loop3A_1135 = arith.addi %get3A_643, %parallel_loop3A_1134 : vector<16xi32>
        %parallel_loop3A_1136 = tpu.vector_load_idx %arg6[%parallel_loop3A_1135] : memref<24576xf32, #tpu.memory_space<vmem>>[vector<16xi32>], vector<16xf32>,
        %parallel_loop3A_1137 = arith.constant 8 : i32
        %parallel_loop3A_1138 = arith.constant 0 : i32
        %parallel_loop3A_1139 = arith.cmpi eq, %parallel_loop3A_1137, %parallel_loop3A_1138 : i32
        %parallel_loop3A_1140 = arith.constant 1 : i32
        %parallel_loop3A_1141 = arith.select %parallel_loop3A_1139, %parallel_loop3A_1140, %parallel_loop3A_1137 : i32
        %parallel_loop3A_1142 = arith.remsi %parallel_loop3A_861, %parallel_loop3A_1141 : i32
        %parallel_loop3A_1143 = arith.constant 0 : i32
        %parallel_loop3A_1144 = arith.cmpi ne, %parallel_loop3A_1142, %parallel_loop3A_1143 : i32
        %parallel_loop3A_1145 = arith.constant 0 : i32
        %parallel_loop3A_1146 = arith.cmpi slt, %parallel_loop3A_1142, %parallel_loop3A_1145 : i32
        %parallel_loop3A_1147 = arith.constant 0 : i32
        %parallel_loop3A_1148 = arith.cmpi slt, %parallel_loop3A_1141, %parallel_loop3A_1147 : i32
        %parallel_loop3A_1149 = arith.xori %parallel_loop3A_1146, %parallel_loop3A_1148 : i1
        %parallel_loop3A_1150 = arith.andi %parallel_loop3A_1149, %parallel_loop3A_1144 : i1
        %parallel_loop3A_1151 = arith.addi %parallel_loop3A_1142, %parallel_loop3A_1141 : i32
        %parallel_loop3A_1152 = arith.select %parallel_loop3A_1150, %parallel_loop3A_1151, %parallel_loop3A_1142 : i32
        %parallel_loop3A_1153 = arith.constant 128 : i32
        %parallel_loop3A_1154 = arith.muli %parallel_loop3A_1152, %parallel_loop3A_1153 : i32
        %parallel_loop3A_1155 = arith.constant 0 : i32
        %parallel_loop3A_1156 = arith.addi %parallel_loop3A_1155, %parallel_loop3A_1154 : i32
        %parallel_loop3A_1157 = arith.constant 80 : i32
        %parallel_loop3A_1158 = arith.addi %parallel_loop3A_1156, %parallel_loop3A_1157 : i32
        %parallel_loop3A_1159 = arith.constant 8 : i32
        %parallel_loop3A_1160 = arith.divsi %parallel_loop3A_861, %parallel_loop3A_1159 : i32
        %parallel_loop3A_1161 = arith.constant 0 : i32
        %parallel_loop3A_1162 = arith.cmpi sgt, %parallel_loop3A_861, %parallel_loop3A_1161 : i32
        %parallel_loop3A_1163 = arith.extui %parallel_loop3A_1162 : i1 to i32
        %parallel_loop3A_1164 = arith.constant 0 : i32
        %parallel_loop3A_1165 = arith.cmpi slt, %parallel_loop3A_861, %parallel_loop3A_1164 : i32
        %parallel_loop3A_1166 = arith.extui %parallel_loop3A_1165 : i1 to i32
        %parallel_loop3A_1167 = arith.subi %parallel_loop3A_1163, %parallel_loop3A_1166 : i32
        %parallel_loop3A_1168 = arith.constant 0 : i32
        %parallel_loop3A_1169 = arith.cmpi sgt, %parallel_loop3A_1159, %parallel_loop3A_1168 : i32
        %parallel_loop3A_1170 = arith.extui %parallel_loop3A_1169 : i1 to i32
        %parallel_loop3A_1171 = arith.constant 0 : i32
        %parallel_loop3A_1172 = arith.cmpi slt, %parallel_loop3A_1159, %parallel_loop3A_1171 : i32
        %parallel_loop3A_1173 = arith.extui %parallel_loop3A_1172 : i1 to i32
        %parallel_loop3A_1174 = arith.subi %parallel_loop3A_1170, %parallel_loop3A_1173 : i32
        %parallel_loop3A_1175 = arith.cmpi ne, %parallel_loop3A_1167, %parallel_loop3A_1174 : i32
        %parallel_loop3A_1176 = arith.remsi %parallel_loop3A_861, %parallel_loop3A_1159 : i32
        %parallel_loop3A_1177 = arith.constant 0 : i32
        %parallel_loop3A_1178 = arith.cmpi ne, %parallel_loop3A_1176, %parallel_loop3A_1177 : i32
        %parallel_loop3A_1179 = arith.andi %parallel_loop3A_1175, %parallel_loop3A_1178 : i1
        %parallel_loop3A_1180 = arith.constant 1 : i32
        %parallel_loop3A_1181 = arith.subi %parallel_loop3A_1160, %parallel_loop3A_1180 : i32
        %parallel_loop3A_1182 = arith.select %parallel_loop3A_1179, %parallel_loop3A_1181, %parallel_loop3A_1160 : i32
        %parallel_loop3A_1183 = arith.constant 1 : i32
        %parallel_loop3A_1184 = arith.index_cast %parallel_loop3A_1183 : i32 to index
        %parallel_loop3A_1185 = arith.index_cast %parallel_loop3A_1182 : i32 to index
        %parallel_loop3A_1186 = arith.index_cast %parallel_loop3A_1158 : i32 to index
        %parallel_loop3A_1187 = tpu.vector_load %arg7[%parallel_loop3A_1184, %parallel_loop3A_1185, %parallel_loop3A_1186] {strides = array<i32>} : memref<2x8x4096xf32, #tpu.memory_space<vmem>>, vector<16xf32>,
        tpu.vector_store %arg7[%parallel_loop3A_1184, %parallel_loop3A_1185, %parallel_loop3A_1186], %parallel_loop3A_1136 {strides = array<i32>} : memref<2x8x4096xf32, #tpu.memory_space<vmem>>, vector<16xf32>,
        %parallel_loop3A_1188 = vector.broadcast %parallel_loop3A_863 : i32 to vector<16xi32>
        %parallel_loop3A_1189 = arith.addi %get3A_649, %parallel_loop3A_1188 : vector<16xi32>
        %parallel_loop3A_1190 = tpu.vector_load_idx %arg6[%parallel_loop3A_1189] : memref<24576xf32, #tpu.memory_space<vmem>>[vector<16xi32>], vector<16xf32>,
        %parallel_loop3A_1191 = arith.constant 8 : i32
        %parallel_loop3A_1192 = arith.constant 0 : i32
        %parallel_loop3A_1193 = arith.cmpi eq, %parallel_loop3A_1191, %parallel_loop3A_1192 : i32
        %parallel_loop3A_1194 = arith.constant 1 : i32
        %parallel_loop3A_1195 = arith.select %parallel_loop3A_1193, %parallel_loop3A_1194, %parallel_loop3A_1191 : i32
        %parallel_loop3A_1196 = arith.remsi %parallel_loop3A_861, %parallel_loop3A_1195 : i32
        %parallel_loop3A_1197 = arith.constant 0 : i32
        %parallel_loop3A_1198 = arith.cmpi ne, %parallel_loop3A_1196, %parallel_loop3A_1197 : i32
        %parallel_loop3A_1199 = arith.constant 0 : i32
        %parallel_loop3A_1200 = arith.cmpi slt, %parallel_loop3A_1196, %parallel_loop3A_1199 : i32
        %parallel_loop3A_1201 = arith.constant 0 : i32
        %parallel_loop3A_1202 = arith.cmpi slt, %parallel_loop3A_1195, %parallel_loop3A_1201 : i32
        %parallel_loop3A_1203 = arith.xori %parallel_loop3A_1200, %parallel_loop3A_1202 : i1
        %parallel_loop3A_1204 = arith.andi %parallel_loop3A_1203, %parallel_loop3A_1198 : i1
        %parallel_loop3A_1205 = arith.addi %parallel_loop3A_1196, %parallel_loop3A_1195 : i32
        %parallel_loop3A_1206 = arith.select %parallel_loop3A_1204, %parallel_loop3A_1205, %parallel_loop3A_1196 : i32
        %parallel_loop3A_1207 = arith.constant 128 : i32
        %parallel_loop3A_1208 = arith.muli %parallel_loop3A_1206, %parallel_loop3A_1207 : i32
        %parallel_loop3A_1209 = arith.constant 0 : i32
        %parallel_loop3A_1210 = arith.addi %parallel_loop3A_1209, %parallel_loop3A_1208 : i32
        %parallel_loop3A_1211 = arith.constant 96 : i32
        %parallel_loop3A_1212 = arith.addi %parallel_loop3A_1210, %parallel_loop3A_1211 : i32
        %parallel_loop3A_1213 = arith.constant 8 : i32
        %parallel_loop3A_1214 = arith.divsi %parallel_loop3A_861, %parallel_loop3A_1213 : i32
        %parallel_loop3A_1215 = arith.constant 0 : i32
        %parallel_loop3A_1216 = arith.cmpi sgt, %parallel_loop3A_861, %parallel_loop3A_1215 : i32
        %parallel_loop3A_1217 = arith.extui %parallel_loop3A_1216 : i1 to i32
        %parallel_loop3A_1218 = arith.constant 0 : i32
        %parallel_loop3A_1219 = arith.cmpi slt, %parallel_loop3A_861, %parallel_loop3A_1218 : i32
        %parallel_loop3A_1220 = arith.extui %parallel_loop3A_1219 : i1 to i32
        %parallel_loop3A_1221 = arith.subi %parallel_loop3A_1217, %parallel_loop3A_1220 : i32
        %parallel_loop3A_1222 = arith.constant 0 : i32
        %parallel_loop3A_1223 = arith.cmpi sgt, %parallel_loop3A_1213, %parallel_loop3A_1222 : i32
        %parallel_loop3A_1224 = arith.extui %parallel_loop3A_1223 : i1 to i32
        %parallel_loop3A_1225 = arith.constant 0 : i32
        %parallel_loop3A_1226 = arith.cmpi slt, %parallel_loop3A_1213, %parallel_loop3A_1225 : i32
        %parallel_loop3A_1227 = arith.extui %parallel_loop3A_1226 : i1 to i32
        %parallel_loop3A_1228 = arith.subi %parallel_loop3A_1224, %parallel_loop3A_1227 : i32
        %parallel_loop3A_1229 = arith.cmpi ne, %parallel_loop3A_1221, %parallel_loop3A_1228 : i32
        %parallel_loop3A_1230 = arith.remsi %parallel_loop3A_861, %parallel_loop3A_1213 : i32
        %parallel_loop3A_1231 = arith.constant 0 : i32
        %parallel_loop3A_1232 = arith.cmpi ne, %parallel_loop3A_1230, %parallel_loop3A_1231 : i32
        %parallel_loop3A_1233 = arith.andi %parallel_loop3A_1229, %parallel_loop3A_1232 : i1
        %parallel_loop3A_1234 = arith.constant 1 : i32
        %parallel_loop3A_1235 = arith.subi %parallel_loop3A_1214, %parallel_loop3A_1234 : i32
        %parallel_loop3A_1236 = arith.select %parallel_loop3A_1233, %parallel_loop3A_1235, %parallel_loop3A_1214 : i32
        %parallel_loop3A_1237 = arith.constant 1 : i32
        %parallel_loop3A_1238 = arith.index_cast %parallel_loop3A_1237 : i32 to index
        %parallel_loop3A_1239 = arith.index_cast %parallel_loop3A_1236 : i32 to index
        %parallel_loop3A_1240 = arith.index_cast %parallel_loop3A_1212 : i32 to index
        %parallel_loop3A_1241 = tpu.vector_load %arg7[%parallel_loop3A_1238, %parallel_loop3A_1239, %parallel_loop3A_1240] {strides = array<i32>} : memref<2x8x4096xf32, #tpu.memory_space<vmem>>, vector<16xf32>,
        tpu.vector_store %arg7[%parallel_loop3A_1238, %parallel_loop3A_1239, %parallel_loop3A_1240], %parallel_loop3A_1190 {strides = array<i32>} : memref<2x8x4096xf32, #tpu.memory_space<vmem>>, vector<16xf32>,
        %parallel_loop3A_1242 = vector.broadcast %parallel_loop3A_863 : i32 to vector<16xi32>
        %parallel_loop3A_1243 = arith.addi %get3A_655, %parallel_loop3A_1242 : vector<16xi32>
        %parallel_loop3A_1244 = tpu.vector_load_idx %arg6[%parallel_loop3A_1243] : memref<24576xf32, #tpu.memory_space<vmem>>[vector<16xi32>], vector<16xf32>,
        %parallel_loop3A_1245 = arith.constant 8 : i32
        %parallel_loop3A_1246 = arith.constant 0 : i32
        %parallel_loop3A_1247 = arith.cmpi eq, %parallel_loop3A_1245, %parallel_loop3A_1246 : i32
        %parallel_loop3A_1248 = arith.constant 1 : i32
        %parallel_loop3A_1249 = arith.select %parallel_loop3A_1247, %parallel_loop3A_1248, %parallel_loop3A_1245 : i32
        %parallel_loop3A_1250 = arith.remsi %parallel_loop3A_861, %parallel_loop3A_1249 : i32
        %parallel_loop3A_1251 = arith.constant 0 : i32
        %parallel_loop3A_1252 = arith.cmpi ne, %parallel_loop3A_1250, %parallel_loop3A_1251 : i32
        %parallel_loop3A_1253 = arith.constant 0 : i32
        %parallel_loop3A_1254 = arith.cmpi slt, %parallel_loop3A_1250, %parallel_loop3A_1253 : i32
        %parallel_loop3A_1255 = arith.constant 0 : i32
        %parallel_loop3A_1256 = arith.cmpi slt, %parallel_loop3A_1249, %parallel_loop3A_1255 : i32
        %parallel_loop3A_1257 = arith.xori %parallel_loop3A_1254, %parallel_loop3A_1256 : i1
        %parallel_loop3A_1258 = arith.andi %parallel_loop3A_1257, %parallel_loop3A_1252 : i1
        %parallel_loop3A_1259 = arith.addi %parallel_loop3A_1250, %parallel_loop3A_1249 : i32
        %parallel_loop3A_1260 = arith.select %parallel_loop3A_1258, %parallel_loop3A_1259, %parallel_loop3A_1250 : i32
        %parallel_loop3A_1261 = arith.constant 128 : i32
        %parallel_loop3A_1262 = arith.muli %parallel_loop3A_1260, %parallel_loop3A_1261 : i32
        %parallel_loop3A_1263 = arith.constant 0 : i32
        %parallel_loop3A_1264 = arith.addi %parallel_loop3A_1263, %parallel_loop3A_1262 : i32
        %parallel_loop3A_1265 = arith.constant 112 : i32
        %parallel_loop3A_1266 = arith.addi %parallel_loop3A_1264, %parallel_loop3A_1265 : i32
        %parallel_loop3A_1267 = arith.constant 8 : i32
        %parallel_loop3A_1268 = arith.divsi %parallel_loop3A_861, %parallel_loop3A_1267 : i32
        %parallel_loop3A_1269 = arith.constant 0 : i32
        %parallel_loop3A_1270 = arith.cmpi sgt, %parallel_loop3A_861, %parallel_loop3A_1269 : i32
        %parallel_loop3A_1271 = arith.extui %parallel_loop3A_1270 : i1 to i32
        %parallel_loop3A_1272 = arith.constant 0 : i32
        %parallel_loop3A_1273 = arith.cmpi slt, %parallel_loop3A_861, %parallel_loop3A_1272 : i32
        %parallel_loop3A_1274 = arith.extui %parallel_loop3A_1273 : i1 to i32
        %parallel_loop3A_1275 = arith.subi %parallel_loop3A_1271, %parallel_loop3A_1274 : i32
        %parallel_loop3A_1276 = arith.constant 0 : i32
        %parallel_loop3A_1277 = arith.cmpi sgt, %parallel_loop3A_1267, %parallel_loop3A_1276 : i32
        %parallel_loop3A_1278 = arith.extui %parallel_loop3A_1277 : i1 to i32
        %parallel_loop3A_1279 = arith.constant 0 : i32
        %parallel_loop3A_1280 = arith.cmpi slt, %parallel_loop3A_1267, %parallel_loop3A_1279 : i32
        %parallel_loop3A_1281 = arith.extui %parallel_loop3A_1280 : i1 to i32
        %parallel_loop3A_1282 = arith.subi %parallel_loop3A_1278, %parallel_loop3A_1281 : i32
        %parallel_loop3A_1283 = arith.cmpi ne, %parallel_loop3A_1275, %parallel_loop3A_1282 : i32
        %parallel_loop3A_1284 = arith.remsi %parallel_loop3A_861, %parallel_loop3A_1267 : i32
        %parallel_loop3A_1285 = arith.constant 0 : i32
        %parallel_loop3A_1286 = arith.cmpi ne, %parallel_loop3A_1284, %parallel_loop3A_1285 : i32
        %parallel_loop3A_1287 = arith.andi %parallel_loop3A_1283, %parallel_loop3A_1286 : i1
        %parallel_loop3A_1288 = arith.constant 1 : i32
        %parallel_loop3A_1289 = arith.subi %parallel_loop3A_1268, %parallel_loop3A_1288 : i32
        %parallel_loop3A_1290 = arith.select %parallel_loop3A_1287, %parallel_loop3A_1289, %parallel_loop3A_1268 : i32
        %parallel_loop3A_1291 = arith.constant 1 : i32
        %parallel_loop3A_1292 = arith.index_cast %parallel_loop3A_1291 : i32 to index
        %parallel_loop3A_1293 = arith.index_cast %parallel_loop3A_1290 : i32 to index
        %parallel_loop3A_1294 = arith.index_cast %parallel_loop3A_1266 : i32 to index
        %parallel_loop3A_1295 = tpu.vector_load %arg7[%parallel_loop3A_1292, %parallel_loop3A_1293, %parallel_loop3A_1294] {strides = array<i32>} : memref<2x8x4096xf32, #tpu.memory_space<vmem>>, vector<16xf32>,
        tpu.vector_store %arg7[%parallel_loop3A_1292, %parallel_loop3A_1293, %parallel_loop3A_1294], %parallel_loop3A_1244 {strides = array<i32>} : memref<2x8x4096xf32, #tpu.memory_space<vmem>>, vector<16xf32>,
        %parallel_loop3A_1296 = vector.broadcast %parallel_loop3A_863 : i32 to vector<16xi32>
        %parallel_loop3A_1297 = arith.addi %get3A_661, %parallel_loop3A_1296 : vector<16xi32>
        %parallel_loop3A_1298 = tpu.vector_load_idx %arg6[%parallel_loop3A_1297] : memref<24576xf32, #tpu.memory_space<vmem>>[vector<16xi32>], vector<16xf32>,
        %parallel_loop3A_1299 = arith.constant 8 : i32
        %parallel_loop3A_1300 = arith.constant 0 : i32
        %parallel_loop3A_1301 = arith.cmpi eq, %parallel_loop3A_1299, %parallel_loop3A_1300 : i32
        %parallel_loop3A_1302 = arith.constant 1 : i32
        %parallel_loop3A_1303 = arith.select %parallel_loop3A_1301, %parallel_loop3A_1302, %parallel_loop3A_1299 : i32
        %parallel_loop3A_1304 = arith.remsi %parallel_loop3A_861, %parallel_loop3A_1303 : i32
        %parallel_loop3A_1305 = arith.constant 0 : i32
        %parallel_loop3A_1306 = arith.cmpi ne, %parallel_loop3A_1304, %parallel_loop3A_1305 : i32
        %parallel_loop3A_1307 = arith.constant 0 : i32
        %parallel_loop3A_1308 = arith.cmpi slt, %parallel_loop3A_1304, %parallel_loop3A_1307 : i32
        %parallel_loop3A_1309 = arith.constant 0 : i32
        %parallel_loop3A_1310 = arith.cmpi slt, %parallel_loop3A_1303, %parallel_loop3A_1309 : i32
        %parallel_loop3A_1311 = arith.xori %parallel_loop3A_1308, %parallel_loop3A_1310 : i1
        %parallel_loop3A_1312 = arith.andi %parallel_loop3A_1311, %parallel_loop3A_1306 : i1
        %parallel_loop3A_1313 = arith.addi %parallel_loop3A_1304, %parallel_loop3A_1303 : i32
        %parallel_loop3A_1314 = arith.select %parallel_loop3A_1312, %parallel_loop3A_1313, %parallel_loop3A_1304 : i32
        %parallel_loop3A_1315 = arith.constant 128 : i32
        %parallel_loop3A_1316 = arith.muli %parallel_loop3A_1314, %parallel_loop3A_1315 : i32
        %parallel_loop3A_1317 = arith.constant 1024 : i32
        %parallel_loop3A_1318 = arith.addi %parallel_loop3A_1317, %parallel_loop3A_1316 : i32
        %parallel_loop3A_1319 = arith.constant 0 : i32
        %parallel_loop3A_1320 = arith.addi %parallel_loop3A_1318, %parallel_loop3A_1319 : i32
        %parallel_loop3A_1321 = arith.constant 8 : i32
        %parallel_loop3A_1322 = arith.divsi %parallel_loop3A_861, %parallel_loop3A_1321 : i32
        %parallel_loop3A_1323 = arith.constant 0 : i32
        %parallel_loop3A_1324 = arith.cmpi sgt, %parallel_loop3A_861, %parallel_loop3A_1323 : i32
        %parallel_loop3A_1325 = arith.extui %parallel_loop3A_1324 : i1 to i32
        %parallel_loop3A_1326 = arith.constant 0 : i32
        %parallel_loop3A_1327 = arith.cmpi slt, %parallel_loop3A_861, %parallel_loop3A_1326 : i32
        %parallel_loop3A_1328 = arith.extui %parallel_loop3A_1327 : i1 to i32
        %parallel_loop3A_1329 = arith.subi %parallel_loop3A_1325, %parallel_loop3A_1328 : i32
        %parallel_loop3A_1330 = arith.constant 0 : i32
        %parallel_loop3A_1331 = arith.cmpi sgt, %parallel_loop3A_1321, %parallel_loop3A_1330 : i32
        %parallel_loop3A_1332 = arith.extui %parallel_loop3A_1331 : i1 to i32
        %parallel_loop3A_1333 = arith.constant 0 : i32
        %parallel_loop3A_1334 = arith.cmpi slt, %parallel_loop3A_1321, %parallel_loop3A_1333 : i32
        %parallel_loop3A_1335 = arith.extui %parallel_loop3A_1334 : i1 to i32
        %parallel_loop3A_1336 = arith.subi %parallel_loop3A_1332, %parallel_loop3A_1335 : i32
        %parallel_loop3A_1337 = arith.cmpi ne, %parallel_loop3A_1329, %parallel_loop3A_1336 : i32
        %parallel_loop3A_1338 = arith.remsi %parallel_loop3A_861, %parallel_loop3A_1321 : i32
        %parallel_loop3A_1339 = arith.constant 0 : i32
        %parallel_loop3A_1340 = arith.cmpi ne, %parallel_loop3A_1338, %parallel_loop3A_1339 : i32
        %parallel_loop3A_1341 = arith.andi %parallel_loop3A_1337, %parallel_loop3A_1340 : i1
        %parallel_loop3A_1342 = arith.constant 1 : i32
        %parallel_loop3A_1343 = arith.subi %parallel_loop3A_1322, %parallel_loop3A_1342 : i32
        %parallel_loop3A_1344 = arith.select %parallel_loop3A_1341, %parallel_loop3A_1343, %parallel_loop3A_1322 : i32
        %parallel_loop3A_1345 = arith.constant 1 : i32
        %parallel_loop3A_1346 = arith.index_cast %parallel_loop3A_1345 : i32 to index
        %parallel_loop3A_1347 = arith.index_cast %parallel_loop3A_1344 : i32 to index
        %parallel_loop3A_1348 = arith.index_cast %parallel_loop3A_1320 : i32 to index
        %parallel_loop3A_1349 = tpu.vector_load %arg7[%parallel_loop3A_1346, %parallel_loop3A_1347, %parallel_loop3A_1348] {strides = array<i32>} : memref<2x8x4096xf32, #tpu.memory_space<vmem>>, vector<16xf32>,
        tpu.vector_store %arg7[%parallel_loop3A_1346, %parallel_loop3A_1347, %parallel_loop3A_1348], %parallel_loop3A_1298 {strides = array<i32>} : memref<2x8x4096xf32, #tpu.memory_space<vmem>>, vector<16xf32>,
        %parallel_loop3A_1350 = vector.broadcast %parallel_loop3A_863 : i32 to vector<16xi32>
        %parallel_loop3A_1351 = arith.addi %get3A_667, %parallel_loop3A_1350 : vector<16xi32>
        %parallel_loop3A_1352 = tpu.vector_load_idx %arg6[%parallel_loop3A_1351] : memref<24576xf32, #tpu.memory_space<vmem>>[vector<16xi32>], vector<16xf32>,
        %parallel_loop3A_1353 = arith.constant 8 : i32
        %parallel_loop3A_1354 = arith.constant 0 : i32
        %parallel_loop3A_1355 = arith.cmpi eq, %parallel_loop3A_1353, %parallel_loop3A_1354 : i32
        %parallel_loop3A_1356 = arith.constant 1 : i32
        %parallel_loop3A_1357 = arith.select %parallel_loop3A_1355, %parallel_loop3A_1356, %parallel_loop3A_1353 : i32
        %parallel_loop3A_1358 = arith.remsi %parallel_loop3A_861, %parallel_loop3A_1357 : i32
        %parallel_loop3A_1359 = arith.constant 0 : i32
        %parallel_loop3A_1360 = arith.cmpi ne, %parallel_loop3A_1358, %parallel_loop3A_1359 : i32
        %parallel_loop3A_1361 = arith.constant 0 : i32
        %parallel_loop3A_1362 = arith.cmpi slt, %parallel_loop3A_1358, %parallel_loop3A_1361 : i32
        %parallel_loop3A_1363 = arith.constant 0 : i32
        %parallel_loop3A_1364 = arith.cmpi slt, %parallel_loop3A_1357, %parallel_loop3A_1363 : i32
        %parallel_loop3A_1365 = arith.xori %parallel_loop3A_1362, %parallel_loop3A_1364 : i1
        %parallel_loop3A_1366 = arith.andi %parallel_loop3A_1365, %parallel_loop3A_1360 : i1
        %parallel_loop3A_1367 = arith.addi %parallel_loop3A_1358, %parallel_loop3A_1357 : i32
        %parallel_loop3A_1368 = arith.select %parallel_loop3A_1366, %parallel_loop3A_1367, %parallel_loop3A_1358 : i32
        %parallel_loop3A_1369 = arith.constant 128 : i32
        %parallel_loop3A_1370 = arith.muli %parallel_loop3A_1368, %parallel_loop3A_1369 : i32
        %parallel_loop3A_1371 = arith.constant 1024 : i32
        %parallel_loop3A_1372 = arith.addi %parallel_loop3A_1371, %parallel_loop3A_1370 : i32
        %parallel_loop3A_1373 = arith.constant 16 : i32
        %parallel_loop3A_1374 = arith.addi %parallel_loop3A_1372, %parallel_loop3A_1373 : i32
        %parallel_loop3A_1375 = arith.constant 8 : i32
        %parallel_loop3A_1376 = arith.divsi %parallel_loop3A_861, %parallel_loop3A_1375 : i32
        %parallel_loop3A_1377 = arith.constant 0 : i32
        %parallel_loop3A_1378 = arith.cmpi sgt, %parallel_loop3A_861, %parallel_loop3A_1377 : i32
        %parallel_loop3A_1379 = arith.extui %parallel_loop3A_1378 : i1 to i32
        %parallel_loop3A_1380 = arith.constant 0 : i32
        %parallel_loop3A_1381 = arith.cmpi slt, %parallel_loop3A_861, %parallel_loop3A_1380 : i32
        %parallel_loop3A_1382 = arith.extui %parallel_loop3A_1381 : i1 to i32
        %parallel_loop3A_1383 = arith.subi %parallel_loop3A_1379, %parallel_loop3A_1382 : i32
        %parallel_loop3A_1384 = arith.constant 0 : i32
        %parallel_loop3A_1385 = arith.cmpi sgt, %parallel_loop3A_1375, %parallel_loop3A_1384 : i32
        %parallel_loop3A_1386 = arith.extui %parallel_loop3A_1385 : i1 to i32
        %parallel_loop3A_1387 = arith.constant 0 : i32
        %parallel_loop3A_1388 = arith.cmpi slt, %parallel_loop3A_1375, %parallel_loop3A_1387 : i32
        %parallel_loop3A_1389 = arith.extui %parallel_loop3A_1388 : i1 to i32
        %parallel_loop3A_1390 = arith.subi %parallel_loop3A_1386, %parallel_loop3A_1389 : i32
        %parallel_loop3A_1391 = arith.cmpi ne, %parallel_loop3A_1383, %parallel_loop3A_1390 : i32
        %parallel_loop3A_1392 = arith.remsi %parallel_loop3A_861, %parallel_loop3A_1375 : i32
        %parallel_loop3A_1393 = arith.constant 0 : i32
        %parallel_loop3A_1394 = arith.cmpi ne, %parallel_loop3A_1392, %parallel_loop3A_1393 : i32
        %parallel_loop3A_1395 = arith.andi %parallel_loop3A_1391, %parallel_loop3A_1394 : i1
        %parallel_loop3A_1396 = arith.constant 1 : i32
        %parallel_loop3A_1397 = arith.subi %parallel_loop3A_1376, %parallel_loop3A_1396 : i32
        %parallel_loop3A_1398 = arith.select %parallel_loop3A_1395, %parallel_loop3A_1397, %parallel_loop3A_1376 : i32
        %parallel_loop3A_1399 = arith.constant 1 : i32
        %parallel_loop3A_1400 = arith.index_cast %parallel_loop3A_1399 : i32 to index
        %parallel_loop3A_1401 = arith.index_cast %parallel_loop3A_1398 : i32 to index
        %parallel_loop3A_1402 = arith.index_cast %parallel_loop3A_1374 : i32 to index
        %parallel_loop3A_1403 = tpu.vector_load %arg7[%parallel_loop3A_1400, %parallel_loop3A_1401, %parallel_loop3A_1402] {strides = array<i32>} : memref<2x8x4096xf32, #tpu.memory_space<vmem>>, vector<16xf32>,
        tpu.vector_store %arg7[%parallel_loop3A_1400, %parallel_loop3A_1401, %parallel_loop3A_1402], %parallel_loop3A_1352 {strides = array<i32>} : memref<2x8x4096xf32, #tpu.memory_space<vmem>>, vector<16xf32>,
        %parallel_loop3A_1404 = vector.broadcast %parallel_loop3A_863 : i32 to vector<16xi32>
        %parallel_loop3A_1405 = arith.addi %get3A_673, %parallel_loop3A_1404 : vector<16xi32>
        %parallel_loop3A_1406 = tpu.vector_load_idx %arg6[%parallel_loop3A_1405] : memref<24576xf32, #tpu.memory_space<vmem>>[vector<16xi32>], vector<16xf32>,
        %parallel_loop3A_1407 = arith.constant 8 : i32
        %parallel_loop3A_1408 = arith.constant 0 : i32
        %parallel_loop3A_1409 = arith.cmpi eq, %parallel_loop3A_1407, %parallel_loop3A_1408 : i32
        %parallel_loop3A_1410 = arith.constant 1 : i32
        %parallel_loop3A_1411 = arith.select %parallel_loop3A_1409, %parallel_loop3A_1410, %parallel_loop3A_1407 : i32
        %parallel_loop3A_1412 = arith.remsi %parallel_loop3A_861, %parallel_loop3A_1411 : i32
        %parallel_loop3A_1413 = arith.constant 0 : i32
        %parallel_loop3A_1414 = arith.cmpi ne, %parallel_loop3A_1412, %parallel_loop3A_1413 : i32
        %parallel_loop3A_1415 = arith.constant 0 : i32
        %parallel_loop3A_1416 = arith.cmpi slt, %parallel_loop3A_1412, %parallel_loop3A_1415 : i32
        %parallel_loop3A_1417 = arith.constant 0 : i32
        %parallel_loop3A_1418 = arith.cmpi slt, %parallel_loop3A_1411, %parallel_loop3A_1417 : i32
        %parallel_loop3A_1419 = arith.xori %parallel_loop3A_1416, %parallel_loop3A_1418 : i1
        %parallel_loop3A_1420 = arith.andi %parallel_loop3A_1419, %parallel_loop3A_1414 : i1
        %parallel_loop3A_1421 = arith.addi %parallel_loop3A_1412, %parallel_loop3A_1411 : i32
        %parallel_loop3A_1422 = arith.select %parallel_loop3A_1420, %parallel_loop3A_1421, %parallel_loop3A_1412 : i32
        %parallel_loop3A_1423 = arith.constant 128 : i32
        %parallel_loop3A_1424 = arith.muli %parallel_loop3A_1422, %parallel_loop3A_1423 : i32
        %parallel_loop3A_1425 = arith.constant 1024 : i32
        %parallel_loop3A_1426 = arith.addi %parallel_loop3A_1425, %parallel_loop3A_1424 : i32
        %parallel_loop3A_1427 = arith.constant 32 : i32
        %parallel_loop3A_1428 = arith.addi %parallel_loop3A_1426, %parallel_loop3A_1427 : i32
        %parallel_loop3A_1429 = arith.constant 8 : i32
        %parallel_loop3A_1430 = arith.divsi %parallel_loop3A_861, %parallel_loop3A_1429 : i32
        %parallel_loop3A_1431 = arith.constant 0 : i32
        %parallel_loop3A_1432 = arith.cmpi sgt, %parallel_loop3A_861, %parallel_loop3A_1431 : i32
        %parallel_loop3A_1433 = arith.extui %parallel_loop3A_1432 : i1 to i32
        %parallel_loop3A_1434 = arith.constant 0 : i32
        %parallel_loop3A_1435 = arith.cmpi slt, %parallel_loop3A_861, %parallel_loop3A_1434 : i32
        %parallel_loop3A_1436 = arith.extui %parallel_loop3A_1435 : i1 to i32
        %parallel_loop3A_1437 = arith.subi %parallel_loop3A_1433, %parallel_loop3A_1436 : i32
        %parallel_loop3A_1438 = arith.constant 0 : i32
        %parallel_loop3A_1439 = arith.cmpi sgt, %parallel_loop3A_1429, %parallel_loop3A_1438 : i32
        %parallel_loop3A_1440 = arith.extui %parallel_loop3A_1439 : i1 to i32
        %parallel_loop3A_1441 = arith.constant 0 : i32
        %parallel_loop3A_1442 = arith.cmpi slt, %parallel_loop3A_1429, %parallel_loop3A_1441 : i32
        %parallel_loop3A_1443 = arith.extui %parallel_loop3A_1442 : i1 to i32
        %parallel_loop3A_1444 = arith.subi %parallel_loop3A_1440, %parallel_loop3A_1443 : i32
        %parallel_loop3A_1445 = arith.cmpi ne, %parallel_loop3A_1437, %parallel_loop3A_1444 : i32
        %parallel_loop3A_1446 = arith.remsi %parallel_loop3A_861, %parallel_loop3A_1429 : i32
        %parallel_loop3A_1447 = arith.constant 0 : i32
        %parallel_loop3A_1448 = arith.cmpi ne, %parallel_loop3A_1446, %parallel_loop3A_1447 : i32
        %parallel_loop3A_1449 = arith.andi %parallel_loop3A_1445, %parallel_loop3A_1448 : i1
        %parallel_loop3A_1450 = arith.constant 1 : i32
        %parallel_loop3A_1451 = arith.subi %parallel_loop3A_1430, %parallel_loop3A_1450 : i32
        %parallel_loop3A_1452 = arith.select %parallel_loop3A_1449, %parallel_loop3A_1451, %parallel_loop3A_1430 : i32
        %parallel_loop3A_1453 = arith.constant 1 : i32
        %parallel_loop3A_1454 = arith.index_cast %parallel_loop3A_1453 : i32 to index
        %parallel_loop3A_1455 = arith.index_cast %parallel_loop3A_1452 : i32 to index
        %parallel_loop3A_1456 = arith.index_cast %parallel_loop3A_1428 : i32 to index
        %parallel_loop3A_1457 = tpu.vector_load %arg7[%parallel_loop3A_1454, %parallel_loop3A_1455, %parallel_loop3A_1456] {strides = array<i32>} : memref<2x8x4096xf32, #tpu.memory_space<vmem>>, vector<16xf32>,
        tpu.vector_store %arg7[%parallel_loop3A_1454, %parallel_loop3A_1455, %parallel_loop3A_1456], %parallel_loop3A_1406 {strides = array<i32>} : memref<2x8x4096xf32, #tpu.memory_space<vmem>>, vector<16xf32>,
        %parallel_loop3A_1458 = vector.broadcast %parallel_loop3A_863 : i32 to vector<16xi32>
        %parallel_loop3A_1459 = arith.addi %get3A_679, %parallel_loop3A_1458 : vector<16xi32>
        %parallel_loop3A_1460 = tpu.vector_load_idx %arg6[%parallel_loop3A_1459] : memref<24576xf32, #tpu.memory_space<vmem>>[vector<16xi32>], vector<16xf32>,
        %parallel_loop3A_1461 = arith.constant 8 : i32
        %parallel_loop3A_1462 = arith.constant 0 : i32
        %parallel_loop3A_1463 = arith.cmpi eq, %parallel_loop3A_1461, %parallel_loop3A_1462 : i32
        %parallel_loop3A_1464 = arith.constant 1 : i32
        %parallel_loop3A_1465 = arith.select %parallel_loop3A_1463, %parallel_loop3A_1464, %parallel_loop3A_1461 : i32
        %parallel_loop3A_1466 = arith.remsi %parallel_loop3A_861, %parallel_loop3A_1465 : i32
        %parallel_loop3A_1467 = arith.constant 0 : i32
        %parallel_loop3A_1468 = arith.cmpi ne, %parallel_loop3A_1466, %parallel_loop3A_1467 : i32
        %parallel_loop3A_1469 = arith.constant 0 : i32
        %parallel_loop3A_1470 = arith.cmpi slt, %parallel_loop3A_1466, %parallel_loop3A_1469 : i32
        %parallel_loop3A_1471 = arith.constant 0 : i32
        %parallel_loop3A_1472 = arith.cmpi slt, %parallel_loop3A_1465, %parallel_loop3A_1471 : i32
        %parallel_loop3A_1473 = arith.xori %parallel_loop3A_1470, %parallel_loop3A_1472 : i1
        %parallel_loop3A_1474 = arith.andi %parallel_loop3A_1473, %parallel_loop3A_1468 : i1
        %parallel_loop3A_1475 = arith.addi %parallel_loop3A_1466, %parallel_loop3A_1465 : i32
        %parallel_loop3A_1476 = arith.select %parallel_loop3A_1474, %parallel_loop3A_1475, %parallel_loop3A_1466 : i32
        %parallel_loop3A_1477 = arith.constant 128 : i32
        %parallel_loop3A_1478 = arith.muli %parallel_loop3A_1476, %parallel_loop3A_1477 : i32
        %parallel_loop3A_1479 = arith.constant 1024 : i32
        %parallel_loop3A_1480 = arith.addi %parallel_loop3A_1479, %parallel_loop3A_1478 : i32
        %parallel_loop3A_1481 = arith.constant 48 : i32
        %parallel_loop3A_1482 = arith.addi %parallel_loop3A_1480, %parallel_loop3A_1481 : i32
        %parallel_loop3A_1483 = arith.constant 8 : i32
        %parallel_loop3A_1484 = arith.divsi %parallel_loop3A_861, %parallel_loop3A_1483 : i32
        %parallel_loop3A_1485 = arith.constant 0 : i32
        %parallel_loop3A_1486 = arith.cmpi sgt, %parallel_loop3A_861, %parallel_loop3A_1485 : i32
        %parallel_loop3A_1487 = arith.extui %parallel_loop3A_1486 : i1 to i32
        %parallel_loop3A_1488 = arith.constant 0 : i32
        %parallel_loop3A_1489 = arith.cmpi slt, %parallel_loop3A_861, %parallel_loop3A_1488 : i32
        %parallel_loop3A_1490 = arith.extui %parallel_loop3A_1489 : i1 to i32
        %parallel_loop3A_1491 = arith.subi %parallel_loop3A_1487, %parallel_loop3A_1490 : i32
        %parallel_loop3A_1492 = arith.constant 0 : i32
        %parallel_loop3A_1493 = arith.cmpi sgt, %parallel_loop3A_1483, %parallel_loop3A_1492 : i32
        %parallel_loop3A_1494 = arith.extui %parallel_loop3A_1493 : i1 to i32
        %parallel_loop3A_1495 = arith.constant 0 : i32
        %parallel_loop3A_1496 = arith.cmpi slt, %parallel_loop3A_1483, %parallel_loop3A_1495 : i32
        %parallel_loop3A_1497 = arith.extui %parallel_loop3A_1496 : i1 to i32
        %parallel_loop3A_1498 = arith.subi %parallel_loop3A_1494, %parallel_loop3A_1497 : i32
        %parallel_loop3A_1499 = arith.cmpi ne, %parallel_loop3A_1491, %parallel_loop3A_1498 : i32
        %parallel_loop3A_1500 = arith.remsi %parallel_loop3A_861, %parallel_loop3A_1483 : i32
        %parallel_loop3A_1501 = arith.constant 0 : i32
        %parallel_loop3A_1502 = arith.cmpi ne, %parallel_loop3A_1500, %parallel_loop3A_1501 : i32
        %parallel_loop3A_1503 = arith.andi %parallel_loop3A_1499, %parallel_loop3A_1502 : i1
        %parallel_loop3A_1504 = arith.constant 1 : i32
        %parallel_loop3A_1505 = arith.subi %parallel_loop3A_1484, %parallel_loop3A_1504 : i32
        %parallel_loop3A_1506 = arith.select %parallel_loop3A_1503, %parallel_loop3A_1505, %parallel_loop3A_1484 : i32
        %parallel_loop3A_1507 = arith.constant 1 : i32
        %parallel_loop3A_1508 = arith.index_cast %parallel_loop3A_1507 : i32 to index
        %parallel_loop3A_1509 = arith.index_cast %parallel_loop3A_1506 : i32 to index
        %parallel_loop3A_1510 = arith.index_cast %parallel_loop3A_1482 : i32 to index
        %parallel_loop3A_1511 = tpu.vector_load %arg7[%parallel_loop3A_1508, %parallel_loop3A_1509, %parallel_loop3A_1510] {strides = array<i32>} : memref<2x8x4096xf32, #tpu.memory_space<vmem>>, vector<16xf32>,
        tpu.vector_store %arg7[%parallel_loop3A_1508, %parallel_loop3A_1509, %parallel_loop3A_1510], %parallel_loop3A_1460 {strides = array<i32>} : memref<2x8x4096xf32, #tpu.memory_space<vmem>>, vector<16xf32>,
        %parallel_loop3A_1512 = vector.broadcast %parallel_loop3A_863 : i32 to vector<16xi32>
        %parallel_loop3A_1513 = arith.addi %get3A_685, %parallel_loop3A_1512 : vector<16xi32>
        %parallel_loop3A_1514 = tpu.vector_load_idx %arg6[%parallel_loop3A_1513] : memref<24576xf32, #tpu.memory_space<vmem>>[vector<16xi32>], vector<16xf32>,
        %parallel_loop3A_1515 = arith.constant 8 : i32
        %parallel_loop3A_1516 = arith.constant 0 : i32
        %parallel_loop3A_1517 = arith.cmpi eq, %parallel_loop3A_1515, %parallel_loop3A_1516 : i32
        %parallel_loop3A_1518 = arith.constant 1 : i32
        %parallel_loop3A_1519 = arith.select %parallel_loop3A_1517, %parallel_loop3A_1518, %parallel_loop3A_1515 : i32
        %parallel_loop3A_1520 = arith.remsi %parallel_loop3A_861, %parallel_loop3A_1519 : i32
        %parallel_loop3A_1521 = arith.constant 0 : i32
        %parallel_loop3A_1522 = arith.cmpi ne, %parallel_loop3A_1520, %parallel_loop3A_1521 : i32
        %parallel_loop3A_1523 = arith.constant 0 : i32
        %parallel_loop3A_1524 = arith.cmpi slt, %parallel_loop3A_1520, %parallel_loop3A_1523 : i32
        %parallel_loop3A_1525 = arith.constant 0 : i32
        %parallel_loop3A_1526 = arith.cmpi slt, %parallel_loop3A_1519, %parallel_loop3A_1525 : i32
        %parallel_loop3A_1527 = arith.xori %parallel_loop3A_1524, %parallel_loop3A_1526 : i1
        %parallel_loop3A_1528 = arith.andi %parallel_loop3A_1527, %parallel_loop3A_1522 : i1
        %parallel_loop3A_1529 = arith.addi %parallel_loop3A_1520, %parallel_loop3A_1519 : i32
        %parallel_loop3A_1530 = arith.select %parallel_loop3A_1528, %parallel_loop3A_1529, %parallel_loop3A_1520 : i32
        %parallel_loop3A_1531 = arith.constant 128 : i32
        %parallel_loop3A_1532 = arith.muli %parallel_loop3A_1530, %parallel_loop3A_1531 : i32
        %parallel_loop3A_1533 = arith.constant 1024 : i32
        %parallel_loop3A_1534 = arith.addi %parallel_loop3A_1533, %parallel_loop3A_1532 : i32
        %parallel_loop3A_1535 = arith.constant 64 : i32
        %parallel_loop3A_1536 = arith.addi %parallel_loop3A_1534, %parallel_loop3A_1535 : i32
        %parallel_loop3A_1537 = arith.constant 8 : i32
        %parallel_loop3A_1538 = arith.divsi %parallel_loop3A_861, %parallel_loop3A_1537 : i32
        %parallel_loop3A_1539 = arith.constant 0 : i32
        %parallel_loop3A_1540 = arith.cmpi sgt, %parallel_loop3A_861, %parallel_loop3A_1539 : i32
        %parallel_loop3A_1541 = arith.extui %parallel_loop3A_1540 : i1 to i32
        %parallel_loop3A_1542 = arith.constant 0 : i32
        %parallel_loop3A_1543 = arith.cmpi slt, %parallel_loop3A_861, %parallel_loop3A_1542 : i32
        %parallel_loop3A_1544 = arith.extui %parallel_loop3A_1543 : i1 to i32
        %parallel_loop3A_1545 = arith.subi %parallel_loop3A_1541, %parallel_loop3A_1544 : i32
        %parallel_loop3A_1546 = arith.constant 0 : i32
        %parallel_loop3A_1547 = arith.cmpi sgt, %parallel_loop3A_1537, %parallel_loop3A_1546 : i32
        %parallel_loop3A_1548 = arith.extui %parallel_loop3A_1547 : i1 to i32
        %parallel_loop3A_1549 = arith.constant 0 : i32
        %parallel_loop3A_1550 = arith.cmpi slt, %parallel_loop3A_1537, %parallel_loop3A_1549 : i32
        %parallel_loop3A_1551 = arith.extui %parallel_loop3A_1550 : i1 to i32
        %parallel_loop3A_1552 = arith.subi %parallel_loop3A_1548, %parallel_loop3A_1551 : i32
        %parallel_loop3A_1553 = arith.cmpi ne, %parallel_loop3A_1545, %parallel_loop3A_1552 : i32
        %parallel_loop3A_1554 = arith.remsi %parallel_loop3A_861, %parallel_loop3A_1537 : i32
        %parallel_loop3A_1555 = arith.constant 0 : i32
        %parallel_loop3A_1556 = arith.cmpi ne, %parallel_loop3A_1554, %parallel_loop3A_1555 : i32
        %parallel_loop3A_1557 = arith.andi %parallel_loop3A_1553, %parallel_loop3A_1556 : i1
        %parallel_loop3A_1558 = arith.constant 1 : i32
        %parallel_loop3A_1559 = arith.subi %parallel_loop3A_1538, %parallel_loop3A_1558 : i32
        %parallel_loop3A_1560 = arith.select %parallel_loop3A_1557, %parallel_loop3A_1559, %parallel_loop3A_1538 : i32
        %parallel_loop3A_1561 = arith.constant 1 : i32
        %parallel_loop3A_1562 = arith.index_cast %parallel_loop3A_1561 : i32 to index
        %parallel_loop3A_1563 = arith.index_cast %parallel_loop3A_1560 : i32 to index
        %parallel_loop3A_1564 = arith.index_cast %parallel_loop3A_1536 : i32 to index
        %parallel_loop3A_1565 = tpu.vector_load %arg7[%parallel_loop3A_1562, %parallel_loop3A_1563, %parallel_loop3A_1564] {strides = array<i32>} : memref<2x8x4096xf32, #tpu.memory_space<vmem>>, vector<16xf32>,
        tpu.vector_store %arg7[%parallel_loop3A_1562, %parallel_loop3A_1563, %parallel_loop3A_1564], %parallel_loop3A_1514 {strides = array<i32>} : memref<2x8x4096xf32, #tpu.memory_space<vmem>>, vector<16xf32>,
        %parallel_loop3A_1566 = vector.broadcast %parallel_loop3A_863 : i32 to vector<16xi32>
        %parallel_loop3A_1567 = arith.addi %get3A_691, %parallel_loop3A_1566 : vector<16xi32>
        %parallel_loop3A_1568 = tpu.vector_load_idx %arg6[%parallel_loop3A_1567] : memref<24576xf32, #tpu.memory_space<vmem>>[vector<16xi32>], vector<16xf32>,
        %parallel_loop3A_1569 = arith.constant 8 : i32
        %parallel_loop3A_1570 = arith.constant 0 : i32
        %parallel_loop3A_1571 = arith.cmpi eq, %parallel_loop3A_1569, %parallel_loop3A_1570 : i32
        %parallel_loop3A_1572 = arith.constant 1 : i32
        %parallel_loop3A_1573 = arith.select %parallel_loop3A_1571, %parallel_loop3A_1572, %parallel_loop3A_1569 : i32
        %parallel_loop3A_1574 = arith.remsi %parallel_loop3A_861, %parallel_loop3A_1573 : i32
        %parallel_loop3A_1575 = arith.constant 0 : i32
        %parallel_loop3A_1576 = arith.cmpi ne, %parallel_loop3A_1574, %parallel_loop3A_1575 : i32
        %parallel_loop3A_1577 = arith.constant 0 : i32
        %parallel_loop3A_1578 = arith.cmpi slt, %parallel_loop3A_1574, %parallel_loop3A_1577 : i32
        %parallel_loop3A_1579 = arith.constant 0 : i32
        %parallel_loop3A_1580 = arith.cmpi slt, %parallel_loop3A_1573, %parallel_loop3A_1579 : i32
        %parallel_loop3A_1581 = arith.xori %parallel_loop3A_1578, %parallel_loop3A_1580 : i1
        %parallel_loop3A_1582 = arith.andi %parallel_loop3A_1581, %parallel_loop3A_1576 : i1
        %parallel_loop3A_1583 = arith.addi %parallel_loop3A_1574, %parallel_loop3A_1573 : i32
        %parallel_loop3A_1584 = arith.select %parallel_loop3A_1582, %parallel_loop3A_1583, %parallel_loop3A_1574 : i32
        %parallel_loop3A_1585 = arith.constant 128 : i32
        %parallel_loop3A_1586 = arith.muli %parallel_loop3A_1584, %parallel_loop3A_1585 : i32
        %parallel_loop3A_1587 = arith.constant 1024 : i32
        %parallel_loop3A_1588 = arith.addi %parallel_loop3A_1587, %parallel_loop3A_1586 : i32
        %parallel_loop3A_1589 = arith.constant 80 : i32
        %parallel_loop3A_1590 = arith.addi %parallel_loop3A_1588, %parallel_loop3A_1589 : i32
        %parallel_loop3A_1591 = arith.constant 8 : i32
        %parallel_loop3A_1592 = arith.divsi %parallel_loop3A_861, %parallel_loop3A_1591 : i32
        %parallel_loop3A_1593 = arith.constant 0 : i32
        %parallel_loop3A_1594 = arith.cmpi sgt, %parallel_loop3A_861, %parallel_loop3A_1593 : i32
        %parallel_loop3A_1595 = arith.extui %parallel_loop3A_1594 : i1 to i32
        %parallel_loop3A_1596 = arith.constant 0 : i32
        %parallel_loop3A_1597 = arith.cmpi slt, %parallel_loop3A_861, %parallel_loop3A_1596 : i32
        %parallel_loop3A_1598 = arith.extui %parallel_loop3A_1597 : i1 to i32
        %parallel_loop3A_1599 = arith.subi %parallel_loop3A_1595, %parallel_loop3A_1598 : i32
        %parallel_loop3A_1600 = arith.constant 0 : i32
        %parallel_loop3A_1601 = arith.cmpi sgt, %parallel_loop3A_1591, %parallel_loop3A_1600 : i32
        %parallel_loop3A_1602 = arith.extui %parallel_loop3A_1601 : i1 to i32
        %parallel_loop3A_1603 = arith.constant 0 : i32
        %parallel_loop3A_1604 = arith.cmpi slt, %parallel_loop3A_1591, %parallel_loop3A_1603 : i32
        %parallel_loop3A_1605 = arith.extui %parallel_loop3A_1604 : i1 to i32
        %parallel_loop3A_1606 = arith.subi %parallel_loop3A_1602, %parallel_loop3A_1605 : i32
        %parallel_loop3A_1607 = arith.cmpi ne, %parallel_loop3A_1599, %parallel_loop3A_1606 : i32
        %parallel_loop3A_1608 = arith.remsi %parallel_loop3A_861, %parallel_loop3A_1591 : i32
        %parallel_loop3A_1609 = arith.constant 0 : i32
        %parallel_loop3A_1610 = arith.cmpi ne, %parallel_loop3A_1608, %parallel_loop3A_1609 : i32
        %parallel_loop3A_1611 = arith.andi %parallel_loop3A_1607, %parallel_loop3A_1610 : i1
        %parallel_loop3A_1612 = arith.constant 1 : i32
        %parallel_loop3A_1613 = arith.subi %parallel_loop3A_1592, %parallel_loop3A_1612 : i32
        %parallel_loop3A_1614 = arith.select %parallel_loop3A_1611, %parallel_loop3A_1613, %parallel_loop3A_1592 : i32
        %parallel_loop3A_1615 = arith.constant 1 : i32
        %parallel_loop3A_1616 = arith.index_cast %parallel_loop3A_1615 : i32 to index
        %parallel_loop3A_1617 = arith.index_cast %parallel_loop3A_1614 : i32 to index
        %parallel_loop3A_1618 = arith.index_cast %parallel_loop3A_1590 : i32 to index
        %parallel_loop3A_1619 = tpu.vector_load %arg7[%parallel_loop3A_1616, %parallel_loop3A_1617, %parallel_loop3A_1618] {strides = array<i32>} : memref<2x8x4096xf32, #tpu.memory_space<vmem>>, vector<16xf32>,
        tpu.vector_store %arg7[%parallel_loop3A_1616, %parallel_loop3A_1617, %parallel_loop3A_1618], %parallel_loop3A_1568 {strides = array<i32>} : memref<2x8x4096xf32, #tpu.memory_space<vmem>>, vector<16xf32>,
        %parallel_loop3A_1620 = vector.broadcast %parallel_loop3A_863 : i32 to vector<16xi32>
        %parallel_loop3A_1621 = arith.addi %get3A_697, %parallel_loop3A_1620 : vector<16xi32>
        %parallel_loop3A_1622 = tpu.vector_load_idx %arg6[%parallel_loop3A_1621] : memref<24576xf32, #tpu.memory_space<vmem>>[vector<16xi32>], vector<16xf32>,
        %parallel_loop3A_1623 = arith.constant 8 : i32
        %parallel_loop3A_1624 = arith.constant 0 : i32
        %parallel_loop3A_1625 = arith.cmpi eq, %parallel_loop3A_1623, %parallel_loop3A_1624 : i32
        %parallel_loop3A_1626 = arith.constant 1 : i32
        %parallel_loop3A_1627 = arith.select %parallel_loop3A_1625, %parallel_loop3A_1626, %parallel_loop3A_1623 : i32
        %parallel_loop3A_1628 = arith.remsi %parallel_loop3A_861, %parallel_loop3A_1627 : i32
        %parallel_loop3A_1629 = arith.constant 0 : i32
        %parallel_loop3A_1630 = arith.cmpi ne, %parallel_loop3A_1628, %parallel_loop3A_1629 : i32
        %parallel_loop3A_1631 = arith.constant 0 : i32
        %parallel_loop3A_1632 = arith.cmpi slt, %parallel_loop3A_1628, %parallel_loop3A_1631 : i32
        %parallel_loop3A_1633 = arith.constant 0 : i32
        %parallel_loop3A_1634 = arith.cmpi slt, %parallel_loop3A_1627, %parallel_loop3A_1633 : i32
        %parallel_loop3A_1635 = arith.xori %parallel_loop3A_1632, %parallel_loop3A_1634 : i1
        %parallel_loop3A_1636 = arith.andi %parallel_loop3A_1635, %parallel_loop3A_1630 : i1
        %parallel_loop3A_1637 = arith.addi %parallel_loop3A_1628, %parallel_loop3A_1627 : i32
        %parallel_loop3A_1638 = arith.select %parallel_loop3A_1636, %parallel_loop3A_1637, %parallel_loop3A_1628 : i32
        %parallel_loop3A_1639 = arith.constant 128 : i32
        %parallel_loop3A_1640 = arith.muli %parallel_loop3A_1638, %parallel_loop3A_1639 : i32
        %parallel_loop3A_1641 = arith.constant 1024 : i32
        %parallel_loop3A_1642 = arith.addi %parallel_loop3A_1641, %parallel_loop3A_1640 : i32
        %parallel_loop3A_1643 = arith.constant 96 : i32
        %parallel_loop3A_1644 = arith.addi %parallel_loop3A_1642, %parallel_loop3A_1643 : i32
        %parallel_loop3A_1645 = arith.constant 8 : i32
        %parallel_loop3A_1646 = arith.divsi %parallel_loop3A_861, %parallel_loop3A_1645 : i32
        %parallel_loop3A_1647 = arith.constant 0 : i32
        %parallel_loop3A_1648 = arith.cmpi sgt, %parallel_loop3A_861, %parallel_loop3A_1647 : i32
        %parallel_loop3A_1649 = arith.extui %parallel_loop3A_1648 : i1 to i32
        %parallel_loop3A_1650 = arith.constant 0 : i32
        %parallel_loop3A_1651 = arith.cmpi slt, %parallel_loop3A_861, %parallel_loop3A_1650 : i32
        %parallel_loop3A_1652 = arith.extui %parallel_loop3A_1651 : i1 to i32
        %parallel_loop3A_1653 = arith.subi %parallel_loop3A_1649, %parallel_loop3A_1652 : i32
        %parallel_loop3A_1654 = arith.constant 0 : i32
        %parallel_loop3A_1655 = arith.cmpi sgt, %parallel_loop3A_1645, %parallel_loop3A_1654 : i32
        %parallel_loop3A_1656 = arith.extui %parallel_loop3A_1655 : i1 to i32
        %parallel_loop3A_1657 = arith.constant 0 : i32
        %parallel_loop3A_1658 = arith.cmpi slt, %parallel_loop3A_1645, %parallel_loop3A_1657 : i32
        %parallel_loop3A_1659 = arith.extui %parallel_loop3A_1658 : i1 to i32
        %parallel_loop3A_1660 = arith.subi %parallel_loop3A_1656, %parallel_loop3A_1659 : i32
        %parallel_loop3A_1661 = arith.cmpi ne, %parallel_loop3A_1653, %parallel_loop3A_1660 : i32
        %parallel_loop3A_1662 = arith.remsi %parallel_loop3A_861, %parallel_loop3A_1645 : i32
        %parallel_loop3A_1663 = arith.constant 0 : i32
        %parallel_loop3A_1664 = arith.cmpi ne, %parallel_loop3A_1662, %parallel_loop3A_1663 : i32
        %parallel_loop3A_1665 = arith.andi %parallel_loop3A_1661, %parallel_loop3A_1664 : i1
        %parallel_loop3A_1666 = arith.constant 1 : i32
        %parallel_loop3A_1667 = arith.subi %parallel_loop3A_1646, %parallel_loop3A_1666 : i32
        %parallel_loop3A_1668 = arith.select %parallel_loop3A_1665, %parallel_loop3A_1667, %parallel_loop3A_1646 : i32
        %parallel_loop3A_1669 = arith.constant 1 : i32
        %parallel_loop3A_1670 = arith.index_cast %parallel_loop3A_1669 : i32 to index
        %parallel_loop3A_1671 = arith.index_cast %parallel_loop3A_1668 : i32 to index
        %parallel_loop3A_1672 = arith.index_cast %parallel_loop3A_1644 : i32 to index
        %parallel_loop3A_1673 = tpu.vector_load %arg7[%parallel_loop3A_1670, %parallel_loop3A_1671, %parallel_loop3A_1672] {strides = array<i32>} : memref<2x8x4096xf32, #tpu.memory_space<vmem>>, vector<16xf32>,
        tpu.vector_store %arg7[%parallel_loop3A_1670, %parallel_loop3A_1671, %parallel_loop3A_1672], %parallel_loop3A_1622 {strides = array<i32>} : memref<2x8x4096xf32, #tpu.memory_space<vmem>>, vector<16xf32>,
        %parallel_loop3A_1674 = vector.broadcast %parallel_loop3A_863 : i32 to vector<16xi32>
        %parallel_loop3A_1675 = arith.addi %get3A_703, %parallel_loop3A_1674 : vector<16xi32>
        %parallel_loop3A_1676 = tpu.vector_load_idx %arg6[%parallel_loop3A_1675] : memref<24576xf32, #tpu.memory_space<vmem>>[vector<16xi32>], vector<16xf32>,
        %parallel_loop3A_1677 = arith.constant 8 : i32
        %parallel_loop3A_1678 = arith.constant 0 : i32
        %parallel_loop3A_1679 = arith.cmpi eq, %parallel_loop3A_1677, %parallel_loop3A_1678 : i32
        %parallel_loop3A_1680 = arith.constant 1 : i32
        %parallel_loop3A_1681 = arith.select %parallel_loop3A_1679, %parallel_loop3A_1680, %parallel_loop3A_1677 : i32
        %parallel_loop3A_1682 = arith.remsi %parallel_loop3A_861, %parallel_loop3A_1681 : i32
        %parallel_loop3A_1683 = arith.constant 0 : i32
        %parallel_loop3A_1684 = arith.cmpi ne, %parallel_loop3A_1682, %parallel_loop3A_1683 : i32
        %parallel_loop3A_1685 = arith.constant 0 : i32
        %parallel_loop3A_1686 = arith.cmpi slt, %parallel_loop3A_1682, %parallel_loop3A_1685 : i32
        %parallel_loop3A_1687 = arith.constant 0 : i32
        %parallel_loop3A_1688 = arith.cmpi slt, %parallel_loop3A_1681, %parallel_loop3A_1687 : i32
        %parallel_loop3A_1689 = arith.xori %parallel_loop3A_1686, %parallel_loop3A_1688 : i1
        %parallel_loop3A_1690 = arith.andi %parallel_loop3A_1689, %parallel_loop3A_1684 : i1
        %parallel_loop3A_1691 = arith.addi %parallel_loop3A_1682, %parallel_loop3A_1681 : i32
        %parallel_loop3A_1692 = arith.select %parallel_loop3A_1690, %parallel_loop3A_1691, %parallel_loop3A_1682 : i32
        %parallel_loop3A_1693 = arith.constant 128 : i32
        %parallel_loop3A_1694 = arith.muli %parallel_loop3A_1692, %parallel_loop3A_1693 : i32
        %parallel_loop3A_1695 = arith.constant 1024 : i32
        %parallel_loop3A_1696 = arith.addi %parallel_loop3A_1695, %parallel_loop3A_1694 : i32
        %parallel_loop3A_1697 = arith.constant 112 : i32
        %parallel_loop3A_1698 = arith.addi %parallel_loop3A_1696, %parallel_loop3A_1697 : i32
        %parallel_loop3A_1699 = arith.constant 8 : i32
        %parallel_loop3A_1700 = arith.divsi %parallel_loop3A_861, %parallel_loop3A_1699 : i32
        %parallel_loop3A_1701 = arith.constant 0 : i32
        %parallel_loop3A_1702 = arith.cmpi sgt, %parallel_loop3A_861, %parallel_loop3A_1701 : i32
        %parallel_loop3A_1703 = arith.extui %parallel_loop3A_1702 : i1 to i32
        %parallel_loop3A_1704 = arith.constant 0 : i32
        %parallel_loop3A_1705 = arith.cmpi slt, %parallel_loop3A_861, %parallel_loop3A_1704 : i32
        %parallel_loop3A_1706 = arith.extui %parallel_loop3A_1705 : i1 to i32
        %parallel_loop3A_1707 = arith.subi %parallel_loop3A_1703, %parallel_loop3A_1706 : i32
        %parallel_loop3A_1708 = arith.constant 0 : i32
        %parallel_loop3A_1709 = arith.cmpi sgt, %parallel_loop3A_1699, %parallel_loop3A_1708 : i32
        %parallel_loop3A_1710 = arith.extui %parallel_loop3A_1709 : i1 to i32
        %parallel_loop3A_1711 = arith.constant 0 : i32
        %parallel_loop3A_1712 = arith.cmpi slt, %parallel_loop3A_1699, %parallel_loop3A_1711 : i32
        %parallel_loop3A_1713 = arith.extui %parallel_loop3A_1712 : i1 to i32
        %parallel_loop3A_1714 = arith.subi %parallel_loop3A_1710, %parallel_loop3A_1713 : i32
        %parallel_loop3A_1715 = arith.cmpi ne, %parallel_loop3A_1707, %parallel_loop3A_1714 : i32
        %parallel_loop3A_1716 = arith.remsi %parallel_loop3A_861, %parallel_loop3A_1699 : i32
        %parallel_loop3A_1717 = arith.constant 0 : i32
        %parallel_loop3A_1718 = arith.cmpi ne, %parallel_loop3A_1716, %parallel_loop3A_1717 : i32
        %parallel_loop3A_1719 = arith.andi %parallel_loop3A_1715, %parallel_loop3A_1718 : i1
        %parallel_loop3A_1720 = arith.constant 1 : i32
        %parallel_loop3A_1721 = arith.subi %parallel_loop3A_1700, %parallel_loop3A_1720 : i32
        %parallel_loop3A_1722 = arith.select %parallel_loop3A_1719, %parallel_loop3A_1721, %parallel_loop3A_1700 : i32
        %parallel_loop3A_1723 = arith.constant 1 : i32
        %parallel_loop3A_1724 = arith.index_cast %parallel_loop3A_1723 : i32 to index
        %parallel_loop3A_1725 = arith.index_cast %parallel_loop3A_1722 : i32 to index
        %parallel_loop3A_1726 = arith.index_cast %parallel_loop3A_1698 : i32 to index
        %parallel_loop3A_1727 = tpu.vector_load %arg7[%parallel_loop3A_1724, %parallel_loop3A_1725, %parallel_loop3A_1726] {strides = array<i32>} : memref<2x8x4096xf32, #tpu.memory_space<vmem>>, vector<16xf32>,
        tpu.vector_store %arg7[%parallel_loop3A_1724, %parallel_loop3A_1725, %parallel_loop3A_1726], %parallel_loop3A_1676 {strides = array<i32>} : memref<2x8x4096xf32, #tpu.memory_space<vmem>>, vector<16xf32>,
        %parallel_loop3A_1728 = vector.broadcast %parallel_loop3A_863 : i32 to vector<16xi32>
        %parallel_loop3A_1729 = arith.addi %get3A_709, %parallel_loop3A_1728 : vector<16xi32>
        %parallel_loop3A_1730 = tpu.vector_load_idx %arg6[%parallel_loop3A_1729] : memref<24576xf32, #tpu.memory_space<vmem>>[vector<16xi32>], vector<16xf32>,
        %parallel_loop3A_1731 = arith.constant 8 : i32
        %parallel_loop3A_1732 = arith.constant 0 : i32
        %parallel_loop3A_1733 = arith.cmpi eq, %parallel_loop3A_1731, %parallel_loop3A_1732 : i32
        %parallel_loop3A_1734 = arith.constant 1 : i32
        %parallel_loop3A_1735 = arith.select %parallel_loop3A_1733, %parallel_loop3A_1734, %parallel_loop3A_1731 : i32
        %parallel_loop3A_1736 = arith.remsi %parallel_loop3A_861, %parallel_loop3A_1735 : i32
        %parallel_loop3A_1737 = arith.constant 0 : i32
        %parallel_loop3A_1738 = arith.cmpi ne, %parallel_loop3A_1736, %parallel_loop3A_1737 : i32
        %parallel_loop3A_1739 = arith.constant 0 : i32
        %parallel_loop3A_1740 = arith.cmpi slt, %parallel_loop3A_1736, %parallel_loop3A_1739 : i32
        %parallel_loop3A_1741 = arith.constant 0 : i32
        %parallel_loop3A_1742 = arith.cmpi slt, %parallel_loop3A_1735, %parallel_loop3A_1741 : i32
        %parallel_loop3A_1743 = arith.xori %parallel_loop3A_1740, %parallel_loop3A_1742 : i1
        %parallel_loop3A_1744 = arith.andi %parallel_loop3A_1743, %parallel_loop3A_1738 : i1
        %parallel_loop3A_1745 = arith.addi %parallel_loop3A_1736, %parallel_loop3A_1735 : i32
        %parallel_loop3A_1746 = arith.select %parallel_loop3A_1744, %parallel_loop3A_1745, %parallel_loop3A_1736 : i32
        %parallel_loop3A_1747 = arith.constant 128 : i32
        %parallel_loop3A_1748 = arith.muli %parallel_loop3A_1746, %parallel_loop3A_1747 : i32
        %parallel_loop3A_1749 = arith.constant 2048 : i32
        %parallel_loop3A_1750 = arith.addi %parallel_loop3A_1749, %parallel_loop3A_1748 : i32
        %parallel_loop3A_1751 = arith.constant 0 : i32
        %parallel_loop3A_1752 = arith.addi %parallel_loop3A_1750, %parallel_loop3A_1751 : i32
        %parallel_loop3A_1753 = arith.constant 8 : i32
        %parallel_loop3A_1754 = arith.divsi %parallel_loop3A_861, %parallel_loop3A_1753 : i32
        %parallel_loop3A_1755 = arith.constant 0 : i32
        %parallel_loop3A_1756 = arith.cmpi sgt, %parallel_loop3A_861, %parallel_loop3A_1755 : i32
        %parallel_loop3A_1757 = arith.extui %parallel_loop3A_1756 : i1 to i32
        %parallel_loop3A_1758 = arith.constant 0 : i32
        %parallel_loop3A_1759 = arith.cmpi slt, %parallel_loop3A_861, %parallel_loop3A_1758 : i32
        %parallel_loop3A_1760 = arith.extui %parallel_loop3A_1759 : i1 to i32
        %parallel_loop3A_1761 = arith.subi %parallel_loop3A_1757, %parallel_loop3A_1760 : i32
        %parallel_loop3A_1762 = arith.constant 0 : i32
        %parallel_loop3A_1763 = arith.cmpi sgt, %parallel_loop3A_1753, %parallel_loop3A_1762 : i32
        %parallel_loop3A_1764 = arith.extui %parallel_loop3A_1763 : i1 to i32
        %parallel_loop3A_1765 = arith.constant 0 : i32
        %parallel_loop3A_1766 = arith.cmpi slt, %parallel_loop3A_1753, %parallel_loop3A_1765 : i32
        %parallel_loop3A_1767 = arith.extui %parallel_loop3A_1766 : i1 to i32
        %parallel_loop3A_1768 = arith.subi %parallel_loop3A_1764, %parallel_loop3A_1767 : i32
        %parallel_loop3A_1769 = arith.cmpi ne, %parallel_loop3A_1761, %parallel_loop3A_1768 : i32
        %parallel_loop3A_1770 = arith.remsi %parallel_loop3A_861, %parallel_loop3A_1753 : i32
        %parallel_loop3A_1771 = arith.constant 0 : i32
        %parallel_loop3A_1772 = arith.cmpi ne, %parallel_loop3A_1770, %parallel_loop3A_1771 : i32
        %parallel_loop3A_1773 = arith.andi %parallel_loop3A_1769, %parallel_loop3A_1772 : i1
        %parallel_loop3A_1774 = arith.constant 1 : i32
        %parallel_loop3A_1775 = arith.subi %parallel_loop3A_1754, %parallel_loop3A_1774 : i32
        %parallel_loop3A_1776 = arith.select %parallel_loop3A_1773, %parallel_loop3A_1775, %parallel_loop3A_1754 : i32
        %parallel_loop3A_1777 = arith.constant 1 : i32
        %parallel_loop3A_1778 = arith.index_cast %parallel_loop3A_1777 : i32 to index
        %parallel_loop3A_1779 = arith.index_cast %parallel_loop3A_1776 : i32 to index
        %parallel_loop3A_1780 = arith.index_cast %parallel_loop3A_1752 : i32 to index
        %parallel_loop3A_1781 = tpu.vector_load %arg7[%parallel_loop3A_1778, %parallel_loop3A_1779, %parallel_loop3A_1780] {strides = array<i32>} : memref<2x8x4096xf32, #tpu.memory_space<vmem>>, vector<16xf32>,
        tpu.vector_store %arg7[%parallel_loop3A_1778, %parallel_loop3A_1779, %parallel_loop3A_1780], %parallel_loop3A_1730 {strides = array<i32>} : memref<2x8x4096xf32, #tpu.memory_space<vmem>>, vector<16xf32>,
        %parallel_loop3A_1782 = vector.broadcast %parallel_loop3A_863 : i32 to vector<16xi32>
        %parallel_loop3A_1783 = arith.addi %get3A_715, %parallel_loop3A_1782 : vector<16xi32>
        %parallel_loop3A_1784 = tpu.vector_load_idx %arg6[%parallel_loop3A_1783] : memref<24576xf32, #tpu.memory_space<vmem>>[vector<16xi32>], vector<16xf32>,
        %parallel_loop3A_1785 = arith.constant 8 : i32
        %parallel_loop3A_1786 = arith.constant 0 : i32
        %parallel_loop3A_1787 = arith.cmpi eq, %parallel_loop3A_1785, %parallel_loop3A_1786 : i32
        %parallel_loop3A_1788 = arith.constant 1 : i32
        %parallel_loop3A_1789 = arith.select %parallel_loop3A_1787, %parallel_loop3A_1788, %parallel_loop3A_1785 : i32
        %parallel_loop3A_1790 = arith.remsi %parallel_loop3A_861, %parallel_loop3A_1789 : i32
        %parallel_loop3A_1791 = arith.constant 0 : i32
        %parallel_loop3A_1792 = arith.cmpi ne, %parallel_loop3A_1790, %parallel_loop3A_1791 : i32
        %parallel_loop3A_1793 = arith.constant 0 : i32
        %parallel_loop3A_1794 = arith.cmpi slt, %parallel_loop3A_1790, %parallel_loop3A_1793 : i32
        %parallel_loop3A_1795 = arith.constant 0 : i32
        %parallel_loop3A_1796 = arith.cmpi slt, %parallel_loop3A_1789, %parallel_loop3A_1795 : i32
        %parallel_loop3A_1797 = arith.xori %parallel_loop3A_1794, %parallel_loop3A_1796 : i1
        %parallel_loop3A_1798 = arith.andi %parallel_loop3A_1797, %parallel_loop3A_1792 : i1
        %parallel_loop3A_1799 = arith.addi %parallel_loop3A_1790, %parallel_loop3A_1789 : i32
        %parallel_loop3A_1800 = arith.select %parallel_loop3A_1798, %parallel_loop3A_1799, %parallel_loop3A_1790 : i32
        %parallel_loop3A_1801 = arith.constant 128 : i32
        %parallel_loop3A_1802 = arith.muli %parallel_loop3A_1800, %parallel_loop3A_1801 : i32
        %parallel_loop3A_1803 = arith.constant 2048 : i32
        %parallel_loop3A_1804 = arith.addi %parallel_loop3A_1803, %parallel_loop3A_1802 : i32
        %parallel_loop3A_1805 = arith.constant 16 : i32
        %parallel_loop3A_1806 = arith.addi %parallel_loop3A_1804, %parallel_loop3A_1805 : i32
        %parallel_loop3A_1807 = arith.constant 8 : i32
        %parallel_loop3A_1808 = arith.divsi %parallel_loop3A_861, %parallel_loop3A_1807 : i32
        %parallel_loop3A_1809 = arith.constant 0 : i32
        %parallel_loop3A_1810 = arith.cmpi sgt, %parallel_loop3A_861, %parallel_loop3A_1809 : i32
        %parallel_loop3A_1811 = arith.extui %parallel_loop3A_1810 : i1 to i32
        %parallel_loop3A_1812 = arith.constant 0 : i32
        %parallel_loop3A_1813 = arith.cmpi slt, %parallel_loop3A_861, %parallel_loop3A_1812 : i32
        %parallel_loop3A_1814 = arith.extui %parallel_loop3A_1813 : i1 to i32
        %parallel_loop3A_1815 = arith.subi %parallel_loop3A_1811, %parallel_loop3A_1814 : i32
        %parallel_loop3A_1816 = arith.constant 0 : i32
        %parallel_loop3A_1817 = arith.cmpi sgt, %parallel_loop3A_1807, %parallel_loop3A_1816 : i32
        %parallel_loop3A_1818 = arith.extui %parallel_loop3A_1817 : i1 to i32
        %parallel_loop3A_1819 = arith.constant 0 : i32
        %parallel_loop3A_1820 = arith.cmpi slt, %parallel_loop3A_1807, %parallel_loop3A_1819 : i32
        %parallel_loop3A_1821 = arith.extui %parallel_loop3A_1820 : i1 to i32
        %parallel_loop3A_1822 = arith.subi %parallel_loop3A_1818, %parallel_loop3A_1821 : i32
        %parallel_loop3A_1823 = arith.cmpi ne, %parallel_loop3A_1815, %parallel_loop3A_1822 : i32
        %parallel_loop3A_1824 = arith.remsi %parallel_loop3A_861, %parallel_loop3A_1807 : i32
        %parallel_loop3A_1825 = arith.constant 0 : i32
        %parallel_loop3A_1826 = arith.cmpi ne, %parallel_loop3A_1824, %parallel_loop3A_1825 : i32
        %parallel_loop3A_1827 = arith.andi %parallel_loop3A_1823, %parallel_loop3A_1826 : i1
        %parallel_loop3A_1828 = arith.constant 1 : i32
        %parallel_loop3A_1829 = arith.subi %parallel_loop3A_1808, %parallel_loop3A_1828 : i32
        %parallel_loop3A_1830 = arith.select %parallel_loop3A_1827, %parallel_loop3A_1829, %parallel_loop3A_1808 : i32
        %parallel_loop3A_1831 = arith.constant 1 : i32
        %parallel_loop3A_1832 = arith.index_cast %parallel_loop3A_1831 : i32 to index
        %parallel_loop3A_1833 = arith.index_cast %parallel_loop3A_1830 : i32 to index
        %parallel_loop3A_1834 = arith.index_cast %parallel_loop3A_1806 : i32 to index
        %parallel_loop3A_1835 = tpu.vector_load %arg7[%parallel_loop3A_1832, %parallel_loop3A_1833, %parallel_loop3A_1834] {strides = array<i32>} : memref<2x8x4096xf32, #tpu.memory_space<vmem>>, vector<16xf32>,
        tpu.vector_store %arg7[%parallel_loop3A_1832, %parallel_loop3A_1833, %parallel_loop3A_1834], %parallel_loop3A_1784 {strides = array<i32>} : memref<2x8x4096xf32, #tpu.memory_space<vmem>>, vector<16xf32>,
        %parallel_loop3A_1836 = vector.broadcast %parallel_loop3A_863 : i32 to vector<16xi32>
        %parallel_loop3A_1837 = arith.addi %get3A_721, %parallel_loop3A_1836 : vector<16xi32>
        %parallel_loop3A_1838 = tpu.vector_load_idx %arg6[%parallel_loop3A_1837] : memref<24576xf32, #tpu.memory_space<vmem>>[vector<16xi32>], vector<16xf32>,
        %parallel_loop3A_1839 = arith.constant 8 : i32
        %parallel_loop3A_1840 = arith.constant 0 : i32
        %parallel_loop3A_1841 = arith.cmpi eq, %parallel_loop3A_1839, %parallel_loop3A_1840 : i32
        %parallel_loop3A_1842 = arith.constant 1 : i32
        %parallel_loop3A_1843 = arith.select %parallel_loop3A_1841, %parallel_loop3A_1842, %parallel_loop3A_1839 : i32
        %parallel_loop3A_1844 = arith.remsi %parallel_loop3A_861, %parallel_loop3A_1843 : i32
        %parallel_loop3A_1845 = arith.constant 0 : i32
        %parallel_loop3A_1846 = arith.cmpi ne, %parallel_loop3A_1844, %parallel_loop3A_1845 : i32
        %parallel_loop3A_1847 = arith.constant 0 : i32
        %parallel_loop3A_1848 = arith.cmpi slt, %parallel_loop3A_1844, %parallel_loop3A_1847 : i32
        %parallel_loop3A_1849 = arith.constant 0 : i32
        %parallel_loop3A_1850 = arith.cmpi slt, %parallel_loop3A_1843, %parallel_loop3A_1849 : i32
        %parallel_loop3A_1851 = arith.xori %parallel_loop3A_1848, %parallel_loop3A_1850 : i1
        %parallel_loop3A_1852 = arith.andi %parallel_loop3A_1851, %parallel_loop3A_1846 : i1
        %parallel_loop3A_1853 = arith.addi %parallel_loop3A_1844, %parallel_loop3A_1843 : i32
        %parallel_loop3A_1854 = arith.select %parallel_loop3A_1852, %parallel_loop3A_1853, %parallel_loop3A_1844 : i32
        %parallel_loop3A_1855 = arith.constant 128 : i32
        %parallel_loop3A_1856 = arith.muli %parallel_loop3A_1854, %parallel_loop3A_1855 : i32
        %parallel_loop3A_1857 = arith.constant 2048 : i32
        %parallel_loop3A_1858 = arith.addi %parallel_loop3A_1857, %parallel_loop3A_1856 : i32
        %parallel_loop3A_1859 = arith.constant 32 : i32
        %parallel_loop3A_1860 = arith.addi %parallel_loop3A_1858, %parallel_loop3A_1859 : i32
        %parallel_loop3A_1861 = arith.constant 8 : i32
        %parallel_loop3A_1862 = arith.divsi %parallel_loop3A_861, %parallel_loop3A_1861 : i32
        %parallel_loop3A_1863 = arith.constant 0 : i32
        %parallel_loop3A_1864 = arith.cmpi sgt, %parallel_loop3A_861, %parallel_loop3A_1863 : i32
        %parallel_loop3A_1865 = arith.extui %parallel_loop3A_1864 : i1 to i32
        %parallel_loop3A_1866 = arith.constant 0 : i32
        %parallel_loop3A_1867 = arith.cmpi slt, %parallel_loop3A_861, %parallel_loop3A_1866 : i32
        %parallel_loop3A_1868 = arith.extui %parallel_loop3A_1867 : i1 to i32
        %parallel_loop3A_1869 = arith.subi %parallel_loop3A_1865, %parallel_loop3A_1868 : i32
        %parallel_loop3A_1870 = arith.constant 0 : i32
        %parallel_loop3A_1871 = arith.cmpi sgt, %parallel_loop3A_1861, %parallel_loop3A_1870 : i32
        %parallel_loop3A_1872 = arith.extui %parallel_loop3A_1871 : i1 to i32
        %parallel_loop3A_1873 = arith.constant 0 : i32
        %parallel_loop3A_1874 = arith.cmpi slt, %parallel_loop3A_1861, %parallel_loop3A_1873 : i32
        %parallel_loop3A_1875 = arith.extui %parallel_loop3A_1874 : i1 to i32
        %parallel_loop3A_1876 = arith.subi %parallel_loop3A_1872, %parallel_loop3A_1875 : i32
        %parallel_loop3A_1877 = arith.cmpi ne, %parallel_loop3A_1869, %parallel_loop3A_1876 : i32
        %parallel_loop3A_1878 = arith.remsi %parallel_loop3A_861, %parallel_loop3A_1861 : i32
        %parallel_loop3A_1879 = arith.constant 0 : i32
        %parallel_loop3A_1880 = arith.cmpi ne, %parallel_loop3A_1878, %parallel_loop3A_1879 : i32
        %parallel_loop3A_1881 = arith.andi %parallel_loop3A_1877, %parallel_loop3A_1880 : i1
        %parallel_loop3A_1882 = arith.constant 1 : i32
        %parallel_loop3A_1883 = arith.subi %parallel_loop3A_1862, %parallel_loop3A_1882 : i32
        %parallel_loop3A_1884 = arith.select %parallel_loop3A_1881, %parallel_loop3A_1883, %parallel_loop3A_1862 : i32
        %parallel_loop3A_1885 = arith.constant 1 : i32
        %parallel_loop3A_1886 = arith.index_cast %parallel_loop3A_1885 : i32 to index
        %parallel_loop3A_1887 = arith.index_cast %parallel_loop3A_1884 : i32 to index
        %parallel_loop3A_1888 = arith.index_cast %parallel_loop3A_1860 : i32 to index
        %parallel_loop3A_1889 = tpu.vector_load %arg7[%parallel_loop3A_1886, %parallel_loop3A_1887, %parallel_loop3A_1888] {strides = array<i32>} : memref<2x8x4096xf32, #tpu.memory_space<vmem>>, vector<16xf32>,
        tpu.vector_store %arg7[%parallel_loop3A_1886, %parallel_loop3A_1887, %parallel_loop3A_1888], %parallel_loop3A_1838 {strides = array<i32>} : memref<2x8x4096xf32, #tpu.memory_space<vmem>>, vector<16xf32>,
        %parallel_loop3A_1890 = vector.broadcast %parallel_loop3A_863 : i32 to vector<16xi32>
        %parallel_loop3A_1891 = arith.addi %get3A_727, %parallel_loop3A_1890 : vector<16xi32>
        %parallel_loop3A_1892 = tpu.vector_load_idx %arg6[%parallel_loop3A_1891] : memref<24576xf32, #tpu.memory_space<vmem>>[vector<16xi32>], vector<16xf32>,
        %parallel_loop3A_1893 = arith.constant 8 : i32
        %parallel_loop3A_1894 = arith.constant 0 : i32
        %parallel_loop3A_1895 = arith.cmpi eq, %parallel_loop3A_1893, %parallel_loop3A_1894 : i32
        %parallel_loop3A_1896 = arith.constant 1 : i32
        %parallel_loop3A_1897 = arith.select %parallel_loop3A_1895, %parallel_loop3A_1896, %parallel_loop3A_1893 : i32
        %parallel_loop3A_1898 = arith.remsi %parallel_loop3A_861, %parallel_loop3A_1897 : i32
        %parallel_loop3A_1899 = arith.constant 0 : i32
        %parallel_loop3A_1900 = arith.cmpi ne, %parallel_loop3A_1898, %parallel_loop3A_1899 : i32
        %parallel_loop3A_1901 = arith.constant 0 : i32
        %parallel_loop3A_1902 = arith.cmpi slt, %parallel_loop3A_1898, %parallel_loop3A_1901 : i32
        %parallel_loop3A_1903 = arith.constant 0 : i32
        %parallel_loop3A_1904 = arith.cmpi slt, %parallel_loop3A_1897, %parallel_loop3A_1903 : i32
        %parallel_loop3A_1905 = arith.xori %parallel_loop3A_1902, %parallel_loop3A_1904 : i1
        %parallel_loop3A_1906 = arith.andi %parallel_loop3A_1905, %parallel_loop3A_1900 : i1
        %parallel_loop3A_1907 = arith.addi %parallel_loop3A_1898, %parallel_loop3A_1897 : i32
        %parallel_loop3A_1908 = arith.select %parallel_loop3A_1906, %parallel_loop3A_1907, %parallel_loop3A_1898 : i32
        %parallel_loop3A_1909 = arith.constant 128 : i32
        %parallel_loop3A_1910 = arith.muli %parallel_loop3A_1908, %parallel_loop3A_1909 : i32
        %parallel_loop3A_1911 = arith.constant 2048 : i32
        %parallel_loop3A_1912 = arith.addi %parallel_loop3A_1911, %parallel_loop3A_1910 : i32
        %parallel_loop3A_1913 = arith.constant 48 : i32
        %parallel_loop3A_1914 = arith.addi %parallel_loop3A_1912, %parallel_loop3A_1913 : i32
        %parallel_loop3A_1915 = arith.constant 8 : i32
        %parallel_loop3A_1916 = arith.divsi %parallel_loop3A_861, %parallel_loop3A_1915 : i32
        %parallel_loop3A_1917 = arith.constant 0 : i32
        %parallel_loop3A_1918 = arith.cmpi sgt, %parallel_loop3A_861, %parallel_loop3A_1917 : i32
        %parallel_loop3A_1919 = arith.extui %parallel_loop3A_1918 : i1 to i32
        %parallel_loop3A_1920 = arith.constant 0 : i32
        %parallel_loop3A_1921 = arith.cmpi slt, %parallel_loop3A_861, %parallel_loop3A_1920 : i32
        %parallel_loop3A_1922 = arith.extui %parallel_loop3A_1921 : i1 to i32
        %parallel_loop3A_1923 = arith.subi %parallel_loop3A_1919, %parallel_loop3A_1922 : i32
        %parallel_loop3A_1924 = arith.constant 0 : i32
        %parallel_loop3A_1925 = arith.cmpi sgt, %parallel_loop3A_1915, %parallel_loop3A_1924 : i32
        %parallel_loop3A_1926 = arith.extui %parallel_loop3A_1925 : i1 to i32
        %parallel_loop3A_1927 = arith.constant 0 : i32
        %parallel_loop3A_1928 = arith.cmpi slt, %parallel_loop3A_1915, %parallel_loop3A_1927 : i32
        %parallel_loop3A_1929 = arith.extui %parallel_loop3A_1928 : i1 to i32
        %parallel_loop3A_1930 = arith.subi %parallel_loop3A_1926, %parallel_loop3A_1929 : i32
        %parallel_loop3A_1931 = arith.cmpi ne, %parallel_loop3A_1923, %parallel_loop3A_1930 : i32
        %parallel_loop3A_1932 = arith.remsi %parallel_loop3A_861, %parallel_loop3A_1915 : i32
        %parallel_loop3A_1933 = arith.constant 0 : i32
        %parallel_loop3A_1934 = arith.cmpi ne, %parallel_loop3A_1932, %parallel_loop3A_1933 : i32
        %parallel_loop3A_1935 = arith.andi %parallel_loop3A_1931, %parallel_loop3A_1934 : i1
        %parallel_loop3A_1936 = arith.constant 1 : i32
        %parallel_loop3A_1937 = arith.subi %parallel_loop3A_1916, %parallel_loop3A_1936 : i32
        %parallel_loop3A_1938 = arith.select %parallel_loop3A_1935, %parallel_loop3A_1937, %parallel_loop3A_1916 : i32
        %parallel_loop3A_1939 = arith.constant 1 : i32
        %parallel_loop3A_1940 = arith.index_cast %parallel_loop3A_1939 : i32 to index
        %parallel_loop3A_1941 = arith.index_cast %parallel_loop3A_1938 : i32 to index
        %parallel_loop3A_1942 = arith.index_cast %parallel_loop3A_1914 : i32 to index
        %parallel_loop3A_1943 = tpu.vector_load %arg7[%parallel_loop3A_1940, %parallel_loop3A_1941, %parallel_loop3A_1942] {strides = array<i32>} : memref<2x8x4096xf32, #tpu.memory_space<vmem>>, vector<16xf32>,
        tpu.vector_store %arg7[%parallel_loop3A_1940, %parallel_loop3A_1941, %parallel_loop3A_1942], %parallel_loop3A_1892 {strides = array<i32>} : memref<2x8x4096xf32, #tpu.memory_space<vmem>>, vector<16xf32>,
        %parallel_loop3A_1944 = vector.broadcast %parallel_loop3A_863 : i32 to vector<16xi32>
        %parallel_loop3A_1945 = arith.addi %get3A_733, %parallel_loop3A_1944 : vector<16xi32>
        %parallel_loop3A_1946 = tpu.vector_load_idx %arg6[%parallel_loop3A_1945] : memref<24576xf32, #tpu.memory_space<vmem>>[vector<16xi32>], vector<16xf32>,
        %parallel_loop3A_1947 = arith.constant 8 : i32
        %parallel_loop3A_1948 = arith.constant 0 : i32
        %parallel_loop3A_1949 = arith.cmpi eq, %parallel_loop3A_1947, %parallel_loop3A_1948 : i32
        %parallel_loop3A_1950 = arith.constant 1 : i32
        %parallel_loop3A_1951 = arith.select %parallel_loop3A_1949, %parallel_loop3A_1950, %parallel_loop3A_1947 : i32
        %parallel_loop3A_1952 = arith.remsi %parallel_loop3A_861, %parallel_loop3A_1951 : i32
        %parallel_loop3A_1953 = arith.constant 0 : i32
        %parallel_loop3A_1954 = arith.cmpi ne, %parallel_loop3A_1952, %parallel_loop3A_1953 : i32
        %parallel_loop3A_1955 = arith.constant 0 : i32
        %parallel_loop3A_1956 = arith.cmpi slt, %parallel_loop3A_1952, %parallel_loop3A_1955 : i32
        %parallel_loop3A_1957 = arith.constant 0 : i32
        %parallel_loop3A_1958 = arith.cmpi slt, %parallel_loop3A_1951, %parallel_loop3A_1957 : i32
        %parallel_loop3A_1959 = arith.xori %parallel_loop3A_1956, %parallel_loop3A_1958 : i1
        %parallel_loop3A_1960 = arith.andi %parallel_loop3A_1959, %parallel_loop3A_1954 : i1
        %parallel_loop3A_1961 = arith.addi %parallel_loop3A_1952, %parallel_loop3A_1951 : i32
        %parallel_loop3A_1962 = arith.select %parallel_loop3A_1960, %parallel_loop3A_1961, %parallel_loop3A_1952 : i32
        %parallel_loop3A_1963 = arith.constant 128 : i32
        %parallel_loop3A_1964 = arith.muli %parallel_loop3A_1962, %parallel_loop3A_1963 : i32
        %parallel_loop3A_1965 = arith.constant 2048 : i32
        %parallel_loop3A_1966 = arith.addi %parallel_loop3A_1965, %parallel_loop3A_1964 : i32
        %parallel_loop3A_1967 = arith.constant 64 : i32
        %parallel_loop3A_1968 = arith.addi %parallel_loop3A_1966, %parallel_loop3A_1967 : i32
        %parallel_loop3A_1969 = arith.constant 8 : i32
        %parallel_loop3A_1970 = arith.divsi %parallel_loop3A_861, %parallel_loop3A_1969 : i32
        %parallel_loop3A_1971 = arith.constant 0 : i32
        %parallel_loop3A_1972 = arith.cmpi sgt, %parallel_loop3A_861, %parallel_loop3A_1971 : i32
        %parallel_loop3A_1973 = arith.extui %parallel_loop3A_1972 : i1 to i32
        %parallel_loop3A_1974 = arith.constant 0 : i32
        %parallel_loop3A_1975 = arith.cmpi slt, %parallel_loop3A_861, %parallel_loop3A_1974 : i32
        %parallel_loop3A_1976 = arith.extui %parallel_loop3A_1975 : i1 to i32
        %parallel_loop3A_1977 = arith.subi %parallel_loop3A_1973, %parallel_loop3A_1976 : i32
        %parallel_loop3A_1978 = arith.constant 0 : i32
        %parallel_loop3A_1979 = arith.cmpi sgt, %parallel_loop3A_1969, %parallel_loop3A_1978 : i32
        %parallel_loop3A_1980 = arith.extui %parallel_loop3A_1979 : i1 to i32
        %parallel_loop3A_1981 = arith.constant 0 : i32
        %parallel_loop3A_1982 = arith.cmpi slt, %parallel_loop3A_1969, %parallel_loop3A_1981 : i32
        %parallel_loop3A_1983 = arith.extui %parallel_loop3A_1982 : i1 to i32
        %parallel_loop3A_1984 = arith.subi %parallel_loop3A_1980, %parallel_loop3A_1983 : i32
        %parallel_loop3A_1985 = arith.cmpi ne, %parallel_loop3A_1977, %parallel_loop3A_1984 : i32
        %parallel_loop3A_1986 = arith.remsi %parallel_loop3A_861, %parallel_loop3A_1969 : i32
        %parallel_loop3A_1987 = arith.constant 0 : i32
        %parallel_loop3A_1988 = arith.cmpi ne, %parallel_loop3A_1986, %parallel_loop3A_1987 : i32
        %parallel_loop3A_1989 = arith.andi %parallel_loop3A_1985, %parallel_loop3A_1988 : i1
        %parallel_loop3A_1990 = arith.constant 1 : i32
        %parallel_loop3A_1991 = arith.subi %parallel_loop3A_1970, %parallel_loop3A_1990 : i32
        %parallel_loop3A_1992 = arith.select %parallel_loop3A_1989, %parallel_loop3A_1991, %parallel_loop3A_1970 : i32
        %parallel_loop3A_1993 = arith.constant 1 : i32
        %parallel_loop3A_1994 = arith.index_cast %parallel_loop3A_1993 : i32 to index
        %parallel_loop3A_1995 = arith.index_cast %parallel_loop3A_1992 : i32 to index
        %parallel_loop3A_1996 = arith.index_cast %parallel_loop3A_1968 : i32 to index
        %parallel_loop3A_1997 = tpu.vector_load %arg7[%parallel_loop3A_1994, %parallel_loop3A_1995, %parallel_loop3A_1996] {strides = array<i32>} : memref<2x8x4096xf32, #tpu.memory_space<vmem>>, vector<16xf32>,
        tpu.vector_store %arg7[%parallel_loop3A_1994, %parallel_loop3A_1995, %parallel_loop3A_1996], %parallel_loop3A_1946 {strides = array<i32>} : memref<2x8x4096xf32, #tpu.memory_space<vmem>>, vector<16xf32>,
        %parallel_loop3A_1998 = vector.broadcast %parallel_loop3A_863 : i32 to vector<16xi32>
        %parallel_loop3A_1999 = arith.addi %get3A_739, %parallel_loop3A_1998 : vector<16xi32>
        %parallel_loop3A_2000 = tpu.vector_load_idx %arg6[%parallel_loop3A_1999] : memref<24576xf32, #tpu.memory_space<vmem>>[vector<16xi32>], vector<16xf32>,
        %parallel_loop3A_2001 = arith.constant 8 : i32
        %parallel_loop3A_2002 = arith.constant 0 : i32
        %parallel_loop3A_2003 = arith.cmpi eq, %parallel_loop3A_2001, %parallel_loop3A_2002 : i32
        %parallel_loop3A_2004 = arith.constant 1 : i32
        %parallel_loop3A_2005 = arith.select %parallel_loop3A_2003, %parallel_loop3A_2004, %parallel_loop3A_2001 : i32
        %parallel_loop3A_2006 = arith.remsi %parallel_loop3A_861, %parallel_loop3A_2005 : i32
        %parallel_loop3A_2007 = arith.constant 0 : i32
        %parallel_loop3A_2008 = arith.cmpi ne, %parallel_loop3A_2006, %parallel_loop3A_2007 : i32
        %parallel_loop3A_2009 = arith.constant 0 : i32
        %parallel_loop3A_2010 = arith.cmpi slt, %parallel_loop3A_2006, %parallel_loop3A_2009 : i32
        %parallel_loop3A_2011 = arith.constant 0 : i32
        %parallel_loop3A_2012 = arith.cmpi slt, %parallel_loop3A_2005, %parallel_loop3A_2011 : i32
        %parallel_loop3A_2013 = arith.xori %parallel_loop3A_2010, %parallel_loop3A_2012 : i1
        %parallel_loop3A_2014 = arith.andi %parallel_loop3A_2013, %parallel_loop3A_2008 : i1
        %parallel_loop3A_2015 = arith.addi %parallel_loop3A_2006, %parallel_loop3A_2005 : i32
        %parallel_loop3A_2016 = arith.select %parallel_loop3A_2014, %parallel_loop3A_2015, %parallel_loop3A_2006 : i32
        %parallel_loop3A_2017 = arith.constant 128 : i32
        %parallel_loop3A_2018 = arith.muli %parallel_loop3A_2016, %parallel_loop3A_2017 : i32
        %parallel_loop3A_2019 = arith.constant 2048 : i32
        %parallel_loop3A_2020 = arith.addi %parallel_loop3A_2019, %parallel_loop3A_2018 : i32
        %parallel_loop3A_2021 = arith.constant 80 : i32
        %parallel_loop3A_2022 = arith.addi %parallel_loop3A_2020, %parallel_loop3A_2021 : i32
        %parallel_loop3A_2023 = arith.constant 8 : i32
        %parallel_loop3A_2024 = arith.divsi %parallel_loop3A_861, %parallel_loop3A_2023 : i32
        %parallel_loop3A_2025 = arith.constant 0 : i32
        %parallel_loop3A_2026 = arith.cmpi sgt, %parallel_loop3A_861, %parallel_loop3A_2025 : i32
        %parallel_loop3A_2027 = arith.extui %parallel_loop3A_2026 : i1 to i32
        %parallel_loop3A_2028 = arith.constant 0 : i32
        %parallel_loop3A_2029 = arith.cmpi slt, %parallel_loop3A_861, %parallel_loop3A_2028 : i32
        %parallel_loop3A_2030 = arith.extui %parallel_loop3A_2029 : i1 to i32
        %parallel_loop3A_2031 = arith.subi %parallel_loop3A_2027, %parallel_loop3A_2030 : i32
        %parallel_loop3A_2032 = arith.constant 0 : i32
        %parallel_loop3A_2033 = arith.cmpi sgt, %parallel_loop3A_2023, %parallel_loop3A_2032 : i32
        %parallel_loop3A_2034 = arith.extui %parallel_loop3A_2033 : i1 to i32
        %parallel_loop3A_2035 = arith.constant 0 : i32
        %parallel_loop3A_2036 = arith.cmpi slt, %parallel_loop3A_2023, %parallel_loop3A_2035 : i32
        %parallel_loop3A_2037 = arith.extui %parallel_loop3A_2036 : i1 to i32
        %parallel_loop3A_2038 = arith.subi %parallel_loop3A_2034, %parallel_loop3A_2037 : i32
        %parallel_loop3A_2039 = arith.cmpi ne, %parallel_loop3A_2031, %parallel_loop3A_2038 : i32
        %parallel_loop3A_2040 = arith.remsi %parallel_loop3A_861, %parallel_loop3A_2023 : i32
        %parallel_loop3A_2041 = arith.constant 0 : i32
        %parallel_loop3A_2042 = arith.cmpi ne, %parallel_loop3A_2040, %parallel_loop3A_2041 : i32
        %parallel_loop3A_2043 = arith.andi %parallel_loop3A_2039, %parallel_loop3A_2042 : i1
        %parallel_loop3A_2044 = arith.constant 1 : i32
        %parallel_loop3A_2045 = arith.subi %parallel_loop3A_2024, %parallel_loop3A_2044 : i32
        %parallel_loop3A_2046 = arith.select %parallel_loop3A_2043, %parallel_loop3A_2045, %parallel_loop3A_2024 : i32
        %parallel_loop3A_2047 = arith.constant 1 : i32
        %parallel_loop3A_2048 = arith.index_cast %parallel_loop3A_2047 : i32 to index
        %parallel_loop3A_2049 = arith.index_cast %parallel_loop3A_2046 : i32 to index
        %parallel_loop3A_2050 = arith.index_cast %parallel_loop3A_2022 : i32 to index
        %parallel_loop3A_2051 = tpu.vector_load %arg7[%parallel_loop3A_2048, %parallel_loop3A_2049, %parallel_loop3A_2050] {strides = array<i32>} : memref<2x8x4096xf32, #tpu.memory_space<vmem>>, vector<16xf32>,
        tpu.vector_store %arg7[%parallel_loop3A_2048, %parallel_loop3A_2049, %parallel_loop3A_2050], %parallel_loop3A_2000 {strides = array<i32>} : memref<2x8x4096xf32, #tpu.memory_space<vmem>>, vector<16xf32>,
        %parallel_loop3A_2052 = vector.broadcast %parallel_loop3A_863 : i32 to vector<16xi32>
        %parallel_loop3A_2053 = arith.addi %get3A_745, %parallel_loop3A_2052 : vector<16xi32>
        %parallel_loop3A_2054 = tpu.vector_load_idx %arg6[%parallel_loop3A_2053] : memref<24576xf32, #tpu.memory_space<vmem>>[vector<16xi32>], vector<16xf32>,
        %parallel_loop3A_2055 = arith.constant 8 : i32
        %parallel_loop3A_2056 = arith.constant 0 : i32
        %parallel_loop3A_2057 = arith.cmpi eq, %parallel_loop3A_2055, %parallel_loop3A_2056 : i32
        %parallel_loop3A_2058 = arith.constant 1 : i32
        %parallel_loop3A_2059 = arith.select %parallel_loop3A_2057, %parallel_loop3A_2058, %parallel_loop3A_2055 : i32
        %parallel_loop3A_2060 = arith.remsi %parallel_loop3A_861, %parallel_loop3A_2059 : i32
        %parallel_loop3A_2061 = arith.constant 0 : i32
        %parallel_loop3A_2062 = arith.cmpi ne, %parallel_loop3A_2060, %parallel_loop3A_2061 : i32
        %parallel_loop3A_2063 = arith.constant 0 : i32
        %parallel_loop3A_2064 = arith.cmpi slt, %parallel_loop3A_2060, %parallel_loop3A_2063 : i32
        %parallel_loop3A_2065 = arith.constant 0 : i32
        %parallel_loop3A_2066 = arith.cmpi slt, %parallel_loop3A_2059, %parallel_loop3A_2065 : i32
        %parallel_loop3A_2067 = arith.xori %parallel_loop3A_2064, %parallel_loop3A_2066 : i1
        %parallel_loop3A_2068 = arith.andi %parallel_loop3A_2067, %parallel_loop3A_2062 : i1
        %parallel_loop3A_2069 = arith.addi %parallel_loop3A_2060, %parallel_loop3A_2059 : i32
        %parallel_loop3A_2070 = arith.select %parallel_loop3A_2068, %parallel_loop3A_2069, %parallel_loop3A_2060 : i32
        %parallel_loop3A_2071 = arith.constant 128 : i32
        %parallel_loop3A_2072 = arith.muli %parallel_loop3A_2070, %parallel_loop3A_2071 : i32
        %parallel_loop3A_2073 = arith.constant 2048 : i32
        %parallel_loop3A_2074 = arith.addi %parallel_loop3A_2073, %parallel_loop3A_2072 : i32
        %parallel_loop3A_2075 = arith.constant 96 : i32
        %parallel_loop3A_2076 = arith.addi %parallel_loop3A_2074, %parallel_loop3A_2075 : i32
        %parallel_loop3A_2077 = arith.constant 8 : i32
        %parallel_loop3A_2078 = arith.divsi %parallel_loop3A_861, %parallel_loop3A_2077 : i32
        %parallel_loop3A_2079 = arith.constant 0 : i32
        %parallel_loop3A_2080 = arith.cmpi sgt, %parallel_loop3A_861, %parallel_loop3A_2079 : i32
        %parallel_loop3A_2081 = arith.extui %parallel_loop3A_2080 : i1 to i32
        %parallel_loop3A_2082 = arith.constant 0 : i32
        %parallel_loop3A_2083 = arith.cmpi slt, %parallel_loop3A_861, %parallel_loop3A_2082 : i32
        %parallel_loop3A_2084 = arith.extui %parallel_loop3A_2083 : i1 to i32
        %parallel_loop3A_2085 = arith.subi %parallel_loop3A_2081, %parallel_loop3A_2084 : i32
        %parallel_loop3A_2086 = arith.constant 0 : i32
        %parallel_loop3A_2087 = arith.cmpi sgt, %parallel_loop3A_2077, %parallel_loop3A_2086 : i32
        %parallel_loop3A_2088 = arith.extui %parallel_loop3A_2087 : i1 to i32
        %parallel_loop3A_2089 = arith.constant 0 : i32
        %parallel_loop3A_2090 = arith.cmpi slt, %parallel_loop3A_2077, %parallel_loop3A_2089 : i32
        %parallel_loop3A_2091 = arith.extui %parallel_loop3A_2090 : i1 to i32
        %parallel_loop3A_2092 = arith.subi %parallel_loop3A_2088, %parallel_loop3A_2091 : i32
        %parallel_loop3A_2093 = arith.cmpi ne, %parallel_loop3A_2085, %parallel_loop3A_2092 : i32
        %parallel_loop3A_2094 = arith.remsi %parallel_loop3A_861, %parallel_loop3A_2077 : i32
        %parallel_loop3A_2095 = arith.constant 0 : i32
        %parallel_loop3A_2096 = arith.cmpi ne, %parallel_loop3A_2094, %parallel_loop3A_2095 : i32
        %parallel_loop3A_2097 = arith.andi %parallel_loop3A_2093, %parallel_loop3A_2096 : i1
        %parallel_loop3A_2098 = arith.constant 1 : i32
        %parallel_loop3A_2099 = arith.subi %parallel_loop3A_2078, %parallel_loop3A_2098 : i32
        %parallel_loop3A_2100 = arith.select %parallel_loop3A_2097, %parallel_loop3A_2099, %parallel_loop3A_2078 : i32
        %parallel_loop3A_2101 = arith.constant 1 : i32
        %parallel_loop3A_2102 = arith.index_cast %parallel_loop3A_2101 : i32 to index
        %parallel_loop3A_2103 = arith.index_cast %parallel_loop3A_2100 : i32 to index
        %parallel_loop3A_2104 = arith.index_cast %parallel_loop3A_2076 : i32 to index
        %parallel_loop3A_2105 = tpu.vector_load %arg7[%parallel_loop3A_2102, %parallel_loop3A_2103, %parallel_loop3A_2104] {strides = array<i32>} : memref<2x8x4096xf32, #tpu.memory_space<vmem>>, vector<16xf32>,
        tpu.vector_store %arg7[%parallel_loop3A_2102, %parallel_loop3A_2103, %parallel_loop3A_2104], %parallel_loop3A_2054 {strides = array<i32>} : memref<2x8x4096xf32, #tpu.memory_space<vmem>>, vector<16xf32>,
        %parallel_loop3A_2106 = vector.broadcast %parallel_loop3A_863 : i32 to vector<16xi32>
        %parallel_loop3A_2107 = arith.addi %get3A_751, %parallel_loop3A_2106 : vector<16xi32>
        %parallel_loop3A_2108 = tpu.vector_load_idx %arg6[%parallel_loop3A_2107] : memref<24576xf32, #tpu.memory_space<vmem>>[vector<16xi32>], vector<16xf32>,
        %parallel_loop3A_2109 = arith.constant 8 : i32
        %parallel_loop3A_2110 = arith.constant 0 : i32
        %parallel_loop3A_2111 = arith.cmpi eq, %parallel_loop3A_2109, %parallel_loop3A_2110 : i32
        %parallel_loop3A_2112 = arith.constant 1 : i32
        %parallel_loop3A_2113 = arith.select %parallel_loop3A_2111, %parallel_loop3A_2112, %parallel_loop3A_2109 : i32
        %parallel_loop3A_2114 = arith.remsi %parallel_loop3A_861, %parallel_loop3A_2113 : i32
        %parallel_loop3A_2115 = arith.constant 0 : i32
        %parallel_loop3A_2116 = arith.cmpi ne, %parallel_loop3A_2114, %parallel_loop3A_2115 : i32
        %parallel_loop3A_2117 = arith.constant 0 : i32
        %parallel_loop3A_2118 = arith.cmpi slt, %parallel_loop3A_2114, %parallel_loop3A_2117 : i32
        %parallel_loop3A_2119 = arith.constant 0 : i32
        %parallel_loop3A_2120 = arith.cmpi slt, %parallel_loop3A_2113, %parallel_loop3A_2119 : i32
        %parallel_loop3A_2121 = arith.xori %parallel_loop3A_2118, %parallel_loop3A_2120 : i1
        %parallel_loop3A_2122 = arith.andi %parallel_loop3A_2121, %parallel_loop3A_2116 : i1
        %parallel_loop3A_2123 = arith.addi %parallel_loop3A_2114, %parallel_loop3A_2113 : i32
        %parallel_loop3A_2124 = arith.select %parallel_loop3A_2122, %parallel_loop3A_2123, %parallel_loop3A_2114 : i32
        %parallel_loop3A_2125 = arith.constant 128 : i32
        %parallel_loop3A_2126 = arith.muli %parallel_loop3A_2124, %parallel_loop3A_2125 : i32
        %parallel_loop3A_2127 = arith.constant 2048 : i32
        %parallel_loop3A_2128 = arith.addi %parallel_loop3A_2127, %parallel_loop3A_2126 : i32
        %parallel_loop3A_2129 = arith.constant 112 : i32
        %parallel_loop3A_2130 = arith.addi %parallel_loop3A_2128, %parallel_loop3A_2129 : i32
        %parallel_loop3A_2131 = arith.constant 8 : i32
        %parallel_loop3A_2132 = arith.divsi %parallel_loop3A_861, %parallel_loop3A_2131 : i32
        %parallel_loop3A_2133 = arith.constant 0 : i32
        %parallel_loop3A_2134 = arith.cmpi sgt, %parallel_loop3A_861, %parallel_loop3A_2133 : i32
        %parallel_loop3A_2135 = arith.extui %parallel_loop3A_2134 : i1 to i32
        %parallel_loop3A_2136 = arith.constant 0 : i32
        %parallel_loop3A_2137 = arith.cmpi slt, %parallel_loop3A_861, %parallel_loop3A_2136 : i32
        %parallel_loop3A_2138 = arith.extui %parallel_loop3A_2137 : i1 to i32
        %parallel_loop3A_2139 = arith.subi %parallel_loop3A_2135, %parallel_loop3A_2138 : i32
        %parallel_loop3A_2140 = arith.constant 0 : i32
        %parallel_loop3A_2141 = arith.cmpi sgt, %parallel_loop3A_2131, %parallel_loop3A_2140 : i32
        %parallel_loop3A_2142 = arith.extui %parallel_loop3A_2141 : i1 to i32
        %parallel_loop3A_2143 = arith.constant 0 : i32
        %parallel_loop3A_2144 = arith.cmpi slt, %parallel_loop3A_2131, %parallel_loop3A_2143 : i32
        %parallel_loop3A_2145 = arith.extui %parallel_loop3A_2144 : i1 to i32
        %parallel_loop3A_2146 = arith.subi %parallel_loop3A_2142, %parallel_loop3A_2145 : i32
        %parallel_loop3A_2147 = arith.cmpi ne, %parallel_loop3A_2139, %parallel_loop3A_2146 : i32
        %parallel_loop3A_2148 = arith.remsi %parallel_loop3A_861, %parallel_loop3A_2131 : i32
        %parallel_loop3A_2149 = arith.constant 0 : i32
        %parallel_loop3A_2150 = arith.cmpi ne, %parallel_loop3A_2148, %parallel_loop3A_2149 : i32
        %parallel_loop3A_2151 = arith.andi %parallel_loop3A_2147, %parallel_loop3A_2150 : i1
        %parallel_loop3A_2152 = arith.constant 1 : i32
        %parallel_loop3A_2153 = arith.subi %parallel_loop3A_2132, %parallel_loop3A_2152 : i32
        %parallel_loop3A_2154 = arith.select %parallel_loop3A_2151, %parallel_loop3A_2153, %parallel_loop3A_2132 : i32
        %parallel_loop3A_2155 = arith.constant 1 : i32
        %parallel_loop3A_2156 = arith.index_cast %parallel_loop3A_2155 : i32 to index
        %parallel_loop3A_2157 = arith.index_cast %parallel_loop3A_2154 : i32 to index
        %parallel_loop3A_2158 = arith.index_cast %parallel_loop3A_2130 : i32 to index
        %parallel_loop3A_2159 = tpu.vector_load %arg7[%parallel_loop3A_2156, %parallel_loop3A_2157, %parallel_loop3A_2158] {strides = array<i32>} : memref<2x8x4096xf32, #tpu.memory_space<vmem>>, vector<16xf32>,
        tpu.vector_store %arg7[%parallel_loop3A_2156, %parallel_loop3A_2157, %parallel_loop3A_2158], %parallel_loop3A_2108 {strides = array<i32>} : memref<2x8x4096xf32, #tpu.memory_space<vmem>>, vector<16xf32>,
        %parallel_loop3A_2160 = vector.broadcast %parallel_loop3A_863 : i32 to vector<16xi32>
        %parallel_loop3A_2161 = arith.addi %get3A_757, %parallel_loop3A_2160 : vector<16xi32>
        %parallel_loop3A_2162 = tpu.vector_load_idx %arg6[%parallel_loop3A_2161] : memref<24576xf32, #tpu.memory_space<vmem>>[vector<16xi32>], vector<16xf32>,
        %parallel_loop3A_2163 = arith.constant 8 : i32
        %parallel_loop3A_2164 = arith.constant 0 : i32
        %parallel_loop3A_2165 = arith.cmpi eq, %parallel_loop3A_2163, %parallel_loop3A_2164 : i32
        %parallel_loop3A_2166 = arith.constant 1 : i32
        %parallel_loop3A_2167 = arith.select %parallel_loop3A_2165, %parallel_loop3A_2166, %parallel_loop3A_2163 : i32
        %parallel_loop3A_2168 = arith.remsi %parallel_loop3A_861, %parallel_loop3A_2167 : i32
        %parallel_loop3A_2169 = arith.constant 0 : i32
        %parallel_loop3A_2170 = arith.cmpi ne, %parallel_loop3A_2168, %parallel_loop3A_2169 : i32
        %parallel_loop3A_2171 = arith.constant 0 : i32
        %parallel_loop3A_2172 = arith.cmpi slt, %parallel_loop3A_2168, %parallel_loop3A_2171 : i32
        %parallel_loop3A_2173 = arith.constant 0 : i32
        %parallel_loop3A_2174 = arith.cmpi slt, %parallel_loop3A_2167, %parallel_loop3A_2173 : i32
        %parallel_loop3A_2175 = arith.xori %parallel_loop3A_2172, %parallel_loop3A_2174 : i1
        %parallel_loop3A_2176 = arith.andi %parallel_loop3A_2175, %parallel_loop3A_2170 : i1
        %parallel_loop3A_2177 = arith.addi %parallel_loop3A_2168, %parallel_loop3A_2167 : i32
        %parallel_loop3A_2178 = arith.select %parallel_loop3A_2176, %parallel_loop3A_2177, %parallel_loop3A_2168 : i32
        %parallel_loop3A_2179 = arith.constant 128 : i32
        %parallel_loop3A_2180 = arith.muli %parallel_loop3A_2178, %parallel_loop3A_2179 : i32
        %parallel_loop3A_2181 = arith.constant 3072 : i32
        %parallel_loop3A_2182 = arith.addi %parallel_loop3A_2181, %parallel_loop3A_2180 : i32
        %parallel_loop3A_2183 = arith.constant 0 : i32
        %parallel_loop3A_2184 = arith.addi %parallel_loop3A_2182, %parallel_loop3A_2183 : i32
        %parallel_loop3A_2185 = arith.constant 8 : i32
        %parallel_loop3A_2186 = arith.divsi %parallel_loop3A_861, %parallel_loop3A_2185 : i32
        %parallel_loop3A_2187 = arith.constant 0 : i32
        %parallel_loop3A_2188 = arith.cmpi sgt, %parallel_loop3A_861, %parallel_loop3A_2187 : i32
        %parallel_loop3A_2189 = arith.extui %parallel_loop3A_2188 : i1 to i32
        %parallel_loop3A_2190 = arith.constant 0 : i32
        %parallel_loop3A_2191 = arith.cmpi slt, %parallel_loop3A_861, %parallel_loop3A_2190 : i32
        %parallel_loop3A_2192 = arith.extui %parallel_loop3A_2191 : i1 to i32
        %parallel_loop3A_2193 = arith.subi %parallel_loop3A_2189, %parallel_loop3A_2192 : i32
        %parallel_loop3A_2194 = arith.constant 0 : i32
        %parallel_loop3A_2195 = arith.cmpi sgt, %parallel_loop3A_2185, %parallel_loop3A_2194 : i32
        %parallel_loop3A_2196 = arith.extui %parallel_loop3A_2195 : i1 to i32
        %parallel_loop3A_2197 = arith.constant 0 : i32
        %parallel_loop3A_2198 = arith.cmpi slt, %parallel_loop3A_2185, %parallel_loop3A_2197 : i32
        %parallel_loop3A_2199 = arith.extui %parallel_loop3A_2198 : i1 to i32
        %parallel_loop3A_2200 = arith.subi %parallel_loop3A_2196, %parallel_loop3A_2199 : i32
        %parallel_loop3A_2201 = arith.cmpi ne, %parallel_loop3A_2193, %parallel_loop3A_2200 : i32
        %parallel_loop3A_2202 = arith.remsi %parallel_loop3A_861, %parallel_loop3A_2185 : i32
        %parallel_loop3A_2203 = arith.constant 0 : i32
        %parallel_loop3A_2204 = arith.cmpi ne, %parallel_loop3A_2202, %parallel_loop3A_2203 : i32
        %parallel_loop3A_2205 = arith.andi %parallel_loop3A_2201, %parallel_loop3A_2204 : i1
        %parallel_loop3A_2206 = arith.constant 1 : i32
        %parallel_loop3A_2207 = arith.subi %parallel_loop3A_2186, %parallel_loop3A_2206 : i32
        %parallel_loop3A_2208 = arith.select %parallel_loop3A_2205, %parallel_loop3A_2207, %parallel_loop3A_2186 : i32
        %parallel_loop3A_2209 = arith.constant 1 : i32
        %parallel_loop3A_2210 = arith.index_cast %parallel_loop3A_2209 : i32 to index
        %parallel_loop3A_2211 = arith.index_cast %parallel_loop3A_2208 : i32 to index
        %parallel_loop3A_2212 = arith.index_cast %parallel_loop3A_2184 : i32 to index
        %parallel_loop3A_2213 = tpu.vector_load %arg7[%parallel_loop3A_2210, %parallel_loop3A_2211, %parallel_loop3A_2212] {strides = array<i32>} : memref<2x8x4096xf32, #tpu.memory_space<vmem>>, vector<16xf32>,
        tpu.vector_store %arg7[%parallel_loop3A_2210, %parallel_loop3A_2211, %parallel_loop3A_2212], %parallel_loop3A_2162 {strides = array<i32>} : memref<2x8x4096xf32, #tpu.memory_space<vmem>>, vector<16xf32>,
        %parallel_loop3A_2214 = vector.broadcast %parallel_loop3A_863 : i32 to vector<16xi32>
        %parallel_loop3A_2215 = arith.addi %get3A_763, %parallel_loop3A_2214 : vector<16xi32>
        %parallel_loop3A_2216 = tpu.vector_load_idx %arg6[%parallel_loop3A_2215] : memref<24576xf32, #tpu.memory_space<vmem>>[vector<16xi32>], vector<16xf32>,
        %parallel_loop3A_2217 = arith.constant 8 : i32
        %parallel_loop3A_2218 = arith.constant 0 : i32
        %parallel_loop3A_2219 = arith.cmpi eq, %parallel_loop3A_2217, %parallel_loop3A_2218 : i32
        %parallel_loop3A_2220 = arith.constant 1 : i32
        %parallel_loop3A_2221 = arith.select %parallel_loop3A_2219, %parallel_loop3A_2220, %parallel_loop3A_2217 : i32
        %parallel_loop3A_2222 = arith.remsi %parallel_loop3A_861, %parallel_loop3A_2221 : i32
        %parallel_loop3A_2223 = arith.constant 0 : i32
        %parallel_loop3A_2224 = arith.cmpi ne, %parallel_loop3A_2222, %parallel_loop3A_2223 : i32
        %parallel_loop3A_2225 = arith.constant 0 : i32
        %parallel_loop3A_2226 = arith.cmpi slt, %parallel_loop3A_2222, %parallel_loop3A_2225 : i32
        %parallel_loop3A_2227 = arith.constant 0 : i32
        %parallel_loop3A_2228 = arith.cmpi slt, %parallel_loop3A_2221, %parallel_loop3A_2227 : i32
        %parallel_loop3A_2229 = arith.xori %parallel_loop3A_2226, %parallel_loop3A_2228 : i1
        %parallel_loop3A_2230 = arith.andi %parallel_loop3A_2229, %parallel_loop3A_2224 : i1
        %parallel_loop3A_2231 = arith.addi %parallel_loop3A_2222, %parallel_loop3A_2221 : i32
        %parallel_loop3A_2232 = arith.select %parallel_loop3A_2230, %parallel_loop3A_2231, %parallel_loop3A_2222 : i32
        %parallel_loop3A_2233 = arith.constant 128 : i32
        %parallel_loop3A_2234 = arith.muli %parallel_loop3A_2232, %parallel_loop3A_2233 : i32
        %parallel_loop3A_2235 = arith.constant 3072 : i32
        %parallel_loop3A_2236 = arith.addi %parallel_loop3A_2235, %parallel_loop3A_2234 : i32
        %parallel_loop3A_2237 = arith.constant 16 : i32
        %parallel_loop3A_2238 = arith.addi %parallel_loop3A_2236, %parallel_loop3A_2237 : i32
        %parallel_loop3A_2239 = arith.constant 8 : i32
        %parallel_loop3A_2240 = arith.divsi %parallel_loop3A_861, %parallel_loop3A_2239 : i32
        %parallel_loop3A_2241 = arith.constant 0 : i32
        %parallel_loop3A_2242 = arith.cmpi sgt, %parallel_loop3A_861, %parallel_loop3A_2241 : i32
        %parallel_loop3A_2243 = arith.extui %parallel_loop3A_2242 : i1 to i32
        %parallel_loop3A_2244 = arith.constant 0 : i32
        %parallel_loop3A_2245 = arith.cmpi slt, %parallel_loop3A_861, %parallel_loop3A_2244 : i32
        %parallel_loop3A_2246 = arith.extui %parallel_loop3A_2245 : i1 to i32
        %parallel_loop3A_2247 = arith.subi %parallel_loop3A_2243, %parallel_loop3A_2246 : i32
        %parallel_loop3A_2248 = arith.constant 0 : i32
        %parallel_loop3A_2249 = arith.cmpi sgt, %parallel_loop3A_2239, %parallel_loop3A_2248 : i32
        %parallel_loop3A_2250 = arith.extui %parallel_loop3A_2249 : i1 to i32
        %parallel_loop3A_2251 = arith.constant 0 : i32
        %parallel_loop3A_2252 = arith.cmpi slt, %parallel_loop3A_2239, %parallel_loop3A_2251 : i32
        %parallel_loop3A_2253 = arith.extui %parallel_loop3A_2252 : i1 to i32
        %parallel_loop3A_2254 = arith.subi %parallel_loop3A_2250, %parallel_loop3A_2253 : i32
        %parallel_loop3A_2255 = arith.cmpi ne, %parallel_loop3A_2247, %parallel_loop3A_2254 : i32
        %parallel_loop3A_2256 = arith.remsi %parallel_loop3A_861, %parallel_loop3A_2239 : i32
        %parallel_loop3A_2257 = arith.constant 0 : i32
        %parallel_loop3A_2258 = arith.cmpi ne, %parallel_loop3A_2256, %parallel_loop3A_2257 : i32
        %parallel_loop3A_2259 = arith.andi %parallel_loop3A_2255, %parallel_loop3A_2258 : i1
        %parallel_loop3A_2260 = arith.constant 1 : i32
        %parallel_loop3A_2261 = arith.subi %parallel_loop3A_2240, %parallel_loop3A_2260 : i32
        %parallel_loop3A_2262 = arith.select %parallel_loop3A_2259, %parallel_loop3A_2261, %parallel_loop3A_2240 : i32
        %parallel_loop3A_2263 = arith.constant 1 : i32
        %parallel_loop3A_2264 = arith.index_cast %parallel_loop3A_2263 : i32 to index
        %parallel_loop3A_2265 = arith.index_cast %parallel_loop3A_2262 : i32 to index
        %parallel_loop3A_2266 = arith.index_cast %parallel_loop3A_2238 : i32 to index
        %parallel_loop3A_2267 = tpu.vector_load %arg7[%parallel_loop3A_2264, %parallel_loop3A_2265, %parallel_loop3A_2266] {strides = array<i32>} : memref<2x8x4096xf32, #tpu.memory_space<vmem>>, vector<16xf32>,
        tpu.vector_store %arg7[%parallel_loop3A_2264, %parallel_loop3A_2265, %parallel_loop3A_2266], %parallel_loop3A_2216 {strides = array<i32>} : memref<2x8x4096xf32, #tpu.memory_space<vmem>>, vector<16xf32>,
        %parallel_loop3A_2268 = vector.broadcast %parallel_loop3A_863 : i32 to vector<16xi32>
        %parallel_loop3A_2269 = arith.addi %get3A_769, %parallel_loop3A_2268 : vector<16xi32>
        %parallel_loop3A_2270 = tpu.vector_load_idx %arg6[%parallel_loop3A_2269] : memref<24576xf32, #tpu.memory_space<vmem>>[vector<16xi32>], vector<16xf32>,
        %parallel_loop3A_2271 = arith.constant 8 : i32
        %parallel_loop3A_2272 = arith.constant 0 : i32
        %parallel_loop3A_2273 = arith.cmpi eq, %parallel_loop3A_2271, %parallel_loop3A_2272 : i32
        %parallel_loop3A_2274 = arith.constant 1 : i32
        %parallel_loop3A_2275 = arith.select %parallel_loop3A_2273, %parallel_loop3A_2274, %parallel_loop3A_2271 : i32
        %parallel_loop3A_2276 = arith.remsi %parallel_loop3A_861, %parallel_loop3A_2275 : i32
        %parallel_loop3A_2277 = arith.constant 0 : i32
        %parallel_loop3A_2278 = arith.cmpi ne, %parallel_loop3A_2276, %parallel_loop3A_2277 : i32
        %parallel_loop3A_2279 = arith.constant 0 : i32
        %parallel_loop3A_2280 = arith.cmpi slt, %parallel_loop3A_2276, %parallel_loop3A_2279 : i32
        %parallel_loop3A_2281 = arith.constant 0 : i32
        %parallel_loop3A_2282 = arith.cmpi slt, %parallel_loop3A_2275, %parallel_loop3A_2281 : i32
        %parallel_loop3A_2283 = arith.xori %parallel_loop3A_2280, %parallel_loop3A_2282 : i1
        %parallel_loop3A_2284 = arith.andi %parallel_loop3A_2283, %parallel_loop3A_2278 : i1
        %parallel_loop3A_2285 = arith.addi %parallel_loop3A_2276, %parallel_loop3A_2275 : i32
        %parallel_loop3A_2286 = arith.select %parallel_loop3A_2284, %parallel_loop3A_2285, %parallel_loop3A_2276 : i32
        %parallel_loop3A_2287 = arith.constant 128 : i32
        %parallel_loop3A_2288 = arith.muli %parallel_loop3A_2286, %parallel_loop3A_2287 : i32
        %parallel_loop3A_2289 = arith.constant 3072 : i32
        %parallel_loop3A_2290 = arith.addi %parallel_loop3A_2289, %parallel_loop3A_2288 : i32
        %parallel_loop3A_2291 = arith.constant 32 : i32
        %parallel_loop3A_2292 = arith.addi %parallel_loop3A_2290, %parallel_loop3A_2291 : i32
        %parallel_loop3A_2293 = arith.constant 8 : i32
        %parallel_loop3A_2294 = arith.divsi %parallel_loop3A_861, %parallel_loop3A_2293 : i32
        %parallel_loop3A_2295 = arith.constant 0 : i32
        %parallel_loop3A_2296 = arith.cmpi sgt, %parallel_loop3A_861, %parallel_loop3A_2295 : i32
        %parallel_loop3A_2297 = arith.extui %parallel_loop3A_2296 : i1 to i32
        %parallel_loop3A_2298 = arith.constant 0 : i32
        %parallel_loop3A_2299 = arith.cmpi slt, %parallel_loop3A_861, %parallel_loop3A_2298 : i32
        %parallel_loop3A_2300 = arith.extui %parallel_loop3A_2299 : i1 to i32
        %parallel_loop3A_2301 = arith.subi %parallel_loop3A_2297, %parallel_loop3A_2300 : i32
        %parallel_loop3A_2302 = arith.constant 0 : i32
        %parallel_loop3A_2303 = arith.cmpi sgt, %parallel_loop3A_2293, %parallel_loop3A_2302 : i32
        %parallel_loop3A_2304 = arith.extui %parallel_loop3A_2303 : i1 to i32
        %parallel_loop3A_2305 = arith.constant 0 : i32
        %parallel_loop3A_2306 = arith.cmpi slt, %parallel_loop3A_2293, %parallel_loop3A_2305 : i32
        %parallel_loop3A_2307 = arith.extui %parallel_loop3A_2306 : i1 to i32
        %parallel_loop3A_2308 = arith.subi %parallel_loop3A_2304, %parallel_loop3A_2307 : i32
        %parallel_loop3A_2309 = arith.cmpi ne, %parallel_loop3A_2301, %parallel_loop3A_2308 : i32
        %parallel_loop3A_2310 = arith.remsi %parallel_loop3A_861, %parallel_loop3A_2293 : i32
        %parallel_loop3A_2311 = arith.constant 0 : i32
        %parallel_loop3A_2312 = arith.cmpi ne, %parallel_loop3A_2310, %parallel_loop3A_2311 : i32
        %parallel_loop3A_2313 = arith.andi %parallel_loop3A_2309, %parallel_loop3A_2312 : i1
        %parallel_loop3A_2314 = arith.constant 1 : i32
        %parallel_loop3A_2315 = arith.subi %parallel_loop3A_2294, %parallel_loop3A_2314 : i32
        %parallel_loop3A_2316 = arith.select %parallel_loop3A_2313, %parallel_loop3A_2315, %parallel_loop3A_2294 : i32
        %parallel_loop3A_2317 = arith.constant 1 : i32
        %parallel_loop3A_2318 = arith.index_cast %parallel_loop3A_2317 : i32 to index
        %parallel_loop3A_2319 = arith.index_cast %parallel_loop3A_2316 : i32 to index
        %parallel_loop3A_2320 = arith.index_cast %parallel_loop3A_2292 : i32 to index
        %parallel_loop3A_2321 = tpu.vector_load %arg7[%parallel_loop3A_2318, %parallel_loop3A_2319, %parallel_loop3A_2320] {strides = array<i32>} : memref<2x8x4096xf32, #tpu.memory_space<vmem>>, vector<16xf32>,
        tpu.vector_store %arg7[%parallel_loop3A_2318, %parallel_loop3A_2319, %parallel_loop3A_2320], %parallel_loop3A_2270 {strides = array<i32>} : memref<2x8x4096xf32, #tpu.memory_space<vmem>>, vector<16xf32>,
        %parallel_loop3A_2322 = vector.broadcast %parallel_loop3A_863 : i32 to vector<16xi32>
        %parallel_loop3A_2323 = arith.addi %get3A_775, %parallel_loop3A_2322 : vector<16xi32>
        %parallel_loop3A_2324 = tpu.vector_load_idx %arg6[%parallel_loop3A_2323] : memref<24576xf32, #tpu.memory_space<vmem>>[vector<16xi32>], vector<16xf32>,
        %parallel_loop3A_2325 = arith.constant 8 : i32
        %parallel_loop3A_2326 = arith.constant 0 : i32
        %parallel_loop3A_2327 = arith.cmpi eq, %parallel_loop3A_2325, %parallel_loop3A_2326 : i32
        %parallel_loop3A_2328 = arith.constant 1 : i32
        %parallel_loop3A_2329 = arith.select %parallel_loop3A_2327, %parallel_loop3A_2328, %parallel_loop3A_2325 : i32
        %parallel_loop3A_2330 = arith.remsi %parallel_loop3A_861, %parallel_loop3A_2329 : i32
        %parallel_loop3A_2331 = arith.constant 0 : i32
        %parallel_loop3A_2332 = arith.cmpi ne, %parallel_loop3A_2330, %parallel_loop3A_2331 : i32
        %parallel_loop3A_2333 = arith.constant 0 : i32
        %parallel_loop3A_2334 = arith.cmpi slt, %parallel_loop3A_2330, %parallel_loop3A_2333 : i32
        %parallel_loop3A_2335 = arith.constant 0 : i32
        %parallel_loop3A_2336 = arith.cmpi slt, %parallel_loop3A_2329, %parallel_loop3A_2335 : i32
        %parallel_loop3A_2337 = arith.xori %parallel_loop3A_2334, %parallel_loop3A_2336 : i1
        %parallel_loop3A_2338 = arith.andi %parallel_loop3A_2337, %parallel_loop3A_2332 : i1
        %parallel_loop3A_2339 = arith.addi %parallel_loop3A_2330, %parallel_loop3A_2329 : i32
        %parallel_loop3A_2340 = arith.select %parallel_loop3A_2338, %parallel_loop3A_2339, %parallel_loop3A_2330 : i32
        %parallel_loop3A_2341 = arith.constant 128 : i32
        %parallel_loop3A_2342 = arith.muli %parallel_loop3A_2340, %parallel_loop3A_2341 : i32
        %parallel_loop3A_2343 = arith.constant 3072 : i32
        %parallel_loop3A_2344 = arith.addi %parallel_loop3A_2343, %parallel_loop3A_2342 : i32
        %parallel_loop3A_2345 = arith.constant 48 : i32
        %parallel_loop3A_2346 = arith.addi %parallel_loop3A_2344, %parallel_loop3A_2345 : i32
        %parallel_loop3A_2347 = arith.constant 8 : i32
        %parallel_loop3A_2348 = arith.divsi %parallel_loop3A_861, %parallel_loop3A_2347 : i32
        %parallel_loop3A_2349 = arith.constant 0 : i32
        %parallel_loop3A_2350 = arith.cmpi sgt, %parallel_loop3A_861, %parallel_loop3A_2349 : i32
        %parallel_loop3A_2351 = arith.extui %parallel_loop3A_2350 : i1 to i32
        %parallel_loop3A_2352 = arith.constant 0 : i32
        %parallel_loop3A_2353 = arith.cmpi slt, %parallel_loop3A_861, %parallel_loop3A_2352 : i32
        %parallel_loop3A_2354 = arith.extui %parallel_loop3A_2353 : i1 to i32
        %parallel_loop3A_2355 = arith.subi %parallel_loop3A_2351, %parallel_loop3A_2354 : i32
        %parallel_loop3A_2356 = arith.constant 0 : i32
        %parallel_loop3A_2357 = arith.cmpi sgt, %parallel_loop3A_2347, %parallel_loop3A_2356 : i32
        %parallel_loop3A_2358 = arith.extui %parallel_loop3A_2357 : i1 to i32
        %parallel_loop3A_2359 = arith.constant 0 : i32
        %parallel_loop3A_2360 = arith.cmpi slt, %parallel_loop3A_2347, %parallel_loop3A_2359 : i32
        %parallel_loop3A_2361 = arith.extui %parallel_loop3A_2360 : i1 to i32
        %parallel_loop3A_2362 = arith.subi %parallel_loop3A_2358, %parallel_loop3A_2361 : i32
        %parallel_loop3A_2363 = arith.cmpi ne, %parallel_loop3A_2355, %parallel_loop3A_2362 : i32
        %parallel_loop3A_2364 = arith.remsi %parallel_loop3A_861, %parallel_loop3A_2347 : i32
        %parallel_loop3A_2365 = arith.constant 0 : i32
        %parallel_loop3A_2366 = arith.cmpi ne, %parallel_loop3A_2364, %parallel_loop3A_2365 : i32
        %parallel_loop3A_2367 = arith.andi %parallel_loop3A_2363, %parallel_loop3A_2366 : i1
        %parallel_loop3A_2368 = arith.constant 1 : i32
        %parallel_loop3A_2369 = arith.subi %parallel_loop3A_2348, %parallel_loop3A_2368 : i32
        %parallel_loop3A_2370 = arith.select %parallel_loop3A_2367, %parallel_loop3A_2369, %parallel_loop3A_2348 : i32
        %parallel_loop3A_2371 = arith.constant 1 : i32
        %parallel_loop3A_2372 = arith.index_cast %parallel_loop3A_2371 : i32 to index
        %parallel_loop3A_2373 = arith.index_cast %parallel_loop3A_2370 : i32 to index
        %parallel_loop3A_2374 = arith.index_cast %parallel_loop3A_2346 : i32 to index
        %parallel_loop3A_2375 = tpu.vector_load %arg7[%parallel_loop3A_2372, %parallel_loop3A_2373, %parallel_loop3A_2374] {strides = array<i32>} : memref<2x8x4096xf32, #tpu.memory_space<vmem>>, vector<16xf32>,
        tpu.vector_store %arg7[%parallel_loop3A_2372, %parallel_loop3A_2373, %parallel_loop3A_2374], %parallel_loop3A_2324 {strides = array<i32>} : memref<2x8x4096xf32, #tpu.memory_space<vmem>>, vector<16xf32>,
        %parallel_loop3A_2376 = vector.broadcast %parallel_loop3A_863 : i32 to vector<16xi32>
        %parallel_loop3A_2377 = arith.addi %get3A_781, %parallel_loop3A_2376 : vector<16xi32>
        %parallel_loop3A_2378 = tpu.vector_load_idx %arg6[%parallel_loop3A_2377] : memref<24576xf32, #tpu.memory_space<vmem>>[vector<16xi32>], vector<16xf32>,
        %parallel_loop3A_2379 = arith.constant 8 : i32
        %parallel_loop3A_2380 = arith.constant 0 : i32
        %parallel_loop3A_2381 = arith.cmpi eq, %parallel_loop3A_2379, %parallel_loop3A_2380 : i32
        %parallel_loop3A_2382 = arith.constant 1 : i32
        %parallel_loop3A_2383 = arith.select %parallel_loop3A_2381, %parallel_loop3A_2382, %parallel_loop3A_2379 : i32
        %parallel_loop3A_2384 = arith.remsi %parallel_loop3A_861, %parallel_loop3A_2383 : i32
        %parallel_loop3A_2385 = arith.constant 0 : i32
        %parallel_loop3A_2386 = arith.cmpi ne, %parallel_loop3A_2384, %parallel_loop3A_2385 : i32
        %parallel_loop3A_2387 = arith.constant 0 : i32
        %parallel_loop3A_2388 = arith.cmpi slt, %parallel_loop3A_2384, %parallel_loop3A_2387 : i32
        %parallel_loop3A_2389 = arith.constant 0 : i32
        %parallel_loop3A_2390 = arith.cmpi slt, %parallel_loop3A_2383, %parallel_loop3A_2389 : i32
        %parallel_loop3A_2391 = arith.xori %parallel_loop3A_2388, %parallel_loop3A_2390 : i1
        %parallel_loop3A_2392 = arith.andi %parallel_loop3A_2391, %parallel_loop3A_2386 : i1
        %parallel_loop3A_2393 = arith.addi %parallel_loop3A_2384, %parallel_loop3A_2383 : i32
        %parallel_loop3A_2394 = arith.select %parallel_loop3A_2392, %parallel_loop3A_2393, %parallel_loop3A_2384 : i32
        %parallel_loop3A_2395 = arith.constant 128 : i32
        %parallel_loop3A_2396 = arith.muli %parallel_loop3A_2394, %parallel_loop3A_2395 : i32
        %parallel_loop3A_2397 = arith.constant 3072 : i32
        %parallel_loop3A_2398 = arith.addi %parallel_loop3A_2397, %parallel_loop3A_2396 : i32
        %parallel_loop3A_2399 = arith.constant 64 : i32
        %parallel_loop3A_2400 = arith.addi %parallel_loop3A_2398, %parallel_loop3A_2399 : i32
        %parallel_loop3A_2401 = arith.constant 8 : i32
        %parallel_loop3A_2402 = arith.divsi %parallel_loop3A_861, %parallel_loop3A_2401 : i32
        %parallel_loop3A_2403 = arith.constant 0 : i32
        %parallel_loop3A_2404 = arith.cmpi sgt, %parallel_loop3A_861, %parallel_loop3A_2403 : i32
        %parallel_loop3A_2405 = arith.extui %parallel_loop3A_2404 : i1 to i32
        %parallel_loop3A_2406 = arith.constant 0 : i32
        %parallel_loop3A_2407 = arith.cmpi slt, %parallel_loop3A_861, %parallel_loop3A_2406 : i32
        %parallel_loop3A_2408 = arith.extui %parallel_loop3A_2407 : i1 to i32
        %parallel_loop3A_2409 = arith.subi %parallel_loop3A_2405, %parallel_loop3A_2408 : i32
        %parallel_loop3A_2410 = arith.constant 0 : i32
        %parallel_loop3A_2411 = arith.cmpi sgt, %parallel_loop3A_2401, %parallel_loop3A_2410 : i32
        %parallel_loop3A_2412 = arith.extui %parallel_loop3A_2411 : i1 to i32
        %parallel_loop3A_2413 = arith.constant 0 : i32
        %parallel_loop3A_2414 = arith.cmpi slt, %parallel_loop3A_2401, %parallel_loop3A_2413 : i32
        %parallel_loop3A_2415 = arith.extui %parallel_loop3A_2414 : i1 to i32
        %parallel_loop3A_2416 = arith.subi %parallel_loop3A_2412, %parallel_loop3A_2415 : i32
        %parallel_loop3A_2417 = arith.cmpi ne, %parallel_loop3A_2409, %parallel_loop3A_2416 : i32
        %parallel_loop3A_2418 = arith.remsi %parallel_loop3A_861, %parallel_loop3A_2401 : i32
        %parallel_loop3A_2419 = arith.constant 0 : i32
        %parallel_loop3A_2420 = arith.cmpi ne, %parallel_loop3A_2418, %parallel_loop3A_2419 : i32
        %parallel_loop3A_2421 = arith.andi %parallel_loop3A_2417, %parallel_loop3A_2420 : i1
        %parallel_loop3A_2422 = arith.constant 1 : i32
        %parallel_loop3A_2423 = arith.subi %parallel_loop3A_2402, %parallel_loop3A_2422 : i32
        %parallel_loop3A_2424 = arith.select %parallel_loop3A_2421, %parallel_loop3A_2423, %parallel_loop3A_2402 : i32
        %parallel_loop3A_2425 = arith.constant 1 : i32
        %parallel_loop3A_2426 = arith.index_cast %parallel_loop3A_2425 : i32 to index
        %parallel_loop3A_2427 = arith.index_cast %parallel_loop3A_2424 : i32 to index
        %parallel_loop3A_2428 = arith.index_cast %parallel_loop3A_2400 : i32 to index
        %parallel_loop3A_2429 = tpu.vector_load %arg7[%parallel_loop3A_2426, %parallel_loop3A_2427, %parallel_loop3A_2428] {strides = array<i32>} : memref<2x8x4096xf32, #tpu.memory_space<vmem>>, vector<16xf32>,
        tpu.vector_store %arg7[%parallel_loop3A_2426, %parallel_loop3A_2427, %parallel_loop3A_2428], %parallel_loop3A_2378 {strides = array<i32>} : memref<2x8x4096xf32, #tpu.memory_space<vmem>>, vector<16xf32>,
        %parallel_loop3A_2430 = vector.broadcast %parallel_loop3A_863 : i32 to vector<16xi32>
        %parallel_loop3A_2431 = arith.addi %get3A_787, %parallel_loop3A_2430 : vector<16xi32>
        %parallel_loop3A_2432 = tpu.vector_load_idx %arg6[%parallel_loop3A_2431] : memref<24576xf32, #tpu.memory_space<vmem>>[vector<16xi32>], vector<16xf32>,
        %parallel_loop3A_2433 = arith.constant 8 : i32
        %parallel_loop3A_2434 = arith.constant 0 : i32
        %parallel_loop3A_2435 = arith.cmpi eq, %parallel_loop3A_2433, %parallel_loop3A_2434 : i32
        %parallel_loop3A_2436 = arith.constant 1 : i32
        %parallel_loop3A_2437 = arith.select %parallel_loop3A_2435, %parallel_loop3A_2436, %parallel_loop3A_2433 : i32
        %parallel_loop3A_2438 = arith.remsi %parallel_loop3A_861, %parallel_loop3A_2437 : i32
        %parallel_loop3A_2439 = arith.constant 0 : i32
        %parallel_loop3A_2440 = arith.cmpi ne, %parallel_loop3A_2438, %parallel_loop3A_2439 : i32
        %parallel_loop3A_2441 = arith.constant 0 : i32
        %parallel_loop3A_2442 = arith.cmpi slt, %parallel_loop3A_2438, %parallel_loop3A_2441 : i32
        %parallel_loop3A_2443 = arith.constant 0 : i32
        %parallel_loop3A_2444 = arith.cmpi slt, %parallel_loop3A_2437, %parallel_loop3A_2443 : i32
        %parallel_loop3A_2445 = arith.xori %parallel_loop3A_2442, %parallel_loop3A_2444 : i1
        %parallel_loop3A_2446 = arith.andi %parallel_loop3A_2445, %parallel_loop3A_2440 : i1
        %parallel_loop3A_2447 = arith.addi %parallel_loop3A_2438, %parallel_loop3A_2437 : i32
        %parallel_loop3A_2448 = arith.select %parallel_loop3A_2446, %parallel_loop3A_2447, %parallel_loop3A_2438 : i32
        %parallel_loop3A_2449 = arith.constant 128 : i32
        %parallel_loop3A_2450 = arith.muli %parallel_loop3A_2448, %parallel_loop3A_2449 : i32
        %parallel_loop3A_2451 = arith.constant 3072 : i32
        %parallel_loop3A_2452 = arith.addi %parallel_loop3A_2451, %parallel_loop3A_2450 : i32
        %parallel_loop3A_2453 = arith.constant 80 : i32
        %parallel_loop3A_2454 = arith.addi %parallel_loop3A_2452, %parallel_loop3A_2453 : i32
        %parallel_loop3A_2455 = arith.constant 8 : i32
        %parallel_loop3A_2456 = arith.divsi %parallel_loop3A_861, %parallel_loop3A_2455 : i32
        %parallel_loop3A_2457 = arith.constant 0 : i32
        %parallel_loop3A_2458 = arith.cmpi sgt, %parallel_loop3A_861, %parallel_loop3A_2457 : i32
        %parallel_loop3A_2459 = arith.extui %parallel_loop3A_2458 : i1 to i32
        %parallel_loop3A_2460 = arith.constant 0 : i32
        %parallel_loop3A_2461 = arith.cmpi slt, %parallel_loop3A_861, %parallel_loop3A_2460 : i32
        %parallel_loop3A_2462 = arith.extui %parallel_loop3A_2461 : i1 to i32
        %parallel_loop3A_2463 = arith.subi %parallel_loop3A_2459, %parallel_loop3A_2462 : i32
        %parallel_loop3A_2464 = arith.constant 0 : i32
        %parallel_loop3A_2465 = arith.cmpi sgt, %parallel_loop3A_2455, %parallel_loop3A_2464 : i32
        %parallel_loop3A_2466 = arith.extui %parallel_loop3A_2465 : i1 to i32
        %parallel_loop3A_2467 = arith.constant 0 : i32
        %parallel_loop3A_2468 = arith.cmpi slt, %parallel_loop3A_2455, %parallel_loop3A_2467 : i32
        %parallel_loop3A_2469 = arith.extui %parallel_loop3A_2468 : i1 to i32
        %parallel_loop3A_2470 = arith.subi %parallel_loop3A_2466, %parallel_loop3A_2469 : i32
        %parallel_loop3A_2471 = arith.cmpi ne, %parallel_loop3A_2463, %parallel_loop3A_2470 : i32
        %parallel_loop3A_2472 = arith.remsi %parallel_loop3A_861, %parallel_loop3A_2455 : i32
        %parallel_loop3A_2473 = arith.constant 0 : i32
        %parallel_loop3A_2474 = arith.cmpi ne, %parallel_loop3A_2472, %parallel_loop3A_2473 : i32
        %parallel_loop3A_2475 = arith.andi %parallel_loop3A_2471, %parallel_loop3A_2474 : i1
        %parallel_loop3A_2476 = arith.constant 1 : i32
        %parallel_loop3A_2477 = arith.subi %parallel_loop3A_2456, %parallel_loop3A_2476 : i32
        %parallel_loop3A_2478 = arith.select %parallel_loop3A_2475, %parallel_loop3A_2477, %parallel_loop3A_2456 : i32
        %parallel_loop3A_2479 = arith.constant 1 : i32
        %parallel_loop3A_2480 = arith.index_cast %parallel_loop3A_2479 : i32 to index
        %parallel_loop3A_2481 = arith.index_cast %parallel_loop3A_2478 : i32 to index
        %parallel_loop3A_2482 = arith.index_cast %parallel_loop3A_2454 : i32 to index
        %parallel_loop3A_2483 = tpu.vector_load %arg7[%parallel_loop3A_2480, %parallel_loop3A_2481, %parallel_loop3A_2482] {strides = array<i32>} : memref<2x8x4096xf32, #tpu.memory_space<vmem>>, vector<16xf32>,
        tpu.vector_store %arg7[%parallel_loop3A_2480, %parallel_loop3A_2481, %parallel_loop3A_2482], %parallel_loop3A_2432 {strides = array<i32>} : memref<2x8x4096xf32, #tpu.memory_space<vmem>>, vector<16xf32>,
        %parallel_loop3A_2484 = vector.broadcast %parallel_loop3A_863 : i32 to vector<16xi32>
        %parallel_loop3A_2485 = arith.addi %get3A_793, %parallel_loop3A_2484 : vector<16xi32>
        %parallel_loop3A_2486 = tpu.vector_load_idx %arg6[%parallel_loop3A_2485] : memref<24576xf32, #tpu.memory_space<vmem>>[vector<16xi32>], vector<16xf32>,
        %parallel_loop3A_2487 = arith.constant 8 : i32
        %parallel_loop3A_2488 = arith.constant 0 : i32
        %parallel_loop3A_2489 = arith.cmpi eq, %parallel_loop3A_2487, %parallel_loop3A_2488 : i32
        %parallel_loop3A_2490 = arith.constant 1 : i32
        %parallel_loop3A_2491 = arith.select %parallel_loop3A_2489, %parallel_loop3A_2490, %parallel_loop3A_2487 : i32
        %parallel_loop3A_2492 = arith.remsi %parallel_loop3A_861, %parallel_loop3A_2491 : i32
        %parallel_loop3A_2493 = arith.constant 0 : i32
        %parallel_loop3A_2494 = arith.cmpi ne, %parallel_loop3A_2492, %parallel_loop3A_2493 : i32
        %parallel_loop3A_2495 = arith.constant 0 : i32
        %parallel_loop3A_2496 = arith.cmpi slt, %parallel_loop3A_2492, %parallel_loop3A_2495 : i32
        %parallel_loop3A_2497 = arith.constant 0 : i32
        %parallel_loop3A_2498 = arith.cmpi slt, %parallel_loop3A_2491, %parallel_loop3A_2497 : i32
        %parallel_loop3A_2499 = arith.xori %parallel_loop3A_2496, %parallel_loop3A_2498 : i1
        %parallel_loop3A_2500 = arith.andi %parallel_loop3A_2499, %parallel_loop3A_2494 : i1
        %parallel_loop3A_2501 = arith.addi %parallel_loop3A_2492, %parallel_loop3A_2491 : i32
        %parallel_loop3A_2502 = arith.select %parallel_loop3A_2500, %parallel_loop3A_2501, %parallel_loop3A_2492 : i32
        %parallel_loop3A_2503 = arith.constant 128 : i32
        %parallel_loop3A_2504 = arith.muli %parallel_loop3A_2502, %parallel_loop3A_2503 : i32
        %parallel_loop3A_2505 = arith.constant 3072 : i32
        %parallel_loop3A_2506 = arith.addi %parallel_loop3A_2505, %parallel_loop3A_2504 : i32
        %parallel_loop3A_2507 = arith.constant 96 : i32
        %parallel_loop3A_2508 = arith.addi %parallel_loop3A_2506, %parallel_loop3A_2507 : i32
        %parallel_loop3A_2509 = arith.constant 8 : i32
        %parallel_loop3A_2510 = arith.divsi %parallel_loop3A_861, %parallel_loop3A_2509 : i32
        %parallel_loop3A_2511 = arith.constant 0 : i32
        %parallel_loop3A_2512 = arith.cmpi sgt, %parallel_loop3A_861, %parallel_loop3A_2511 : i32
        %parallel_loop3A_2513 = arith.extui %parallel_loop3A_2512 : i1 to i32
        %parallel_loop3A_2514 = arith.constant 0 : i32
        %parallel_loop3A_2515 = arith.cmpi slt, %parallel_loop3A_861, %parallel_loop3A_2514 : i32
        %parallel_loop3A_2516 = arith.extui %parallel_loop3A_2515 : i1 to i32
        %parallel_loop3A_2517 = arith.subi %parallel_loop3A_2513, %parallel_loop3A_2516 : i32
        %parallel_loop3A_2518 = arith.constant 0 : i32
        %parallel_loop3A_2519 = arith.cmpi sgt, %parallel_loop3A_2509, %parallel_loop3A_2518 : i32
        %parallel_loop3A_2520 = arith.extui %parallel_loop3A_2519 : i1 to i32
        %parallel_loop3A_2521 = arith.constant 0 : i32
        %parallel_loop3A_2522 = arith.cmpi slt, %parallel_loop3A_2509, %parallel_loop3A_2521 : i32
        %parallel_loop3A_2523 = arith.extui %parallel_loop3A_2522 : i1 to i32
        %parallel_loop3A_2524 = arith.subi %parallel_loop3A_2520, %parallel_loop3A_2523 : i32
        %parallel_loop3A_2525 = arith.cmpi ne, %parallel_loop3A_2517, %parallel_loop3A_2524 : i32
        %parallel_loop3A_2526 = arith.remsi %parallel_loop3A_861, %parallel_loop3A_2509 : i32
        %parallel_loop3A_2527 = arith.constant 0 : i32
        %parallel_loop3A_2528 = arith.cmpi ne, %parallel_loop3A_2526, %parallel_loop3A_2527 : i32
        %parallel_loop3A_2529 = arith.andi %parallel_loop3A_2525, %parallel_loop3A_2528 : i1
        %parallel_loop3A_2530 = arith.constant 1 : i32
        %parallel_loop3A_2531 = arith.subi %parallel_loop3A_2510, %parallel_loop3A_2530 : i32
        %parallel_loop3A_2532 = arith.select %parallel_loop3A_2529, %parallel_loop3A_2531, %parallel_loop3A_2510 : i32
        %parallel_loop3A_2533 = arith.constant 1 : i32
        %parallel_loop3A_2534 = arith.index_cast %parallel_loop3A_2533 : i32 to index
        %parallel_loop3A_2535 = arith.index_cast %parallel_loop3A_2532 : i32 to index
        %parallel_loop3A_2536 = arith.index_cast %parallel_loop3A_2508 : i32 to index
        %parallel_loop3A_2537 = tpu.vector_load %arg7[%parallel_loop3A_2534, %parallel_loop3A_2535, %parallel_loop3A_2536] {strides = array<i32>} : memref<2x8x4096xf32, #tpu.memory_space<vmem>>, vector<16xf32>,
        tpu.vector_store %arg7[%parallel_loop3A_2534, %parallel_loop3A_2535, %parallel_loop3A_2536], %parallel_loop3A_2486 {strides = array<i32>} : memref<2x8x4096xf32, #tpu.memory_space<vmem>>, vector<16xf32>,
        %parallel_loop3A_2538 = vector.broadcast %parallel_loop3A_863 : i32 to vector<16xi32>
        %parallel_loop3A_2539 = arith.addi %get3A_799, %parallel_loop3A_2538 : vector<16xi32>
        %parallel_loop3A_2540 = tpu.vector_load_idx %arg6[%parallel_loop3A_2539] : memref<24576xf32, #tpu.memory_space<vmem>>[vector<16xi32>], vector<16xf32>,
        %parallel_loop3A_2541 = arith.constant 8 : i32
        %parallel_loop3A_2542 = arith.constant 0 : i32
        %parallel_loop3A_2543 = arith.cmpi eq, %parallel_loop3A_2541, %parallel_loop3A_2542 : i32
        %parallel_loop3A_2544 = arith.constant 1 : i32
        %parallel_loop3A_2545 = arith.select %parallel_loop3A_2543, %parallel_loop3A_2544, %parallel_loop3A_2541 : i32
        %parallel_loop3A_2546 = arith.remsi %parallel_loop3A_861, %parallel_loop3A_2545 : i32
        %parallel_loop3A_2547 = arith.constant 0 : i32
        %parallel_loop3A_2548 = arith.cmpi ne, %parallel_loop3A_2546, %parallel_loop3A_2547 : i32
        %parallel_loop3A_2549 = arith.constant 0 : i32
        %parallel_loop3A_2550 = arith.cmpi slt, %parallel_loop3A_2546, %parallel_loop3A_2549 : i32
        %parallel_loop3A_2551 = arith.constant 0 : i32
        %parallel_loop3A_2552 = arith.cmpi slt, %parallel_loop3A_2545, %parallel_loop3A_2551 : i32
        %parallel_loop3A_2553 = arith.xori %parallel_loop3A_2550, %parallel_loop3A_2552 : i1
        %parallel_loop3A_2554 = arith.andi %parallel_loop3A_2553, %parallel_loop3A_2548 : i1
        %parallel_loop3A_2555 = arith.addi %parallel_loop3A_2546, %parallel_loop3A_2545 : i32
        %parallel_loop3A_2556 = arith.select %parallel_loop3A_2554, %parallel_loop3A_2555, %parallel_loop3A_2546 : i32
        %parallel_loop3A_2557 = arith.constant 128 : i32
        %parallel_loop3A_2558 = arith.muli %parallel_loop3A_2556, %parallel_loop3A_2557 : i32
        %parallel_loop3A_2559 = arith.constant 3072 : i32
        %parallel_loop3A_2560 = arith.addi %parallel_loop3A_2559, %parallel_loop3A_2558 : i32
        %parallel_loop3A_2561 = arith.constant 112 : i32
        %parallel_loop3A_2562 = arith.addi %parallel_loop3A_2560, %parallel_loop3A_2561 : i32
        %parallel_loop3A_2563 = arith.constant 8 : i32
        %parallel_loop3A_2564 = arith.divsi %parallel_loop3A_861, %parallel_loop3A_2563 : i32
        %parallel_loop3A_2565 = arith.constant 0 : i32
        %parallel_loop3A_2566 = arith.cmpi sgt, %parallel_loop3A_861, %parallel_loop3A_2565 : i32
        %parallel_loop3A_2567 = arith.extui %parallel_loop3A_2566 : i1 to i32
        %parallel_loop3A_2568 = arith.constant 0 : i32
        %parallel_loop3A_2569 = arith.cmpi slt, %parallel_loop3A_861, %parallel_loop3A_2568 : i32
        %parallel_loop3A_2570 = arith.extui %parallel_loop3A_2569 : i1 to i32
        %parallel_loop3A_2571 = arith.subi %parallel_loop3A_2567, %parallel_loop3A_2570 : i32
        %parallel_loop3A_2572 = arith.constant 0 : i32
        %parallel_loop3A_2573 = arith.cmpi sgt, %parallel_loop3A_2563, %parallel_loop3A_2572 : i32
        %parallel_loop3A_2574 = arith.extui %parallel_loop3A_2573 : i1 to i32
        %parallel_loop3A_2575 = arith.constant 0 : i32
        %parallel_loop3A_2576 = arith.cmpi slt, %parallel_loop3A_2563, %parallel_loop3A_2575 : i32
        %parallel_loop3A_2577 = arith.extui %parallel_loop3A_2576 : i1 to i32
        %parallel_loop3A_2578 = arith.subi %parallel_loop3A_2574, %parallel_loop3A_2577 : i32
        %parallel_loop3A_2579 = arith.cmpi ne, %parallel_loop3A_2571, %parallel_loop3A_2578 : i32
        %parallel_loop3A_2580 = arith.remsi %parallel_loop3A_861, %parallel_loop3A_2563 : i32
        %parallel_loop3A_2581 = arith.constant 0 : i32
        %parallel_loop3A_2582 = arith.cmpi ne, %parallel_loop3A_2580, %parallel_loop3A_2581 : i32
        %parallel_loop3A_2583 = arith.andi %parallel_loop3A_2579, %parallel_loop3A_2582 : i1
        %parallel_loop3A_2584 = arith.constant 1 : i32
        %parallel_loop3A_2585 = arith.subi %parallel_loop3A_2564, %parallel_loop3A_2584 : i32
        %parallel_loop3A_2586 = arith.select %parallel_loop3A_2583, %parallel_loop3A_2585, %parallel_loop3A_2564 : i32
        %parallel_loop3A_2587 = arith.constant 1 : i32
        %parallel_loop3A_2588 = arith.index_cast %parallel_loop3A_2587 : i32 to index
        %parallel_loop3A_2589 = arith.index_cast %parallel_loop3A_2586 : i32 to index
        %parallel_loop3A_2590 = arith.index_cast %parallel_loop3A_2562 : i32 to index
        %parallel_loop3A_2591 = tpu.vector_load %arg7[%parallel_loop3A_2588, %parallel_loop3A_2589, %parallel_loop3A_2590] {strides = array<i32>} : memref<2x8x4096xf32, #tpu.memory_space<vmem>>, vector<16xf32>,
        tpu.vector_store %arg7[%parallel_loop3A_2588, %parallel_loop3A_2589, %parallel_loop3A_2590], %parallel_loop3A_2540 {strides = array<i32>} : memref<2x8x4096xf32, #tpu.memory_space<vmem>>, vector<16xf32>,
      } {sc.loop_unroll_factor = 4 : i64, sc.parallel_access}
      %add3A_803 = arith.addi %mul3A_2, %add3A_549 : i32
      %jit3A_804 = arith.constant 4 : i32
      %div3A_805 = arith.divsi %add3A_803, %jit3A_804 : i32
      %sign3A_806 = arith.constant 0 : i32
      %sign3A_807 = arith.cmpi sgt, %add3A_803, %sign3A_806 : i32
      %sign3A_808 = arith.extui %sign3A_807 : i1 to i32
      %sign3A_809 = arith.constant 0 : i32
      %sign3A_810 = arith.cmpi slt, %add3A_803, %sign3A_809 : i32
      %sign3A_811 = arith.extui %sign3A_810 : i1 to i32
      %sign3A_812 = arith.subi %sign3A_808, %sign3A_811 : i32
      %sign3A_813 = arith.constant 0 : i32
      %sign3A_814 = arith.cmpi sgt, %jit3A_804, %sign3A_813 : i32
      %sign3A_815 = arith.extui %sign3A_814 : i1 to i32
      %sign3A_816 = arith.constant 0 : i32
      %sign3A_817 = arith.cmpi slt, %jit3A_804, %sign3A_816 : i32
      %sign3A_818 = arith.extui %sign3A_817 : i1 to i32
      %sign3A_819 = arith.subi %sign3A_815, %sign3A_818 : i32
      %ne3A_820 = arith.cmpi ne, %sign3A_812, %sign3A_819 : i32
      %rem3A_821 = arith.remsi %add3A_803, %jit3A_804 : i32
      %ne3A_822 = arith.constant 0 : i32
      %ne3A_823 = arith.cmpi ne, %rem3A_821, %ne3A_822 : i32
      %and3A_824 = arith.andi %ne3A_820, %ne3A_823 : i1
      %sub3A_825 = arith.constant 1 : i32
      %sub3A_826 = arith.subi %div3A_805, %sub3A_825 : i32
      %select_n3A_827 = arith.select %and3A_824, %sub3A_826, %div3A_805 : i32
      %jit3A_828 = arith.constant 4 : i32
      %eq3A_829 = arith.constant 0 : i32
      %eq3A_830 = arith.cmpi eq, %jit3A_828, %eq3A_829 : i32
      %jit3A_831 = arith.constant 1 : i32
      %select_n3A_832 = arith.select %eq3A_830, %jit3A_831, %jit3A_828 : i32
      %rem3A_833 = arith.remsi %add3A_803, %select_n3A_832 : i32
      %ne3A_834 = arith.constant 0 : i32
      %ne3A_835 = arith.cmpi ne, %rem3A_833, %ne3A_834 : i32
      %lt3A_836 = arith.constant 0 : i32
      %lt3A_837 = arith.cmpi slt, %rem3A_833, %lt3A_836 : i32
      %lt3A_838 = arith.constant 0 : i32
      %lt3A_839 = arith.cmpi slt, %select_n3A_832, %lt3A_838 : i32
      %ne3A_840 = arith.xori %lt3A_837, %lt3A_839 : i1
      %and3A_841 = arith.andi %ne3A_840, %ne3A_835 : i1
      %add3A_842 = arith.addi %rem3A_833, %select_n3A_832 : i32
      %select_n3A_843 = arith.select %and3A_841, %add3A_842, %rem3A_833 : i32
      %dma_start3A_844 = arith.constant 1 : i32
      %dma_start3A_845 = arith.constant 0 : i32
      %dma_start3A_846 = arith.constant 0 : i32
      %dma_start3A_847 = tpu.memref_slice %arg7[%dma_start3A_844, %dma_start3A_845, %dma_start3A_846] : memref<2x8x4096xf32, #tpu.memory_space<vmem>> -> memref<1x8x4096xf32, #tpu.memory_space<vmem>>
      %dma_start3A_848 = tpu.memref_squeeze %dma_start3A_847 : memref<1x8x4096xf32, #tpu.memory_space<vmem>> -> memref<8x4096xf32, #tpu.memory_space<vmem>>
      %dma_start3A_849 = arith.constant 0 : i32
      %dma_start3A_850 = arith.constant 0 : i32
      %dma_start3A_851 = tpu.memref_slice %arg4[%select_n3A_827, %dma_start3A_849, %select_n3A_843, %dma_start3A_850] : memref<512x8x4x4096xf32, #tpu.memory_space<hbm>> -> memref<1x8x1x4096xf32, #tpu.memory_space<hbm>>
      %dma_start3A_852 = tpu.memref_squeeze %dma_start3A_851 : memref<1x8x1x4096xf32, #tpu.memory_space<hbm>> -> memref<8x4096xf32, #tpu.memory_space<hbm>>
      %dma_start3A_853 = arith.constant 0 : i32
      %dma_start3A_854 = arith.constant 0 : i32
      %dma_start3A_855 = tpu.memref_slice %arg4[%select_n3A_827, %dma_start3A_853, %select_n3A_843, %dma_start3A_854] : memref<512x8x4x4096xf32, #tpu.memory_space<hbm>> -> memref<1x8x1x4096xf32, #tpu.memory_space<hbm>>
      %dma_start3A_856 = tpu.memref_squeeze %dma_start3A_855 : memref<1x8x1x4096xf32, #tpu.memory_space<hbm>> -> memref<8x4096xf32, #tpu.memory_space<hbm>>
      %dma_start3A_857 = arith.constant 0 : i32
      %dma_start3A_858 = arith.constant 0 : i32
      %dma_start3A_859 = tpu.memref_slice %arg7[%dma_start3A_844, %dma_start3A_857, %dma_start3A_858] : memref<2x8x4096xf32, #tpu.memory_space<vmem>> -> memref<1x8x4096xf32, #tpu.memory_space<vmem>>
      %dma_start3A_860 = tpu.memref_squeeze %dma_start3A_859 : memref<1x8x4096xf32, #tpu.memory_space<vmem>> -> memref<8x4096xf32, #tpu.memory_space<vmem>>
      tpu.enqueue_dma source(%dma_start3A_860 : memref<8x4096xf32, #tpu.memory_space<vmem>>) target(%dma_start3A_856 : memref<8x4096xf32, #tpu.memory_space<hbm>>) target_semaphore(%arg8 : memref<!tpu.dma_semaphore, #tpu.memory_space<semaphore_mem>>)
    }
    %scan3A_114 = arith.constant 32 : i32
    %add3A_115 = arith.constant 0 : i32
    %add3A_116 = arith.addi %mul3A_2, %add3A_115 : i32
    %jit3A_117 = arith.constant 4 : i32
    %div3A_118 = arith.divsi %add3A_116, %jit3A_117 : i32
    %sign3A_119 = arith.constant 0 : i32
    %sign3A_120 = arith.cmpi sgt, %add3A_116, %sign3A_119 : i32
    %sign3A_121 = arith.extui %sign3A_120 : i1 to i32
    %sign3A_122 = arith.constant 0 : i32
    %sign3A_123 = arith.cmpi slt, %add3A_116, %sign3A_122 : i32
    %sign3A_124 = arith.extui %sign3A_123 : i1 to i32
    %sign3A_125 = arith.subi %sign3A_121, %sign3A_124 : i32
    %sign3A_126 = arith.constant 0 : i32
    %sign3A_127 = arith.cmpi sgt, %jit3A_117, %sign3A_126 : i32
    %sign3A_128 = arith.extui %sign3A_127 : i1 to i32
    %sign3A_129 = arith.constant 0 : i32
    %sign3A_130 = arith.cmpi slt, %jit3A_117, %sign3A_129 : i32
    %sign3A_131 = arith.extui %sign3A_130 : i1 to i32
    %sign3A_132 = arith.subi %sign3A_128, %sign3A_131 : i32
    %ne3A_133 = arith.cmpi ne, %sign3A_125, %sign3A_132 : i32
    %rem3A_134 = arith.remsi %add3A_116, %jit3A_117 : i32
    %ne3A_135 = arith.constant 0 : i32
    %ne3A_136 = arith.cmpi ne, %rem3A_134, %ne3A_135 : i32
    %and3A_137 = arith.andi %ne3A_133, %ne3A_136 : i1
    %sub3A_138 = arith.constant 1 : i32
    %sub3A_139 = arith.subi %div3A_118, %sub3A_138 : i32
    %select_n3A_140 = arith.select %and3A_137, %sub3A_139, %div3A_118 : i32
    %jit3A_141 = arith.constant 4 : i32
    %eq3A_142 = arith.constant 0 : i32
    %eq3A_143 = arith.cmpi eq, %jit3A_141, %eq3A_142 : i32
    %jit3A_144 = arith.constant 1 : i32
    %select_n3A_145 = arith.select %eq3A_143, %jit3A_144, %jit3A_141 : i32
    %rem3A_146 = arith.remsi %add3A_116, %select_n3A_145 : i32
    %ne3A_147 = arith.constant 0 : i32
    %ne3A_148 = arith.cmpi ne, %rem3A_146, %ne3A_147 : i32
    %lt3A_149 = arith.constant 0 : i32
    %lt3A_150 = arith.cmpi slt, %rem3A_146, %lt3A_149 : i32
    %lt3A_151 = arith.constant 0 : i32
    %lt3A_152 = arith.cmpi slt, %select_n3A_145, %lt3A_151 : i32
    %ne3A_153 = arith.xori %lt3A_150, %lt3A_152 : i1
    %and3A_154 = arith.andi %ne3A_153, %ne3A_148 : i1
    %add3A_155 = arith.addi %rem3A_146, %select_n3A_145 : i32
    %select_n3A_156 = arith.select %and3A_154, %add3A_155, %rem3A_146 : i32
    %dma_wait3A = arith.constant 0 : i32
    %dma_wait3A_157 = arith.constant 0 : i32
    %dma_wait3A_158 = arith.constant 0 : i32
    %dma_wait3A_159 = tpu.memref_slice %arg7[%dma_wait3A, %dma_wait3A_157, %dma_wait3A_158] : memref<2x8x4096xf32, #tpu.memory_space<vmem>> -> memref<1x8x4096xf32, #tpu.memory_space<vmem>>
    %dma_wait3A_160 = tpu.memref_squeeze %dma_wait3A_159 : memref<1x8x4096xf32, #tpu.memory_space<vmem>> -> memref<8x4096xf32, #tpu.memory_space<vmem>>
    %dma_wait3A_161 = arith.constant 0 : i32
    %dma_wait3A_162 = arith.constant 0 : i32
    %dma_wait3A_163 = tpu.memref_slice %arg4[%select_n3A_140, %dma_wait3A_161, %select_n3A_156, %dma_wait3A_162] : memref<512x8x4x4096xf32, #tpu.memory_space<hbm>> -> memref<1x8x1x4096xf32, #tpu.memory_space<hbm>>
    %dma_wait3A_164 = tpu.memref_squeeze %dma_wait3A_163 : memref<1x8x1x4096xf32, #tpu.memory_space<hbm>> -> memref<8x4096xf32, #tpu.memory_space<hbm>>
    %dma_wait3A_165 = arith.constant 0 : i32
    %dma_wait3A_166 = arith.constant 0 : i32
    %dma_wait3A_167 = tpu.memref_slice %arg4[%select_n3A_140, %dma_wait3A_165, %select_n3A_156, %dma_wait3A_166] : memref<512x8x4x4096xf32, #tpu.memory_space<hbm>> -> memref<1x8x1x4096xf32, #tpu.memory_space<hbm>>
    %dma_wait3A_168 = tpu.memref_squeeze %dma_wait3A_167 : memref<1x8x1x4096xf32, #tpu.memory_space<hbm>> -> memref<8x4096xf32, #tpu.memory_space<hbm>>
    %dma_wait3A_169 = arith.constant 0 : i32
    %dma_wait3A_170 = arith.constant 0 : i32
    %dma_wait3A_171 = tpu.memref_slice %arg7[%dma_wait3A, %dma_wait3A_169, %dma_wait3A_170] : memref<2x8x4096xf32, #tpu.memory_space<vmem>> -> memref<1x8x4096xf32, #tpu.memory_space<vmem>>
    %dma_wait3A_172 = tpu.memref_squeeze %dma_wait3A_171 : memref<1x8x4096xf32, #tpu.memory_space<vmem>> -> memref<8x4096xf32, #tpu.memory_space<vmem>>
    tpu.wait_dma2 semaphore(%arg8 : memref<!tpu.dma_semaphore, #tpu.memory_space<semaphore_mem>>) src(%dma_wait3A_172 : memref<8x4096xf32, #tpu.memory_space<vmem>>) dst(%dma_wait3A_168 : memref<8x4096xf32, #tpu.memory_space<hbm>>)
    %add3A_173 = arith.constant 1 : i32
    %add3A_174 = arith.addi %mul3A_2, %add3A_173 : i32
    %jit3A_175 = arith.constant 4 : i32
    %div3A_176 = arith.divsi %add3A_174, %jit3A_175 : i32
    %sign3A_177 = arith.constant 0 : i32
    %sign3A_178 = arith.cmpi sgt, %add3A_174, %sign3A_177 : i32
    %sign3A_179 = arith.extui %sign3A_178 : i1 to i32
    %sign3A_180 = arith.constant 0 : i32
    %sign3A_181 = arith.cmpi slt, %add3A_174, %sign3A_180 : i32
    %sign3A_182 = arith.extui %sign3A_181 : i1 to i32
    %sign3A_183 = arith.subi %sign3A_179, %sign3A_182 : i32
    %sign3A_184 = arith.constant 0 : i32
    %sign3A_185 = arith.cmpi sgt, %jit3A_175, %sign3A_184 : i32
    %sign3A_186 = arith.extui %sign3A_185 : i1 to i32
    %sign3A_187 = arith.constant 0 : i32
    %sign3A_188 = arith.cmpi slt, %jit3A_175, %sign3A_187 : i32
    %sign3A_189 = arith.extui %sign3A_188 : i1 to i32
    %sign3A_190 = arith.subi %sign3A_186, %sign3A_189 : i32
    %ne3A_191 = arith.cmpi ne, %sign3A_183, %sign3A_190 : i32
    %rem3A_192 = arith.remsi %add3A_174, %jit3A_175 : i32
    %ne3A_193 = arith.constant 0 : i32
    %ne3A_194 = arith.cmpi ne, %rem3A_192, %ne3A_193 : i32
    %and3A_195 = arith.andi %ne3A_191, %ne3A_194 : i1
    %sub3A_196 = arith.constant 1 : i32
    %sub3A_197 = arith.subi %div3A_176, %sub3A_196 : i32
    %select_n3A_198 = arith.select %and3A_195, %sub3A_197, %div3A_176 : i32
    %jit3A_199 = arith.constant 4 : i32
    %eq3A_200 = arith.constant 0 : i32
    %eq3A_201 = arith.cmpi eq, %jit3A_199, %eq3A_200 : i32
    %jit3A_202 = arith.constant 1 : i32
    %select_n3A_203 = arith.select %eq3A_201, %jit3A_202, %jit3A_199 : i32
    %rem3A_204 = arith.remsi %add3A_174, %select_n3A_203 : i32
    %ne3A_205 = arith.constant 0 : i32
    %ne3A_206 = arith.cmpi ne, %rem3A_204, %ne3A_205 : i32
    %lt3A_207 = arith.constant 0 : i32
    %lt3A_208 = arith.cmpi slt, %rem3A_204, %lt3A_207 : i32
    %lt3A_209 = arith.constant 0 : i32
    %lt3A_210 = arith.cmpi slt, %select_n3A_203, %lt3A_209 : i32
    %ne3A_211 = arith.xori %lt3A_208, %lt3A_210 : i1
    %and3A_212 = arith.andi %ne3A_211, %ne3A_206 : i1
    %add3A_213 = arith.addi %rem3A_204, %select_n3A_203 : i32
    %select_n3A_214 = arith.select %and3A_212, %add3A_213, %rem3A_204 : i32
    %dma_wait3A_215 = arith.constant 1 : i32
    %dma_wait3A_216 = arith.constant 0 : i32
    %dma_wait3A_217 = arith.constant 0 : i32
    %dma_wait3A_218 = tpu.memref_slice %arg7[%dma_wait3A_215, %dma_wait3A_216, %dma_wait3A_217] : memref<2x8x4096xf32, #tpu.memory_space<vmem>> -> memref<1x8x4096xf32, #tpu.memory_space<vmem>>
    %dma_wait3A_219 = tpu.memref_squeeze %dma_wait3A_218 : memref<1x8x4096xf32, #tpu.memory_space<vmem>> -> memref<8x4096xf32, #tpu.memory_space<vmem>>
    %dma_wait3A_220 = arith.constant 0 : i32
    %dma_wait3A_221 = arith.constant 0 : i32
    %dma_wait3A_222 = tpu.memref_slice %arg4[%select_n3A_198, %dma_wait3A_220, %select_n3A_214, %dma_wait3A_221] : memref<512x8x4x4096xf32, #tpu.memory_space<hbm>> -> memref<1x8x1x4096xf32, #tpu.memory_space<hbm>>
    %dma_wait3A_223 = tpu.memref_squeeze %dma_wait3A_222 : memref<1x8x1x4096xf32, #tpu.memory_space<hbm>> -> memref<8x4096xf32, #tpu.memory_space<hbm>>
    %dma_wait3A_224 = arith.constant 0 : i32
    %dma_wait3A_225 = arith.constant 0 : i32
    %dma_wait3A_226 = tpu.memref_slice %arg4[%select_n3A_198, %dma_wait3A_224, %select_n3A_214, %dma_wait3A_225] : memref<512x8x4x4096xf32, #tpu.memory_space<hbm>> -> memref<1x8x1x4096xf32, #tpu.memory_space<hbm>>
    %dma_wait3A_227 = tpu.memref_squeeze %dma_wait3A_226 : memref<1x8x1x4096xf32, #tpu.memory_space<hbm>> -> memref<8x4096xf32, #tpu.memory_space<hbm>>
    %dma_wait3A_228 = arith.constant 0 : i32
    %dma_wait3A_229 = arith.constant 0 : i32
    %dma_wait3A_230 = tpu.memref_slice %arg7[%dma_wait3A_215, %dma_wait3A_228, %dma_wait3A_229] : memref<2x8x4096xf32, #tpu.memory_space<vmem>> -> memref<1x8x4096xf32, #tpu.memory_space<vmem>>
    %dma_wait3A_231 = tpu.memref_squeeze %dma_wait3A_230 : memref<1x8x4096xf32, #tpu.memory_space<vmem>> -> memref<8x4096xf32, #tpu.memory_space<vmem>>
    tpu.wait_dma2 semaphore(%arg8 : memref<!tpu.dma_semaphore, #tpu.memory_space<semaphore_mem>>) src(%dma_wait3A_231 : memref<8x4096xf32, #tpu.memory_space<vmem>>) dst(%dma_wait3A_227 : memref<8x4096xf32, #tpu.memory_space<hbm>>)
    return
  }
}

module attributes {stable_mosaic.version = 14 : i64} {
  func.func @_idx_body(%arg0: i32, %arg1: memref<512x2048xf32, #tpu.memory_space<vmem>>, %arg2: memref<512x2048xi32, #tpu.memory_space<vmem>>) attributes {dimension_semantics = [#tpu.dimension_semantics<arbitrary>], iteration_bounds = array<i64: 1>, scalar_prefetch = 0 : i64, scratch_operands = 0 : i64, tpu.core_type = #tpu.core_type<tc>, window_params = [{transform_indices = @transform_0, window_bounds = array<i64: 512, 2048>}, {transform_indices = @transform_1, window_bounds = array<i64: 512, 2048>}]} {
    %get3A = arith.constant 0 : index
    %get3A_0 = arith.constant 0 : index
    %get3A_1 = vector.load %arg1[%get3A, %get3A_0] : memref<512x2048xf32, #tpu.memory_space<vmem>>, vector<512x2048xf32>
    %abs3A = math.absf %get3A_1 : vector<512x2048xf32>
    %add3A = arith.constant 1.000000e-10 : f32
    %add3A_2 = vector.broadcast %add3A : f32 to vector<512x2048xf32>
    %add3A_3 = arith.addf %abs3A, %add3A_2 : vector<512x2048xf32>
    %log3A = math.log %add3A_3 : vector<512x2048xf32>
    %log3A_4 = arith.constant 2.000000e+00 : f32
    %log3A_5 = math.log %log3A_4 : f32
    %div3A = vector.broadcast %log3A_5 : f32 to vector<512x2048xf32>
    %div3A_6 = arith.divf %log3A, %div3A : vector<512x2048xf32>
    %add3A_7 = arith.constant 1.000000e+01 : f32
    %add3A_8 = vector.broadcast %add3A_7 : f32 to vector<512x2048xf32>
    %add3A_9 = arith.addf %div3A_6, %add3A_8 : vector<512x2048xf32>
    %mul3A = arith.constant 6.400000e+00 : f32
    %mul3A_10 = vector.broadcast %mul3A : f32 to vector<512x2048xf32>
    %mul3A_11 = arith.mulf %add3A_9, %mul3A_10 : vector<512x2048xf32>
    %ceil3A = math.ceil %mul3A_11 : vector<512x2048xf32>
    %convert_element_type3A = arith.fptosi %ceil3A : vector<512x2048xf32> to vector<512x2048xi32>
    %jit3A = arith.constant 0 : i32
    %jit3A_12 = arith.constant 129 : i32
    %max3A = vector.broadcast %jit3A : i32 to vector<512x2048xi32>
    %max3A_13 = arith.maxsi %max3A, %convert_element_type3A : vector<512x2048xi32>
    %min3A = vector.broadcast %jit3A_12 : i32 to vector<512x2048xi32>
    %min3A_14 = arith.minsi %min3A, %max3A_13 : vector<512x2048xi32>
    %convert_element_type3A_15 = arith.sitofp %min3A_14 : vector<512x2048xi32> to vector<512x2048xf32>
    %mul3A_16 = arith.constant 1.562500e-01 : f32
    %mul3A_17 = vector.broadcast %mul3A_16 : f32 to vector<512x2048xf32>
    %mul3A_18 = arith.mulf %convert_element_type3A_15, %mul3A_17 : vector<512x2048xf32>
    %add3A_19 = arith.constant -1.000000e+01 : f32
    %add3A_20 = vector.broadcast %add3A_19 : f32 to vector<512x2048xf32>
    %add3A_21 = arith.addf %add3A_20, %mul3A_18 : vector<512x2048xf32>
    %sub3A = arith.constant 1 : i32
    %sub3A_22 = vector.broadcast %sub3A : i32 to vector<512x2048xi32>
    %sub3A_23 = arith.subi %min3A_14, %sub3A_22 : vector<512x2048xi32>
    %convert_element_type3A_24 = arith.sitofp %sub3A_23 : vector<512x2048xi32> to vector<512x2048xf32>
    %mul3A_25 = arith.constant 1.562500e-01 : f32
    %mul3A_26 = vector.broadcast %mul3A_25 : f32 to vector<512x2048xf32>
    %mul3A_27 = arith.mulf %convert_element_type3A_24, %mul3A_26 : vector<512x2048xf32>
    %add3A_28 = arith.constant -1.000000e+01 : f32
    %add3A_29 = vector.broadcast %add3A_28 : f32 to vector<512x2048xf32>
    %add3A_30 = arith.addf %add3A_29, %mul3A_27 : vector<512x2048xf32>
    %le3A = arith.constant 128 : i32
    %le3A_31 = vector.broadcast %le3A : i32 to vector<512x2048xi32>
    %le3A_32 = arith.cmpi sle, %min3A_14, %le3A_31 : vector<512x2048xi32>
    %lt3A = arith.cmpf olt, %add3A_21, %div3A_6 : vector<512x2048xf32>
    %and3A = arith.andi %le3A_32, %lt3A : vector<512x2048xi1>
    %add3A_33 = arith.constant 1 : i32
    %add3A_34 = vector.broadcast %add3A_33 : i32 to vector<512x2048xi32>
    %add3A_35 = arith.addi %min3A_14, %add3A_34 : vector<512x2048xi32>
    %select_n3A = arith.select %and3A, %add3A_35, %min3A_14 : vector<512x2048xi1>, vector<512x2048xi32>
    %ge3A = arith.constant 1 : i32
    %ge3A_36 = vector.broadcast %ge3A : i32 to vector<512x2048xi32>
    %ge3A_37 = arith.cmpi sge, %select_n3A, %ge3A_36 : vector<512x2048xi32>
    %ge3A_38 = arith.cmpf oge, %add3A_30, %div3A_6 : vector<512x2048xf32>
    %and3A_39 = arith.andi %ge3A_37, %ge3A_38 : vector<512x2048xi1>
    %sub3A_40 = arith.constant 1 : i32
    %sub3A_41 = vector.broadcast %sub3A_40 : i32 to vector<512x2048xi32>
    %sub3A_42 = arith.subi %select_n3A, %sub3A_41 : vector<512x2048xi32>
    %select_n3A_43 = arith.select %and3A_39, %sub3A_42, %select_n3A : vector<512x2048xi1>, vector<512x2048xi32>
    %jit3A_44 = arith.constant 0 : i32
    %jit3A_45 = arith.constant 127 : i32
    %max3A_46 = vector.broadcast %jit3A_44 : i32 to vector<512x2048xi32>
    %max3A_47 = arith.maxsi %max3A_46, %select_n3A_43 : vector<512x2048xi32>
    %min3A_48 = vector.broadcast %jit3A_45 : i32 to vector<512x2048xi32>
    %min3A_49 = arith.minsi %min3A_48, %max3A_47 : vector<512x2048xi32>
    %gt3A = arith.constant 0.000000e+00 : f32
    %gt3A_50 = vector.broadcast %gt3A : f32 to vector<512x2048xf32>
    %gt3A_51 = arith.cmpf ogt, %get3A_1, %gt3A_50 : vector<512x2048xf32>
    %convert_element_type3A_52 = arith.extui %gt3A_51 : vector<512x2048xi1> to vector<512x2048xi32>
    %lt3A_53 = arith.constant 0.000000e+00 : f32
    %lt3A_54 = vector.broadcast %lt3A_53 : f32 to vector<512x2048xf32>
    %lt3A_55 = arith.cmpf olt, %get3A_1, %lt3A_54 : vector<512x2048xf32>
    %convert_element_type3A_56 = arith.extui %lt3A_55 : vector<512x2048xi1> to vector<512x2048xi32>
    %sub3A_57 = arith.subi %convert_element_type3A_52, %convert_element_type3A_56 : vector<512x2048xi32>
    %add3A_58 = arith.constant 1 : i32
    %add3A_59 = vector.broadcast %add3A_58 : i32 to vector<512x2048xi32>
    %add3A_60 = arith.addi %sub3A_57, %add3A_59 : vector<512x2048xi32>
    %mul3A_61 = arith.constant 128 : i32
    %mul3A_62 = vector.broadcast %mul3A_61 : i32 to vector<512x2048xi32>
    %mul3A_63 = arith.muli %mul3A_62, %add3A_60 : vector<512x2048xi32>
    %add3A_64 = arith.addi %min3A_49, %mul3A_63 : vector<512x2048xi32>
    %swap3A = arith.constant 0 : index
    %swap3A_65 = arith.constant 0 : index
    %swap3A_66 = vector.load %arg2[%swap3A, %swap3A_65] : memref<512x2048xi32, #tpu.memory_space<vmem>>, vector<512x2048xi32>
    tpu.vector_store %arg2[%swap3A, %swap3A_65], %add3A_64 {strides = array<i32>} : memref<512x2048xi32, #tpu.memory_space<vmem>>, vector<512x2048xi32>,
    return
  }
  func.func @transform_0(%arg0: i32) -> (i32, i32) {
    %c0_i32 = arith.constant 0 : i32
    %c0_i32_0 = arith.constant 0 : i32
    return %arg0, %c0_i32 : i32, i32
  }
  func.func @transform_1(%arg0: i32) -> (i32, i32) {
    %c0_i32 = arith.constant 0 : i32
    %c0_i32_0 = arith.constant 0 : i32
    return %arg0, %c0_i32 : i32, i32
  }
}

module attributes {stable_mosaic.version = 14 : i64} {
  func.func @_table_body(%arg0: memref<128x64xf32, #tpu.memory_space<vmem>>, %arg1: memref<128x1xf32, #tpu.memory_space<vmem>>, %arg2: memref<64x384xf32, #tpu.memory_space<vmem>>) attributes {dimension_semantics = [], scalar_prefetch = 0 : i64, scratch_operands = 0 : i64, tpu.core_type = #tpu.core_type<tc>} {
    %get3A = arith.constant 0 : index
    %get3A_0 = arith.constant 0 : index
    %get3A_1 = vector.load %arg0[%get3A, %get3A_0] : memref<128x64xf32, #tpu.memory_space<vmem>>, vector<128x64xf32>
    %get3A_2 = arith.constant 0 : index
    %get3A_3 = arith.constant 0 : index
    %get3A_4 = vector.load %arg1[%get3A_2, %get3A_3] : memref<128x1xf32, #tpu.memory_space<vmem>>, vector<128x1xf32>
    %mul3A = vector.broadcast %get3A_4 : vector<128x1xf32> to vector<128x64xf32>
    %mul3A_5 = arith.mulf %get3A_1, %mul3A : vector<128x64xf32>
    %transpose3A = tpu.transpose %mul3A_5, [1, 0] : vector<128x64xf32> -> vector<64x128xf32>
    %neg3A = arith.constant 0.000000e+00 : f32
    %neg3A_6 = vector.broadcast %neg3A : f32 to vector<64x128xf32>
    %neg3A_7 = arith.subf %neg3A_6, %transpose3A : vector<64x128xf32>
    %swap3A = arith.constant 0 : index
    %swap3A_8 = arith.constant 0 : index
    %swap3A_9 = vector.load %arg2[%swap3A, %swap3A_8] : memref<64x384xf32, #tpu.memory_space<vmem>>, vector<64x128xf32>
    tpu.vector_store %arg2[%swap3A, %swap3A_8], %neg3A_7 {strides = array<i32>} : memref<64x384xf32, #tpu.memory_space<vmem>>, vector<64x128xf32>,
    %broadcast_in_dim3A = arith.constant 0.000000e+00 : f32
    %broadcast_in_dim3A_10 = vector.broadcast %broadcast_in_dim3A : f32 to vector<64x128xf32>
    %swap3A_11 = arith.constant 0 : index
    %swap3A_12 = arith.constant 128 : index
    %swap3A_13 = vector.load %arg2[%swap3A_11, %swap3A_12] : memref<64x384xf32, #tpu.memory_space<vmem>>, vector<64x128xf32>
    tpu.vector_store %arg2[%swap3A_11, %swap3A_12], %broadcast_in_dim3A_10 {strides = array<i32>} : memref<64x384xf32, #tpu.memory_space<vmem>>, vector<64x128xf32>,
    %swap3A_14 = arith.constant 0 : index
    %swap3A_15 = arith.constant 256 : index
    %swap3A_16 = vector.load %arg2[%swap3A_14, %swap3A_15] : memref<64x384xf32, #tpu.memory_space<vmem>>, vector<64x128xf32>
    tpu.vector_store %arg2[%swap3A_14, %swap3A_15], %transpose3A {strides = array<i32>} : memref<64x384xf32, #tpu.memory_space<vmem>>, vector<64x128xf32>,
    return
  }
}

</mosaic_0001>

<sc_bundles>
// kernel: kernel.5.cloned.1.call-start
scs
__scs_entry_jumppad:
0x0: {  	(pc) =	sbr.rel $0x88, $3  }
0x1: {  	(tag) =	ssettag $0x0;
	lr =	simm.s32 $0x1  }
0x2: {  	[smem:$0x3F9E] =	sst lr;
	_ =	strace $0xD0000000  }
0x3: {  	_ = 	snop  }
0x4: {  	_ = 	snop  }
0x5: {  	_ = 	snop  }
0x6: {  	_ = 	snop  }
0x7: {  	_ = 	snop  }
__scs_overlays_trampoline_lowered:
0x8: {  	[smem:$0x3FAD] =	sst s0  }
0x9: {  	[smem:$0x3FAE] =	sst s1  }
0xa: {  	[smem:$0x3FAF] =	sst s2  }
0xb: {  	[smem:$0x3FB0] =	sst s3  }
0xc: {  	[smem:$0x3FB1] =	sst s4  }
0xd: {  	[smem:$0x3FB2] =	sst s5  }
0xe: {  	[smem:$0x3FB3] =	sst s6  }
0xf: {  	[smem:$0x3FB4] =	sst s7  }
0x10: {  	[smem:$0x3FB5] =	sst s8  }
0x11: {  	[smem:$0x3FB6] =	sst s9;
	s0 =	simm.s32 @!p0 $0x0  }
0x12: {  	s1 =	sld [smem:$0x3F9C];
	s0 =	simm.s32 @p0 $0x1  }
0x13: {  	[smem:$0x3FB7] =	sst s0;
	s0 =	simm.s32 @!p1 $0x0  }
0x14: {  	s2 =	sld [smem:$0x3F9B];
	s0 =	simm.s32 @p1 $0x1  }
0x15: {  	[smem:$0x3FB8] =	sst s0;
	s0 =	simm.s32 @!p2 $0x0  }
0x16: {  	s3 =	sld [smem:$0x3FDB];
	s0 =	simm.s32 @p2 $0x1  }
0x17: {  	s4 =	simm.s32 $0x1BF5;
	[smem:$0x3FBA] =	sst s0  }
0x18: {  	s0 =	sld [smem:$0x3F9D];
	_ =	swait.ge [sflag:s4], $0x0  }
0x19: {  	s7 =	sld [smem:$0x3F9E]  }
0x1a: {  	s8 =	sadd.s32 $0xFFFFE003, lr  }
0x1b: {  	s9 =	sadd.s32 $0xFFFFFEF7, lr;
	s5 =	simm.s32 $0xFFFFFFFF;
	p2 =	slt.u32 s8, $0xFFFFF086  }
0x1c: {  	p1 =	slt.u32 s9, $0xF7A;
	s5 =	simm.s32 @!p2 $0x0  }
0x1d: {  	s5 =	simm.s32 @p1 $0x1;
	p0 =	seq.s32 s7, s2  }
0x1e: {  	s7 =	smul.u32 @!p0 $0xF7A, s2;
	p2 =	seq.s32 @!p0 s5, $0x0  }
0x1f: {  	s9 =	smul.u32 $0xF7A, s1;
	s8 =	simm.s32 @!p0 $0x1BF5;
	p2 =	por !p2, p0  }
0x20: {  	[sflag:s8] =	ssyncset.s32 @!p0 $0xFFFFF086;
	s6 =	sadd.s32 @!p0 s3, s7;
	s7 =	simm.s32 @!p0 $0x108  }
0x21: {  	s3 =	sadd.s32 s3, s9;
	s6 =	sadd.s32 @!p0 $0x88, s6;
	s7 =	simm.s32 @p2 $0x1082  }
0x22: {  	[simem:s7], [sflag:s8] =	dma.local @!p0 [hbm:s6], $0xF7A  }
0x23: {  	s9 =	sor.u32 $0xD0000000, s2;
	s6 =	simm.s32 $0x108;
	_ =	swait.ge @!p0 [sflag:s8], $0x0  }
0x24: {  	s3 =	sadd.s32 $0x88, s3;
	s6 =	simm.s32 @!p1 $0x1082;
	[sflag:s4] =	ssyncset.s32 $0xFFFFF086  }
0x25: {  	[simem:s6], [sflag:s4] =	dma.local [hbm:s3], $0xF7A  }
0x26: {  	[smem:$0x3F9E] =	sst s1;
	(tag) =	ssettag s2;
	_ =	strace s9  }
0x27: {  	s1 =	sld [smem:$0x3FAE]  }
0x28: {  	s2 =	sld [smem:$0x3FAF]  }
0x29: {  	s4 =	sld [smem:$0x3FB1]  }
0x2a: {  	p0 =	seq.s32 s5, $0x0;
	s5 =	sld [smem:$0x3FB2]  }
0x2b: {  	s6 =	sld [smem:$0x3FB3]  }
0x2c: {  	s7 =	sld [smem:$0x3FB4]  }
0x2d: {  	s3 =	simm.s32 $0x108;
	s8 =	sld [smem:$0x3FB5]  }
0x2e: {  	s3 =	simm.s32 @!p0 $0x1082;
	s9 =	sld [smem:$0x3FB6]  }
0x2f: {  	lr =	sadd.s32 s0, s3;
	s0 =	sld [smem:$0x3FAD]  }
0x30: {  	s3 =	sld [smem:$0x3FB0]  }
0x31: {  	[smem:$0x3FB9] =	sst s10  }
0x32: {  	s10 =	sld [smem:$0x3FB7];
	_ =	sdelay $0x3  }
0x33: {  	p0 =	seq.s32 s10, $0x1;
	s10 =	sld [smem:$0x3FB9];
	_ =	sdelay $0x3  }
0x34: {  	[smem:$0x3FB9] =	sst s10  }
0x35: {  	s10 =	sld [smem:$0x3FB8];
	_ =	sdelay $0x3  }
0x36: {  	p1 =	seq.s32 s10, $0x1;
	s10 =	sld [smem:$0x3FB9];
	_ =	sdelay $0x3  }
0x37: {  	[smem:$0x3FB9] =	sst s10  }
0x38: {  	s10 =	sld [smem:$0x3FBA]  }
0x39: {  	_ = 	snop;
	(pc) =	sbr.ind lr, $3  }
0x3a: {  	_ = 	snop  }
0x3b: {  	_ = 	snop  }
0x3c: {  	p2 =	seq.s32 s10, $0x1;
	s10 =	sld [smem:$0x3FB9]  }
0x3d: {  	_ =	shalt  }
0x3e: {  	_ =	shalt  }
0x3f: {  	_ =	shalt  }
0x40: {  	_ =	shalt  }
0x41: {  	_ =	shalt  }
0x42: {  	_ =	shalt  }
0x43: {  	_ =	shalt  }
0x44: {  	_ =	shalt  }
0x45: {  	_ =	shalt  }
0x46: {  	_ =	shalt  }
0x47: {  	_ =	shalt  }
0x48: {  	_ =	shalt  }
0x49: {  	_ =	shalt  }
0x4a: {  	_ =	shalt  }
0x4b: {  	_ =	shalt  }
0x4c: {  	_ =	shalt  }
0x4d: {  	_ =	shalt  }
0x4e: {  	_ =	shalt  }
0x4f: {  	_ =	shalt  }
0x50: {  	_ =	shalt  }
0x51: {  	_ =	shalt  }
0x52: {  	_ =	shalt  }
0x53: {  	_ =	shalt  }
0x54: {  	_ =	shalt  }
0x55: {  	_ =	shalt  }
0x56: {  	_ =	shalt  }
0x57: {  	_ =	shalt  }
0x58: {  	_ =	shalt  }
0x59: {  	_ =	shalt  }
0x5a: {  	_ =	shalt  }
0x5b: {  	_ =	shalt  }
0x5c: {  	_ =	shalt  }
0x5d: {  	_ =	shalt  }
0x5e: {  	_ =	shalt  }
0x5f: {  	_ =	shalt  }
0x60: {  	_ =	shalt  }
0x61: {  	_ =	shalt  }
0x62: {  	_ =	shalt  }
0x63: {  	_ =	shalt  }
0x64: {  	_ =	shalt  }
0x65: {  	_ =	shalt  }
0x66: {  	_ =	shalt  }
0x67: {  	_ =	shalt  }
0x68: {  	_ =	shalt  }
0x69: {  	_ =	shalt  }
0x6a: {  	_ =	shalt  }
0x6b: {  	_ =	shalt  }
0x6c: {  	_ =	shalt  }
0x6d: {  	_ =	shalt  }
0x6e: {  	_ =	shalt  }
0x6f: {  	_ =	shalt  }
0x70: {  	_ =	shalt  }
0x71: {  	_ =	shalt  }
0x72: {  	_ =	shalt  }
0x73: {  	_ =	shalt  }
0x74: {  	_ =	shalt  }
0x75: {  	_ =	shalt  }
0x76: {  	_ =	shalt  }
0x77: {  	_ =	shalt  }
0x78: {  	_ =	shalt  }
0x79: {  	_ =	shalt  }
0x7a: {  	_ =	shalt  }
0x7b: {  	_ =	shalt  }
0x7c: {  	_ =	shalt  }
0x7d: {  	_ =	shalt  }
0x7e: {  	_ =	shalt  }
0x7f: {  	_ =	shalt  }
0x80: {  	_ =	shalt  }
0x81: {  	_ =	shalt  }
0x82: {  	_ =	shalt  }
0x83: {  	_ =	shalt  }
0x84: {  	_ =	shalt  }
0x85: {  	_ =	shalt  }
0x86: {  	_ =	shalt  }
0x87: {  	_ =	shalt  }
.Lfunc_end0:
.L_simem_size_0:
called_computation_lowered:
.L_overlay_start_0:
0x88: {  	s2 =	sld [smem:$0x3FD9]  }
0x89: {  	s3 =	sld [smem:$0x3FFE];
	_ =	sdelay $0x1  }
0x8a: {  	s1 =	srdreg.scid  }
0x8b: {  	s0 =	sand.u32 $0x1, s1  }
0x8c: {  	s17 =	sshll.u32 s0, $0xA;
	s2 =	sadd.s32 s3, s2  }
0x8d: {  	s2 =	sadd.s32 s2, s17  }
0x8e: {  	[smem:$0x3FC5] =	sst s2  }
0x8f: {  	_ = 	snop  }
0x90: {  	s2 =	sld [smem:$0x3FD0];
	(tm) =	ssettm $0x1  }
0x91: {  	s18 =	sld [smem:$0x3FFB];
	_ =	sdelay $0x3  }
0x92: {  	_ =	strace s18  }
0x93: {  	s3 =	sld [smem:$0x3FFC];
	_ =	sdelay $0x3  }
0x94: {  	_ =	strace s3  }
0x95: {  	s3 =	sld [smem:$0x3FFD];
	_ =	sdelay $0x3  }
0x96: {  	_ =	strace s3  }
0x97: {  	_ =	strace $0x8FFFFFFF  }
0x98: {  	s19 =	sld [smem:$0x3FDB];
	_ =	sdelay $0x1  }
0x99: {  	s4 =	simm.s32 $_scs_section_size  }
0x9a: {  	s5 =	simm.s32 $_size__tile_overlayer_lowered;
	s6 =	simm.s32 $_tile_overlayer_lowered  }
0x9b: {  	s22 =	simm.s32 $0x1BFF;
	s21 =	sshll.u32 s6, $0x1;
	s3 =	sadd.s32 s4, s19  }
0x9c: {  	s7 =	simm.s32 $0x0;
	s20 =	sshll.u32 s5, $0x1;
	s5 =	sadd.s32 s21, s3  }
0x9d: {  	[timem:s7], [sflag:s22] =	dma.local [hbm:s5], s20  }
0x9e: {  	_ =	swait.ge [sflag:s22], s20  }
0x9f: {  	s4 =	ssub.s32 $0x0, s20;
	[sflag:s22] =	ssyncset.done $0x0  }
0xa0: {  	[sflag:s22] =	ssyncadd.s32 s4;
	_ =	sdelay $0x1  }
0xa1: {  	s23 =	simm.s32 $0x1B8B  }
0xa2: {  	_ =	swait.ge [sflag:s23], $0x1  }
0xa3: {  	[sflag:s23] =	ssyncset.done $0x0  }
0xa4: {  	s25 =	simm.s32 $0x1B8E;
	s24 =	sld [smem:$0x3FFE];
	[sflag:s23] =	ssyncadd.s32 $0xFFFFFFFF  }
0xa5: {  	s26 =	simm.s32 $execute0_lowered;
	[smem:$0x3FD2] =	sst s25  }
0xa6: {  	s5 =	sshll.u32 s26, $0x1;
	_ =	strace $0x80000046;
	[dreg:$0x1] =	wrdreg $0xFFFFFFFF  }
0xa7: {  	s28 =	simm.s32 $_size_execute0_lowered;
	s3 =	sadd.s32 s3, s5;
	[dreg:$0x0] =	wrdreg $0x0  }
0xa8: {  	s5 =	sshll.u32 s28, $0x1;
	[dreg:$0x2] =	wrdreg s3  }
0xa9: {  	[dreg:$0x3] =	wrdreg s5  }
0xaa: {  	[dreg:$0x4] =	wrdreg $0xC0  }
0xab: {  	_ =	task [dreg:s7], $0x5FFFF  }
0xac: {  	[dreg:$0x1] =	wrdreg $0xFFFFFFFF  }
0xad: {  	[dreg:$0x0] =	wrdreg $0x60  }
0xae: {  	[dreg:$0x2] =	wrdreg s24  }
0xaf: {  	[dreg:$0x3] =	wrdreg s2  }
0xb0: {  	[dreg:$0x4] =	wrdreg $0x9  }
0xb1: {  	_ =	task.clear_ibuf [dreg:s7], $0x5FFFF;
	_ =	strace $0x90000046  }
0xb2: {  	s29 =	simm.s32 $0x9;
	_ =	strace $0x80000048  }
0xb3: {  	_ =	swait.ge [sflag:s29], $0x1  }
0xb4: {  	[sflag:s29] =	ssyncadd.s32 $0xFFFFFFFF  }
0xb5: {  	_ =	strace $0x90000048  }
0xb6: {  	_ =	sfence  }
0xb7: {  	s30 =	sld [smem:$0x0];
	_ =	sdelay $0x2  }
0xb8: {  	s31 =	sshll.u32 s1, $0xD;
	s1 =	sshrl.u32 s1, $0x2  }
0xb9: {  	s3 =	sand.u32 $0x4000, s31;
	s1 =	sadd.s32 s1, s30  }
0xba: {  	s0 =	sor.u32 s3, s0;
	s1 =	sshll.u32 s1, $0x11  }
0xbb: {  	s0 =	sor.u32 s1, s0  }
0xbc: {  	s0 =	sadd.s32 $0x8F2B, s0  }
0xbd: {  	[sflag:s0] =	ssyncadd.remote.s32 $0x1  }
0xbe: {  	_ =	sfence.sel $0xFFFF  }
0xbf: {  	[dreg:$0x0] =	wrdreg $0xFFFFFFFF;
	(pc) =	sbr.abs _section_cstart, $3  }
0xc0: {  	[dreg:$0x1] =	wrdreg $0xFFFFFFFF  }
0xc1: {  	_ =	task.clear_ibuf [dreg:s7], $0x2FFFF;
	_ =	strace $0x9FFFFFFF  }
0xc2: {  	(tm) =	ssettm $0x7FFFFFFF  }
0xc3: {  	_ =	shalt  }
tec
execute0_lowered:
.L_overlay_start_1:
0x0: {  	(tag) =	ssettag $0x1  }
0x1: {  	s0 =	rddreg [dreg:$0x0]  }
0x2: {  	s1 =	srdreg.scid;
	s2 =	stileid.u32;
	s3 =	simm.s32 $0x0  }
0x3: {  	s1 =	sand.u32 $0x1, s1;
	s2 =	sshll.u32 s2, $0x1;
	[smem:$0x7FF] =	sst s3  }
0x4: {  	s6 =	rddreg [dreg:$0x1];
	s2 =	sor.u32 s1, s2;
	_ =	strace $0x80000047  }
0x5: {  	s29 =	sshll.u32 s2, $0xC;
	s5 =	sshll.u32 s2, $0x12;
	s2 =	sshll.u32 s2, $0x6  }
0x6: {  	s3 =	sadd.s32 s29, s0;
	s0 =	sadd.s32 $0x600, s0;
	[dreg:$0x6] =	wrdreg s2  }
0x7: {  	s1 =	ssub.s32 $0x2, s1;
	s31 =	sadd.s32 s6, s5;
	[dreg:$0x3] =	wrdreg s0  }
0x8: {  	s4 =	sshrl.u32 s1, $0x1;
	s3 =	sadd.s32 $0x1200, s3;
	[dreg:$0x4] =	wrdreg s31  }
0x9: {  	s30 =	ssub.s32 s1, s4;
	s1 =	sadd.s32 $0x200, s31;
	[dreg:$0x5] =	wrdreg s3  }
0xa: {  	s10 =	simm.s32 $0x8000;
	s0 =	smax.u32 s30, $0x1;
	[dreg:$0x7] =	wrdreg s1  }
0xb: {  	s16 =	simm.s32 $0x1;
	[dreg:$0x8] =	wrdreg s0;
	s1 =	simm.s32 $0x0  }
.LBB2_1:
0xc: {  	[dreg:$0x9] =	wrdreg s1  }
0xd: {  	s0 =	simm.s32 $0x0;
	s24 =	rddreg [dreg:$0x3];
	s2 =	simm.s32 $0x2  }
0xe: {  	[tilespmem:s10], [sflag:$0x2] =	stream.linear.gather [hbm4b:s24+s0], $0x6000, $0x38;
	[tilespmem:$0x1E000] =	vst v63  }
0xf: {  	_ =	swait.ge [sflag:s2], $0x6000  }
0x10: {  	[sflag:s2] =	ssyncset.done $0x0  }
0x11: {  	s25 =	rddreg [dreg:$0x5];
	[sflag:s2] =	ssyncadd.s32 $0xFFFFA000  }
0x12: {  	[tilespmem:s0], [sflag:$0x2] =	stream.linear.gather [hbm4b:s25+s0], $0x8000, $0x38;
	[tilespmem:$0x1E000] =	vst v63  }
0x13: {  	_ =	swait.ge [sflag:s2], $0x8000  }
0x14: {  	s28 =	simm.s32 $0x1000;
	s29 =	simm.s32 $0x4000;
	[sflag:s2] =	ssyncset.done $0x0  }
0x15: {  	s3 =	simm.s32 $0xE000;
	s26 =	rddreg [dreg:$0x4];
	[sflag:s2] =	ssyncadd.s32 $0xFFFF8000  }
0x16: {  	[hbm4b:s26+s28] =	stream.strided.scatter [tilespmem:s3], [sflag:$0x1], $0x8000, s29, s28, $0x38;
	[tilespmem:$0x1E000] =	vst v63  }
0x17: {  	s31 =	simm.s32 $0x16000;
	s18 =	simm.s32 $0x0;
	s30 =	rddreg [dreg:$0x7]  }
0x18: {  	[hbm4b:s30+s28] =	stream.strided.scatter [tilespmem:s31], [sflag:$0x1], $0x8000, s29, s28, $0x38;
	[tilespmem:$0x1E000] =	vst v63  }
.LBB2_2:
0x19: {  	_ =	swait.ge [sflag:s16], $0x8000  }
0x1a: {  	s19 =	sshll.u32 s18, $0xA;
	[sflag:s16] =	ssyncset.done $0x0  }
0x1b: {  	s0 =	sand.u32 $0x3FFFFC00, s19;
	[sflag:s16] =	ssyncadd.s32 $0xFFFF8000  }
0x1c: {  	v15 =	vld [tilespmem:s0+$0x0]  }
0x1d: {  	v16 =	vld [tilespmem:s0+$0x10]  }
0x1e: {  	v17 =	vld [tilespmem:s0+$0x20]  }
0x1f: {  	v18 =	vld [tilespmem:s0+$0x30]  }
0x20: {  	v19 =	vld [tilespmem:s0+$0x40]  }
0x21: {  	v20 =	vld [tilespmem:s0+$0x50]  }
0x22: {  	v21 =	vld [tilespmem:s0+$0x60]  }
0x23: {  	v22 =	vld [tilespmem:s0+$0x70]  }
0x24: {  	v23 =	vld [tilespmem:s0+$0x80]  }
0x25: {  	v24 =	vld [tilespmem:s0+$0x90]  }
0x26: {  	v25 =	vld [tilespmem:s0+$0xA0]  }
0x27: {  	v26 =	vld [tilespmem:s0+$0xB0]  }
0x28: {  	v27 =	vld [tilespmem:s0+$0xC0]  }
0x29: {  	v28 =	vld [tilespmem:s0+$0xD0]  }
0x2a: {  	v29 =	vld [tilespmem:s0+$0xE0]  }
0x2b: {  	v30 =	vld [tilespmem:s0+$0xF0]  }
0x2c: {  	v31 =	vld [tilespmem:s0+$0x100]  }
0x2d: {  	v14 =	vld [tilespmem:s0+$0x110]  }
0x2e: {  	v13 =	vld [tilespmem:s0+$0x120]  }
0x2f: {  	v12 =	vld [tilespmem:s0+$0x130]  }
0x30: {  	v11 =	vld [tilespmem:s0+$0x140]  }
0x31: {  	v10 =	vld [tilespmem:s0+$0x150]  }
0x32: {  	v9 =	vld [tilespmem:s0+$0x160]  }
0x33: {  	v8 =	vld [tilespmem:s0+$0x170]  }
0x34: {  	s22 =	simm.s32 $0x0;
	v7 =	vld [tilespmem:s0+$0x180]  }
0x35: {  	s24 =	simm.s32 $0x180;
	v6 =	vld [tilespmem:s0+$0x190];
	v0 =	vadd.s32 s22, v15  }
0x36: {  	v5 =	vld [tilespmem:s0+$0x1A0];
	v32 =	vadd.s32 s24, v15  }
0x37: {  	v4 =	vld [tilespmem:s0+$0x1B0]  }
0x38: {  	v3 =	vld [tilespmem:s0+$0x1C0]  }
0x39: {  	v2 =	vld [tilespmem:s0+$0x1D0]  }
0x3a: {  	v33 =	vld.idx.msk [tilespmem:v0+s10+$0x0], $0xffff  }
0x3b: {  	s1 =	simm.s32 $0x0;
	s2 =	simm.s32 $0x0;
	s5 =	simm.s32 $0x300;
	v34 =	vadd.s32 s22, v16;
	v32 =	vld.idx.msk [tilespmem:v32+s10+$0x0], $0xffff  }
0x3c: {  	s26 =	simm.s32 $0x80;
	s1 =	sand.u32 $0x7000, s1;
	s2 =	sand.u32 $0x200, s2;
	v1 =	vld [tilespmem:s0+$0x1E0];
	v55 =	vadd.s32 s24, v16  }
0x3d: {  	s1 =	sadd.s32 $0xE000, s1;
	v36 =	vadd.s32 s5, v15;
	v0 =	vld [tilespmem:s0+$0x1F0];
	s0 =	sand.u32 $0x280, s26;
	s26 =	simm.s32 $0x480  }
0x3e: {  	s21 =	sor.u32 s2, s1;
	v37 =	vadd.s32 s26, v15  }
0x3f: {  	s23 =	sor.u32 s0, s1;
	[tilespmem:s21+$0x0] =	vst v33  }
0x40: {  	[tilespmem:s23+$0x0] =	vst v32;
	v34 =	vld.idx.msk [tilespmem:v34+s10+$0x0], $0xffff  }
0x41: {  	v35 =	vadd.s32 s22, v17;
	v32 =	vld.idx.msk [tilespmem:v55+s10+$0x0], $0xffff  }
0x42: {  	v56 =	vadd.s32 s24, v17;
	v57 =	vld.idx.msk [tilespmem:v36+s10+$0x0], $0xffff  }
0x43: {  	v38 =	vadd.s32 s5, v16;
	v37 =	vld.idx.msk [tilespmem:v37+s10+$0x0], $0xffff  }
0x44: {  	s2 =	simm.s32 $0x100;
	v39 =	vadd.s32 s26, v16  }
0x45: {  	s3 =	simm.s32 $0x180;
	s0 =	sand.u32 $0x300, s2;
	[tilespmem:s21+$0x10] =	vst v34  }
0x46: {  	s4 =	sand.u32 $0x380, s3;
	s28 =	sor.u32 s0, s1;
	[tilespmem:s23+$0x10] =	vst v32;
	v34 =	vld.idx.msk [tilespmem:v35+s10+$0x0], $0xffff  }
0x47: {  	s25 =	sor.u32 s4, s1;
	v58 =	vadd.s32 s22, v18;
	[tilespmem:s28+$0x0] =	vst v57;
	v32 =	vld.idx.msk [tilespmem:v56+s10+$0x0], $0xffff  }
0x48: {  	v59 =	vadd.s32 s24, v18;
	[tilespmem:s25+$0x0] =	vst v37;
	v35 =	vld.idx.msk [tilespmem:v38+s10+$0x0], $0xffff  }
0x49: {  	v61 =	vadd.s32 s5, v17;
	v37 =	vld.idx.msk [tilespmem:v39+s10+$0x0], $0xffff  }
0x4a: {  	v62 =	vadd.s32 s26, v17  }
0x4b: {  	[tilespmem:s21+$0x20] =	vst v34  }
0x4c: {  	[tilespmem:s23+$0x20] =	vst v32;
	v34 =	vld.idx.msk [tilespmem:v58+s10+$0x0], $0xffff  }
0x4d: {  	v60 =	vadd.s32 s22, v19;
	[tilespmem:s28+$0x10] =	vst v35;
	v32 =	vld.idx.msk [tilespmem:v59+s10+$0x0], $0xffff  }
0x4e: {  	v63 =	vadd.s32 s24, v19;
	[tilespmem:s25+$0x10] =	vst v37;
	v35 =	vld.idx.msk [tilespmem:v61+s10+$0x0], $0xffff  }
0x4f: {  	v43 =	vadd.s32 s5, v18;
	v37 =	vld.idx.msk [tilespmem:v62+s10+$0x0], $0xffff  }
0x50: {  	v44 =	vadd.s32 s26, v18  }
0x51: {  	[tilespmem:s21+$0x30] =	vst v34  }
0x52: {  	[tilespmem:s23+$0x30] =	vst v32;
	v34 =	vld.idx.msk [tilespmem:v60+s10+$0x0], $0xffff  }
0x53: {  	v42 =	vadd.s32 s22, v20;
	[tilespmem:s28+$0x20] =	vst v35;
	v32 =	vld.idx.msk [tilespmem:v63+s10+$0x0], $0xffff  }
0x54: {  	v45 =	vadd.s32 s24, v20;
	[tilespmem:s25+$0x20] =	vst v37;
	v35 =	vld.idx.msk [tilespmem:v43+s10+$0x0], $0xffff  }
0x55: {  	v47 =	vadd.s32 s5, v19;
	v37 =	vld.idx.msk [tilespmem:v44+s10+$0x0], $0xffff  }
0x56: {  	v48 =	vadd.s32 s26, v19  }
0x57: {  	[tilespmem:s21+$0x40] =	vst v34  }
0x58: {  	[tilespmem:s23+$0x40] =	vst v32;
	v34 =	vld.idx.msk [tilespmem:v42+s10+$0x0], $0xffff  }
0x59: {  	v46 =	vadd.s32 s22, v21;
	[tilespmem:s28+$0x30] =	vst v35;
	v32 =	vld.idx.msk [tilespmem:v45+s10+$0x0], $0xffff  }
0x5a: {  	v49 =	vadd.s32 s24, v21;
	[tilespmem:s25+$0x30] =	vst v37;
	v35 =	vld.idx.msk [tilespmem:v47+s10+$0x0], $0xffff  }
0x5b: {  	v51 =	vadd.s32 s5, v20;
	v37 =	vld.idx.msk [tilespmem:v48+s10+$0x0], $0xffff  }
0x5c: {  	v52 =	vadd.s32 s26, v20  }
0x5d: {  	[tilespmem:s21+$0x50] =	vst v34  }
0x5e: {  	[tilespmem:s23+$0x50] =	vst v32;
	v34 =	vld.idx.msk [tilespmem:v46+s10+$0x0], $0xffff  }
0x5f: {  	v50 =	vadd.s32 s22, v22;
	[tilespmem:s28+$0x40] =	vst v35;
	v32 =	vld.idx.msk [tilespmem:v49+s10+$0x0], $0xffff  }
0x60: {  	v53 =	vadd.s32 s24, v22;
	[tilespmem:s25+$0x40] =	vst v37;
	v35 =	vld.idx.msk [tilespmem:v51+s10+$0x0], $0xffff  }
0x61: {  	v55 =	vadd.s32 s5, v21;
	v56 =	vld.idx.msk [tilespmem:v52+s10+$0x0], $0xffff  }
0x62: {  	v57 =	vadd.s32 s26, v21  }
0x63: {  	[tilespmem:s21+$0x60] =	vst v34  }
0x64: {  	[tilespmem:s23+$0x60] =	vst v32;
	v34 =	vld.idx.msk [tilespmem:v50+s10+$0x0], $0xffff  }
0x65: {  	v54 =	vadd.s32 s22, v23;
	[tilespmem:s28+$0x50] =	vst v35;
	v32 =	vld.idx.msk [tilespmem:v53+s10+$0x0], $0xffff  }
0x66: {  	v58 =	vadd.s32 s24, v23;
	[tilespmem:s25+$0x50] =	vst v56;
	v35 =	vld.idx.msk [tilespmem:v55+s10+$0x0], $0xffff  }
0x67: {  	v60 =	vadd.s32 s5, v22;
	v38 =	vld.idx.msk [tilespmem:v57+s10+$0x0], $0xffff  }
0x68: {  	v61 =	vadd.s32 s26, v22  }
0x69: {  	[tilespmem:s21+$0x70] =	vst v34  }
0x6a: {  	[tilespmem:s23+$0x70] =	vst v32;
	v34 =	vld.idx.msk [tilespmem:v54+s10+$0x0], $0xffff  }
0x6b: {  	v59 =	vadd.s32 s22, v24;
	[tilespmem:s28+$0x60] =	vst v35;
	v32 =	vld.idx.msk [tilespmem:v58+s10+$0x0], $0xffff  }
0x6c: {  	v62 =	vadd.s32 s24, v24;
	[tilespmem:s25+$0x60] =	vst v38;
	v35 =	vld.idx.msk [tilespmem:v60+s10+$0x0], $0xffff  }
0x6d: {  	v42 =	vadd.s32 s5, v23;
	v38 =	vld.idx.msk [tilespmem:v61+s10+$0x0], $0xffff  }
0x6e: {  	v43 =	vadd.s32 s26, v23  }
0x6f: {  	[tilespmem:s21+$0x400] =	vst v34  }
0x70: {  	[tilespmem:s23+$0x400] =	vst v32;
	v34 =	vld.idx.msk [tilespmem:v59+s10+$0x0], $0xffff  }
0x71: {  	v63 =	vadd.s32 s22, v25;
	[tilespmem:s28+$0x70] =	vst v35;
	v32 =	vld.idx.msk [tilespmem:v62+s10+$0x0], $0xffff  }
0x72: {  	v44 =	vadd.s32 s24, v25;
	[tilespmem:s25+$0x70] =	vst v38;
	v35 =	vld.idx.msk [tilespmem:v42+s10+$0x0], $0xffff  }
0x73: {  	v46 =	vadd.s32 s5, v24;
	v38 =	vld.idx.msk [tilespmem:v43+s10+$0x0], $0xffff  }
0x74: {  	v47 =	vadd.s32 s26, v24  }
0x75: {  	[tilespmem:s21+$0x410] =	vst v34  }
0x76: {  	[tilespmem:s23+$0x410] =	vst v32;
	v34 =	vld.idx.msk [tilespmem:v63+s10+$0x0], $0xffff  }
0x77: {  	v45 =	vadd.s32 s22, v26;
	[tilespmem:s28+$0x400] =	vst v35;
	v32 =	vld.idx.msk [tilespmem:v44+s10+$0x0], $0xffff  }
0x78: {  	v48 =	vadd.s32 s24, v26;
	[tilespmem:s25+$0x400] =	vst v38;
	v35 =	vld.idx.msk [tilespmem:v46+s10+$0x0], $0xffff  }
0x79: {  	v50 =	vadd.s32 s5, v25;
	v38 =	vld.idx.msk [tilespmem:v47+s10+$0x0], $0xffff  }
0x7a: {  	v51 =	vadd.s32 s26, v25  }
0x7b: {  	[tilespmem:s21+$0x420] =	vst v34  }
0x7c: {  	[tilespmem:s23+$0x420] =	vst v32;
	v34 =	vld.idx.msk [tilespmem:v45+s10+$0x0], $0xffff  }
0x7d: {  	v49 =	vadd.s32 s22, v27;
	[tilespmem:s28+$0x410] =	vst v35;
	v32 =	vld.idx.msk [tilespmem:v48+s10+$0x0], $0xffff  }
0x7e: {  	v52 =	vadd.s32 s24, v27;
	[tilespmem:s25+$0x410] =	vst v38;
	v35 =	vld.idx.msk [tilespmem:v50+s10+$0x0], $0xffff  }
0x7f: {  	v54 =	vadd.s32 s5, v26;
	v38 =	vld.idx.msk [tilespmem:v51+s10+$0x0], $0xffff  }
0x80: {  	v55 =	vadd.s32 s26, v26  }
0x81: {  	[tilespmem:s21+$0x430] =	vst v34  }
0x82: {  	[tilespmem:s23+$0x430] =	vst v32;
	v34 =	vld.idx.msk [tilespmem:v49+s10+$0x0], $0xffff  }
0x83: {  	v53 =	vadd.s32 s22, v28;
	[tilespmem:s28+$0x420] =	vst v35;
	v32 =	vld.idx.msk [tilespmem:v52+s10+$0x0], $0xffff  }
0x84: {  	v56 =	vadd.s32 s24, v28;
	[tilespmem:s25+$0x420] =	vst v38;
	v35 =	vld.idx.msk [tilespmem:v54+s10+$0x0], $0xffff  }
0x85: {  	v58 =	vadd.s32 s5, v27;
	v38 =	vld.idx.msk [tilespmem:v55+s10+$0x0], $0xffff  }
0x86: {  	v59 =	vadd.s32 s26, v27  }
0x87: {  	[tilespmem:s21+$0x440] =	vst v34  }
0x88: {  	[tilespmem:s23+$0x440] =	vst v32;
	v34 =	vld.idx.msk [tilespmem:v53+s10+$0x0], $0xffff  }
0x89: {  	v57 =	vadd.s32 s22, v29;
	[tilespmem:s28+$0x430] =	vst v35;
	v32 =	vld.idx.msk [tilespmem:v56+s10+$0x0], $0xffff  }
0x8a: {  	v60 =	vadd.s32 s24, v29;
	[tilespmem:s25+$0x430] =	vst v38;
	v35 =	vld.idx.msk [tilespmem:v58+s10+$0x0], $0xffff  }
0x8b: {  	v62 =	vadd.s32 s5, v28;
	v38 =	vld.idx.msk [tilespmem:v59+s10+$0x0], $0xffff  }
0x8c: {  	v63 =	vadd.s32 s26, v28  }
0x8d: {  	s30 =	simm.s32 $0x780;
	[tilespmem:s21+$0x450] =	vst v34  }
0x8e: {  	v52 =	vadd.s32 s30, v15;
	[tilespmem:s23+$0x450] =	vst v32;
	v34 =	vld.idx.msk [tilespmem:v57+s10+$0x0], $0xffff  }
0x8f: {  	v61 =	vadd.s32 s22, v30;
	[tilespmem:s28+$0x440] =	vst v35;
	v32 =	vld.idx.msk [tilespmem:v60+s10+$0x0], $0xffff  }
0x90: {  	v40 =	vadd.s32 s24, v30;
	[tilespmem:s25+$0x440] =	vst v38;
	v35 =	vld.idx.msk [tilespmem:v62+s10+$0x0], $0xffff  }
0x91: {  	v42 =	vadd.s32 s5, v29;
	v38 =	vld.idx.msk [tilespmem:v63+s10+$0x0], $0xffff  }
0x92: {  	s29 =	simm.s32 $0x600;
	v43 =	vadd.s32 s26, v29  }
0x93: {  	v51 =	vadd.s32 s29, v15;
	v58 =	vld.idx.msk [tilespmem:v52+s10+$0x0], $0xffff;
	[tilespmem:s21+$0x460] =	vst v34  }
0x94: {  	s8 =	simm.s32 $0x800;
	v60 =	vadd.s32 s30, v16;
	[tilespmem:s23+$0x460] =	vst v32;
	v34 =	vld.idx.msk [tilespmem:v61+s10+$0x0], $0xffff  }
0x95: {  	s6 =	simm.s32 $0x200;
	s7 =	simm.s32 $0x280;
	s3 =	sand.u32 $0x7000, s8;
	v41 =	vadd.s32 s22, v31;
	[tilespmem:s28+$0x450] =	vst v35;
	v33 =	vld.idx.msk [tilespmem:v40+s10+$0x0], $0xffff  }
0x96: {  	s9 =	sand.u32 $0x280, s7;
	s2 =	sand.u32 $0x200, s6;
	s6 =	sadd.s32 $0xE000, s3;
	v44 =	vadd.s32 s24, v31;
	[tilespmem:s25+$0x450] =	vst v38;
	v35 =	vld.idx.msk [tilespmem:v42+s10+$0x0], $0xffff  }
0x97: {  	s3 =	sor.u32 s9, s6;
	v46 =	vadd.s32 s5, v30;
	v32 =	vld.idx.msk [tilespmem:v43+s10+$0x0], $0xffff  }
0x98: {  	s1 =	simm.s32 $0xA80;
	v47 =	vadd.s32 s26, v30;
	v55 =	vld.idx.msk [tilespmem:v51+s10+$0x0], $0xffff;
	[tilespmem:s3+$0x0] =	vst v58  }
0x99: {  	s0 =	simm.s32 $0x900;
	v38 =	vld.idx.msk [tilespmem:v60+s10+$0x0], $0xffff;
	v42 =	vadd.s32 s1, v15;
	[tilespmem:s21+$0x470] =	vst v34  }
0x9a: {  	[tilespmem:s23+$0x470] =	vst v33;
	v36 =	vld.idx.msk [tilespmem:v41+s10+$0x0], $0xffff;
	v41 =	vadd.s32 s0, v15  }
0x9b: {  	v45 =	vadd.s32 s22, v14;
	[tilespmem:s28+$0x460] =	vst v35;
	v34 =	vld.idx.msk [tilespmem:v44+s10+$0x0], $0xffff  }
0x9c: {  	v48 =	vadd.s32 s24, v14;
	[tilespmem:s25+$0x460] =	vst v32;
	v35 =	vld.idx.msk [tilespmem:v46+s10+$0x0], $0xffff  }
0x9d: {  	s31 =	sor.u32 s2, s6;
	v50 =	vadd.s32 s5, v31;
	v33 =	vld.idx.msk [tilespmem:v47+s10+$0x0], $0xffff  }
0x9e: {  	[tilespmem:s31+$0x0] =	vst v55;
	v40 =	vadd.s32 s26, v31;
	v47 =	vld.idx.msk [tilespmem:v42+s10+$0x0], $0xffff  }
0x9f: {  	v57 =	vadd.s32 s29, v16;
	[tilespmem:s21+$0x800] =	vst v36;
	v62 =	vld.idx.msk [tilespmem:v41+s10+$0x0], $0xffff  }
0xa0: {  	v43 =	vadd.s32 s1, v16;
	[tilespmem:s23+$0x800] =	vst v34;
	v37 =	vld.idx.msk [tilespmem:v45+s10+$0x0], $0xffff  }
0xa1: {  	s11 =	simm.s32 $0x380;
	v49 =	vadd.s32 s22, v13;
	[tilespmem:s28+$0x470] =	vst v35;
	v34 =	vld.idx.msk [tilespmem:v48+s10+$0x0], $0xffff  }
0xa2: {  	s2 =	sand.u32 $0x380, s11;
	v53 =	vadd.s32 s24, v13;
	[tilespmem:s25+$0x470] =	vst v33;
	v32 =	vld.idx.msk [tilespmem:v50+s10+$0x0], $0xffff  }
0xa3: {  	s4 =	sor.u32 s2, s6;
	[tilespmem:s3+$0x10] =	vst v38;
	v56 =	vld.idx.msk [tilespmem:v40+s10+$0x0], $0xffff;
	v50 =	vadd.s32 s30, v17  }
0xa4: {  	s12 =	simm.s32 $0x300;
	v52 =	vadd.s32 s0, v16;
	[tilespmem:s4+$0x0] =	vst v47;
	v45 =	vld.idx.msk [tilespmem:v57+s10+$0x0], $0xffff  }
0xa5: {  	s2 =	sand.u32 $0x300, s12;
	v46 =	vadd.s32 s5, v14;
	v43 =	vld.idx.msk [tilespmem:v43+s10+$0x0], $0xffff;
	[tilespmem:s21+$0x810] =	vst v37  }
0xa6: {  	s6 =	sor.u32 s2, s6;
	v48 =	vadd.s32 s29, v17;
	[tilespmem:s23+$0x810] =	vst v34;
	v37 =	vld.idx.msk [tilespmem:v49+s10+$0x0], $0xffff  }
0xa7: {  	v54 =	vadd.s32 s22, v12;
	[tilespmem:s6+$0x0] =	vst v62;
	v59 =	vld.idx.msk [tilespmem:v53+s10+$0x0], $0xffff  }
0xa8: {  	v61 =	vadd.s32 s24, v12;
	[tilespmem:s28+$0x800] =	vst v32;
	v55 =	vld.idx.msk [tilespmem:v50+s10+$0x0], $0xffff  }
0xa9: {  	v63 =	vadd.s32 s26, v14;
	[tilespmem:s25+$0x800] =	vst v56;
	v33 =	vld.idx.msk [tilespmem:v52+s10+$0x0], $0xffff  }
0xaa: {  	v60 =	vadd.s32 s1, v17;
	[tilespmem:s31+$0x10] =	vst v45;
	v40 =	vld.idx.msk [tilespmem:v46+s10+$0x0], $0xffff  }
0xab: {  	v58 =	vadd.s32 s5, v13;
	v32 =	vld.idx.msk [tilespmem:v48+s10+$0x0], $0xffff;
	[tilespmem:s21+$0x820] =	vst v37  }
0xac: {  	[tilespmem:s23+$0x820] =	vst v59;
	v35 =	vld.idx.msk [tilespmem:v54+s10+$0x0], $0xffff;
	v54 =	vadd.s32 s29, v18  }
0xad: {  	v57 =	vadd.s32 s30, v18;
	[tilespmem:s4+$0x10] =	vst v43;
	v37 =	vld.idx.msk [tilespmem:v61+s10+$0x0], $0xffff  }
0xae: {  	v49 =	vadd.s32 s22, v11;
	v51 =	vld.idx.msk [tilespmem:v63+s10+$0x0], $0xffff;
	[tilespmem:s3+$0x20] =	vst v55  }
0xaf: {  	v34 =	vld.idx.msk [tilespmem:v60+s10+$0x0], $0xffff;
	v59 =	vadd.s32 s0, v17;
	[tilespmem:s28+$0x810] =	vst v40  }
0xb0: {  	v53 =	vadd.s32 s26, v13;
	[tilespmem:s31+$0x20] =	vst v32;
	v46 =	vld.idx.msk [tilespmem:v58+s10+$0x0], $0xffff  }
0xb1: {  	v48 =	vadd.s32 s5, v12;
	[tilespmem:s21+$0x830] =	vst v35;
	v61 =	vld.idx.msk [tilespmem:v54+s10+$0x0], $0xffff  }
0xb2: {  	v62 =	vadd.s32 s29, v19;
	[tilespmem:s23+$0x830] =	vst v37;
	v37 =	vld.idx.msk [tilespmem:v57+s10+$0x0], $0xffff  }
0xb3: {  	v45 =	vadd.s32 s30, v19;
	[tilespmem:s6+$0x10] =	vst v33;
	v36 =	vld.idx.msk [tilespmem:v49+s10+$0x0], $0xffff  }
0xb4: {  	v56 =	vadd.s32 s22, v10;
	[tilespmem:s25+$0x810] =	vst v51;
	v47 =	vld.idx.msk [tilespmem:v59+s10+$0x0], $0xffff  }
0xb5: {  	v32 =	vld.idx.msk [tilespmem:v53+s10+$0x0], $0xffff;
	[tilespmem:s28+$0x820] =	vst v46;
	v49 =	vadd.s32 s0, v18  }
0xb6: {  	v50 =	vadd.s32 s1, v18;
	v54 =	vld.idx.msk [tilespmem:v48+s10+$0x0], $0xffff;
	[tilespmem:s31+$0x30] =	vst v61  }
0xb7: {  	[tilespmem:s3+$0x30] =	vst v37;
	v61 =	vadd.s32 s26, v12;
	v42 =	vld.idx.msk [tilespmem:v62+s10+$0x0], $0xffff  }
0xb8: {  	v60 =	vadd.s32 s24, v11;
	[tilespmem:s21+$0x840] =	vst v36;
	v37 =	vld.idx.msk [tilespmem:v45+s10+$0x0], $0xffff  }
0xb9: {  	v51 =	vadd.s32 s29, v20;
	[tilespmem:s6+$0x20] =	vst v47;
	v38 =	vld.idx.msk [tilespmem:v56+s10+$0x0], $0xffff  }
0xba: {  	[tilespmem:s4+$0x20] =	vst v34;
	v53 =	vadd.s32 s30, v20;
	v55 =	vld.idx.msk [tilespmem:v49+s10+$0x0], $0xffff  }
0xbb: {  	[tilespmem:s25+$0x820] =	vst v32;
	v36 =	vld.idx.msk [tilespmem:v50+s10+$0x0], $0xffff;
	v56 =	vadd.s32 s5, v11  }
0xbc: {  	v57 =	vadd.s32 s0, v19;
	v48 =	vld.idx.msk [tilespmem:v61+s10+$0x0], $0xffff;
	[tilespmem:s31+$0x40] =	vst v42  }
0xbd: {  	v58 =	vadd.s32 s1, v19;
	[tilespmem:s3+$0x40] =	vst v37;
	v37 =	vld.idx.msk [tilespmem:v60+s10+$0x0], $0xffff  }
0xbe: {  	v63 =	vadd.s32 s22, v9;
	[tilespmem:s21+$0x850] =	vst v38;
	v38 =	vld.idx.msk [tilespmem:v51+s10+$0x0], $0xffff  }
0xbf: {  	[tilespmem:s28+$0x830] =	vst v54;
	v50 =	vadd.s32 s24, v10;
	v33 =	vld.idx.msk [tilespmem:v53+s10+$0x0], $0xffff  }
0xc0: {  	[tilespmem:s6+$0x30] =	vst v55;
	v34 =	vld.idx.msk [tilespmem:v56+s10+$0x0], $0xffff;
	v51 =	vadd.s32 s26, v11  }
0xc1: {  	v59 =	vadd.s32 s29, v21;
	[tilespmem:s4+$0x30] =	vst v36;
	v43 =	vld.idx.msk [tilespmem:v57+s10+$0x0], $0xffff  }
0xc2: {  	v62 =	vadd.s32 s30, v21;
	v36 =	vld.idx.msk [tilespmem:v58+s10+$0x0], $0xffff;
	[tilespmem:s25+$0x830] =	vst v48  }
0xc3: {  	v39 =	vld.idx.msk [tilespmem:v63+s10+$0x0], $0xffff;
	v63 =	vadd.s32 s5, v10;
	[tilespmem:s23+$0x840] =	vst v37  }
0xc4: {  	v45 =	vadd.s32 s0, v20;
	[tilespmem:s31+$0x50] =	vst v38;
	v41 =	vld.idx.msk [tilespmem:v50+s10+$0x0], $0xffff  }
0xc5: {  	v52 =	vadd.s32 s22, v8;
	[tilespmem:s3+$0x50] =	vst v33;
	v57 =	vld.idx.msk [tilespmem:v51+s10+$0x0], $0xffff  }
0xc6: {  	v46 =	vadd.s32 s1, v20;
	[tilespmem:s28+$0x840] =	vst v34;
	v40 =	vld.idx.msk [tilespmem:v59+s10+$0x0], $0xffff  }
0xc7: {  	[tilespmem:s6+$0x40] =	vst v43;
	v49 =	vld.idx.msk [tilespmem:v62+s10+$0x0], $0xffff;
	v59 =	vadd.s32 s24, v9  }
0xc8: {  	v61 =	vadd.s32 s26, v10;
	[tilespmem:s4+$0x40] =	vst v36;
	v34 =	vld.idx.msk [tilespmem:v63+s10+$0x0], $0xffff  }
0xc9: {  	v47 =	vadd.s32 s29, v22;
	[tilespmem:s21+$0x860] =	vst v39;
	v32 =	vld.idx.msk [tilespmem:v45+s10+$0x0], $0xffff  }
0xca: {  	v39 =	vld.idx.msk [tilespmem:v52+s10+$0x0], $0xffff;
	v52 =	vadd.s32 s30, v22;
	[tilespmem:s23+$0x850] =	vst v41  }
0xcb: {  	v53 =	vadd.s32 s5, v9;
	v36 =	vld.idx.msk [tilespmem:v46+s10+$0x0], $0xffff;
	[tilespmem:s25+$0x840] =	vst v57  }
0xcc: {  	v54 =	vadd.s32 s0, v21;
	[tilespmem:s31+$0x60] =	vst v40;
	v43 =	vld.idx.msk [tilespmem:v59+s10+$0x0], $0xffff  }
0xcd: {  	v55 =	vadd.s32 s1, v21;
	[tilespmem:s28+$0x850] =	vst v34;
	v34 =	vld.idx.msk [tilespmem:v61+s10+$0x0], $0xffff  }
0xce: {  	v48 =	vadd.s32 s22, v7;
	[tilespmem:s3+$0x60] =	vst v49;
	v40 =	vld.idx.msk [tilespmem:v47+s10+$0x0], $0xffff  }
0xcf: {  	[tilespmem:s6+$0x50] =	vst v32;
	v49 =	vadd.s32 s26, v9;
	v58 =	vld.idx.msk [tilespmem:v52+s10+$0x0], $0xffff  }
0xd0: {  	[tilespmem:s4+$0x50] =	vst v36;
	v60 =	vld.idx.msk [tilespmem:v53+s10+$0x0], $0xffff;
	v53 =	vadd.s32 s24, v8  }
0xd1: {  	v56 =	vadd.s32 s29, v23;
	[tilespmem:s21+$0x870] =	vst v39;
	v42 =	vld.idx.msk [tilespmem:v54+s10+$0x0], $0xffff  }
0xd2: {  	v62 =	vadd.s32 s30, v23;
	v36 =	vld.idx.msk [tilespmem:v55+s10+$0x0], $0xffff;
	[tilespmem:s23+$0x860] =	vst v43  }
0xd3: {  	v63 =	vadd.s32 s5, v8;
	v39 =	vld.idx.msk [tilespmem:v48+s10+$0x0], $0xffff;
	[tilespmem:s25+$0x850] =	vst v34  }
0xd4: {  	v45 =	vadd.s32 s0, v22;
	[tilespmem:s31+$0x70] =	vst v40;
	v37 =	vld.idx.msk [tilespmem:v49+s10+$0x0], $0xffff  }
0xd5: {  	v46 =	vadd.s32 s1, v22;
	[tilespmem:s3+$0x70] =	vst v58;
	v59 =	vld.idx.msk [tilespmem:v53+s10+$0x0], $0xffff  }
0xd6: {  	v57 =	vadd.s32 s26, v8;
	[tilespmem:s28+$0x860] =	vst v60;
	v33 =	vld.idx.msk [tilespmem:v56+s10+$0x0], $0xffff  }
0xd7: {  	[tilespmem:s6+$0x60] =	vst v42;
	v38 =	vld.idx.msk [tilespmem:v62+s10+$0x0], $0xffff;
	v62 =	vadd.s32 s24, v7  }
0xd8: {  	v47 =	vadd.s32 s29, v24;
	[tilespmem:s4+$0x60] =	vst v36;
	v32 =	vld.idx.msk [tilespmem:v63+s10+$0x0], $0xffff  }
0xd9: {  	v50 =	vadd.s32 s30, v24;
	v40 =	vld.idx.msk [tilespmem:v45+s10+$0x0], $0xffff;
	[tilespmem:s21+$0xC00] =	vst v39  }
0xda: {  	v52 =	vadd.s32 s5, v7;
	v51 =	vld.idx.msk [tilespmem:v46+s10+$0x0], $0xffff;
	[tilespmem:s25+$0x860] =	vst v37  }
0xdb: {  	v54 =	vadd.s32 s1, v23;
	[tilespmem:s23+$0x870] =	vst v59;
	v36 =	vld.idx.msk [tilespmem:v57+s10+$0x0], $0xffff  }
0xdc: {  	v56 =	vadd.s32 s0, v23;
	[tilespmem:s31+$0x400] =	vst v33;
	v49 =	vld.idx.msk [tilespmem:v62+s10+$0x0], $0xffff  }
0xdd: {  	[tilespmem:s3+$0x400] =	vst v38;
	v35 =	vld.idx.msk [tilespmem:v47+s10+$0x0], $0xffff;
	v47 =	vadd.s32 s26, v7  }
0xde: {  	v55 =	vadd.s32 s29, v25;
	[tilespmem:s28+$0x870] =	vst v32;
	v38 =	vld.idx.msk [tilespmem:v50+s10+$0x0], $0xffff  }
0xdf: {  	v58 =	vadd.s32 s30, v25;
	[tilespmem:s4+$0x70] =	vst v51;
	v32 =	vld.idx.msk [tilespmem:v52+s10+$0x0], $0xffff  }
0xe0: {  	v61 =	vadd.s32 s5, v6;
	[tilespmem:s6+$0x70] =	vst v40;
	v60 =	vld.idx.msk [tilespmem:v54+s10+$0x0], $0xffff  }
0xe1: {  	v63 =	vadd.s32 s1, v24;
	v42 =	vld.idx.msk [tilespmem:v56+s10+$0x0], $0xffff;
	[tilespmem:s25+$0x870] =	vst v36  }
0xe2: {  	v46 =	vadd.s32 s0, v24;
	[tilespmem:s31+$0x410] =	vst v35;
	v33 =	vld.idx.msk [tilespmem:v47+s10+$0x0], $0xffff  }
0xe3: {  	v52 =	vadd.s32 s24, v6;
	[tilespmem:s3+$0x410] =	vst v38;
	v34 =	vld.idx.msk [tilespmem:v55+s10+$0x0], $0xffff  }
0xe4: {  	v56 =	vadd.s32 s26, v6;
	[tilespmem:s28+$0xC00] =	vst v32;
	v38 =	vld.idx.msk [tilespmem:v58+s10+$0x0], $0xffff  }
0xe5: {  	v45 =	vadd.s32 s29, v26;
	[tilespmem:s4+$0x400] =	vst v60;
	v32 =	vld.idx.msk [tilespmem:v61+s10+$0x0], $0xffff  }
0xe6: {  	v48 =	vadd.s32 s30, v26;
	[tilespmem:s6+$0x400] =	vst v42;
	v50 =	vld.idx.msk [tilespmem:v63+s10+$0x0], $0xffff  }
0xe7: {  	v51 =	vadd.s32 s5, v5;
	[tilespmem:s23+$0xC00] =	vst v49;
	v40 =	vld.idx.msk [tilespmem:v46+s10+$0x0], $0xffff  }
0xe8: {  	v53 =	vadd.s32 s1, v25;
	v58 =	vld.idx.msk [tilespmem:v52+s10+$0x0], $0xffff;
	[tilespmem:s25+$0xC00] =	vst v33  }
0xe9: {  	v55 =	vadd.s32 s0, v25;
	[tilespmem:s31+$0x420] =	vst v34;
	v35 =	vld.idx.msk [tilespmem:v56+s10+$0x0], $0xffff  }
0xea: {  	v61 =	vadd.s32 s24, v5;
	[tilespmem:s3+$0x420] =	vst v38;
	v37 =	vld.idx.msk [tilespmem:v45+s10+$0x0], $0xffff  }
0xeb: {  	v46 =	vadd.s32 s26, v5;
	[tilespmem:s28+$0xC10] =	vst v32;
	v38 =	vld.idx.msk [tilespmem:v48+s10+$0x0], $0xffff  }
0xec: {  	v54 =	vadd.s32 s29, v27;
	[tilespmem:s4+$0x410] =	vst v50;
	v32 =	vld.idx.msk [tilespmem:v51+s10+$0x0], $0xffff  }
0xed: {  	v57 =	vadd.s32 s30, v27;
	[tilespmem:s6+$0x410] =	vst v40;
	v59 =	vld.idx.msk [tilespmem:v53+s10+$0x0], $0xffff  }
0xee: {  	v60 =	vadd.s32 s5, v4;
	[tilespmem:s23+$0xC10] =	vst v58;
	v41 =	vld.idx.msk [tilespmem:v55+s10+$0x0], $0xffff  }
0xef: {  	v62 =	vadd.s32 s1, v26;
	v48 =	vld.idx.msk [tilespmem:v61+s10+$0x0], $0xffff;
	[tilespmem:s25+$0xC10] =	vst v35  }
0xf0: {  	v45 =	vadd.s32 s0, v26;
	[tilespmem:s31+$0x430] =	vst v37;
	v34 =	vld.idx.msk [tilespmem:v46+s10+$0x0], $0xffff  }
0xf1: {  	v51 =	vadd.s32 s24, v4;
	[tilespmem:s3+$0x430] =	vst v38;
	v36 =	vld.idx.msk [tilespmem:v54+s10+$0x0], $0xffff  }
0xf2: {  	v63 =	vadd.s32 s29, v28;
	[tilespmem:s28+$0xC20] =	vst v32;
	v38 =	vld.idx.msk [tilespmem:v57+s10+$0x0], $0xffff  }
0xf3: {  	v55 =	vadd.s32 s26, v4;
	[tilespmem:s4+$0x420] =	vst v59;
	v32 =	vld.idx.msk [tilespmem:v60+s10+$0x0], $0xffff  }
0xf4: {  	v47 =	vadd.s32 s30, v28;
	[tilespmem:s6+$0x420] =	vst v41;
	v49 =	vld.idx.msk [tilespmem:v62+s10+$0x0], $0xffff  }
0xf5: {  	v50 =	vadd.s32 s5, v3;
	[tilespmem:s23+$0xC20] =	vst v48;
	v39 =	vld.idx.msk [tilespmem:v45+s10+$0x0], $0xffff  }
0xf6: {  	v52 =	vadd.s32 s1, v27;
	v57 =	vld.idx.msk [tilespmem:v51+s10+$0x0], $0xffff;
	[tilespmem:s31+$0x440] =	vst v36  }
0xf7: {  	v54 =	vadd.s32 s0, v27;
	[tilespmem:s25+$0xC20] =	vst v34;
	v33 =	vld.idx.msk [tilespmem:v63+s10+$0x0], $0xffff  }
0xf8: {  	v53 =	vadd.s32 s29, v29;
	[tilespmem:s3+$0x440] =	vst v38;
	v37 =	vld.idx.msk [tilespmem:v55+s10+$0x0], $0xffff  }
0xf9: {  	v60 =	vadd.s32 s22, v6;
	[tilespmem:s28+$0xC30] =	vst v32;
	v38 =	vld.idx.msk [tilespmem:v47+s10+$0x0], $0xffff  }
0xfa: {  	v45 =	vadd.s32 s26, v3;
	[tilespmem:s4+$0x430] =	vst v49;
	v32 =	vld.idx.msk [tilespmem:v50+s10+$0x0], $0xffff  }
0xfb: {  	v56 =	vadd.s32 s30, v29;
	[tilespmem:s6+$0x430] =	vst v39;
	v58 =	vld.idx.msk [tilespmem:v52+s10+$0x0], $0xffff  }
0xfc: {  	v59 =	vadd.s32 s5, v2;
	v42 =	vld.idx.msk [tilespmem:v54+s10+$0x0], $0xffff;
	[tilespmem:s31+$0x450] =	vst v33  }
0xfd: {  	v61 =	vadd.s32 s1, v28;
	[tilespmem:s23+$0xC30] =	vst v57;
	v35 =	vld.idx.msk [tilespmem:v53+s10+$0x0], $0xffff  }
0xfe: {  	v62 =	vadd.s32 s29, v30;
	v47 =	vld.idx.msk [tilespmem:v60+s10+$0x0], $0xffff;
	[tilespmem:s25+$0xC30] =	vst v37  }
0xff: {  	v63 =	vadd.s32 s0, v28;
	[tilespmem:s3+$0x450] =	vst v38;
	v36 =	vld.idx.msk [tilespmem:v45+s10+$0x0], $0xffff  }
0x100: {  	v51 =	vadd.s32 s24, v3;
	[tilespmem:s28+$0xC40] =	vst v32;
	v38 =	vld.idx.msk [tilespmem:v56+s10+$0x0], $0xffff  }
0x101: {  	v46 =	vadd.s32 s30, v30;
	[tilespmem:s4+$0x440] =	vst v58;
	v32 =	vld.idx.msk [tilespmem:v59+s10+$0x0], $0xffff  }
0x102: {  	v50 =	vadd.s32 s22, v5;
	v48 =	vld.idx.msk [tilespmem:v61+s10+$0x0], $0xffff;
	[tilespmem:s31+$0x460] =	vst v35  }
0x103: {  	v49 =	vadd.s32 s5, v1;
	[tilespmem:s6+$0x440] =	vst v42;
	v34 =	vld.idx.msk [tilespmem:v62+s10+$0x0], $0xffff  }
0x104: {  	v54 =	vadd.s32 s1, v29;
	[tilespmem:s21+$0xC10] =	vst v47;
	v40 =	vld.idx.msk [tilespmem:v63+s10+$0x0], $0xffff  }
0x105: {  	v58 =	vld.idx.msk [tilespmem:v51+s10+$0x0], $0xffff;
	v53 =	vadd.s32 s0, v29;
	[tilespmem:s3+$0x460] =	vst v38  }
0x106: {  	v52 =	vadd.s32 s29, v31;
	[tilespmem:s28+$0xC50] =	vst v32;
	v38 =	vld.idx.msk [tilespmem:v46+s10+$0x0], $0xffff  }
0x107: {  	v56 =	vadd.s32 s30, v31;
	v57 =	vld.idx.msk [tilespmem:v50+s10+$0x0], $0xffff;
	[tilespmem:s4+$0x450] =	vst v48  }
0x108: {  	v59 =	vadd.s32 s26, v2;
	v55 =	vld.idx.msk [tilespmem:v49+s10+$0x0], $0xffff;
	[tilespmem:s31+$0x470] =	vst v34  }
0x109: {  	s13 =	sshll.u32 s18, $0x1;
	v60 =	vadd.s32 s22, v4;
	v44 =	vld.idx.msk [tilespmem:v54+s10+$0x0], $0xffff;
	s7 =	rddreg [dreg:$0x6];
	[tilespmem:s6+$0x450] =	vst v40  }
0x10a: {  	s14 =	sand.u32 $0x1, s18;
	v61 =	vadd.s32 s24, v2;
	[tilespmem:s25+$0xC40] =	vst v36;
	s20 =	sadd.s32 s7, s13;
	v41 =	vld.idx.msk [tilespmem:v53+s10+$0x0], $0xffff  }
0x10b: {  	p1 =	seq.s32 s14, $0x1;
	v46 =	vadd.s32 s1, v30;
	v37 =	vld.idx.msk [tilespmem:v52+s10+$0x0], $0xffff;
	[tilespmem:s3+$0x470] =	vst v38;
	p0 =	seq.s32 s20, $0x0  }
0x10c: {  	v62 =	vadd.s32 s29, v14;
	[tilespmem:s21+$0xC20] =	vst v57;
	v45 =	vld.idx.msk [tilespmem:v56+s10+$0x0], $0xffff;
	p0 =	por !p0, !p1  }
0x10d: {  	s2 =	simm.s32 $0x1;
	v63 =	vadd.s32 s0, v30;
	[tilespmem:s23+$0xC40] =	vst v58;
	v47 =	vld.idx.msk [tilespmem:v59+s10+$0x0], $0xffff;
	p0 =	por !p0, !p0  }
0x10e: {  	v48 =	vadd.s32 s30, v14;
	[tilespmem:s4+$0x460] =	vst v44;
	v33 =	vld.idx.msk [tilespmem:v60+s10+$0x0], $0xffff;
	s9 =	sshrl.u32 s20, $0x2;
	s2 =	simm.s32 @!p0 $0x0  }
0x10f: {  	s15 =	sshll.u32 s18, $0xD;
	v35 =	vld.idx.msk [tilespmem:v61+s10+$0x0], $0xffff;
	s2 =	ssub.s32 s9, s2;
	[tilespmem:s6+$0x460] =	vst v41;
	v41 =	vadd.s32 s5, v0  }
0x110: {  	[tilespmem:s31+$0x800] =	vst v37;
	v37 =	vld.idx.msk [tilespmem:v46+s10+$0x0], $0xffff;
	s9 =	sand.u32 $0x2000, s15;
	s2 =	sshll.u32 s2, $0x11  }
0x111: {  	v39 =	vadd.s32 s24, v1;
	[tilespmem:s28+$0xC60] =	vst v55;
	v38 =	vld.idx.msk [tilespmem:v62+s10+$0x0], $0xffff;
	s2 =	sor.u32 s9, s2  }
0x112: {  	s17 =	rddreg [dreg:$0x1];
	s11 =	simm.s32 $0x580;
	v42 =	vadd.s32 s29, v13;
	[tilespmem:s3+$0x800] =	vst v45;
	v34 =	vld.idx.msk [tilespmem:v63+s10+$0x0], $0xffff;
	s2 =	sshrl.u32 s2, $0x3  }
0x113: {  	v32 =	vadd.s32 s1, v31;
	v40 =	vadd.s32 s0, v31;
	s5 =	simm.s32 $0x4;
	[tilespmem:s25+$0xC50] =	vst v47;
	v36 =	vld.idx.msk [tilespmem:v48+s10+$0x0], $0xffff;
	s9 =	sadd.s32 s17, s2;
	s17 =	simm.s32 $0x1080  }
.LBB2_3:
0x114: {  	s15 =	sadd.s32 $0xFFFFFB80, s17;
	s2 =	sadd.s32 $0xFFFFFE80, s11;
	v43 =	vadd.s32 s17, v31;
	s5 =	sadd.s32 $0x4, s5;
	v41 =	vld.idx.msk [tilespmem:v41+s10+$0x0], $0xffff  }
0x115: {  	s7 =	sadd.s32 $0xFFFFFD00, s17;
	v44 =	vadd.s32 s15, v15;
	s2 =	sand.u32 $0x200, s2;
	p0 =	slt.u32 s5, $0x3C;
	[tilespmem:s23+$0xC50] =	vst v35  }
0x116: {  	s14 =	sadd.s32 $0xFFFFFE80, s17;
	v35 =	vadd.s32 s7, v15;
	[tilespmem:s31+$0x810] =	vst v38;
	v38 =	vld.idx.msk [tilespmem:v39+s10+$0x0], $0xffff  }
0x117: {  	v45 =	vadd.s32 s30, v13;
	v39 =	vadd.s32 s14, v15;
	v42 =	vld.idx.msk [tilespmem:v42+s10+$0x0], $0xffff;
	[tilespmem:s6+$0x470] =	vst v34  }
0x118: {  	v34 =	vadd.s32 s17, v15;
	v40 =	vld.idx.msk [tilespmem:v40+s10+$0x0], $0xffff;
	[tilespmem:s4+$0x470] =	vst v37;
	v37 =	vadd.s32 s24, v0;
	s24 =	smov.u32 s30;
	s30 =	smov.u32 s7  }
0x119: {  	v46 =	vadd.s32 s26, v1;
	[tilespmem:s3+$0x810] =	vst v36;
	v36 =	vld.idx.msk [tilespmem:v32+s10+$0x0], $0xffff;
	v32 =	vmov v43  }
0x11a: {  	v43 =	vld.idx.msk [tilespmem:v44+s10+$0x0], $0xffff;
	v44 =	vadd.s32 s29, v12;
	[tilespmem:s28+$0xC70] =	vst v41;
	s28 =	smov.u32 s6  }
0x11b: {  	v35 =	vld.idx.msk [tilespmem:v35+s10+$0x0], $0xffff;
	[tilespmem:s21+$0xC30] =	vst v33  }
0x11c: {  	s8 =	sadd.s32 $0x800, s8;
	v33 =	vadd.s32 s15, v16;
	v41 =	vld.idx.msk [tilespmem:v45+s10+$0x0], $0xffff;
	[tilespmem:s23+$0xC60] =	vst v38  }
0x11d: {  	s6 =	sand.u32 $0x7000, s8;
	v38 =	vadd.s32 s30, v16;
	[tilespmem:s31+$0x820] =	vst v42;
	v37 =	vld.idx.msk [tilespmem:v37+s10+$0x0], $0xffff  }
0x11e: {  	s7 =	sadd.s32 $0xE000, s6;
	s6 =	sadd.s32 $0xFFFFFF00, s11;
	v45 =	vadd.s32 s24, v12;
	v42 =	vadd.s32 s14, v16;
	[tilespmem:s28+$0x800] =	vst v40;
	v40 =	vld.idx.msk [tilespmem:v46+s10+$0x0], $0xffff  }
0x11f: {  	s12 =	sadd.s32 $0xFFFFFF80, s11;
	s2 =	sor.u32 s2, s7;
	s6 =	sand.u32 $0x280, s6;
	v46 =	vadd.s32 s17, v16;
	v44 =	vld.idx.msk [tilespmem:v44+s10+$0x0], $0xffff;
	[tilespmem:s4+$0x800] =	vst v36  }
0x120: {  	s13 =	sor.u32 s6, s7;
	s6 =	sand.u32 $0x300, s12;
	[tilespmem:s2+$0x0] =	vst v43;
	v36 =	vld.idx.msk [tilespmem:v39+s10+$0x0], $0xffff;
	v39 =	vadd.s32 s26, v0;
	s26 =	smov.u32 s1  }
0x121: {  	s12 =	sand.u32 $0x380, s11;
	s6 =	sor.u32 s6, s7;
	s1 =	smov.u32 s17;
	[tilespmem:s13+$0x0] =	vst v35;
	v34 =	vld.idx.msk [tilespmem:v34+s10+$0x0], $0xffff;
	v35 =	vadd.s32 s26, v14  }
0x122: {  	s7 =	sor.u32 s12, s7;
	v33 =	vld.idx.msk [tilespmem:v33+s10+$0x0], $0xffff;
	[tilespmem:s3+$0x820] =	vst v41;
	v41 =	vadd.s32 s0, v14  }
0x123: {  	v47 =	vadd.s32 s29, v11;
	v43 =	vadd.s32 s15, v17;
	v45 =	vld.idx.msk [tilespmem:v45+s10+$0x0], $0xffff;
	[tilespmem:s23+$0xC70] =	vst v37;
	s23 =	smov.u32 s3;
	s3 =	smov.u32 s13  }
0x124: {  	v37 =	vld.idx.msk [tilespmem:v38+s10+$0x0], $0xffff;
	v38 =	vadd.s32 s30, v17;
	[tilespmem:s25+$0xC60] =	vst v40  }
0x125: {  	v48 =	vadd.s32 s22, v3;
	v40 =	vadd.s32 s14, v17;
	v39 =	vld.idx.msk [tilespmem:v39+s10+$0x0], $0xffff  }
0x126: {  	[tilespmem:s31+$0x830] =	vst v44;
	v35 =	vld.idx.msk [tilespmem:v35+s10+$0x0], $0xffff  }
0x127: {  	[tilespmem:s7+$0x0] =	vst v34;
	v34 =	vld.idx.msk [tilespmem:v41+s10+$0x0], $0xffff  }
0x128: {  	[tilespmem:s2+$0x10] =	vst v33;
	v33 =	vld.idx.msk [tilespmem:v47+s10+$0x0], $0xffff  }
0x129: {  	v41 =	vld.idx.msk [tilespmem:v43+s10+$0x0], $0xffff;
	[tilespmem:s23+$0x830] =	vst v45  }
0x12a: {  	v43 =	vadd.s32 s15, v18;
	[tilespmem:s3+$0x10] =	vst v37;
	v37 =	vadd.s32 s26, v13;
	v44 =	vld.idx.msk [tilespmem:v48+s10+$0x0], $0xffff  }
0x12b: {  	v47 =	vadd.s32 s29, v10;
	v45 =	vadd.s32 s30, v18;
	v46 =	vld.idx.msk [tilespmem:v46+s10+$0x0], $0xffff;
	[tilespmem:s25+$0xC70] =	vst v39;
	s25 =	smov.u32 s4;
	s4 =	smov.u32 s7  }
0x12c: {  	v39 =	vadd.s32 s14, v18;
	v38 =	vld.idx.msk [tilespmem:v38+s10+$0x0], $0xffff;
	[tilespmem:s25+$0x810] =	vst v35;
	v35 =	vadd.s32 s22, v2  }
0x12d: {  	[tilespmem:s6+$0x0] =	vst v36;
	v36 =	vadd.s32 s17, v17  }
0x12e: {  	v42 =	vld.idx.msk [tilespmem:v42+s10+$0x0], $0xffff;
	[tilespmem:s31+$0x840] =	vst v33  }
0x12f: {  	v33 =	vadd.s32 s0, v13;
	[tilespmem:s2+$0x20] =	vst v41;
	v37 =	vld.idx.msk [tilespmem:v37+s10+$0x0], $0xffff  }
0x130: {  	v41 =	vld.idx.msk [tilespmem:v43+s10+$0x0], $0xffff;
	[tilespmem:s21+$0xC40] =	vst v44  }
0x131: {  	v43 =	vadd.s32 s15, v19;
	[tilespmem:s4+$0x10] =	vst v46;
	v44 =	vld.idx.msk [tilespmem:v47+s10+$0x0], $0xffff  }
0x132: {  	v46 =	vadd.s32 s14, v19;
	[tilespmem:s3+$0x20] =	vst v38;
	v38 =	vadd.s32 s30, v19;
	v35 =	vld.idx.msk [tilespmem:v35+s10+$0x0], $0xffff  }
0x133: {  	v47 =	vadd.s32 s29, v9;
	v45 =	vld.idx.msk [tilespmem:v45+s10+$0x0], $0xffff;
	[tilespmem:s28+$0x810] =	vst v34;
	v34 =	vadd.s32 s22, v1  }
0x134: {  	[tilespmem:s6+$0x10] =	vst v42;
	v42 =	vadd.s32 s17, v18;
	v33 =	vld.idx.msk [tilespmem:v33+s10+$0x0], $0xffff  }
0x135: {  	v40 =	vld.idx.msk [tilespmem:v40+s10+$0x0], $0xffff;
	[tilespmem:s25+$0x820] =	vst v37  }
0x136: {  	v37 =	vadd.s32 s0, v12;
	[tilespmem:s2+$0x30] =	vst v41;
	v36 =	vld.idx.msk [tilespmem:v36+s10+$0x0], $0xffff  }
0x137: {  	v41 =	vld.idx.msk [tilespmem:v43+s10+$0x0], $0xffff;
	[tilespmem:s31+$0x850] =	vst v44  }
0x138: {  	v43 =	vadd.s32 s15, v20;
	v44 =	vld.idx.msk [tilespmem:v47+s10+$0x0], $0xffff;
	[tilespmem:s21+$0xC50] =	vst v35  }
0x139: {  	v35 =	vadd.s32 s30, v20;
	v47 =	vadd.s32 s29, v8;
	[tilespmem:s3+$0x30] =	vst v45;
	v34 =	vld.idx.msk [tilespmem:v34+s10+$0x0], $0xffff  }
0x13a: {  	v45 =	vadd.s32 s14, v20;
	v38 =	vld.idx.msk [tilespmem:v38+s10+$0x0], $0xffff;
	[tilespmem:s28+$0x820] =	vst v33;
	v33 =	vadd.s32 s22, v0;
	s22 =	smov.u32 s29;
	s29 =	smov.u32 s15  }
0x13b: {  	[tilespmem:s6+$0x20] =	vst v40;
	v40 =	vadd.s32 s17, v19;
	v37 =	vld.idx.msk [tilespmem:v37+s10+$0x0], $0xffff  }
0x13c: {  	v39 =	vld.idx.msk [tilespmem:v39+s10+$0x0], $0xffff;
	[tilespmem:s4+$0x20] =	vst v36  }
0x13d: {  	[tilespmem:s2+$0x40] =	vst v41;
	v36 =	vld.idx.msk [tilespmem:v42+s10+$0x0], $0xffff;
	v41 =	vadd.s32 s0, v11  }
0x13e: {  	v42 =	vld.idx.msk [tilespmem:v43+s10+$0x0], $0xffff;
	[tilespmem:s31+$0x860] =	vst v44  }
0x13f: {  	v43 =	vld.idx.msk [tilespmem:v47+s10+$0x0], $0xffff;
	[tilespmem:s21+$0xC60] =	vst v34  }
0x140: {  	v34 =	vadd.s32 s29, v21;
	[tilespmem:s3+$0x40] =	vst v38;
	v33 =	vld.idx.msk [tilespmem:v33+s10+$0x0], $0xffff  }
0x141: {  	v38 =	vadd.s32 s24, v11;
	v35 =	vld.idx.msk [tilespmem:v35+s10+$0x0], $0xffff;
	[tilespmem:s28+$0x830] =	vst v37  }
0x142: {  	[tilespmem:s6+$0x30] =	vst v39;
	v37 =	vld.idx.msk [tilespmem:v41+s10+$0x0], $0xffff;
	v39 =	vadd.s32 s26, v12  }
0x143: {  	v41 =	vadd.s32 s30, v21;
	v44 =	vld.idx.msk [tilespmem:v46+s10+$0x0], $0xffff;
	[tilespmem:s4+$0x30] =	vst v36  }
0x144: {  	[tilespmem:s2+$0x50] =	vst v42;
	v36 =	vld.idx.msk [tilespmem:v40+s10+$0x0], $0xffff;
	v40 =	vadd.s32 s0, v10  }
0x145: {  	v34 =	vld.idx.msk [tilespmem:v34+s10+$0x0], $0xffff;
	[tilespmem:s31+$0x870] =	vst v43  }
0x146: {  	v42 =	vadd.s32 s17, v20;
	v38 =	vld.idx.msk [tilespmem:v38+s10+$0x0], $0xffff;
	[tilespmem:s21+$0xC70] =	vst v33;
	s21 =	smov.u32 s31;
	s31 =	smov.u32 s2  }
0x147: {  	v33 =	vadd.s32 s29, v22;
	[tilespmem:s3+$0x50] =	vst v35;
	v35 =	vld.idx.msk [tilespmem:v39+s10+$0x0], $0xffff  }
0x148: {  	v39 =	vld.idx.msk [tilespmem:v41+s10+$0x0], $0xffff;
	v41 =	vadd.s32 s24, v10;
	[tilespmem:s28+$0x840] =	vst v37  }
0x149: {  	[tilespmem:s6+$0x40] =	vst v44;
	v37 =	vld.idx.msk [tilespmem:v40+s10+$0x0], $0xffff;
	v40 =	vadd.s32 s26, v11  }
0x14a: {  	v43 =	vadd.s32 s30, v22;
	v44 =	vld.idx.msk [tilespmem:v45+s10+$0x0], $0xffff;
	[tilespmem:s4+$0x40] =	vst v36  }
0x14b: {  	v36 =	vadd.s32 s0, v9;
	[tilespmem:s31+$0x60] =	vst v34;
	v34 =	vld.idx.msk [tilespmem:v42+s10+$0x0], $0xffff  }
0x14c: {  	v42 =	vadd.s32 s14, v21;
	v33 =	vld.idx.msk [tilespmem:v33+s10+$0x0], $0xffff;
	[tilespmem:s23+$0x840] =	vst v38  }
0x14d: {  	v38 =	vadd.s32 s17, v21;
	v41 =	vld.idx.msk [tilespmem:v41+s10+$0x0], $0xffff;
	[tilespmem:s25+$0x830] =	vst v35  }
0x14e: {  	v35 =	vadd.s32 s29, v23;
	[tilespmem:s3+$0x60] =	vst v39;
	v39 =	vld.idx.msk [tilespmem:v40+s10+$0x0], $0xffff  }
0x14f: {  	v40 =	vld.idx.msk [tilespmem:v43+s10+$0x0], $0xffff;
	v43 =	vadd.s32 s24, v9;
	[tilespmem:s28+$0x850] =	vst v37  }
0x150: {  	v37 =	vadd.s32 s26, v10;
	[tilespmem:s6+$0x50] =	vst v44;
	v36 =	vld.idx.msk [tilespmem:v36+s10+$0x0], $0xffff  }
0x151: {  	v44 =	vadd.s32 s30, v23;
	v42 =	vld.idx.msk [tilespmem:v42+s10+$0x0], $0xffff;
	[tilespmem:s4+$0x50] =	vst v34  }
0x152: {  	v34 =	vadd.s32 s0, v8;
	[tilespmem:s31+$0x70] =	vst v33;
	v33 =	vld.idx.msk [tilespmem:v38+s10+$0x0], $0xffff  }
0x153: {  	v38 =	vadd.s32 s14, v22;
	v35 =	vld.idx.msk [tilespmem:v35+s10+$0x0], $0xffff;
	[tilespmem:s23+$0x850] =	vst v41  }
0x154: {  	v41 =	vadd.s32 s17, v22;
	v43 =	vld.idx.msk [tilespmem:v43+s10+$0x0], $0xffff;
	[tilespmem:s25+$0x840] =	vst v39  }
0x155: {  	v39 =	vadd.s32 s29, v24;
	[tilespmem:s3+$0x70] =	vst v40;
	v37 =	vld.idx.msk [tilespmem:v37+s10+$0x0], $0xffff  }
0x156: {  	v40 =	vld.idx.msk [tilespmem:v44+s10+$0x0], $0xffff;
	v44 =	vadd.s32 s22, v7;
	[tilespmem:s28+$0x860] =	vst v36  }
0x157: {  	v36 =	vadd.s32 s26, v9;
	[tilespmem:s6+$0x60] =	vst v42;
	v34 =	vld.idx.msk [tilespmem:v34+s10+$0x0], $0xffff  }
0x158: {  	v42 =	vadd.s32 s30, v24;
	v38 =	vld.idx.msk [tilespmem:v38+s10+$0x0], $0xffff;
	[tilespmem:s4+$0x60] =	vst v33  }
0x159: {  	[tilespmem:s31+$0x400] =	vst v35;
	v33 =	vld.idx.msk [tilespmem:v41+s10+$0x0], $0xffff;
	v35 =	vadd.s32 s0, v7  }
0x15a: {  	v41 =	vadd.s32 s24, v8;
	v39 =	vld.idx.msk [tilespmem:v39+s10+$0x0], $0xffff;
	[tilespmem:s23+$0x860] =	vst v43  }
0x15b: {  	v43 =	vadd.s32 s17, v23;
	v44 =	vld.idx.msk [tilespmem:v44+s10+$0x0], $0xffff;
	[tilespmem:s25+$0x850] =	vst v37  }
0x15c: {  	v37 =	vadd.s32 s29, v25;
	[tilespmem:s3+$0x400] =	vst v40;
	v36 =	vld.idx.msk [tilespmem:v36+s10+$0x0], $0xffff  }
0x15d: {  	v40 =	vld.idx.msk [tilespmem:v42+s10+$0x0], $0xffff;
	v42 =	vadd.s32 s14, v23;
	[tilespmem:s28+$0x870] =	vst v34  }
0x15e: {  	[tilespmem:s6+$0x70] =	vst v38;
	v34 =	vld.idx.msk [tilespmem:v35+s10+$0x0], $0xffff;
	v35 =	vadd.s32 s26, v8  }
0x15f: {  	v38 =	vadd.s32 s30, v25;
	[tilespmem:s4+$0x70] =	vst v33;
	v33 =	vld.idx.msk [tilespmem:v41+s10+$0x0], $0xffff  }
0x160: {  	v41 =	vadd.s32 s0, v6;
	[tilespmem:s31+$0x410] =	vst v39;
	v39 =	vld.idx.msk [tilespmem:v43+s10+$0x0], $0xffff  }
0x161: {  	v43 =	vadd.s32 s24, v7;
	v37 =	vld.idx.msk [tilespmem:v37+s10+$0x0], $0xffff;
	[tilespmem:s21+$0xC00] =	vst v44  }
0x162: {  	v44 =	vadd.s32 s17, v24;
	v42 =	vld.idx.msk [tilespmem:v42+s10+$0x0], $0xffff;
	[tilespmem:s25+$0x860] =	vst v36  }
0x163: {  	v36 =	vadd.s32 s29, v26;
	[tilespmem:s3+$0x410] =	vst v40;
	v35 =	vld.idx.msk [tilespmem:v35+s10+$0x0], $0xffff  }
0x164: {  	v40 =	vadd.s32 s14, v24;
	v38 =	vld.idx.msk [tilespmem:v38+s10+$0x0], $0xffff;
	[tilespmem:s28+$0xC00] =	vst v34  }
0x165: {  	v34 =	vadd.s32 s26, v7;
	[tilespmem:s23+$0x870] =	vst v33;
	v33 =	vld.idx.msk [tilespmem:v41+s10+$0x0], $0xffff  }
0x166: {  	v41 =	vadd.s32 s30, v26;
	[tilespmem:s4+$0x400] =	vst v39;
	v39 =	vld.idx.msk [tilespmem:v43+s10+$0x0], $0xffff  }
0x167: {  	v43 =	vadd.s32 s0, v5;
	[tilespmem:s31+$0x420] =	vst v37;
	v37 =	vld.idx.msk [tilespmem:v44+s10+$0x0], $0xffff  }
0x168: {  	v36 =	vld.idx.msk [tilespmem:v36+s10+$0x0], $0xffff;
	[tilespmem:s6+$0x400] =	vst v42;
	v42 =	vadd.s32 s24, v6  }
0x169: {  	v44 =	vadd.s32 s17, v25;
	v40 =	vld.idx.msk [tilespmem:v40+s10+$0x0], $0xffff;
	[tilespmem:s25+$0x870] =	vst v35  }
0x16a: {  	v35 =	vadd.s32 s29, v27;
	[tilespmem:s3+$0x420] =	vst v38;
	v34 =	vld.idx.msk [tilespmem:v34+s10+$0x0], $0xffff  }
0x16b: {  	v38 =	vld.idx.msk [tilespmem:v41+s10+$0x0], $0xffff;
	v41 =	vadd.s32 s14, v25;
	[tilespmem:s28+$0xC10] =	vst v33  }
0x16c: {  	[tilespmem:s23+$0xC00] =	vst v39;
	v33 =	vld.idx.msk [tilespmem:v43+s10+$0x0], $0xffff;
	v39 =	vadd.s32 s26, v6  }
0x16d: {  	v43 =	vadd.s32 s30, v27;
	[tilespmem:s4+$0x410] =	vst v37;
	v37 =	vld.idx.msk [tilespmem:v42+s10+$0x0], $0xffff  }
0x16e: {  	v42 =	vadd.s32 s0, v4;
	[tilespmem:s31+$0x430] =	vst v36;
	v36 =	vld.idx.msk [tilespmem:v44+s10+$0x0], $0xffff  }
0x16f: {  	v35 =	vld.idx.msk [tilespmem:v35+s10+$0x0], $0xffff;
	[tilespmem:s6+$0x410] =	vst v40;
	v40 =	vadd.s32 s24, v5  }
0x170: {  	v44 =	vadd.s32 s17, v26;
	v41 =	vld.idx.msk [tilespmem:v41+s10+$0x0], $0xffff;
	[tilespmem:s25+$0xC00] =	vst v34  }
0x171: {  	v34 =	vadd.s32 s29, v28;
	[tilespmem:s3+$0x430] =	vst v38;
	v38 =	vld.idx.msk [tilespmem:v39+s10+$0x0], $0xffff  }
0x172: {  	v39 =	vld.idx.msk [tilespmem:v43+s10+$0x0], $0xffff;
	v43 =	vadd.s32 s14, v26;
	[tilespmem:s28+$0xC20] =	vst v33  }
0x173: {  	[tilespmem:s23+$0xC10] =	vst v37;
	v33 =	vld.idx.msk [tilespmem:v42+s10+$0x0], $0xffff;
	v37 =	vadd.s32 s26, v5  }
0x174: {  	v42 =	vadd.s32 s30, v28;
	[tilespmem:s4+$0x420] =	vst v36;
	v36 =	vld.idx.msk [tilespmem:v40+s10+$0x0], $0xffff  }
0x175: {  	v40 =	vadd.s32 s0, v3;
	[tilespmem:s31+$0x440] =	vst v35;
	v35 =	vld.idx.msk [tilespmem:v44+s10+$0x0], $0xffff  }
0x176: {  	v34 =	vld.idx.msk [tilespmem:v34+s10+$0x0], $0xffff;
	[tilespmem:s6+$0x420] =	vst v41;
	v41 =	vadd.s32 s24, v4  }
0x177: {  	v44 =	vadd.s32 s17, v27;
	v43 =	vld.idx.msk [tilespmem:v43+s10+$0x0], $0xffff;
	[tilespmem:s25+$0xC10] =	vst v38  }
0x178: {  	v38 =	vadd.s32 s29, v29;
	[tilespmem:s3+$0x440] =	vst v39;
	v37 =	vld.idx.msk [tilespmem:v37+s10+$0x0], $0xffff  }
0x179: {  	v39 =	vld.idx.msk [tilespmem:v42+s10+$0x0], $0xffff;
	v42 =	vadd.s32 s14, v27;
	[tilespmem:s28+$0xC30] =	vst v33  }
0x17a: {  	[tilespmem:s23+$0xC20] =	vst v36;
	v33 =	vld.idx.msk [tilespmem:v40+s10+$0x0], $0xffff;
	v36 =	vadd.s32 s26, v4  }
0x17b: {  	v40 =	vadd.s32 s30, v29;
	[tilespmem:s4+$0x430] =	vst v35;
	v35 =	vld.idx.msk [tilespmem:v41+s10+$0x0], $0xffff  }
0x17c: {  	v41 =	vadd.s32 s0, v2;
	[tilespmem:s31+$0x450] =	vst v34;
	v34 =	vld.idx.msk [tilespmem:v44+s10+$0x0], $0xffff  }
0x17d: {  	v38 =	vld.idx.msk [tilespmem:v38+s10+$0x0], $0xffff;
	[tilespmem:s6+$0x430] =	vst v43;
	v43 =	vadd.s32 s22, v6  }
0x17e: {  	v44 =	vadd.s32 s17, v28;
	v42 =	vld.idx.msk [tilespmem:v42+s10+$0x0], $0xffff;
	[tilespmem:s25+$0xC20] =	vst v37  }
0x17f: {  	v37 =	vadd.s32 s29, v30;
	[tilespmem:s3+$0x450] =	vst v39;
	v36 =	vld.idx.msk [tilespmem:v36+s10+$0x0], $0xffff  }
0x180: {  	v39 =	vld.idx.msk [tilespmem:v40+s10+$0x0], $0xffff;
	v40 =	vadd.s32 s14, v28;
	[tilespmem:s28+$0xC40] =	vst v33  }
0x181: {  	[tilespmem:s23+$0xC30] =	vst v35;
	v33 =	vld.idx.msk [tilespmem:v41+s10+$0x0], $0xffff;
	v35 =	vadd.s32 s26, v3  }
0x182: {  	v41 =	vadd.s32 s30, v30;
	[tilespmem:s4+$0x440] =	vst v34;
	v34 =	vld.idx.msk [tilespmem:v43+s10+$0x0], $0xffff  }
0x183: {  	v43 =	vadd.s32 s0, v1;
	[tilespmem:s31+$0x460] =	vst v38;
	v38 =	vld.idx.msk [tilespmem:v44+s10+$0x0], $0xffff  }
0x184: {  	v37 =	vld.idx.msk [tilespmem:v37+s10+$0x0], $0xffff;
	[tilespmem:s6+$0x440] =	vst v42;
	v42 =	vadd.s32 s22, v5  }
0x185: {  	v44 =	vadd.s32 s24, v3;
	v40 =	vld.idx.msk [tilespmem:v40+s10+$0x0], $0xffff;
	[tilespmem:s25+$0xC30] =	vst v36  }
0x186: {  	v36 =	vadd.s32 s29, v31;
	[tilespmem:s3+$0x460] =	vst v39;
	v35 =	vld.idx.msk [tilespmem:v35+s10+$0x0], $0xffff  }
0x187: {  	v39 =	vld.idx.msk [tilespmem:v41+s10+$0x0], $0xffff;
	v41 =	vadd.s32 s14, v29;
	[tilespmem:s28+$0xC50] =	vst v33  }
0x188: {  	v33 =	vadd.s32 s17, v29;
	[tilespmem:s21+$0xC10] =	vst v34;
	v34 =	vld.idx.msk [tilespmem:v43+s10+$0x0], $0xffff  }
0x189: {  	v43 =	vadd.s32 s30, v31;
	[tilespmem:s4+$0x450] =	vst v38;
	v38 =	vld.idx.msk [tilespmem:v42+s10+$0x0], $0xffff  }
0x18a: {  	v42 =	vadd.s32 s26, v2;
	[tilespmem:s31+$0x470] =	vst v37;
	v37 =	vld.idx.msk [tilespmem:v44+s10+$0x0], $0xffff  }
0x18b: {  	v36 =	vld.idx.msk [tilespmem:v36+s10+$0x0], $0xffff;
	[tilespmem:s6+$0x450] =	vst v40;
	v40 =	vadd.s32 s22, v4  }
0x18c: {  	v44 =	vld.idx.msk [tilespmem:v41+s10+$0x0], $0xffff;
	v41 =	vadd.s32 s24, v2;
	[tilespmem:s25+$0xC40] =	vst v35  }
0x18d: {  	v45 =	vadd.s32 s29, v14;
	[tilespmem:s3+$0x470] =	vst v39;
	v39 =	vld.idx.msk [tilespmem:v33+s10+$0x0], $0xffff  }
0x18e: {  	v46 =	vadd.s32 s14, v30;
	v43 =	vld.idx.msk [tilespmem:v43+s10+$0x0], $0xffff;
	[tilespmem:s28+$0xC60] =	vst v34  }
0x18f: {  	v47 =	vadd.s32 s17, v30;
	[tilespmem:s21+$0xC20] =	vst v38;
	v48 =	vld.idx.msk [tilespmem:v42+s10+$0x0], $0xffff  }
0x190: {  	v49 =	vadd.s32 s30, v14;
	v33 =	vld.idx.msk [tilespmem:v40+s10+$0x0], $0xffff;
	[tilespmem:s23+$0xC40] =	vst v37  }
.Ltmp0:
0x191: {  	[tilespmem:s31+$0x800] =	vst v36;
	v35 =	vld.idx.msk [tilespmem:v41+s10+$0x0], $0xffff;
	v41 =	vadd.s32 s0, v0;
	s0 =	smov.u32 s14;
	(pc) =	sbr.rel @p0 .LBB2_3-.Ltmp0, $4  }
0x192: {  	v38 =	vld.idx.msk [tilespmem:v45+s10+$0x0], $0xffff;
	[tilespmem:s6+$0x460] =	vst v44  }
0x193: {  	v34 =	vld.idx.msk [tilespmem:v46+s10+$0x0], $0xffff;
	[tilespmem:s4+$0x460] =	vst v39;
	v39 =	vadd.s32 s24, v1  }
0x194: {  	v42 =	vadd.s32 s29, v13;
	[tilespmem:s3+$0x800] =	vst v43;
	v37 =	vld.idx.msk [tilespmem:v47+s10+$0x0], $0xffff  }
0x195: {  	s11 =	sadd.s32 $0x200, s11;
	s17 =	sadd.s32 $0x600, s17;
	v40 =	vadd.s32 s0, v31;
	v36 =	vld.idx.msk [tilespmem:v49+s10+$0x0], $0xffff;
	[tilespmem:s25+$0xC50] =	vst v48  }
0x196: {  	_ =	sdelay $0x3  }
0x197: {  	v17 =	vld.idx.msk [tilespmem:v41+s10+$0x0], $0xffff;
	[tilespmem:s31+$0x810] =	vst v38  }
0x198: {  	v15 =	vld.idx.msk [tilespmem:v42+s10+$0x0], $0xffff  }
0x199: {  	v16 =	vadd.s32 s29, v12;
	_ =	sdelay $0x2  }
0x19a: {  	[tilespmem:s28+$0xC70] =	vst v17  }
0x19b: {  	v17 =	vadd.s32 s22, v3;
	[tilespmem:s31+$0x820] =	vst v15  }
0x19c: {  	[tilespmem:s23+$0xC50] =	vst v35;
	v15 =	vadd.s32 s30, v13;
	v16 =	vld.idx.msk [tilespmem:v16+s10+$0x0], $0xffff  }
0x19d: {  	v19 =	vadd.s32 s29, v11;
	v18 =	vld.idx.msk [tilespmem:v39+s10+$0x0], $0xffff;
	[tilespmem:s4+$0x470] =	vst v37  }
0x19e: {  	[tilespmem:s6+$0x470] =	vst v34;
	v23 =	vld.idx.msk [tilespmem:v32+s10+$0x0], $0xffff  }
0x19f: {  	v20 =	vadd.s32 s24, v0;
	[tilespmem:s21+$0xC30] =	vst v33;
	v21 =	vld.idx.msk [tilespmem:v40+s10+$0x0], $0xffff  }
0x1a0: {  	v22 =	vadd.s32 s26, v1;
	[tilespmem:s3+$0x810] =	vst v36;
	v17 =	vld.idx.msk [tilespmem:v17+s10+$0x0], $0xffff  }
0x1a1: {  	v24 =	vadd.s32 s0, v14;
	v15 =	vld.idx.msk [tilespmem:v15+s10+$0x0], $0xffff;
	[tilespmem:s31+$0x830] =	vst v16  }
0x1a2: {  	v14 =	vadd.s32 s1, v14;
	[tilespmem:s23+$0xC60] =	vst v18;
	v16 =	vld.idx.msk [tilespmem:v19+s10+$0x0], $0xffff  }
0x1a3: {  	[tilespmem:s4+$0x800] =	vst v23;
	v23 =	vadd.s32 s22, v2  }
0x1a4: {  	v18 =	vld.idx.msk [tilespmem:v20+s10+$0x0], $0xffff;
	[tilespmem:s6+$0x800] =	vst v21;
	v19 =	vadd.s32 s29, v10  }
0x1a5: {  	v20 =	vadd.s32 s30, v12;
	v21 =	vld.idx.msk [tilespmem:v22+s10+$0x0], $0xffff;
	[tilespmem:s21+$0xC40] =	vst v17  }
0x1a6: {  	[tilespmem:s3+$0x820] =	vst v15;
	v15 =	vld.idx.msk [tilespmem:v24+s10+$0x0], $0xffff  }
0x1a7: {  	v14 =	vld.idx.msk [tilespmem:v14+s10+$0x0], $0xffff;
	[tilespmem:s31+$0x840] =	vst v16;
	v16 =	vadd.s32 s0, v13  }
0x1a8: {  	v17 =	vld.idx.msk [tilespmem:v23+s10+$0x0], $0xffff;
	v13 =	vadd.s32 s1, v13  }
0x1a9: {  	v22 =	vadd.s32 s26, v0;
	[tilespmem:s23+$0xC70] =	vst v18;
	v18 =	vld.idx.msk [tilespmem:v19+s10+$0x0], $0xffff  }
0x1aa: {  	v19 =	vld.idx.msk [tilespmem:v20+s10+$0x0], $0xffff;
	v20 =	vadd.s32 s29, v9  }
0x1ab: {  	[tilespmem:s6+$0x810] =	vst v15  }
0x1ac: {  	[tilespmem:s4+$0x810] =	vst v14;
	v15 =	vld.idx.msk [tilespmem:v16+s10+$0x0], $0xffff  }
0x1ad: {  	[tilespmem:s25+$0xC60] =	vst v21;
	v13 =	vld.idx.msk [tilespmem:v13+s10+$0x0], $0xffff;
	v16 =	vadd.s32 s0, v12  }
0x1ae: {  	v21 =	vld.idx.msk [tilespmem:v22+s10+$0x0], $0xffff;
	v14 =	vadd.s32 s22, v1;
	[tilespmem:s31+$0x850] =	vst v18  }
0x1af: {  	[tilespmem:s21+$0xC50] =	vst v17;
	v18 =	vld.idx.msk [tilespmem:v20+s10+$0x0], $0xffff  }
0x1b0: {  	[tilespmem:s3+$0x830] =	vst v19;
	v19 =	vadd.s32 s1, v12  }
0x1b1: {  	[tilespmem:s6+$0x820] =	vst v15  }
0x1b2: {  	[tilespmem:s4+$0x820] =	vst v13;
	v13 =	vld.idx.msk [tilespmem:v16+s10+$0x0], $0xffff  }
0x1b3: {  	[tilespmem:s25+$0xC70] =	vst v21;
	v12 =	vld.idx.msk [tilespmem:v14+s10+$0x0], $0xffff;
	v14 =	vadd.s32 s0, v11  }
0x1b4: {  	v15 =	vadd.s32 s30, v11;
	[tilespmem:s31+$0x860] =	vst v18  }
0x1b5: {  	v16 =	vld.idx.msk [tilespmem:v19+s10+$0x0], $0xffff  }
0x1b6: {  	v11 =	vadd.s32 s1, v11  }
0x1b7: {  	[tilespmem:s6+$0x830] =	vst v13  }
0x1b8: {  	v13 =	vld.idx.msk [tilespmem:v14+s10+$0x0], $0xffff  }
0x1b9: {  	v15 =	vld.idx.msk [tilespmem:v15+s10+$0x0], $0xffff;
	v14 =	vadd.s32 s0, v10  }
0x1ba: {  	[tilespmem:s4+$0x830] =	vst v16;
	v16 =	vadd.s32 s30, v10  }
0x1bb: {  	v11 =	vld.idx.msk [tilespmem:v11+s10+$0x0], $0xffff  }
0x1bc: {  	v10 =	vadd.s32 s1, v10  }
0x1bd: {  	[tilespmem:s6+$0x840] =	vst v13  }
0x1be: {  	[tilespmem:s3+$0x840] =	vst v15;
	v13 =	vld.idx.msk [tilespmem:v14+s10+$0x0], $0xffff  }
0x1bf: {  	v14 =	vadd.s32 s0, v9;
	v15 =	vld.idx.msk [tilespmem:v16+s10+$0x0], $0xffff  }
0x1c0: {  	[tilespmem:s4+$0x840] =	vst v11;
	v11 =	vadd.s32 s30, v9  }
0x1c1: {  	v10 =	vld.idx.msk [tilespmem:v10+s10+$0x0], $0xffff  }
0x1c2: {  	v9 =	vadd.s32 s1, v9  }
0x1c3: {  	[tilespmem:s6+$0x850] =	vst v13  }
0x1c4: {  	[tilespmem:s3+$0x850] =	vst v15;
	v13 =	vld.idx.msk [tilespmem:v14+s10+$0x0], $0xffff  }
0x1c5: {  	v14 =	vadd.s32 s0, v8;
	v11 =	vld.idx.msk [tilespmem:v11+s10+$0x0], $0xffff  }
0x1c6: {  	[tilespmem:s4+$0x850] =	vst v10;
	v10 =	vadd.s32 s30, v8  }
0x1c7: {  	v15 =	vadd.s32 s1, v8;
	v8 =	vadd.s32 s29, v8;
	v9 =	vld.idx.msk [tilespmem:v9+s10+$0x0], $0xffff;
	_ =	sdelay $0x1  }
0x1c8: {  	[tilespmem:s6+$0x860] =	vst v13  }
0x1c9: {  	[tilespmem:s3+$0x860] =	vst v11;
	v13 =	vld.idx.msk [tilespmem:v14+s10+$0x0], $0xffff  }
0x1ca: {  	v11 =	vadd.s32 s0, v7;
	v10 =	vld.idx.msk [tilespmem:v10+s10+$0x0], $0xffff  }
0x1cb: {  	v8 =	vld.idx.msk [tilespmem:v8+s10+$0x0], $0xffff;
	[tilespmem:s4+$0x860] =	vst v9;
	v9 =	vadd.s32 s30, v7  }
0x1cc: {  	v14 =	vld.idx.msk [tilespmem:v15+s10+$0x0], $0xffff;
	v15 =	vadd.s32 s1, v7;
	v7 =	vadd.s32 s29, v7;
	_ =	sdelay $0x1  }
0x1cd: {  	[tilespmem:s6+$0x870] =	vst v13  }
0x1ce: {  	[tilespmem:s3+$0x870] =	vst v10;
	v11 =	vld.idx.msk [tilespmem:v11+s10+$0x0], $0xffff  }
0x1cf: {  	v10 =	vadd.s32 s0, v6;
	[tilespmem:s31+$0x870] =	vst v8;
	v9 =	vld.idx.msk [tilespmem:v9+s10+$0x0], $0xffff  }
0x1d0: {  	v8 =	vadd.s32 s30, v6;
	[tilespmem:s4+$0x870] =	vst v14;
	v7 =	vld.idx.msk [tilespmem:v7+s10+$0x0], $0xffff  }
0x1d1: {  	v14 =	vadd.s32 s1, v6;
	v6 =	vadd.s32 s29, v6;
	v13 =	vld.idx.msk [tilespmem:v15+s10+$0x0], $0xffff;
	_ =	sdelay $0x1  }
0x1d2: {  	[tilespmem:s6+$0xC00] =	vst v11  }
0x1d3: {  	[tilespmem:s3+$0xC00] =	vst v9;
	v10 =	vld.idx.msk [tilespmem:v10+s10+$0x0], $0xffff  }
0x1d4: {  	v9 =	vadd.s32 s0, v5;
	v8 =	vld.idx.msk [tilespmem:v8+s10+$0x0], $0xffff;
	[tilespmem:s31+$0xC00] =	vst v7  }
0x1d5: {  	v7 =	vadd.s32 s30, v5;
	[tilespmem:s4+$0xC00] =	vst v13;
	v6 =	vld.idx.msk [tilespmem:v6+s10+$0x0], $0xffff  }
0x1d6: {  	v13 =	vadd.s32 s1, v5;
	v5 =	vadd.s32 s29, v5;
	v11 =	vld.idx.msk [tilespmem:v14+s10+$0x0], $0xffff;
	_ =	sdelay $0x1  }
0x1d7: {  	[tilespmem:s6+$0xC10] =	vst v10  }
0x1d8: {  	[tilespmem:s3+$0xC10] =	vst v8;
	v9 =	vld.idx.msk [tilespmem:v9+s10+$0x0], $0xffff  }
0x1d9: {  	v8 =	vadd.s32 s0, v4;
	v7 =	vld.idx.msk [tilespmem:v7+s10+$0x0], $0xffff;
	[tilespmem:s31+$0xC10] =	vst v6  }
0x1da: {  	v10 =	vadd.s32 s30, v4;
	[tilespmem:s4+$0xC10] =	vst v11;
	v5 =	vld.idx.msk [tilespmem:v5+s10+$0x0], $0xffff  }
0x1db: {  	v6 =	vadd.s32 s1, v4;
	v4 =	vadd.s32 s29, v4;
	v11 =	vld.idx.msk [tilespmem:v13+s10+$0x0], $0xffff;
	_ =	sdelay $0x1  }
0x1dc: {  	[tilespmem:s6+$0xC20] =	vst v9  }
0x1dd: {  	[tilespmem:s3+$0xC20] =	vst v7;
	v8 =	vld.idx.msk [tilespmem:v8+s10+$0x0], $0xffff  }
0x1de: {  	v9 =	vld.idx.msk [tilespmem:v10+s10+$0x0], $0xffff;
	[tilespmem:s31+$0xC20] =	vst v5  }
0x1df: {  	v7 =	vadd.s32 s0, v3;
	[tilespmem:s4+$0xC20] =	vst v11;
	v4 =	vld.idx.msk [tilespmem:v4+s10+$0x0], $0xffff  }
0x1e0: {  	v10 =	vadd.s32 s30, v3;
	v6 =	vld.idx.msk [tilespmem:v6+s10+$0x0], $0xffff  }
0x1e1: {  	v5 =	vadd.s32 s1, v3;
	v3 =	vadd.s32 s29, v3  }
0x1e2: {  	[tilespmem:s6+$0xC30] =	vst v8  }
0x1e3: {  	[tilespmem:s3+$0xC30] =	vst v9  }
0x1e4: {  	v7 =	vld.idx.msk [tilespmem:v7+s10+$0x0], $0xffff;
	[tilespmem:s31+$0xC30] =	vst v4  }
0x1e5: {  	[tilespmem:s4+$0xC30] =	vst v6;
	v6 =	vld.idx.msk [tilespmem:v10+s10+$0x0], $0xffff  }
0x1e6: {  	v8 =	vadd.s32 s0, v2;
	v3 =	vld.idx.msk [tilespmem:v3+s10+$0x0], $0xffff  }
0x1e7: {  	v9 =	vadd.s32 s30, v2;
	v5 =	vld.idx.msk [tilespmem:v5+s10+$0x0], $0xffff  }
0x1e8: {  	v4 =	vadd.s32 s1, v2;
	v2 =	vadd.s32 s29, v2  }
0x1e9: {  	[tilespmem:s6+$0xC40] =	vst v7  }
0x1ea: {  	[tilespmem:s3+$0xC40] =	vst v6  }
0x1eb: {  	v7 =	vld.idx.msk [tilespmem:v8+s10+$0x0], $0xffff;
	[tilespmem:s31+$0xC40] =	vst v3  }
0x1ec: {  	[tilespmem:s4+$0xC40] =	vst v5;
	v5 =	vld.idx.msk [tilespmem:v9+s10+$0x0], $0xffff  }
0x1ed: {  	v6 =	vadd.s32 s0, v1;
	v2 =	vld.idx.msk [tilespmem:v2+s10+$0x0], $0xffff  }
0x1ee: {  	v8 =	vadd.s32 s30, v1;
	v4 =	vld.idx.msk [tilespmem:v4+s10+$0x0], $0xffff  }
0x1ef: {  	v3 =	vadd.s32 s1, v1;
	v1 =	vadd.s32 s29, v1  }
0x1f0: {  	[tilespmem:s6+$0xC50] =	vst v7  }
0x1f1: {  	[tilespmem:s3+$0xC50] =	vst v5  }
0x1f2: {  	v7 =	vadd.s32 s22, v0;
	v6 =	vld.idx.msk [tilespmem:v6+s10+$0x0], $0xffff;
	[tilespmem:s31+$0xC50] =	vst v2  }
0x1f3: {  	v5 =	vadd.s32 s0, v0;
	[tilespmem:s4+$0xC50] =	vst v4;
	v4 =	vld.idx.msk [tilespmem:v8+s10+$0x0], $0xffff  }
0x1f4: {  	v8 =	vadd.s32 s30, v0;
	v1 =	vld.idx.msk [tilespmem:v1+s10+$0x0], $0xffff  }
0x1f5: {  	v2 =	vadd.s32 s1, v0;
	v0 =	vadd.s32 s29, v0;
	v3 =	vld.idx.msk [tilespmem:v3+s10+$0x0], $0xffff  }
0x1f6: {  	[tilespmem:s21+$0xC60] =	vst v12  }
0x1f7: {  	v7 =	vld.idx.msk [tilespmem:v7+s10+$0x0], $0xffff;
	[tilespmem:s6+$0xC60] =	vst v6  }
0x1f8: {  	v5 =	vld.idx.msk [tilespmem:v5+s10+$0x0], $0xffff;
	[tilespmem:s3+$0xC60] =	vst v4  }
0x1f9: {  	[tilespmem:s31+$0xC60] =	vst v1;
	v4 =	vld.idx.msk [tilespmem:v8+s10+$0x0], $0xffff  }
0x1fa: {  	[tilespmem:s4+$0xC60] =	vst v3;
	v0 =	vld.idx.msk [tilespmem:v0+s10+$0x0], $0xffff  }
0x1fb: {  	v2 =	vld.idx.msk [tilespmem:v2+s10+$0x0], $0xffff  }
0x1fc: {  	[tilespmem:s21+$0xC70] =	vst v7  }
0x1fd: {  	[tilespmem:s6+$0xC70] =	vst v5  }
0x1fe: {  	[tilespmem:s3+$0xC70] =	vst v4  }
0x1ff: {  	[tilespmem:s31+$0xC70] =	vst v0  }
0x200: {  	s2 =	simm.s32 $0xE000;
	s3 =	simm.s32 $0x1000;
	[tilespmem:s4+$0xC70] =	vst v2;
	s4 =	simm.s32 $0x4000  }
0x201: {  	[hbm4b:s9+s3] =	stream.strided.scatter [tilespmem:s2], [sflag:$0x1], $0x8000, s4, s3, $0x38;
	[tilespmem:$0x1E000] =	vst v63  }
0x202: {  	_ =	swait.ge [sflag:s16], $0x8000  }
0x203: {  	[sflag:s16] =	ssyncset.done $0x0  }
0x204: {  	[sflag:s16] =	ssyncadd.s32 $0xFFFF8000  }
0x205: {  	v13 =	vld [tilespmem:s19+$0x200]  }
0x206: {  	v14 =	vld [tilespmem:s19+$0x210]  }
0x207: {  	v15 =	vld [tilespmem:s19+$0x220]  }
0x208: {  	v16 =	vld [tilespmem:s19+$0x230]  }
0x209: {  	v17 =	vld [tilespmem:s19+$0x240]  }
0x20a: {  	v19 =	vld [tilespmem:s19+$0x250]  }
0x20b: {  	v20 =	vld [tilespmem:s19+$0x260]  }
0x20c: {  	v21 =	vld [tilespmem:s19+$0x270]  }
0x20d: {  	v22 =	vld [tilespmem:s19+$0x280]  }
0x20e: {  	v23 =	vld [tilespmem:s19+$0x290]  }
0x20f: {  	v24 =	vld [tilespmem:s19+$0x2A0]  }
0x210: {  	v26 =	vld [tilespmem:s19+$0x2B0]  }
0x211: {  	v27 =	vld [tilespmem:s19+$0x2C0]  }
0x212: {  	v28 =	vld [tilespmem:s19+$0x2D0]  }
0x213: {  	v29 =	vld [tilespmem:s19+$0x2E0]  }
0x214: {  	v30 =	vld [tilespmem:s19+$0x2F0]  }
0x215: {  	v31 =	vld [tilespmem:s19+$0x300]  }
0x216: {  	v25 =	vld [tilespmem:s19+$0x310]  }
0x217: {  	v18 =	vld [tilespmem:s19+$0x320]  }
0x218: {  	v12 =	vld [tilespmem:s19+$0x330]  }
0x219: {  	v11 =	vld [tilespmem:s19+$0x340]  }
0x21a: {  	v10 =	vld [tilespmem:s19+$0x350]  }
0x21b: {  	v9 =	vld [tilespmem:s19+$0x360]  }
0x21c: {  	s22 =	simm.s32 $0x0;
	v8 =	vld [tilespmem:s19+$0x370]  }
0x21d: {  	s26 =	simm.s32 $0x180;
	v7 =	vld [tilespmem:s19+$0x380];
	v0 =	vadd.s32 s22, v13  }
0x21e: {  	v6 =	vld [tilespmem:s19+$0x390];
	v44 =	vadd.s32 s26, v13  }
0x21f: {  	s5 =	simm.s32 $0x0;
	v5 =	vld [tilespmem:s19+$0x3A0]  }
0x220: {  	s0 =	sand.u32 $0x7000, s5;
	s5 =	simm.s32 $0x300;
	v4 =	vld [tilespmem:s19+$0x3B0]  }
0x221: {  	v3 =	vld [tilespmem:s19+$0x3C0];
	v49 =	vadd.s32 s5, v13  }
0x222: {  	v45 =	vld.idx.msk [tilespmem:v0+s10+$0x0], $0xffff  }
0x223: {  	v46 =	vadd.s32 s22, v14;
	v32 =	vld.idx.msk [tilespmem:v44+s10+$0x0], $0xffff  }
0x224: {  	s7 =	simm.s32 $0x80;
	s6 =	simm.s32 $0x0;
	v2 =	vld [tilespmem:s19+$0x3D0];
	v47 =	vadd.s32 s26, v14  }
0x225: {  	s24 =	simm.s32 $0x480;
	s0 =	sadd.s32 $0x16000, s0;
	s1 =	sand.u32 $0x200, s6;
	v1 =	vld [tilespmem:s19+$0x3E0]  }
0x226: {  	s21 =	sor.u32 s1, s0;
	s1 =	sand.u32 $0x280, s7;
	v50 =	vadd.s32 s24, v13;
	v52 =	vld.idx.msk [tilespmem:v49+s10+$0x0], $0xffff  }
0x227: {  	s25 =	sor.u32 s1, s0;
	v54 =	vadd.s32 s5, v14;
	v0 =	vld [tilespmem:s19+$0x3F0];
	[tilespmem:s21+$0x0] =	vst v45  }
0x228: {  	s8 =	simm.s32 $0x100;
	[tilespmem:s25+$0x0] =	vst v32;
	v34 =	vld.idx.msk [tilespmem:v46+s10+$0x0], $0xffff  }
0x229: {  	s1 =	sand.u32 $0x300, s8;
	v48 =	vadd.s32 s22, v15;
	v32 =	vld.idx.msk [tilespmem:v47+s10+$0x0], $0xffff  }
0x22a: {  	s28 =	sor.u32 s1, s0;
	v51 =	vadd.s32 s26, v15  }
0x22b: {  	v37 =	vld.idx.msk [tilespmem:v50+s10+$0x0], $0xffff;
	[tilespmem:s28+$0x0] =	vst v52  }
0x22c: {  	v55 =	vadd.s32 s24, v14;
	v35 =	vld.idx.msk [tilespmem:v54+s10+$0x0], $0xffff  }
0x22d: {  	s9 =	simm.s32 $0x180;
	v58 =	vadd.s32 s5, v15;
	[tilespmem:s21+$0x10] =	vst v34  }
0x22e: {  	s11 =	sand.u32 $0x380, s9;
	[tilespmem:s25+$0x10] =	vst v32;
	v34 =	vld.idx.msk [tilespmem:v48+s10+$0x0], $0xffff  }
0x22f: {  	s23 =	sor.u32 s11, s0;
	v53 =	vadd.s32 s22, v16;
	v32 =	vld.idx.msk [tilespmem:v51+s10+$0x0], $0xffff  }
0x230: {  	v56 =	vadd.s32 s26, v16;
	[tilespmem:s23+$0x0] =	vst v37  }
0x231: {  	v37 =	vld.idx.msk [tilespmem:v55+s10+$0x0], $0xffff;
	[tilespmem:s28+$0x10] =	vst v35  }
0x232: {  	v59 =	vadd.s32 s24, v15;
	v35 =	vld.idx.msk [tilespmem:v58+s10+$0x0], $0xffff  }
0x233: {  	v62 =	vadd.s32 s5, v16;
	[tilespmem:s21+$0x20] =	vst v34  }
0x234: {  	[tilespmem:s25+$0x20] =	vst v32;
	v34 =	vld.idx.msk [tilespmem:v53+s10+$0x0], $0xffff  }
0x235: {  	v57 =	vadd.s32 s22, v17;
	v32 =	vld.idx.msk [tilespmem:v56+s10+$0x0], $0xffff  }
0x236: {  	v60 =	vadd.s32 s26, v17;
	[tilespmem:s23+$0x10] =	vst v37  }
0x237: {  	v37 =	vld.idx.msk [tilespmem:v59+s10+$0x0], $0xffff;
	[tilespmem:s28+$0x20] =	vst v35  }
0x238: {  	v63 =	vadd.s32 s24, v16;
	v35 =	vld.idx.msk [tilespmem:v62+s10+$0x0], $0xffff  }
0x239: {  	v44 =	vadd.s32 s5, v17;
	[tilespmem:s21+$0x30] =	vst v34  }
0x23a: {  	[tilespmem:s25+$0x30] =	vst v32;
	v34 =	vld.idx.msk [tilespmem:v57+s10+$0x0], $0xffff  }
0x23b: {  	v61 =	vadd.s32 s22, v19;
	v32 =	vld.idx.msk [tilespmem:v60+s10+$0x0], $0xffff  }
0x23c: {  	v42 =	vadd.s32 s26, v19;
	[tilespmem:s23+$0x20] =	vst v37  }
0x23d: {  	v37 =	vld.idx.msk [tilespmem:v63+s10+$0x0], $0xffff;
	[tilespmem:s28+$0x30] =	vst v35  }
0x23e: {  	v45 =	vadd.s32 s24, v17;
	v35 =	vld.idx.msk [tilespmem:v44+s10+$0x0], $0xffff  }
0x23f: {  	v48 =	vadd.s32 s5, v19;
	[tilespmem:s21+$0x40] =	vst v34  }
0x240: {  	[tilespmem:s25+$0x40] =	vst v32;
	v34 =	vld.idx.msk [tilespmem:v61+s10+$0x0], $0xffff  }
0x241: {  	v43 =	vadd.s32 s22, v20;
	v32 =	vld.idx.msk [tilespmem:v42+s10+$0x0], $0xffff  }
0x242: {  	v46 =	vadd.s32 s26, v20;
	[tilespmem:s23+$0x30] =	vst v37  }
0x243: {  	v37 =	vld.idx.msk [tilespmem:v45+s10+$0x0], $0xffff;
	[tilespmem:s28+$0x40] =	vst v35  }
0x244: {  	v49 =	vadd.s32 s24, v19;
	v35 =	vld.idx.msk [tilespmem:v48+s10+$0x0], $0xffff  }
0x245: {  	v52 =	vadd.s32 s5, v20;
	[tilespmem:s21+$0x50] =	vst v34  }
0x246: {  	[tilespmem:s25+$0x50] =	vst v32;
	v34 =	vld.idx.msk [tilespmem:v43+s10+$0x0], $0xffff  }
0x247: {  	v47 =	vadd.s32 s22, v21;
	v32 =	vld.idx.msk [tilespmem:v46+s10+$0x0], $0xffff  }
0x248: {  	v50 =	vadd.s32 s26, v21;
	[tilespmem:s23+$0x40] =	vst v37  }
0x249: {  	v53 =	vld.idx.msk [tilespmem:v49+s10+$0x0], $0xffff;
	[tilespmem:s28+$0x50] =	vst v35  }
0x24a: {  	v54 =	vadd.s32 s24, v20;
	v35 =	vld.idx.msk [tilespmem:v52+s10+$0x0], $0xffff  }
0x24b: {  	v57 =	vadd.s32 s5, v21;
	[tilespmem:s21+$0x60] =	vst v34  }
0x24c: {  	[tilespmem:s25+$0x60] =	vst v32;
	v34 =	vld.idx.msk [tilespmem:v47+s10+$0x0], $0xffff  }
0x24d: {  	v51 =	vadd.s32 s22, v22;
	v32 =	vld.idx.msk [tilespmem:v50+s10+$0x0], $0xffff  }
0x24e: {  	v55 =	vadd.s32 s26, v22;
	[tilespmem:s23+$0x50] =	vst v53  }
0x24f: {  	v38 =	vld.idx.msk [tilespmem:v54+s10+$0x0], $0xffff;
	[tilespmem:s28+$0x60] =	vst v35  }
0x250: {  	v58 =	vadd.s32 s24, v21;
	v35 =	vld.idx.msk [tilespmem:v57+s10+$0x0], $0xffff  }
0x251: {  	v61 =	vadd.s32 s5, v22;
	[tilespmem:s21+$0x70] =	vst v34  }
0x252: {  	[tilespmem:s25+$0x70] =	vst v32;
	v34 =	vld.idx.msk [tilespmem:v51+s10+$0x0], $0xffff  }
0x253: {  	v56 =	vadd.s32 s22, v23;
	v32 =	vld.idx.msk [tilespmem:v55+s10+$0x0], $0xffff  }
0x254: {  	v59 =	vadd.s32 s26, v23;
	[tilespmem:s23+$0x60] =	vst v38  }
0x255: {  	v38 =	vld.idx.msk [tilespmem:v58+s10+$0x0], $0xffff;
	[tilespmem:s28+$0x70] =	vst v35  }
0x256: {  	v62 =	vadd.s32 s24, v22;
	v35 =	vld.idx.msk [tilespmem:v61+s10+$0x0], $0xffff  }
0x257: {  	v43 =	vadd.s32 s5, v23;
	[tilespmem:s21+$0x400] =	vst v34  }
0x258: {  	[tilespmem:s25+$0x400] =	vst v32;
	v34 =	vld.idx.msk [tilespmem:v56+s10+$0x0], $0xffff  }
0x259: {  	v60 =	vadd.s32 s22, v24;
	v32 =	vld.idx.msk [tilespmem:v59+s10+$0x0], $0xffff  }
0x25a: {  	v63 =	vadd.s32 s26, v24;
	[tilespmem:s23+$0x70] =	vst v38  }
0x25b: {  	v38 =	vld.idx.msk [tilespmem:v62+s10+$0x0], $0xffff;
	[tilespmem:s28+$0x400] =	vst v35  }
0x25c: {  	v44 =	vadd.s32 s24, v23;
	v35 =	vld.idx.msk [tilespmem:v43+s10+$0x0], $0xffff  }
0x25d: {  	v47 =	vadd.s32 s5, v24;
	[tilespmem:s21+$0x410] =	vst v34  }
0x25e: {  	[tilespmem:s25+$0x410] =	vst v32;
	v34 =	vld.idx.msk [tilespmem:v60+s10+$0x0], $0xffff  }
0x25f: {  	v42 =	vadd.s32 s22, v26;
	v32 =	vld.idx.msk [tilespmem:v63+s10+$0x0], $0xffff  }
0x260: {  	v45 =	vadd.s32 s26, v26;
	[tilespmem:s23+$0x400] =	vst v38  }
0x261: {  	v38 =	vld.idx.msk [tilespmem:v44+s10+$0x0], $0xffff;
	[tilespmem:s28+$0x410] =	vst v35  }
0x262: {  	v48 =	vadd.s32 s24, v24;
	v35 =	vld.idx.msk [tilespmem:v47+s10+$0x0], $0xffff  }
0x263: {  	v51 =	vadd.s32 s5, v26;
	[tilespmem:s21+$0x420] =	vst v34  }
0x264: {  	[tilespmem:s25+$0x420] =	vst v32;
	v34 =	vld.idx.msk [tilespmem:v42+s10+$0x0], $0xffff  }
0x265: {  	v46 =	vadd.s32 s22, v27;
	v32 =	vld.idx.msk [tilespmem:v45+s10+$0x0], $0xffff  }
0x266: {  	v49 =	vadd.s32 s26, v27;
	[tilespmem:s23+$0x410] =	vst v38  }
0x267: {  	v38 =	vld.idx.msk [tilespmem:v48+s10+$0x0], $0xffff;
	[tilespmem:s28+$0x420] =	vst v35  }
0x268: {  	v52 =	vadd.s32 s24, v26;
	v35 =	vld.idx.msk [tilespmem:v51+s10+$0x0], $0xffff  }
0x269: {  	v55 =	vadd.s32 s5, v27;
	[tilespmem:s21+$0x430] =	vst v34  }
0x26a: {  	[tilespmem:s25+$0x430] =	vst v32;
	v34 =	vld.idx.msk [tilespmem:v46+s10+$0x0], $0xffff  }
0x26b: {  	v50 =	vadd.s32 s22, v28;
	v32 =	vld.idx.msk [tilespmem:v49+s10+$0x0], $0xffff  }
0x26c: {  	v53 =	vadd.s32 s26, v28;
	[tilespmem:s23+$0x420] =	vst v38  }
0x26d: {  	v38 =	vld.idx.msk [tilespmem:v52+s10+$0x0], $0xffff;
	[tilespmem:s28+$0x430] =	vst v35  }
0x26e: {  	v56 =	vadd.s32 s24, v27;
	v35 =	vld.idx.msk [tilespmem:v55+s10+$0x0], $0xffff  }
0x26f: {  	v59 =	vadd.s32 s5, v28;
	[tilespmem:s21+$0x440] =	vst v34  }
0x270: {  	[tilespmem:s25+$0x440] =	vst v32;
	v34 =	vld.idx.msk [tilespmem:v50+s10+$0x0], $0xffff  }
0x271: {  	v54 =	vadd.s32 s22, v29;
	v32 =	vld.idx.msk [tilespmem:v53+s10+$0x0], $0xffff  }
0x272: {  	v57 =	vadd.s32 s26, v29;
	[tilespmem:s23+$0x430] =	vst v38  }
0x273: {  	v38 =	vld.idx.msk [tilespmem:v56+s10+$0x0], $0xffff;
	[tilespmem:s28+$0x440] =	vst v35  }
0x274: {  	v60 =	vadd.s32 s24, v28;
	v35 =	vld.idx.msk [tilespmem:v59+s10+$0x0], $0xffff  }
0x275: {  	v63 =	vadd.s32 s5, v29;
	[tilespmem:s21+$0x450] =	vst v34  }
0x276: {  	[tilespmem:s25+$0x450] =	vst v32;
	v34 =	vld.idx.msk [tilespmem:v54+s10+$0x0], $0xffff  }
0x277: {  	v58 =	vadd.s32 s22, v30;
	v32 =	vld.idx.msk [tilespmem:v57+s10+$0x0], $0xffff  }
0x278: {  	v61 =	vadd.s32 s26, v30;
	[tilespmem:s23+$0x440] =	vst v38  }
0x279: {  	v38 =	vld.idx.msk [tilespmem:v60+s10+$0x0], $0xffff;
	[tilespmem:s28+$0x450] =	vst v35  }
0x27a: {  	v40 =	vadd.s32 s24, v29;
	v35 =	vld.idx.msk [tilespmem:v63+s10+$0x0], $0xffff  }
0x27b: {  	s29 =	simm.s32 $0x600;
	v43 =	vadd.s32 s5, v30;
	[tilespmem:s21+$0x460] =	vst v34  }
0x27c: {  	v48 =	vadd.s32 s29, v13;
	[tilespmem:s25+$0x460] =	vst v32;
	v34 =	vld.idx.msk [tilespmem:v58+s10+$0x0], $0xffff  }
0x27d: {  	v62 =	vadd.s32 s22, v31;
	v33 =	vld.idx.msk [tilespmem:v61+s10+$0x0], $0xffff  }
0x27e: {  	s0 =	simm.s32 $0x780;
	v41 =	vadd.s32 s26, v31;
	[tilespmem:s23+$0x450] =	vst v38  }
0x27f: {  	v50 =	vadd.s32 s0, v13;
	v32 =	vld.idx.msk [tilespmem:v40+s10+$0x0], $0xffff;
	[tilespmem:s28+$0x460] =	vst v35  }
0x280: {  	v44 =	vadd.s32 s24, v30;
	v35 =	vld.idx.msk [tilespmem:v43+s10+$0x0], $0xffff  }
0x281: {  	s31 =	simm.s32 $0xA80;
	v47 =	vadd.s32 s5, v31;
	v54 =	vld.idx.msk [tilespmem:v48+s10+$0x0], $0xffff;
	[tilespmem:s21+$0x470] =	vst v34  }
0x282: {  	v57 =	vadd.s32 s31, v13;
	[tilespmem:s25+$0x470] =	vst v33;
	v36 =	vld.idx.msk [tilespmem:v62+s10+$0x0], $0xffff  }
0x283: {  	v42 =	vadd.s32 s22, v25;
	v34 =	vld.idx.msk [tilespmem:v41+s10+$0x0], $0xffff  }
0x284: {  	v45 =	vadd.s32 s26, v25;
	v58 =	vld.idx.msk [tilespmem:v50+s10+$0x0], $0xffff;
	[tilespmem:s23+$0x460] =	vst v32  }
0x285: {  	s8 =	simm.s32 $0x800;
	v60 =	vadd.s32 s0, v14;
	v33 =	vld.idx.msk [tilespmem:v44+s10+$0x0], $0xffff;
	[tilespmem:s28+$0x470] =	vst v35  }
0x286: {  	s14 =	simm.s32 $0x280;
	s13 =	sand.u32 $0x7000, s8;
	v49 =	vadd.s32 s24, v31;
	v32 =	vld.idx.msk [tilespmem:v47+s10+$0x0], $0xffff  }
0x287: {  	s3 =	simm.s32 $0x900;
	s4 =	sand.u32 $0x280, s14;
	s2 =	sadd.s32 $0x16000, s13;
	v56 =	vadd.s32 s29, v14;
	v47 =	vld.idx.msk [tilespmem:v57+s10+$0x0], $0xffff;
	[tilespmem:s21+$0x800] =	vst v36  }
0x288: {  	s12 =	simm.s32 $0x200;
	s30 =	sor.u32 s4, s2;
	v53 =	vadd.s32 s3, v13;
	[tilespmem:s25+$0x800] =	vst v34;
	v37 =	vld.idx.msk [tilespmem:v42+s10+$0x0], $0xffff  }
0x289: {  	s15 =	simm.s32 $0x380;
	s1 =	sand.u32 $0x200, s12;
	v46 =	vadd.s32 s22, v18;
	[tilespmem:s30+$0x0] =	vst v58;
	v34 =	vld.idx.msk [tilespmem:v45+s10+$0x0], $0xffff  }
0x28a: {  	s1 =	sor.u32 s1, s2;
	s4 =	sand.u32 $0x380, s15;
	v51 =	vadd.s32 s26, v18;
	v38 =	vld.idx.msk [tilespmem:v60+s10+$0x0], $0xffff;
	[tilespmem:s23+$0x470] =	vst v33  }
0x28b: {  	s4 =	sor.u32 s4, s2;
	[tilespmem:s1+$0x0] =	vst v54;
	v43 =	vadd.s32 s31, v14;
	v55 =	vld.idx.msk [tilespmem:v49+s10+$0x0], $0xffff  }
0x28c: {  	v50 =	vadd.s32 s0, v15;
	[tilespmem:s4+$0x0] =	vst v47;
	v45 =	vld.idx.msk [tilespmem:v56+s10+$0x0], $0xffff  }
0x28d: {  	v48 =	vadd.s32 s29, v15;
	v62 =	vld.idx.msk [tilespmem:v53+s10+$0x0], $0xffff;
	[tilespmem:s21+$0x810] =	vst v37  }
0x28e: {  	[tilespmem:s25+$0x810] =	vst v34;
	v37 =	vld.idx.msk [tilespmem:v46+s10+$0x0], $0xffff;
	v46 =	vadd.s32 s5, v25  }
0x28f: {  	v52 =	vadd.s32 s22, v12;
	[tilespmem:s30+$0x10] =	vst v38;
	v59 =	vld.idx.msk [tilespmem:v51+s10+$0x0], $0xffff  }
0x290: {  	v61 =	vadd.s32 s26, v12;
	v43 =	vld.idx.msk [tilespmem:v43+s10+$0x0], $0xffff;
	[tilespmem:s23+$0x800] =	vst v55  }
0x291: {  	v63 =	vadd.s32 s24, v25;
	v55 =	vld.idx.msk [tilespmem:v50+s10+$0x0], $0xffff;
	[tilespmem:s1+$0x10] =	vst v45  }
0x292: {  	s17 =	simm.s32 $0x300;
	v60 =	vadd.s32 s31, v15;
	[tilespmem:s28+$0x800] =	vst v32;
	v32 =	vld.idx.msk [tilespmem:v48+s10+$0x0], $0xffff  }
0x293: {  	s6 =	sand.u32 $0x300, s17;
	v54 =	vadd.s32 s29, v16;
	[tilespmem:s21+$0x820] =	vst v37;
	v40 =	vld.idx.msk [tilespmem:v46+s10+$0x0], $0xffff  }
0x294: {  	s6 =	sor.u32 s6, s2;
	[tilespmem:s25+$0x820] =	vst v59;
	v35 =	vld.idx.msk [tilespmem:v52+s10+$0x0], $0xffff;
	v52 =	vadd.s32 s3, v14  }
0x295: {  	v57 =	vadd.s32 s0, v16;
	[tilespmem:s6+$0x0] =	vst v62;
	v37 =	vld.idx.msk [tilespmem:v61+s10+$0x0], $0xffff  }
0x296: {  	v58 =	vadd.s32 s5, v18;
	[tilespmem:s4+$0x10] =	vst v43;
	v51 =	vld.idx.msk [tilespmem:v63+s10+$0x0], $0xffff  }
0x297: {  	v49 =	vadd.s32 s22, v11;
	v34 =	vld.idx.msk [tilespmem:v60+s10+$0x0], $0xffff;
	[tilespmem:s1+$0x20] =	vst v32  }
0x298: {  	v53 =	vadd.s32 s24, v18;
	[tilespmem:s30+$0x20] =	vst v55;
	v61 =	vld.idx.msk [tilespmem:v54+s10+$0x0], $0xffff  }
0x299: {  	v62 =	vadd.s32 s29, v17;
	[tilespmem:s28+$0x810] =	vst v40;
	v33 =	vld.idx.msk [tilespmem:v52+s10+$0x0], $0xffff  }
0x29a: {  	v59 =	vadd.s32 s3, v15;
	[tilespmem:s25+$0x830] =	vst v37;
	v37 =	vld.idx.msk [tilespmem:v57+s10+$0x0], $0xffff  }
0x29b: {  	v45 =	vadd.s32 s0, v17;
	[tilespmem:s21+$0x830] =	vst v35;
	v46 =	vld.idx.msk [tilespmem:v58+s10+$0x0], $0xffff  }
0x29c: {  	v48 =	vadd.s32 s5, v12;
	[tilespmem:s23+$0x810] =	vst v51;
	v36 =	vld.idx.msk [tilespmem:v49+s10+$0x0], $0xffff  }
0x29d: {  	v56 =	vadd.s32 s22, v10;
	v32 =	vld.idx.msk [tilespmem:v53+s10+$0x0], $0xffff;
	[tilespmem:s1+$0x30] =	vst v61  }
0x29e: {  	v50 =	vadd.s32 s31, v16;
	v42 =	vld.idx.msk [tilespmem:v62+s10+$0x0], $0xffff;
	[tilespmem:s6+$0x10] =	vst v33  }
0x29f: {  	v61 =	vadd.s32 s24, v12;
	[tilespmem:s30+$0x30] =	vst v37;
	v47 =	vld.idx.msk [tilespmem:v59+s10+$0x0], $0xffff  }
0x2a0: {  	v60 =	vadd.s32 s26, v11;
	[tilespmem:s28+$0x820] =	vst v46;
	v37 =	vld.idx.msk [tilespmem:v45+s10+$0x0], $0xffff  }
0x2a1: {  	v49 =	vadd.s32 s3, v16;
	[tilespmem:s21+$0x840] =	vst v36;
	v54 =	vld.idx.msk [tilespmem:v48+s10+$0x0], $0xffff  }
0x2a2: {  	v51 =	vadd.s32 s29, v19;
	[tilespmem:s4+$0x20] =	vst v34;
	v38 =	vld.idx.msk [tilespmem:v56+s10+$0x0], $0xffff  }
0x2a3: {  	v53 =	vadd.s32 s0, v19;
	[tilespmem:s23+$0x820] =	vst v32;
	v36 =	vld.idx.msk [tilespmem:v50+s10+$0x0], $0xffff  }
0x2a4: {  	v48 =	vld.idx.msk [tilespmem:v61+s10+$0x0], $0xffff;
	v56 =	vadd.s32 s5, v11;
	[tilespmem:s6+$0x20] =	vst v47  }
0x2a5: {  	v58 =	vadd.s32 s31, v17;
	[tilespmem:s30+$0x40] =	vst v37;
	v37 =	vld.idx.msk [tilespmem:v60+s10+$0x0], $0xffff  }
0x2a6: {  	v63 =	vadd.s32 s22, v9;
	[tilespmem:s1+$0x40] =	vst v42;
	v55 =	vld.idx.msk [tilespmem:v49+s10+$0x0], $0xffff  }
0x2a7: {  	v50 =	vadd.s32 s26, v10;
	[tilespmem:s21+$0x850] =	vst v38;
	v38 =	vld.idx.msk [tilespmem:v51+s10+$0x0], $0xffff  }
0x2a8: {  	v57 =	vadd.s32 s3, v17;
	[tilespmem:s28+$0x830] =	vst v54;
	v33 =	vld.idx.msk [tilespmem:v53+s10+$0x0], $0xffff  }
0x2a9: {  	v59 =	vadd.s32 s29, v20;
	[tilespmem:s4+$0x30] =	vst v36;
	v34 =	vld.idx.msk [tilespmem:v56+s10+$0x0], $0xffff  }
0x2aa: {  	v62 =	vadd.s32 s0, v20;
	[tilespmem:s23+$0x830] =	vst v48;
	v36 =	vld.idx.msk [tilespmem:v58+s10+$0x0], $0xffff  }
0x2ab: {  	v39 =	vld.idx.msk [tilespmem:v63+s10+$0x0], $0xffff;
	v63 =	vadd.s32 s5, v10;
	[tilespmem:s25+$0x840] =	vst v37  }
0x2ac: {  	v46 =	vadd.s32 s31, v19;
	[tilespmem:s6+$0x30] =	vst v55;
	v41 =	vld.idx.msk [tilespmem:v50+s10+$0x0], $0xffff  }
0x2ad: {  	v51 =	vadd.s32 s24, v11;
	[tilespmem:s1+$0x50] =	vst v38;
	v43 =	vld.idx.msk [tilespmem:v57+s10+$0x0], $0xffff  }
0x2ae: {  	v52 =	vadd.s32 s22, v8;
	[tilespmem:s30+$0x50] =	vst v33;
	v40 =	vld.idx.msk [tilespmem:v59+s10+$0x0], $0xffff  }
0x2af: {  	[tilespmem:s28+$0x840] =	vst v34;
	v49 =	vld.idx.msk [tilespmem:v62+s10+$0x0], $0xffff;
	v59 =	vadd.s32 s26, v9  }
0x2b0: {  	v45 =	vadd.s32 s3, v19;
	[tilespmem:s4+$0x40] =	vst v36;
	v34 =	vld.idx.msk [tilespmem:v63+s10+$0x0], $0xffff  }
0x2b1: {  	v53 =	vadd.s32 s5, v9;
	[tilespmem:s21+$0x860] =	vst v39;
	v36 =	vld.idx.msk [tilespmem:v46+s10+$0x0], $0xffff  }
0x2b2: {  	v47 =	vadd.s32 s29, v21;
	v57 =	vld.idx.msk [tilespmem:v51+s10+$0x0], $0xffff;
	[tilespmem:s25+$0x850] =	vst v41  }
0x2b3: {  	v39 =	vld.idx.msk [tilespmem:v52+s10+$0x0], $0xffff;
	v52 =	vadd.s32 s0, v21;
	[tilespmem:s6+$0x40] =	vst v43  }
0x2b4: {  	v55 =	vadd.s32 s31, v20;
	[tilespmem:s1+$0x60] =	vst v40;
	v43 =	vld.idx.msk [tilespmem:v59+s10+$0x0], $0xffff  }
0x2b5: {  	v61 =	vadd.s32 s24, v10;
	[tilespmem:s28+$0x850] =	vst v34;
	v32 =	vld.idx.msk [tilespmem:v45+s10+$0x0], $0xffff  }
0x2b6: {  	[tilespmem:s30+$0x60] =	vst v49;
	v60 =	vld.idx.msk [tilespmem:v53+s10+$0x0], $0xffff;
	v53 =	vadd.s32 s26, v8  }
0x2b7: {  	v54 =	vadd.s32 s3, v20;
	[tilespmem:s4+$0x50] =	vst v36;
	v40 =	vld.idx.msk [tilespmem:v47+s10+$0x0], $0xffff  }
0x2b8: {  	v56 =	vadd.s32 s29, v22;
	[tilespmem:s23+$0x840] =	vst v57;
	v58 =	vld.idx.msk [tilespmem:v52+s10+$0x0], $0xffff  }
0x2b9: {  	v62 =	vadd.s32 s0, v22;
	[tilespmem:s21+$0x870] =	vst v39;
	v36 =	vld.idx.msk [tilespmem:v55+s10+$0x0], $0xffff  }
0x2ba: {  	v48 =	vadd.s32 s22, v7;
	v34 =	vld.idx.msk [tilespmem:v61+s10+$0x0], $0xffff;
	[tilespmem:s25+$0x860] =	vst v43  }
0x2bb: {  	v46 =	vadd.s32 s31, v21;
	[tilespmem:s6+$0x50] =	vst v32;
	v59 =	vld.idx.msk [tilespmem:v53+s10+$0x0], $0xffff  }
0x2bc: {  	v63 =	vadd.s32 s5, v8;
	[tilespmem:s1+$0x70] =	vst v40;
	v42 =	vld.idx.msk [tilespmem:v54+s10+$0x0], $0xffff  }
0x2bd: {  	v49 =	vadd.s32 s24, v9;
	[tilespmem:s30+$0x70] =	vst v58;
	v33 =	vld.idx.msk [tilespmem:v56+s10+$0x0], $0xffff  }
0x2be: {  	[tilespmem:s28+$0x860] =	vst v60;
	v38 =	vld.idx.msk [tilespmem:v62+s10+$0x0], $0xffff;
	v62 =	vadd.s32 s26, v7  }
0x2bf: {  	v45 =	vadd.s32 s3, v21;
	v39 =	vld.idx.msk [tilespmem:v48+s10+$0x0], $0xffff;
	[tilespmem:s4+$0x60] =	vst v36  }
0x2c0: {  	v47 =	vadd.s32 s29, v23;
	[tilespmem:s23+$0x850] =	vst v34;
	v51 =	vld.idx.msk [tilespmem:v46+s10+$0x0], $0xffff  }
0x2c1: {  	v50 =	vadd.s32 s0, v23;
	v32 =	vld.idx.msk [tilespmem:v63+s10+$0x0], $0xffff;
	[tilespmem:s25+$0x870] =	vst v59  }
0x2c2: {  	v52 =	vadd.s32 s5, v7;
	v37 =	vld.idx.msk [tilespmem:v49+s10+$0x0], $0xffff;
	[tilespmem:s6+$0x60] =	vst v42  }
0x2c3: {  	v54 =	vadd.s32 s31, v22;
	[tilespmem:s1+$0x400] =	vst v33;
	v48 =	vld.idx.msk [tilespmem:v62+s10+$0x0], $0xffff  }
0x2c4: {  	v57 =	vadd.s32 s24, v8;
	[tilespmem:s30+$0x400] =	vst v38;
	v40 =	vld.idx.msk [tilespmem:v45+s10+$0x0], $0xffff  }
0x2c5: {  	[tilespmem:s4+$0x70] =	vst v51;
	v51 =	vadd.s32 s26, v6;
	v35 =	vld.idx.msk [tilespmem:v47+s10+$0x0], $0xffff  }
0x2c6: {  	v55 =	vadd.s32 s29, v24;
	[tilespmem:s28+$0x870] =	vst v32;
	v38 =	vld.idx.msk [tilespmem:v50+s10+$0x0], $0xffff  }
0x2c7: {  	v56 =	vadd.s32 s3, v22;
	[tilespmem:s21+$0xC00] =	vst v39;
	v32 =	vld.idx.msk [tilespmem:v52+s10+$0x0], $0xffff  }
0x2c8: {  	v58 =	vadd.s32 s0, v24;
	[tilespmem:s23+$0x860] =	vst v37;
	v60 =	vld.idx.msk [tilespmem:v54+s10+$0x0], $0xffff  }
0x2c9: {  	v61 =	vadd.s32 s5, v6;
	v36 =	vld.idx.msk [tilespmem:v57+s10+$0x0], $0xffff;
	[tilespmem:s25+$0xC00] =	vst v48  }
0x2ca: {  	v63 =	vadd.s32 s31, v23;
	[tilespmem:s1+$0x410] =	vst v35;
	v57 =	vld.idx.msk [tilespmem:v51+s10+$0x0], $0xffff  }
0x2cb: {  	v46 =	vadd.s32 s24, v7;
	[tilespmem:s6+$0x70] =	vst v40;
	v34 =	vld.idx.msk [tilespmem:v55+s10+$0x0], $0xffff  }
0x2cc: {  	v44 =	vadd.s32 s29, v26;
	[tilespmem:s30+$0x410] =	vst v38;
	v42 =	vld.idx.msk [tilespmem:v56+s10+$0x0], $0xffff  }
0x2cd: {  	v45 =	vadd.s32 s3, v23;
	[tilespmem:s28+$0xC00] =	vst v32;
	v38 =	vld.idx.msk [tilespmem:v58+s10+$0x0], $0xffff  }
0x2ce: {  	v47 =	vadd.s32 s0, v26;
	[tilespmem:s4+$0x400] =	vst v60;
	v32 =	vld.idx.msk [tilespmem:v61+s10+$0x0], $0xffff  }
0x2cf: {  	v50 =	vadd.s32 s5, v5;
	[tilespmem:s23+$0x870] =	vst v36;
	v49 =	vld.idx.msk [tilespmem:v63+s10+$0x0], $0xffff  }
0x2d0: {  	v52 =	vadd.s32 s31, v24;
	v33 =	vld.idx.msk [tilespmem:v46+s10+$0x0], $0xffff;
	[tilespmem:s1+$0x420] =	vst v34  }
0x2d1: {  	v55 =	vadd.s32 s24, v6;
	[tilespmem:s6+$0x400] =	vst v42;
	v37 =	vld.idx.msk [tilespmem:v44+s10+$0x0], $0xffff  }
0x2d2: {  	v60 =	vadd.s32 s26, v5;
	[tilespmem:s30+$0x420] =	vst v38;
	v40 =	vld.idx.msk [tilespmem:v45+s10+$0x0], $0xffff  }
0x2d3: {  	v53 =	vadd.s32 s29, v27;
	[tilespmem:s28+$0xC10] =	vst v32;
	v38 =	vld.idx.msk [tilespmem:v47+s10+$0x0], $0xffff  }
0x2d4: {  	v54 =	vadd.s32 s3, v24;
	[tilespmem:s4+$0x410] =	vst v49;
	v32 =	vld.idx.msk [tilespmem:v50+s10+$0x0], $0xffff  }
0x2d5: {  	v56 =	vadd.s32 s0, v27;
	[tilespmem:s23+$0xC00] =	vst v33;
	v58 =	vld.idx.msk [tilespmem:v52+s10+$0x0], $0xffff  }
0x2d6: {  	v61 =	vadd.s32 s31, v26;
	[tilespmem:s25+$0xC10] =	vst v57;
	v35 =	vld.idx.msk [tilespmem:v55+s10+$0x0], $0xffff  }
0x2d7: {  	v59 =	vadd.s32 s5, v4;
	v47 =	vld.idx.msk [tilespmem:v60+s10+$0x0], $0xffff;
	[tilespmem:s1+$0x430] =	vst v37  }
0x2d8: {  	v45 =	vadd.s32 s24, v5;
	[tilespmem:s6+$0x410] =	vst v40;
	v36 =	vld.idx.msk [tilespmem:v53+s10+$0x0], $0xffff  }
0x2d9: {  	v50 =	vadd.s32 s26, v4;
	[tilespmem:s30+$0x430] =	vst v38;
	v41 =	vld.idx.msk [tilespmem:v54+s10+$0x0], $0xffff  }
0x2da: {  	v62 =	vadd.s32 s29, v28;
	[tilespmem:s4+$0x420] =	vst v58;
	v38 =	vld.idx.msk [tilespmem:v56+s10+$0x0], $0xffff  }
0x2db: {  	v63 =	vadd.s32 s3, v26;
	[tilespmem:s28+$0xC20] =	vst v32;
	v48 =	vld.idx.msk [tilespmem:v61+s10+$0x0], $0xffff  }
0x2dc: {  	v51 =	vadd.s32 s31, v27;
	[tilespmem:s23+$0xC10] =	vst v35;
	v32 =	vld.idx.msk [tilespmem:v59+s10+$0x0], $0xffff  }
0x2dd: {  	v46 =	vadd.s32 s0, v28;
	[tilespmem:s25+$0xC20] =	vst v47;
	v34 =	vld.idx.msk [tilespmem:v45+s10+$0x0], $0xffff  }
0x2de: {  	v49 =	vadd.s32 s5, v3;
	v56 =	vld.idx.msk [tilespmem:v50+s10+$0x0], $0xffff;
	[tilespmem:s1+$0x440] =	vst v36  }
0x2df: {  	v54 =	vadd.s32 s24, v4;
	[tilespmem:s6+$0x420] =	vst v41;
	v33 =	vld.idx.msk [tilespmem:v62+s10+$0x0], $0xffff  }
0x2e0: {  	v59 =	vadd.s32 s22, v6;
	[tilespmem:s4+$0x430] =	vst v48;
	v39 =	vld.idx.msk [tilespmem:v63+s10+$0x0], $0xffff  }
0x2e1: {  	v50 =	vadd.s32 s26, v3;
	[tilespmem:s30+$0x440] =	vst v38;
	v57 =	vld.idx.msk [tilespmem:v51+s10+$0x0], $0xffff  }
0x2e2: {  	v52 =	vadd.s32 s29, v29;
	[tilespmem:s28+$0xC30] =	vst v32;
	v38 =	vld.idx.msk [tilespmem:v46+s10+$0x0], $0xffff  }
0x2e3: {  	v53 =	vadd.s32 s3, v27;
	[tilespmem:s23+$0xC20] =	vst v34;
	v32 =	vld.idx.msk [tilespmem:v49+s10+$0x0], $0xffff  }
0x2e4: {  	v55 =	vadd.s32 s0, v29;
	[tilespmem:s25+$0xC30] =	vst v56;
	v37 =	vld.idx.msk [tilespmem:v54+s10+$0x0], $0xffff  }
0x2e5: {  	v58 =	vadd.s32 s5, v2;
	v46 =	vld.idx.msk [tilespmem:v59+s10+$0x0], $0xffff;
	[tilespmem:s1+$0x450] =	vst v33  }
0x2e6: {  	v60 =	vadd.s32 s31, v28;
	[tilespmem:s4+$0x440] =	vst v57;
	v57 =	vld.idx.msk [tilespmem:v50+s10+$0x0], $0xffff  }
0x2e7: {  	v63 =	vadd.s32 s24, v3;
	[tilespmem:s6+$0x430] =	vst v39;
	v35 =	vld.idx.msk [tilespmem:v52+s10+$0x0], $0xffff  }
0x2e8: {  	v61 =	vadd.s32 s29, v30;
	[tilespmem:s30+$0x450] =	vst v38;
	v42 =	vld.idx.msk [tilespmem:v53+s10+$0x0], $0xffff  }
0x2e9: {  	v62 =	vadd.s32 s3, v28;
	[tilespmem:s28+$0xC40] =	vst v32;
	v38 =	vld.idx.msk [tilespmem:v55+s10+$0x0], $0xffff  }
0x2ea: {  	v49 =	vadd.s32 s22, v5;
	[tilespmem:s23+$0xC30] =	vst v37;
	v32 =	vld.idx.msk [tilespmem:v58+s10+$0x0], $0xffff  }
0x2eb: {  	v45 =	vadd.s32 s0, v30;
	[tilespmem:s21+$0xC10] =	vst v46;
	v47 =	vld.idx.msk [tilespmem:v60+s10+$0x0], $0xffff  }
0x2ec: {  	v48 =	vadd.s32 s5, v1;
	v36 =	vld.idx.msk [tilespmem:v63+s10+$0x0], $0xffff;
	[tilespmem:s1+$0x460] =	vst v35  }
0x2ed: {  	v53 =	vadd.s32 s31, v29;
	[tilespmem:s6+$0x440] =	vst v42;
	v34 =	vld.idx.msk [tilespmem:v61+s10+$0x0], $0xffff  }
0x2ee: {  	v51 =	vadd.s32 s29, v31;
	[tilespmem:s25+$0xC40] =	vst v57;
	v40 =	vld.idx.msk [tilespmem:v62+s10+$0x0], $0xffff  }
0x2ef: {  	v52 =	vadd.s32 s3, v29;
	v56 =	vld.idx.msk [tilespmem:v49+s10+$0x0], $0xffff;
	[tilespmem:s30+$0x460] =	vst v38  }
0x2f0: {  	v58 =	vadd.s32 s24, v2;
	[tilespmem:s28+$0xC50] =	vst v32;
	v38 =	vld.idx.msk [tilespmem:v45+s10+$0x0], $0xffff  }
0x2f1: {  	v55 =	vadd.s32 s0, v31;
	[tilespmem:s4+$0x450] =	vst v47;
	v54 =	vld.idx.msk [tilespmem:v48+s10+$0x0], $0xffff  }
0x2f2: {  	v59 =	vadd.s32 s22, v4;
	v62 =	vld.idx.msk [tilespmem:v53+s10+$0x0], $0xffff;
	[tilespmem:s1+$0x470] =	vst v34  }
0x2f3: {  	v60 =	vadd.s32 s26, v2;
	[tilespmem:s6+$0x450] =	vst v40;
	v37 =	vld.idx.msk [tilespmem:v51+s10+$0x0], $0xffff  }
0x2f4: {  	[tilespmem:s23+$0xC40] =	vst v36;
	v45 =	vadd.s32 s31, v30;
	v41 =	vld.idx.msk [tilespmem:v52+s10+$0x0], $0xffff  }
0x2f5: {  	v61 =	vadd.s32 s29, v25;
	v46 =	vld.idx.msk [tilespmem:v58+s10+$0x0], $0xffff;
	[tilespmem:s30+$0x470] =	vst v38  }
0x2f6: {  	v44 =	vadd.s32 s3, v30;
	[tilespmem:s21+$0xC20] =	vst v56;
	v39 =	vld.idx.msk [tilespmem:v55+s10+$0x0], $0xffff  }
0x2f7: {  	v63 =	vadd.s32 s0, v25;
	v33 =	vld.idx.msk [tilespmem:v59+s10+$0x0], $0xffff;
	[tilespmem:s4+$0x460] =	vst v62  }
0x2f8: {  	v36 =	vadd.s32 s5, v0;
	v34 =	vld.idx.msk [tilespmem:v60+s10+$0x0], $0xffff;
	[tilespmem:s1+$0x800] =	vst v37  }
0x2f9: {  	s19 =	sor.u32 $0x200, s19;
	[tilespmem:s6+$0x460] =	vst v41;
	v41 =	vld.idx.msk [tilespmem:v45+s10+$0x0], $0xffff  }
0x2fa: {  	s7 =	sshll.u32 s20, $0xC;
	s20 =	rddreg [dreg:$0x1];
	s2 =	sand.u32 $0x600, s19;
	v35 =	vadd.s32 s26, v1;
	[tilespmem:s28+$0xC60] =	vst v54;
	v37 =	vld.idx.msk [tilespmem:v61+s10+$0x0], $0xffff  }
0x2fb: {  	s17 =	simm.s32 $0x1080;
	s7 =	sand.u32 $0xFFFC000, s7;
	s2 =	sadd.s32 s20, s2;
	v38 =	vadd.s32 s29, v18;
	[tilespmem:s30+$0x800] =	vst v39;
	v40 =	vld.idx.msk [tilespmem:v44+s10+$0x0], $0xffff  }
0x2fc: {  	s11 =	simm.s32 $0x580;
	s9 =	sadd.s32 s7, s2;
	v32 =	vadd.s32 s31, v31;
	s5 =	simm.s32 $0x4;
	v42 =	vadd.s32 s3, v31;
	[tilespmem:s23+$0xC50] =	vst v46;
	v39 =	vld.idx.msk [tilespmem:v63+s10+$0x0], $0xffff  }
.LBB2_5:
0x2fd: {  	s15 =	sadd.s32 $0xFFFFFB80, s17;
	s2 =	sadd.s32 $0xFFFFFE80, s11;
	v43 =	vadd.s32 s17, v31;
	s5 =	sadd.s32 $0x4, s5;
	v36 =	vld.idx.msk [tilespmem:v36+s10+$0x0], $0xffff  }
0x2fe: {  	s7 =	sadd.s32 $0xFFFFFD00, s17;
	v44 =	vadd.s32 s15, v13;
	s2 =	sand.u32 $0x200, s2;
	p0 =	slt.u32 s5, $0x3C;
	[tilespmem:s25+$0xC50] =	vst v34  }
0x2ff: {  	s14 =	sadd.s32 $0xFFFFFE80, s17;
	v34 =	vadd.s32 s7, v13;
	[tilespmem:s1+$0x810] =	vst v37;
	v35 =	vld.idx.msk [tilespmem:v35+s10+$0x0], $0xffff  }
0x300: {  	v45 =	vadd.s32 s0, v18;
	v37 =	vadd.s32 s14, v13;
	v38 =	vld.idx.msk [tilespmem:v38+s10+$0x0], $0xffff;
	[tilespmem:s6+$0x470] =	vst v40  }
0x301: {  	v40 =	vadd.s32 s17, v13;
	v42 =	vld.idx.msk [tilespmem:v42+s10+$0x0], $0xffff;
	[tilespmem:s4+$0x470] =	vst v41;
	v41 =	vadd.s32 s26, v0;
	s26 =	smov.u32 s0;
	s0 =	smov.u32 s7  }
0x302: {  	v46 =	vadd.s32 s24, v1;
	[tilespmem:s30+$0x810] =	vst v39;
	v39 =	vld.idx.msk [tilespmem:v32+s10+$0x0], $0xffff;
	v32 =	vmov v43  }
0x303: {  	v43 =	vld.idx.msk [tilespmem:v44+s10+$0x0], $0xffff;
	v44 =	vadd.s32 s29, v12;
	[tilespmem:s28+$0xC70] =	vst v36;
	s28 =	smov.u32 s6  }
0x304: {  	v34 =	vld.idx.msk [tilespmem:v34+s10+$0x0], $0xffff;
	[tilespmem:s21+$0xC30] =	vst v33  }
0x305: {  	s8 =	sadd.s32 $0x800, s8;
	v33 =	vadd.s32 s15, v14;
	v36 =	vld.idx.msk [tilespmem:v45+s10+$0x0], $0xffff;
	[tilespmem:s25+$0xC60] =	vst v35  }
0x306: {  	s6 =	sand.u32 $0x7000, s8;
	v35 =	vadd.s32 s0, v14;
	[tilespmem:s1+$0x820] =	vst v38;
	v38 =	vld.idx.msk [tilespmem:v41+s10+$0x0], $0xffff  }
0x307: {  	s7 =	sadd.s32 $0x16000, s6;
	s6 =	sadd.s32 $0xFFFFFF00, s11;
	v45 =	vadd.s32 s26, v12;
	v41 =	vadd.s32 s14, v14;
	[tilespmem:s28+$0x800] =	vst v42;
	v42 =	vld.idx.msk [tilespmem:v46+s10+$0x0], $0xffff  }
0x308: {  	s12 =	sadd.s32 $0xFFFFFF80, s11;
	s2 =	sor.u32 s2, s7;
	s6 =	sand.u32 $0x280, s6;
	v46 =	vadd.s32 s17, v14;
	v44 =	vld.idx.msk [tilespmem:v44+s10+$0x0], $0xffff;
	[tilespmem:s4+$0x800] =	vst v39  }
0x309: {  	s13 =	sor.u32 s6, s7;
	s6 =	sand.u32 $0x300, s12;
	v39 =	vadd.s32 s24, v0;
	s24 =	smov.u32 s31;
	[tilespmem:s2+$0x0] =	vst v43;
	v37 =	vld.idx.msk [tilespmem:v37+s10+$0x0], $0xffff  }
0x30a: {  	s12 =	sand.u32 $0x380, s11;
	s6 =	sor.u32 s6, s7;
	s31 =	smov.u32 s17;
	[tilespmem:s13+$0x0] =	vst v34;
	v34 =	vld.idx.msk [tilespmem:v40+s10+$0x0], $0xffff;
	v40 =	vadd.s32 s24, v25  }
0x30b: {  	s7 =	sor.u32 s12, s7;
	v33 =	vld.idx.msk [tilespmem:v33+s10+$0x0], $0xffff;
	[tilespmem:s30+$0x820] =	vst v36;
	v36 =	vadd.s32 s3, v25  }
0x30c: {  	v47 =	vadd.s32 s29, v11;
	v43 =	vadd.s32 s15, v15;
	v45 =	vld.idx.msk [tilespmem:v45+s10+$0x0], $0xffff;
	[tilespmem:s25+$0xC70] =	vst v38;
	s25 =	smov.u32 s30;
	s30 =	smov.u32 s13  }
0x30d: {  	v38 =	vadd.s32 s0, v15;
	v35 =	vld.idx.msk [tilespmem:v35+s10+$0x0], $0xffff;
	[tilespmem:s23+$0xC60] =	vst v42  }
0x30e: {  	v48 =	vadd.s32 s22, v3;
	v42 =	vadd.s32 s14, v15;
	v39 =	vld.idx.msk [tilespmem:v39+s10+$0x0], $0xffff  }
0x30f: {  	[tilespmem:s1+$0x830] =	vst v44;
	v40 =	vld.idx.msk [tilespmem:v40+s10+$0x0], $0xffff  }
0x310: {  	[tilespmem:s7+$0x0] =	vst v34;
	v34 =	vld.idx.msk [tilespmem:v36+s10+$0x0], $0xffff  }
0x311: {  	[tilespmem:s2+$0x10] =	vst v33;
	v33 =	vld.idx.msk [tilespmem:v47+s10+$0x0], $0xffff  }
0x312: {  	v36 =	vld.idx.msk [tilespmem:v43+s10+$0x0], $0xffff;
	[tilespmem:s25+$0x830] =	vst v45  }
0x313: {  	v43 =	vadd.s32 s15, v16;
	[tilespmem:s30+$0x10] =	vst v35;
	v35 =	vadd.s32 s24, v18;
	v44 =	vld.idx.msk [tilespmem:v48+s10+$0x0], $0xffff  }
0x314: {  	v47 =	vadd.s32 s29, v10;
	v45 =	vadd.s32 s0, v16;
	v46 =	vld.idx.msk [tilespmem:v46+s10+$0x0], $0xffff;
	[tilespmem:s23+$0xC70] =	vst v39;
	s23 =	smov.u32 s4;
	s4 =	smov.u32 s7  }
0x315: {  	v39 =	vadd.s32 s14, v16;
	v38 =	vld.idx.msk [tilespmem:v38+s10+$0x0], $0xffff;
	[tilespmem:s23+$0x810] =	vst v40;
	v40 =	vadd.s32 s22, v2  }
0x316: {  	[tilespmem:s6+$0x0] =	vst v37;
	v37 =	vadd.s32 s17, v15  }
0x317: {  	v41 =	vld.idx.msk [tilespmem:v41+s10+$0x0], $0xffff;
	[tilespmem:s1+$0x840] =	vst v33  }
0x318: {  	v33 =	vadd.s32 s3, v18;
	[tilespmem:s2+$0x20] =	vst v36;
	v35 =	vld.idx.msk [tilespmem:v35+s10+$0x0], $0xffff  }
0x319: {  	v36 =	vld.idx.msk [tilespmem:v43+s10+$0x0], $0xffff;
	[tilespmem:s21+$0xC40] =	vst v44  }
0x31a: {  	v43 =	vadd.s32 s15, v17;
	[tilespmem:s4+$0x10] =	vst v46;
	v44 =	vld.idx.msk [tilespmem:v47+s10+$0x0], $0xffff  }
0x31b: {  	v46 =	vadd.s32 s14, v17;
	[tilespmem:s30+$0x20] =	vst v38;
	v38 =	vadd.s32 s0, v17;
	v40 =	vld.idx.msk [tilespmem:v40+s10+$0x0], $0xffff  }
0x31c: {  	v47 =	vadd.s32 s29, v9;
	v45 =	vld.idx.msk [tilespmem:v45+s10+$0x0], $0xffff;
	[tilespmem:s28+$0x810] =	vst v34;
	v34 =	vadd.s32 s22, v1  }
0x31d: {  	[tilespmem:s6+$0x10] =	vst v41;
	v41 =	vadd.s32 s17, v16;
	v33 =	vld.idx.msk [tilespmem:v33+s10+$0x0], $0xffff  }
0x31e: {  	v42 =	vld.idx.msk [tilespmem:v42+s10+$0x0], $0xffff;
	[tilespmem:s23+$0x820] =	vst v35  }
0x31f: {  	[tilespmem:s2+$0x30] =	vst v36;
	v35 =	vld.idx.msk [tilespmem:v37+s10+$0x0], $0xffff;
	v36 =	vadd.s32 s3, v12  }
0x320: {  	v37 =	vld.idx.msk [tilespmem:v43+s10+$0x0], $0xffff;
	[tilespmem:s1+$0x850] =	vst v44  }
0x321: {  	v43 =	vadd.s32 s15, v19;
	v44 =	vld.idx.msk [tilespmem:v47+s10+$0x0], $0xffff;
	[tilespmem:s21+$0xC50] =	vst v40  }
0x322: {  	v40 =	vadd.s32 s0, v19;
	v47 =	vadd.s32 s29, v8;
	[tilespmem:s30+$0x30] =	vst v45;
	v34 =	vld.idx.msk [tilespmem:v34+s10+$0x0], $0xffff  }
0x323: {  	v45 =	vadd.s32 s14, v19;
	v38 =	vld.idx.msk [tilespmem:v38+s10+$0x0], $0xffff;
	[tilespmem:s28+$0x820] =	vst v33;
	v33 =	vadd.s32 s22, v0;
	s22 =	smov.u32 s29;
	s29 =	smov.u32 s15  }
0x324: {  	[tilespmem:s6+$0x20] =	vst v42;
	v42 =	vadd.s32 s17, v17;
	v36 =	vld.idx.msk [tilespmem:v36+s10+$0x0], $0xffff  }
0x325: {  	v39 =	vld.idx.msk [tilespmem:v39+s10+$0x0], $0xffff;
	[tilespmem:s4+$0x20] =	vst v35  }
0x326: {  	[tilespmem:s2+$0x40] =	vst v37;
	v35 =	vld.idx.msk [tilespmem:v41+s10+$0x0], $0xffff;
	v37 =	vadd.s32 s3, v11  }
0x327: {  	v41 =	vld.idx.msk [tilespmem:v43+s10+$0x0], $0xffff;
	[tilespmem:s1+$0x860] =	vst v44  }
0x328: {  	v43 =	vld.idx.msk [tilespmem:v47+s10+$0x0], $0xffff;
	[tilespmem:s21+$0xC60] =	vst v34  }
0x329: {  	v34 =	vadd.s32 s29, v20;
	[tilespmem:s30+$0x40] =	vst v38;
	v33 =	vld.idx.msk [tilespmem:v33+s10+$0x0], $0xffff  }
0x32a: {  	v38 =	vld.idx.msk [tilespmem:v40+s10+$0x0], $0xffff;
	v40 =	vadd.s32 s26, v11;
	[tilespmem:s28+$0x830] =	vst v36  }
0x32b: {  	[tilespmem:s6+$0x30] =	vst v39;
	v36 =	vld.idx.msk [tilespmem:v37+s10+$0x0], $0xffff;
	v37 =	vadd.s32 s24, v12  }
0x32c: {  	v39 =	vadd.s32 s0, v20;
	v44 =	vld.idx.msk [tilespmem:v46+s10+$0x0], $0xffff;
	[tilespmem:s4+$0x30] =	vst v35  }
0x32d: {  	[tilespmem:s2+$0x50] =	vst v41;
	v35 =	vld.idx.msk [tilespmem:v42+s10+$0x0], $0xffff;
	v41 =	vadd.s32 s3, v10  }
0x32e: {  	v34 =	vld.idx.msk [tilespmem:v34+s10+$0x0], $0xffff;
	[tilespmem:s1+$0x870] =	vst v43  }
0x32f: {  	v42 =	vadd.s32 s17, v19;
	v40 =	vld.idx.msk [tilespmem:v40+s10+$0x0], $0xffff;
	[tilespmem:s21+$0xC70] =	vst v33;
	s21 =	smov.u32 s1;
	s1 =	smov.u32 s2  }
0x330: {  	v33 =	vadd.s32 s29, v21;
	[tilespmem:s30+$0x50] =	vst v38;
	v37 =	vld.idx.msk [tilespmem:v37+s10+$0x0], $0xffff  }
0x331: {  	v38 =	vld.idx.msk [tilespmem:v39+s10+$0x0], $0xffff;
	v39 =	vadd.s32 s26, v10;
	[tilespmem:s28+$0x840] =	vst v36  }
0x332: {  	[tilespmem:s6+$0x40] =	vst v44;
	v36 =	vld.idx.msk [tilespmem:v41+s10+$0x0], $0xffff;
	v41 =	vadd.s32 s24, v11  }
0x333: {  	v43 =	vadd.s32 s0, v21;
	v44 =	vld.idx.msk [tilespmem:v45+s10+$0x0], $0xffff;
	[tilespmem:s4+$0x40] =	vst v35  }
0x334: {  	v35 =	vadd.s32 s3, v9;
	[tilespmem:s1+$0x60] =	vst v34;
	v34 =	vld.idx.msk [tilespmem:v42+s10+$0x0], $0xffff  }
0x335: {  	v42 =	vadd.s32 s14, v20;
	v33 =	vld.idx.msk [tilespmem:v33+s10+$0x0], $0xffff;
	[tilespmem:s25+$0x840] =	vst v40  }
0x336: {  	v40 =	vadd.s32 s17, v20;
	v39 =	vld.idx.msk [tilespmem:v39+s10+$0x0], $0xffff;
	[tilespmem:s23+$0x830] =	vst v37  }
0x337: {  	v37 =	vadd.s32 s29, v22;
	[tilespmem:s30+$0x60] =	vst v38;
	v38 =	vld.idx.msk [tilespmem:v41+s10+$0x0], $0xffff  }
0x338: {  	v41 =	vld.idx.msk [tilespmem:v43+s10+$0x0], $0xffff;
	v43 =	vadd.s32 s26, v9;
	[tilespmem:s28+$0x850] =	vst v36  }
0x339: {  	v36 =	vadd.s32 s24, v10;
	[tilespmem:s6+$0x50] =	vst v44;
	v35 =	vld.idx.msk [tilespmem:v35+s10+$0x0], $0xffff  }
0x33a: {  	v44 =	vadd.s32 s0, v22;
	v42 =	vld.idx.msk [tilespmem:v42+s10+$0x0], $0xffff;
	[tilespmem:s4+$0x50] =	vst v34  }
0x33b: {  	v34 =	vadd.s32 s3, v8;
	[tilespmem:s1+$0x70] =	vst v33;
	v33 =	vld.idx.msk [tilespmem:v40+s10+$0x0], $0xffff  }
0x33c: {  	v40 =	vadd.s32 s14, v21;
	v37 =	vld.idx.msk [tilespmem:v37+s10+$0x0], $0xffff;
	[tilespmem:s25+$0x850] =	vst v39  }
0x33d: {  	v39 =	vadd.s32 s17, v21;
	v43 =	vld.idx.msk [tilespmem:v43+s10+$0x0], $0xffff;
	[tilespmem:s23+$0x840] =	vst v38  }
0x33e: {  	v38 =	vadd.s32 s29, v23;
	[tilespmem:s30+$0x70] =	vst v41;
	v36 =	vld.idx.msk [tilespmem:v36+s10+$0x0], $0xffff  }
0x33f: {  	v41 =	vld.idx.msk [tilespmem:v44+s10+$0x0], $0xffff;
	v44 =	vadd.s32 s22, v7;
	[tilespmem:s28+$0x860] =	vst v35  }
0x340: {  	v35 =	vadd.s32 s24, v9;
	[tilespmem:s6+$0x60] =	vst v42;
	v34 =	vld.idx.msk [tilespmem:v34+s10+$0x0], $0xffff  }
0x341: {  	v42 =	vadd.s32 s0, v23;
	v40 =	vld.idx.msk [tilespmem:v40+s10+$0x0], $0xffff;
	[tilespmem:s4+$0x60] =	vst v33  }
0x342: {  	[tilespmem:s1+$0x400] =	vst v37;
	v33 =	vld.idx.msk [tilespmem:v39+s10+$0x0], $0xffff;
	v37 =	vadd.s32 s3, v7  }
0x343: {  	v39 =	vadd.s32 s26, v8;
	v38 =	vld.idx.msk [tilespmem:v38+s10+$0x0], $0xffff;
	[tilespmem:s25+$0x860] =	vst v43  }
0x344: {  	v43 =	vadd.s32 s17, v22;
	v44 =	vld.idx.msk [tilespmem:v44+s10+$0x0], $0xffff;
	[tilespmem:s23+$0x850] =	vst v36  }
0x345: {  	v36 =	vadd.s32 s29, v24;
	[tilespmem:s30+$0x400] =	vst v41;
	v35 =	vld.idx.msk [tilespmem:v35+s10+$0x0], $0xffff  }
0x346: {  	v41 =	vld.idx.msk [tilespmem:v42+s10+$0x0], $0xffff;
	v42 =	vadd.s32 s14, v22;
	[tilespmem:s28+$0x870] =	vst v34  }
0x347: {  	[tilespmem:s6+$0x70] =	vst v40;
	v34 =	vld.idx.msk [tilespmem:v37+s10+$0x0], $0xffff;
	v37 =	vadd.s32 s24, v8  }
0x348: {  	v40 =	vadd.s32 s0, v24;
	[tilespmem:s4+$0x70] =	vst v33;
	v33 =	vld.idx.msk [tilespmem:v39+s10+$0x0], $0xffff  }
0x349: {  	v39 =	vadd.s32 s3, v6;
	[tilespmem:s1+$0x410] =	vst v38;
	v38 =	vld.idx.msk [tilespmem:v43+s10+$0x0], $0xffff  }
0x34a: {  	v43 =	vadd.s32 s26, v7;
	v36 =	vld.idx.msk [tilespmem:v36+s10+$0x0], $0xffff;
	[tilespmem:s21+$0xC00] =	vst v44  }
0x34b: {  	v44 =	vadd.s32 s17, v23;
	v42 =	vld.idx.msk [tilespmem:v42+s10+$0x0], $0xffff;
	[tilespmem:s23+$0x860] =	vst v35  }
0x34c: {  	v35 =	vadd.s32 s29, v26;
	[tilespmem:s30+$0x410] =	vst v41;
	v37 =	vld.idx.msk [tilespmem:v37+s10+$0x0], $0xffff  }
0x34d: {  	v41 =	vadd.s32 s14, v23;
	v40 =	vld.idx.msk [tilespmem:v40+s10+$0x0], $0xffff;
	[tilespmem:s28+$0xC00] =	vst v34  }
0x34e: {  	v34 =	vadd.s32 s24, v7;
	[tilespmem:s25+$0x870] =	vst v33;
	v33 =	vld.idx.msk [tilespmem:v39+s10+$0x0], $0xffff  }
0x34f: {  	v39 =	vadd.s32 s0, v26;
	[tilespmem:s4+$0x400] =	vst v38;
	v38 =	vld.idx.msk [tilespmem:v43+s10+$0x0], $0xffff  }
0x350: {  	v43 =	vadd.s32 s3, v5;
	[tilespmem:s1+$0x420] =	vst v36;
	v36 =	vld.idx.msk [tilespmem:v44+s10+$0x0], $0xffff  }
0x351: {  	v35 =	vld.idx.msk [tilespmem:v35+s10+$0x0], $0xffff;
	[tilespmem:s6+$0x400] =	vst v42;
	v42 =	vadd.s32 s26, v6  }
0x352: {  	v44 =	vadd.s32 s17, v24;
	v41 =	vld.idx.msk [tilespmem:v41+s10+$0x0], $0xffff;
	[tilespmem:s23+$0x870] =	vst v37  }
0x353: {  	v37 =	vadd.s32 s29, v27;
	[tilespmem:s30+$0x420] =	vst v40;
	v34 =	vld.idx.msk [tilespmem:v34+s10+$0x0], $0xffff  }
0x354: {  	v40 =	vadd.s32 s14, v24;
	v39 =	vld.idx.msk [tilespmem:v39+s10+$0x0], $0xffff;
	[tilespmem:s28+$0xC10] =	vst v33  }
0x355: {  	[tilespmem:s25+$0xC00] =	vst v38;
	v33 =	vld.idx.msk [tilespmem:v43+s10+$0x0], $0xffff;
	v38 =	vadd.s32 s24, v6  }
0x356: {  	v43 =	vadd.s32 s0, v27;
	[tilespmem:s4+$0x410] =	vst v36;
	v36 =	vld.idx.msk [tilespmem:v42+s10+$0x0], $0xffff  }
0x357: {  	v42 =	vadd.s32 s3, v4;
	[tilespmem:s1+$0x430] =	vst v35;
	v35 =	vld.idx.msk [tilespmem:v44+s10+$0x0], $0xffff  }
0x358: {  	v37 =	vld.idx.msk [tilespmem:v37+s10+$0x0], $0xffff;
	[tilespmem:s6+$0x410] =	vst v41;
	v41 =	vadd.s32 s26, v5  }
0x359: {  	v44 =	vadd.s32 s17, v26;
	v40 =	vld.idx.msk [tilespmem:v40+s10+$0x0], $0xffff;
	[tilespmem:s23+$0xC00] =	vst v34  }
0x35a: {  	v34 =	vadd.s32 s29, v28;
	[tilespmem:s30+$0x430] =	vst v39;
	v38 =	vld.idx.msk [tilespmem:v38+s10+$0x0], $0xffff  }
0x35b: {  	v39 =	vld.idx.msk [tilespmem:v43+s10+$0x0], $0xffff;
	v43 =	vadd.s32 s14, v26;
	[tilespmem:s28+$0xC20] =	vst v33  }
0x35c: {  	[tilespmem:s25+$0xC10] =	vst v36;
	v33 =	vld.idx.msk [tilespmem:v42+s10+$0x0], $0xffff;
	v36 =	vadd.s32 s24, v5  }
0x35d: {  	v42 =	vadd.s32 s0, v28;
	[tilespmem:s4+$0x420] =	vst v35;
	v35 =	vld.idx.msk [tilespmem:v41+s10+$0x0], $0xffff  }
0x35e: {  	v41 =	vadd.s32 s3, v3;
	[tilespmem:s1+$0x440] =	vst v37;
	v37 =	vld.idx.msk [tilespmem:v44+s10+$0x0], $0xffff  }
0x35f: {  	v34 =	vld.idx.msk [tilespmem:v34+s10+$0x0], $0xffff;
	[tilespmem:s6+$0x420] =	vst v40;
	v40 =	vadd.s32 s26, v4  }
0x360: {  	v44 =	vadd.s32 s17, v27;
	v43 =	vld.idx.msk [tilespmem:v43+s10+$0x0], $0xffff;
	[tilespmem:s23+$0xC10] =	vst v38  }
0x361: {  	v38 =	vadd.s32 s29, v29;
	[tilespmem:s30+$0x440] =	vst v39;
	v36 =	vld.idx.msk [tilespmem:v36+s10+$0x0], $0xffff  }
0x362: {  	v39 =	vld.idx.msk [tilespmem:v42+s10+$0x0], $0xffff;
	v42 =	vadd.s32 s14, v27;
	[tilespmem:s28+$0xC30] =	vst v33  }
0x363: {  	[tilespmem:s25+$0xC20] =	vst v35;
	v33 =	vld.idx.msk [tilespmem:v41+s10+$0x0], $0xffff;
	v35 =	vadd.s32 s24, v4  }
0x364: {  	v41 =	vadd.s32 s0, v29;
	[tilespmem:s4+$0x430] =	vst v37;
	v37 =	vld.idx.msk [tilespmem:v40+s10+$0x0], $0xffff  }
0x365: {  	v40 =	vadd.s32 s3, v2;
	[tilespmem:s1+$0x450] =	vst v34;
	v34 =	vld.idx.msk [tilespmem:v44+s10+$0x0], $0xffff  }
0x366: {  	v38 =	vld.idx.msk [tilespmem:v38+s10+$0x0], $0xffff;
	[tilespmem:s6+$0x430] =	vst v43;
	v43 =	vadd.s32 s22, v6  }
0x367: {  	v44 =	vadd.s32 s17, v28;
	v42 =	vld.idx.msk [tilespmem:v42+s10+$0x0], $0xffff;
	[tilespmem:s23+$0xC20] =	vst v36  }
0x368: {  	v36 =	vadd.s32 s29, v30;
	[tilespmem:s30+$0x450] =	vst v39;
	v35 =	vld.idx.msk [tilespmem:v35+s10+$0x0], $0xffff  }
0x369: {  	v39 =	vld.idx.msk [tilespmem:v41+s10+$0x0], $0xffff;
	v41 =	vadd.s32 s14, v28;
	[tilespmem:s28+$0xC40] =	vst v33  }
0x36a: {  	[tilespmem:s25+$0xC30] =	vst v37;
	v33 =	vld.idx.msk [tilespmem:v40+s10+$0x0], $0xffff;
	v37 =	vadd.s32 s24, v3  }
0x36b: {  	v40 =	vadd.s32 s0, v30;
	[tilespmem:s4+$0x440] =	vst v34;
	v34 =	vld.idx.msk [tilespmem:v43+s10+$0x0], $0xffff  }
0x36c: {  	v43 =	vadd.s32 s3, v1;
	[tilespmem:s1+$0x460] =	vst v38;
	v38 =	vld.idx.msk [tilespmem:v44+s10+$0x0], $0xffff  }
0x36d: {  	v36 =	vld.idx.msk [tilespmem:v36+s10+$0x0], $0xffff;
	[tilespmem:s6+$0x440] =	vst v42;
	v42 =	vadd.s32 s22, v5  }
0x36e: {  	v44 =	vadd.s32 s26, v3;
	v41 =	vld.idx.msk [tilespmem:v41+s10+$0x0], $0xffff;
	[tilespmem:s23+$0xC30] =	vst v35  }
0x36f: {  	v35 =	vadd.s32 s29, v31;
	[tilespmem:s30+$0x460] =	vst v39;
	v37 =	vld.idx.msk [tilespmem:v37+s10+$0x0], $0xffff  }
0x370: {  	v39 =	vld.idx.msk [tilespmem:v40+s10+$0x0], $0xffff;
	v40 =	vadd.s32 s14, v29;
	[tilespmem:s28+$0xC50] =	vst v33  }
0x371: {  	v33 =	vadd.s32 s17, v29;
	[tilespmem:s21+$0xC10] =	vst v34;
	v34 =	vld.idx.msk [tilespmem:v43+s10+$0x0], $0xffff  }
0x372: {  	v43 =	vadd.s32 s0, v31;
	[tilespmem:s4+$0x450] =	vst v38;
	v38 =	vld.idx.msk [tilespmem:v42+s10+$0x0], $0xffff  }
0x373: {  	v42 =	vadd.s32 s24, v2;
	[tilespmem:s1+$0x470] =	vst v36;
	v36 =	vld.idx.msk [tilespmem:v44+s10+$0x0], $0xffff  }
0x374: {  	v35 =	vld.idx.msk [tilespmem:v35+s10+$0x0], $0xffff;
	[tilespmem:s6+$0x450] =	vst v41;
	v41 =	vadd.s32 s22, v4  }
0x375: {  	v44 =	vadd.s32 s26, v2;
	v40 =	vld.idx.msk [tilespmem:v40+s10+$0x0], $0xffff;
	[tilespmem:s23+$0xC40] =	vst v37  }
0x376: {  	v37 =	vadd.s32 s29, v25;
	[tilespmem:s30+$0x470] =	vst v39;
	v39 =	vld.idx.msk [tilespmem:v33+s10+$0x0], $0xffff  }
0x377: {  	v45 =	vadd.s32 s14, v30;
	v43 =	vld.idx.msk [tilespmem:v43+s10+$0x0], $0xffff;
	[tilespmem:s28+$0xC60] =	vst v34  }
0x378: {  	v46 =	vadd.s32 s17, v30;
	[tilespmem:s21+$0xC20] =	vst v38;
	v47 =	vld.idx.msk [tilespmem:v42+s10+$0x0], $0xffff  }
0x379: {  	v42 =	vadd.s32 s0, v25;
	v33 =	vld.idx.msk [tilespmem:v41+s10+$0x0], $0xffff;
	[tilespmem:s25+$0xC40] =	vst v36  }
.Ltmp1:
0x37a: {  	v36 =	vadd.s32 s3, v0;
	s3 =	smov.u32 s14;
	[tilespmem:s1+$0x800] =	vst v35;
	v34 =	vld.idx.msk [tilespmem:v44+s10+$0x0], $0xffff;
	(pc) =	sbr.rel @p0 .LBB2_5-.Ltmp1, $4  }
0x37b: {  	v37 =	vld.idx.msk [tilespmem:v37+s10+$0x0], $0xffff;
	[tilespmem:s6+$0x460] =	vst v40  }
0x37c: {  	v35 =	vadd.s32 s26, v1;
	v40 =	vld.idx.msk [tilespmem:v45+s10+$0x0], $0xffff;
	[tilespmem:s4+$0x460] =	vst v39  }
0x37d: {  	v38 =	vadd.s32 s29, v18;
	[tilespmem:s30+$0x800] =	vst v43;
	v41 =	vld.idx.msk [tilespmem:v46+s10+$0x0], $0xffff  }
0x37e: {  	s11 =	sadd.s32 $0x200, s11;
	s17 =	sadd.s32 $0x600, s17;
	v39 =	vld.idx.msk [tilespmem:v42+s10+$0x0], $0xffff;
	v42 =	vadd.s32 s3, v31;
	[tilespmem:s23+$0xC50] =	vst v47  }
0x37f: {  	_ =	sdelay $0x2  }
0x380: {  	[tilespmem:s6+$0x470] =	vst v40  }
0x381: {  	v13 =	vld.idx.msk [tilespmem:v42+s10+$0x0], $0xffff;
	[tilespmem:s4+$0x470] =	vst v41  }
0x382: {  	v14 =	vadd.s32 s3, v25;
	v15 =	vld.idx.msk [tilespmem:v32+s10+$0x0], $0xffff  }
0x383: {  	v16 =	vadd.s32 s31, v25;
	_ =	sdelay $0x2  }
0x384: {  	[tilespmem:s6+$0x800] =	vst v13  }
0x385: {  	v30 =	vadd.s32 s0, v18;
	v13 =	vld.idx.msk [tilespmem:v14+s10+$0x0], $0xffff;
	[tilespmem:s4+$0x800] =	vst v15  }
0x386: {  	v29 =	vadd.s32 s3, v18;
	v16 =	vld.idx.msk [tilespmem:v16+s10+$0x0], $0xffff  }
0x387: {  	v17 =	vadd.s32 s31, v18;
	[tilespmem:s1+$0x810] =	vst v37  }
0x388: {  	v40 =	vld.idx.msk [tilespmem:v38+s10+$0x0], $0xffff  }
0x389: {  	v41 =	vadd.s32 s29, v12;
	[tilespmem:s30+$0x810] =	vst v39  }
0x38a: {  	v31 =	vld.idx.msk [tilespmem:v30+s10+$0x0], $0xffff;
	[tilespmem:s6+$0x810] =	vst v13  }
0x38b: {  	v39 =	vadd.s32 s0, v12;
	v13 =	vld.idx.msk [tilespmem:v29+s10+$0x0], $0xffff;
	[tilespmem:s4+$0x810] =	vst v16  }
0x38c: {  	v32 =	vadd.s32 s3, v12;
	v17 =	vld.idx.msk [tilespmem:v17+s10+$0x0], $0xffff  }
0x38d: {  	v19 =	vadd.s32 s31, v12;
	[tilespmem:s1+$0x820] =	vst v40  }
0x38e: {  	v12 =	vld.idx.msk [tilespmem:v41+s10+$0x0], $0xffff  }
0x38f: {  	v45 =	vadd.s32 s29, v11;
	[tilespmem:s30+$0x820] =	vst v31  }
0x390: {  	v14 =	vld.idx.msk [tilespmem:v39+s10+$0x0], $0xffff;
	[tilespmem:s6+$0x820] =	vst v13  }
0x391: {  	v43 =	vadd.s32 s0, v11;
	v13 =	vld.idx.msk [tilespmem:v32+s10+$0x0], $0xffff;
	[tilespmem:s4+$0x820] =	vst v17  }
0x392: {  	v42 =	vadd.s32 s3, v11;
	v17 =	vld.idx.msk [tilespmem:v19+s10+$0x0], $0xffff  }
0x393: {  	v44 =	vadd.s32 s31, v11;
	[tilespmem:s1+$0x830] =	vst v12  }
0x394: {  	v11 =	vld.idx.msk [tilespmem:v45+s10+$0x0], $0xffff  }
0x395: {  	v51 =	vadd.s32 s29, v10;
	[tilespmem:s30+$0x830] =	vst v14  }
0x396: {  	v47 =	vld.idx.msk [tilespmem:v43+s10+$0x0], $0xffff;
	[tilespmem:s6+$0x830] =	vst v13  }
0x397: {  	v48 =	vadd.s32 s0, v10;
	v13 =	vld.idx.msk [tilespmem:v42+s10+$0x0], $0xffff;
	[tilespmem:s4+$0x830] =	vst v17  }
0x398: {  	v46 =	vadd.s32 s3, v10;
	v49 =	vld.idx.msk [tilespmem:v44+s10+$0x0], $0xffff  }
0x399: {  	v50 =	vadd.s32 s31, v10;
	[tilespmem:s1+$0x840] =	vst v11  }
0x39a: {  	v10 =	vld.idx.msk [tilespmem:v51+s10+$0x0], $0xffff  }
0x39b: {  	v56 =	vadd.s32 s29, v9;
	[tilespmem:s30+$0x840] =	vst v47  }
0x39c: {  	v12 =	vld.idx.msk [tilespmem:v48+s10+$0x0], $0xffff;
	[tilespmem:s6+$0x840] =	vst v13  }
0x39d: {  	v53 =	vadd.s32 s0, v9;
	v13 =	vld.idx.msk [tilespmem:v46+s10+$0x0], $0xffff;
	[tilespmem:s4+$0x840] =	vst v49  }
0x39e: {  	v52 =	vadd.s32 s3, v9;
	v54 =	vld.idx.msk [tilespmem:v50+s10+$0x0], $0xffff  }
0x39f: {  	v55 =	vadd.s32 s31, v9;
	[tilespmem:s1+$0x850] =	vst v10  }
0x3a0: {  	v9 =	vld.idx.msk [tilespmem:v56+s10+$0x0], $0xffff  }
0x3a1: {  	v61 =	vadd.s32 s29, v8;
	[tilespmem:s30+$0x850] =	vst v12  }
0x3a2: {  	v11 =	vld.idx.msk [tilespmem:v53+s10+$0x0], $0xffff;
	[tilespmem:s6+$0x850] =	vst v13  }
0x3a3: {  	v58 =	vadd.s32 s0, v8;
	v13 =	vld.idx.msk [tilespmem:v52+s10+$0x0], $0xffff;
	[tilespmem:s4+$0x850] =	vst v54  }
0x3a4: {  	v57 =	vadd.s32 s3, v8;
	v59 =	vld.idx.msk [tilespmem:v55+s10+$0x0], $0xffff  }
0x3a5: {  	v60 =	vadd.s32 s31, v8;
	[tilespmem:s1+$0x860] =	vst v9  }
0x3a6: {  	v8 =	vld.idx.msk [tilespmem:v61+s10+$0x0], $0xffff  }
0x3a7: {  	v18 =	vadd.s32 s29, v7;
	[tilespmem:s30+$0x860] =	vst v11  }
0x3a8: {  	v10 =	vld.idx.msk [tilespmem:v58+s10+$0x0], $0xffff;
	[tilespmem:s6+$0x860] =	vst v13  }
0x3a9: {  	v63 =	vadd.s32 s0, v7;
	v12 =	vld.idx.msk [tilespmem:v57+s10+$0x0], $0xffff;
	[tilespmem:s4+$0x860] =	vst v59  }
0x3aa: {  	v62 =	vadd.s32 s3, v7;
	v16 =	vld.idx.msk [tilespmem:v60+s10+$0x0], $0xffff  }
0x3ab: {  	v17 =	vadd.s32 s31, v7;
	[tilespmem:s1+$0x870] =	vst v8  }
0x3ac: {  	v7 =	vld.idx.msk [tilespmem:v18+s10+$0x0], $0xffff  }
0x3ad: {  	v23 =	vadd.s32 s29, v6;
	[tilespmem:s30+$0x870] =	vst v10  }
0x3ae: {  	v9 =	vld.idx.msk [tilespmem:v63+s10+$0x0], $0xffff;
	[tilespmem:s6+$0x870] =	vst v12  }
0x3af: {  	v20 =	vadd.s32 s0, v6;
	v11 =	vld.idx.msk [tilespmem:v62+s10+$0x0], $0xffff;
	[tilespmem:s4+$0x870] =	vst v16  }
0x3b0: {  	v19 =	vadd.s32 s3, v6;
	v21 =	vld.idx.msk [tilespmem:v17+s10+$0x0], $0xffff  }
0x3b1: {  	v22 =	vadd.s32 s31, v6;
	[tilespmem:s1+$0xC00] =	vst v7  }
0x3b2: {  	v6 =	vld.idx.msk [tilespmem:v23+s10+$0x0], $0xffff  }
0x3b3: {  	v28 =	vadd.s32 s29, v5;
	[tilespmem:s30+$0xC00] =	vst v9  }
0x3b4: {  	v8 =	vld.idx.msk [tilespmem:v20+s10+$0x0], $0xffff;
	[tilespmem:s6+$0xC00] =	vst v11  }
0x3b5: {  	v25 =	vadd.s32 s0, v5;
	v10 =	vld.idx.msk [tilespmem:v19+s10+$0x0], $0xffff;
	[tilespmem:s4+$0xC00] =	vst v21  }
0x3b6: {  	v24 =	vadd.s32 s3, v5;
	v26 =	vld.idx.msk [tilespmem:v22+s10+$0x0], $0xffff  }
0x3b7: {  	v27 =	vadd.s32 s31, v5;
	[tilespmem:s1+$0xC10] =	vst v6  }
0x3b8: {  	v5 =	vld.idx.msk [tilespmem:v28+s10+$0x0], $0xffff  }
0x3b9: {  	v32 =	vld.idx.msk [tilespmem:v36+s10+$0x0], $0xffff;
	v36 =	vadd.s32 s29, v4;
	[tilespmem:s30+$0xC10] =	vst v8  }
0x3ba: {  	v7 =	vld.idx.msk [tilespmem:v25+s10+$0x0], $0xffff;
	[tilespmem:s6+$0xC10] =	vst v10  }
0x3bb: {  	v30 =	vadd.s32 s0, v4;
	v9 =	vld.idx.msk [tilespmem:v24+s10+$0x0], $0xffff;
	[tilespmem:s4+$0xC10] =	vst v26  }
0x3bc: {  	v29 =	vadd.s32 s3, v4;
	v11 =	vld.idx.msk [tilespmem:v27+s10+$0x0], $0xffff  }
0x3bd: {  	v31 =	vadd.s32 s31, v4;
	[tilespmem:s1+$0xC20] =	vst v5  }
0x3be: {  	[tilespmem:s25+$0xC50] =	vst v34;
	v4 =	vld.idx.msk [tilespmem:v36+s10+$0x0], $0xffff  }
0x3bf: {  	v41 =	vld.idx.msk [tilespmem:v35+s10+$0x0], $0xffff;
	v42 =	vadd.s32 s29, v3;
	[tilespmem:s30+$0xC20] =	vst v7  }
0x3c0: {  	v37 =	vadd.s32 s22, v3;
	v10 =	vld.idx.msk [tilespmem:v30+s10+$0x0], $0xffff;
	[tilespmem:s6+$0xC20] =	vst v9  }
0x3c1: {  	v39 =	vadd.s32 s0, v3;
	v8 =	vld.idx.msk [tilespmem:v29+s10+$0x0], $0xffff;
	[tilespmem:s4+$0xC20] =	vst v11  }
0x3c2: {  	[tilespmem:s21+$0xC30] =	vst v33;
	v38 =	vadd.s32 s3, v3;
	v6 =	vld.idx.msk [tilespmem:v31+s10+$0x0], $0xffff  }
0x3c3: {  	v40 =	vadd.s32 s31, v3;
	[tilespmem:s1+$0xC30] =	vst v4  }
0x3c4: {  	[tilespmem:s25+$0xC60] =	vst v41;
	v43 =	vadd.s32 s26, v0;
	v3 =	vld.idx.msk [tilespmem:v42+s10+$0x0], $0xffff  }
0x3c5: {  	v49 =	vadd.s32 s29, v2;
	[tilespmem:s30+$0xC30] =	vst v10;
	v9 =	vld.idx.msk [tilespmem:v37+s10+$0x0], $0xffff  }
0x3c6: {  	v44 =	vadd.s32 s22, v2;
	v46 =	vld.idx.msk [tilespmem:v39+s10+$0x0], $0xffff;
	[tilespmem:s6+$0xC30] =	vst v8  }
0x3c7: {  	v47 =	vadd.s32 s0, v2;
	v7 =	vld.idx.msk [tilespmem:v38+s10+$0x0], $0xffff;
	[tilespmem:s4+$0xC30] =	vst v6  }
0x3c8: {  	v45 =	vadd.s32 s3, v2;
	[tilespmem:s28+$0xC70] =	vst v32;
	v5 =	vld.idx.msk [tilespmem:v40+s10+$0x0], $0xffff  }
0x3c9: {  	v48 =	vadd.s32 s31, v2;
	v12 =	vld.idx.msk [tilespmem:v43+s10+$0x0], $0xffff;
	[tilespmem:s1+$0xC40] =	vst v3  }
0x3ca: {  	v50 =	vadd.s32 s24, v1;
	v2 =	vld.idx.msk [tilespmem:v49+s10+$0x0], $0xffff;
	[tilespmem:s21+$0xC40] =	vst v9  }
0x3cb: {  	v56 =	vadd.s32 s29, v1;
	[tilespmem:s30+$0xC40] =	vst v46;
	v8 =	vld.idx.msk [tilespmem:v44+s10+$0x0], $0xffff  }
0x3cc: {  	v51 =	vadd.s32 s22, v1;
	v53 =	vld.idx.msk [tilespmem:v47+s10+$0x0], $0xffff;
	[tilespmem:s6+$0xC40] =	vst v7  }
0x3cd: {  	v54 =	vadd.s32 s0, v1;
	v10 =	vld.idx.msk [tilespmem:v45+s10+$0x0], $0xffff;
	[tilespmem:s4+$0xC40] =	vst v5  }
0x3ce: {  	v52 =	vadd.s32 s3, v1;
	[tilespmem:s25+$0xC70] =	vst v12;
	v4 =	vld.idx.msk [tilespmem:v48+s10+$0x0], $0xffff  }
0x3cf: {  	v55 =	vadd.s32 s31, v1;
	v9 =	vld.idx.msk [tilespmem:v50+s10+$0x0], $0xffff;
	[tilespmem:s1+$0xC50] =	vst v2  }
0x3d0: {  	v57 =	vadd.s32 s24, v0;
	v1 =	vld.idx.msk [tilespmem:v56+s10+$0x0], $0xffff;
	[tilespmem:s21+$0xC50] =	vst v8  }
0x3d1: {  	v63 =	vadd.s32 s29, v0;
	[tilespmem:s30+$0xC50] =	vst v53;
	v7 =	vld.idx.msk [tilespmem:v51+s10+$0x0], $0xffff  }
0x3d2: {  	v58 =	vadd.s32 s22, v0;
	v60 =	vld.idx.msk [tilespmem:v54+s10+$0x0], $0xffff;
	[tilespmem:s6+$0xC50] =	vst v10  }
0x3d3: {  	v61 =	vadd.s32 s0, v0;
	v6 =	vld.idx.msk [tilespmem:v52+s10+$0x0], $0xffff;
	[tilespmem:s4+$0xC50] =	vst v4  }
0x3d4: {  	v59 =	vadd.s32 s3, v0;
	[tilespmem:s23+$0xC60] =	vst v9;
	v3 =	vld.idx.msk [tilespmem:v55+s10+$0x0], $0xffff  }
0x3d5: {  	v62 =	vadd.s32 s31, v0;
	v8 =	vld.idx.msk [tilespmem:v57+s10+$0x0], $0xffff;
	[tilespmem:s1+$0xC60] =	vst v1  }
0x3d6: {  	v0 =	vld.idx.msk [tilespmem:v63+s10+$0x0], $0xffff;
	[tilespmem:s21+$0xC60] =	vst v7  }
0x3d7: {  	[tilespmem:s30+$0xC60] =	vst v60;
	v7 =	vld.idx.msk [tilespmem:v58+s10+$0x0], $0xffff  }
0x3d8: {  	v4 =	vld.idx.msk [tilespmem:v61+s10+$0x0], $0xffff;
	[tilespmem:s6+$0xC60] =	vst v6  }
0x3d9: {  	v5 =	vld.idx.msk [tilespmem:v59+s10+$0x0], $0xffff;
	[tilespmem:s4+$0xC60] =	vst v3  }
0x3da: {  	s18 =	sadd.s32 $0x1, s18;
	[tilespmem:s23+$0xC70] =	vst v8;
	v2 =	vld.idx.msk [tilespmem:v62+s10+$0x0], $0xffff  }
0x3db: {  	p0 =	sne.s32 s18, $0x20;
	[tilespmem:s1+$0xC70] =	vst v0  }
.Ltmp2:
0x3dc: {  	[tilespmem:s21+$0xC70] =	vst v7;
	(pc) =	sbr.rel @p0 .LBB2_2-.Ltmp2, $4  }
0x3dd: {  	[tilespmem:s30+$0xC70] =	vst v4  }
0x3de: {  	[tilespmem:s6+$0xC70] =	vst v5  }
0x3df: {  	s2 =	simm.s32 $0x16000;
	s31 =	simm.s32 $0x4000;
	s30 =	simm.s32 $0x1000;
	[tilespmem:s4+$0xC70] =	vst v2  }
0x3e0: {  	[hbm4b:s9+s30] =	stream.strided.scatter [tilespmem:s2], [sflag:$0x1], $0x8000, s31, s30, $0x38;
	[tilespmem:$0x1E000] =	vst v63  }
0x3e1: {  	_ =	swait.ge [sflag:s16], $0x8000  }
0x3e2: {  	[sflag:s16] =	ssyncset.done $0x0  }
0x3e3: {  	[sflag:s16] =	ssyncadd.s32 $0xFFFF8000  }
0x3e4: {  	_ =	swait.ge [sflag:s16], $0x8000  }
0x3e5: {  	s1 =	rddreg [dreg:$0x9]  }
0x3e6: {  	s0 =	rddreg [dreg:$0x8];
	s1 =	sadd.s32 $0x1, s1  }
0x3e7: {  	p0 =	sne.s32 s1, s0  }
.Ltmp3:
0x3e8: {  	_ = 	snop;
	(pc) =	sbr.rel @p0 .LBB2_1-.Ltmp3, $3  }
0x3e9: {  	_ =	sdelay $0x1  }
0x3ea: {  	[sflag:s16] =	ssyncset.done $0x0  }
0x3eb: {  	[sflag:s16] =	ssyncadd.s32 $0xFFFF8000  }
0x3ec: {  	_ =	sfence.sel $0x180000  }
0x3ed: {  	[bflag:$0x0] =	sbarrier.arrive $0xFFFF  }
0x3ee: {  	_ =	strace $0x90000047  }
0x3ef: {  	s0 =	stileid.u32;
	[bflag:$0x2] =	sbarrier.arrive $0xFFFF  }
0x3f0: {  	p0 =	sne.s32 s0, $0x0;
	s0 =	rddreg [dreg:$0x2]  }
0x3f1: {  	s0 =	sadd.s32 @!p0 $0x100000, s0  }
0x3f2: {  	[sflag:s0] =	ssyncadd.tile.s32 @!p0 $0x1;
	_ =	shalt  }
.Lfunc_end2:
_tile_overlayer_lowered:
.L_overlay_start_2:
0x3f3: {  	(tag) =	ssettag $0x2  }
0x3f4: {  	s0 =	rddreg [dreg:$0x0];
	s2 =	stileid.u32  }
0x3f5: {  	s1 =	rddreg [dreg:$0x1];
	p0 =	sne.s32 s2, $0x0  }
0x3f6: {  	s3 =	rddreg [dreg:$0x2];
	[bflag:$0x3] =	sbarrier.arrive $0xFFFF;
	s2 =	simm.s32 @!p0 $0x1C02  }
0x3f7: {  	[timem:s3], [sflag:s2] =	dma.local @!p0 [hbm:s0], s1  }
0x3f8: {  	s0 =	simm.s32 @!p0 $0x2  }
0x3f9: {  	_ =	swait.ge @!p0 [sflag:s0], s1  }
0x3fa: {  	s1 =	ssub.s32 @!p0 $0x0, s1;
	[sflag:s0] =	ssyncset.done @!p0 $0x0  }
0x3fb: {  	[sflag:s0] =	ssyncadd.s32 @!p0 s1  }
0x3fc: {  	[bflag:$0x3] =	sbarrier.arrive $0xFFFF  }
0x3fd: {  	_ =	shalt  }

</sc_bundles>
